<compile_context>
chip_gen: v7x
topology: tpu7x:2x2x1
jax: 0.10.2.dev20260603
libtpu: 0.0.44.dev20260713+nightly
codegen_flags: <defaults>
</compile_context>

<pallas_src>
import jax
import jax.numpy as jnp
from jax import lax
from jax.experimental import pallas as pl
from jax.experimental.pallas import tpu as pltpu
from jax.experimental.pallas import tpu_sc as plsc

DIM = 128
Q = 32
NQV = Q // 16
KDIM = 3
E = 160000
N_NODES = 10000
N_SUB = 16
CHUNK = 80
EDGES_PER_TILE = E // N_SUB
NCHUNK = EDGES_PER_TILE // CHUNK
ROWS_PER_TILE = N_NODES // N_SUB


def _sc_body(vec_h, p1_h, p2_h, ev_h, src_h, dst_h, out_h,
             vec0, vec1, msg0, msg1, p10, p11, p20, p21, ev0, ev1, dsbuf,
             sin0, sin1, ssc0, ssc1, sg0, sg1, so0, so1, agg):
    c = lax.axis_index("c")
    s = lax.axis_index("s")
    ebase = s * EDGES_PER_TILE
    vecb = (vec0, vec1)
    msgb = (msg0, msg1)
    p1b = (p10, p11)
    p2b = (p20, p21)
    evb = (ev0, ev1)
    sin = (sin0, sin1)
    ssc = (ssc0, ssc1)
    sg = (sg0, sg1)
    so = (so0, so1)

    def pass_body(p, carry):
        qoff = p * (2 * Q) + c * Q

        pltpu.sync_copy(dst_h.at[s], dsbuf)

        def zrow(buf):
            def zr(r, cc):
                for k in range(KDIM):
                    for i in range(NQV):
                        buf[r, k, pl.ds(16 * i, 16)] = jnp.zeros((16,),
                                                                 jnp.float32)
                return cc
            lax.fori_loop(0, CHUNK, zr, 0)
        zrow(msg0)
        zrow(msg1)
        rbase = s * ROWS_PER_TILE
        nfull = ROWS_PER_TILE // CHUNK
        for j in range(nfull):
            pltpu.sync_copy(msg0, agg.at[pl.ds(rbase + j * CHUNK, CHUNK)])
        rem = ROWS_PER_TILE % CHUNK
        if rem:
            pltpu.sync_copy(msg0.at[pl.ds(0, rem)],
                            agg.at[pl.ds(rbase + nfull * CHUNK, rem)])
        plsc.subcore_barrier()

        def fetch_start(b, j):
            eb = ebase + j * CHUNK
            pltpu.async_copy(vec_h.at[pl.ds(eb, CHUNK), :, pl.ds(qoff, Q)],
                             vecb[b], sin[b])
            pltpu.async_copy(p1_h.at[pl.ds(eb, CHUNK), pl.ds(qoff, Q)],
                             p1b[b], sin[b])
            pltpu.async_copy(p2_h.at[pl.ds(eb, CHUNK), pl.ds(qoff, Q)],
                             p2b[b], sin[b])
            pltpu.async_copy(ev_h.at[pl.ds(eb, CHUNK), :],
                             evb[b].at[:, pl.ds(0, KDIM)], sin[b])

        def fetch_wait(b):
            pltpu.make_async_copy(vec_h.at[pl.ds(0, CHUNK), :, pl.ds(0, Q)],
                                  vecb[b], sin[b]).wait()
            pltpu.make_async_copy(p1_h.at[pl.ds(0, CHUNK), pl.ds(0, Q)],
                                  p1b[b], sin[b]).wait()
            pltpu.make_async_copy(p2_h.at[pl.ds(0, CHUNK), pl.ds(0, Q)],
                                  p2b[b], sin[b]).wait()
            pltpu.make_async_copy(ev_h.at[pl.ds(0, CHUNK), :],
                                  evb[b].at[:, pl.ds(0, KDIM)], sin[b]).wait()

        def scat_start(b, j):
            pltpu.async_copy(msgb[b], agg.at[dsbuf.at[j]], ssc[b], add=True)

        def scat_wait(b):
            pltpu.make_async_copy(msgb[b], agg.at[dsbuf.at[0]], ssc[b]).wait()

        def compute(b):
            def edge_body(e, ec):
                p1v = [p1b[b][e, pl.ds(16 * i, 16)] for i in range(NQV)]
                p2v = [p2b[b][e, pl.ds(16 * i, 16)] for i in range(NQV)]
                evv = evb[b][e, pl.ds(0, 16)]
                for k in range(KDIM):
                    evk = evv[k]
                    for i in range(NQV):
                        msgb[b][e, k, pl.ds(16 * i, 16)] = (
                            vecb[b][e, k, pl.ds(16 * i, 16)] * p1v[i]
                            + p2v[i] * evk)
                return ec
            lax.fori_loop(0, CHUNK, edge_body, 0, unroll=4)

        def sc_iter(b, j):
            fetch_wait(b)
            scat_wait(b)
            compute(b)
            @pl.when(j + 2 < NCHUNK)
            def _():
                fetch_start(b, j + 2)
            scat_start(b, j)

        fetch_start(0, 0)
        fetch_start(1, 1)
        pltpu.async_copy(msg0, agg.at[dsbuf.at[0]], ssc[0], add=True)
        pltpu.async_copy(msg1, agg.at[dsbuf.at[0]], ssc[1], add=True)

        def loop_body(jj, cc):
            sc_iter(0, 2 * jj)
            sc_iter(1, 2 * jj + 1)
            return cc
        lax.fori_loop(0, NCHUNK // 2, loop_body, 0)
        sc_iter(0, NCHUNK - 1)
        scat_wait(0)
        scat_wait(1)
        plsc.subcore_barrier()

        pltpu.sync_copy(src_h.at[s], dsbuf)
        gB = (msg0, msg1)

        def g_start(b, j):
            pltpu.async_copy(agg.at[dsbuf.at[j]], gB[b], sg[b])

        def g_wait(b):
            pltpu.make_async_copy(agg.at[dsbuf.at[0]], gB[b], sg[b]).wait()

        def w_start(b, j):
            eb = ebase + j * CHUNK
            pltpu.async_copy(gB[b],
                             out_h.at[0, pl.ds(eb, CHUNK), :, pl.ds(qoff, Q)],
                             so[b])

        def w_wait(b):
            pltpu.make_async_copy(gB[b],
                                  out_h.at[0, pl.ds(0, CHUNK), :, pl.ds(0, Q)],
                                  so[b]).wait()

        g_start(0, 0)
        g_wait(0)
        g_start(1, 1)
        w_start(0, 0)

        def g_iter(b, j, guard):
            g_wait(b)
            w_wait(1 - b)
            if guard:
                @pl.when(j + 1 < NCHUNK)
                def _():
                    g_start(1 - b, j + 1)
            else:
                g_start(1 - b, j + 1)
            w_start(b, j)

        def g_body(jj, cc):
            g_iter(1, 2 * jj + 1, False)
            g_iter(0, 2 * jj + 2, True)
            return cc
        lax.fori_loop(0, (NCHUNK - 1) // 2, g_body, 0)
        w_wait(0)
        plsc.subcore_barrier()
        return carry

    lax.fori_loop(0, 2, pass_body, 0)


@jax.jit
def _mpnn_sc(vec, p1, p2, ev, src2, dst2):
    mesh = plsc.VectorSubcoreMesh(core_axis_name="c", subcore_axis_name="s")
    f32 = jnp.float32
    run = pl.kernel(
        _sc_body,
        mesh=mesh,
        out_type=jax.ShapeDtypeStruct((1, E, KDIM, DIM), f32),
        scratch_types=[
            pltpu.VMEM((CHUNK, KDIM, Q), f32),
            pltpu.VMEM((CHUNK, KDIM, Q), f32),
            pltpu.VMEM((CHUNK, KDIM, Q), f32),
            pltpu.VMEM((CHUNK, KDIM, Q), f32),
            pltpu.VMEM((CHUNK, Q), f32),
            pltpu.VMEM((CHUNK, Q), f32),
            pltpu.VMEM((CHUNK, Q), f32),
            pltpu.VMEM((CHUNK, Q), f32),
            pltpu.VMEM((CHUNK, 16), f32),
            pltpu.VMEM((CHUNK, 16), f32),
            pltpu.VMEM((NCHUNK, CHUNK), jnp.int32),
            pltpu.SemaphoreType.DMA,
            pltpu.SemaphoreType.DMA,
            pltpu.SemaphoreType.DMA,
            pltpu.SemaphoreType.DMA,
            pltpu.SemaphoreType.DMA,
            pltpu.SemaphoreType.DMA,
            pltpu.SemaphoreType.DMA,
            pltpu.SemaphoreType.DMA,
            pltpu.VMEM_SHARED((N_NODES, KDIM, Q), f32),
        ],
        compiler_params=pltpu.CompilerParams(use_tc_tiling_on_sc=False),
    )
    return run(vec, p1, p2, ev, src2, dst2)


def kernel(edge_index, vec, pos_vec1_list, pos_vec2_list, edge_vec):
    src2 = edge_index[:, 0].reshape(N_SUB, NCHUNK, CHUNK)
    dst2 = edge_index[:, 1].reshape(N_SUB, NCHUNK, CHUNK)
    p1 = pos_vec1_list.reshape(E, DIM)
    p2 = pos_vec2_list.reshape(E, DIM)
    ev = edge_vec.reshape(E, KDIM)
    return _mpnn_sc(vec, p1, p2, ev, src2, dst2)

# --- scband reference (transcript-rebuilt; emitter-appended) ---
"""Pipeline reference for scband-mpnn-25761213841966 (READ-ONLY COPY).

The authoritative reference and input builder live on the scoring server;
editing this copy changes nothing except your own understanding.
"""

import jax, jax.numpy as jnp
import numpy as np

DIM_IN = 128
N_V = 1
N_NODES = 10000
E = 160000


def setup_inputs(seed: int = 0) -> dict:
    key = jax.random.key(seed)
    k1, k2, k3, k4, k5 = jax.random.split(key, 5)
    edge_index = jax.random.randint(k1, (E, 2), 0, N_NODES, dtype=jnp.int32)
    vec = jax.random.normal(k2, (E, 3, DIM_IN), dtype=jnp.float32)
    pos_vec1_list = jax.random.normal(k3, (N_V, E, DIM_IN), dtype=jnp.float32)
    pos_vec2_list = jax.random.normal(k4, (N_V, E, DIM_IN), dtype=jnp.float32)
    edge_vec = jax.random.normal(k5, (E, 1, 3), dtype=jnp.float32)
    return {
        'edge_index': edge_index,
        'vec': vec,
        'pos_vec1_list': pos_vec1_list,
        'pos_vec2_list': pos_vec2_list,
        'edge_vec': edge_vec,
    }


def _message(vec, pos_vec1, pos_vec2, edge_vec):
    # torch: vec * pos_vec1.unsqueeze(1) + pos_vec2.unsqueeze(1) * edge_vec.unsqueeze(3).squeeze(1)
    ev = jnp.squeeze(edge_vec[:, :, :, None], axis=1)  # [E,1,3] -> [E,1,3,1] -> [E,3,1]
    return vec * pos_vec1[:, None, :] + pos_vec2[:, None, :] * ev  # [E,3,dim_in]


def reference(edge_index, vec, pos_vec1_list, pos_vec2_list, edge_vec):
    # propagate(edge_index, vec, pos_vec1_list, pos_vec2_list, edge_vec, last_layer=False)
    ei = jnp.squeeze(edge_index).T  # [E,2] -> [2,E]
    nnode = vec.shape[0]
    aggs = []
    for idx in range(N_V):
        pv1 = jnp.squeeze(pos_vec1_list[idx])  # [E, dim_in]
        pv2 = jnp.squeeze(pos_vec2_list[idx])  # [E, dim_in]
        msg = _message(vec, pv1, pv2, edge_vec)
        msg = msg.reshape(-1, 3 * DIM_IN)  # [E, 3*dim_in]
        # aggregate: scatter-add over dst index, dim_size = nnode (= vec.shape[0])
        agg = jax.ops.segment_sum(msg, ei[1], num_segments=nnode)
        # last_layer=False -> __collect__ lifts back to edges via source index (j=0)
        agg = jnp.take(agg, ei[0], axis=0)
        aggs.append(agg.reshape(-1, 3, DIM_IN))
    return jnp.stack(aggs)  # [n_v, E, 3, dim_in]

if __name__ == "__main__":
    import jax
    _d = setup_inputs()
    print(jax.jit(kernel)(*tuple(_d.values())))

</pallas_src>

<mosaic_0001>
#map = affine_map<(d0, d1) -> (0, 0, 0)>
#map1 = affine_map<(d0, d1) -> (0, 0)>
#map2 = affine_map<(d0, d1) -> (0, 0, 0, 0)>
module attributes {stable_mosaic.version = 14 : i64} {
  func.func @_sc_body(%arg0: i32, %arg1: i32, %arg2: memref<160000x3x128xf32, #tpu.memory_space<hbm>>, %arg3: memref<160000x128xf32, #tpu.memory_space<hbm>>, %arg4: memref<160000x128xf32, #tpu.memory_space<hbm>>, %arg5: memref<160000x3xf32, #tpu.memory_space<hbm>>, %arg6: memref<16x125x80xi32, #tpu.memory_space<hbm>>, %arg7: memref<16x125x80xi32, #tpu.memory_space<hbm>>, %arg8: memref<1x160000x3x128xf32, #tpu.memory_space<hbm>>, %arg9: memref<80x3x32xf32, #tpu.memory_space<vmem>>, %arg10: memref<80x3x32xf32, #tpu.memory_space<vmem>>, %arg11: memref<80x3x32xf32, #tpu.memory_space<vmem>>, %arg12: memref<80x3x32xf32, #tpu.memory_space<vmem>>, %arg13: memref<80x32xf32, #tpu.memory_space<vmem>>, %arg14: memref<80x32xf32, #tpu.memory_space<vmem>>, %arg15: memref<80x32xf32, #tpu.memory_space<vmem>>, %arg16: memref<80x32xf32, #tpu.memory_space<vmem>>, %arg17: memref<80x16xf32, #tpu.memory_space<vmem>>, %arg18: memref<80x16xf32, #tpu.memory_space<vmem>>, %arg19: memref<125x80xi32, #tpu.memory_space<vmem>>, %arg20: memref<!tpu.dma_semaphore, #tpu.memory_space<semaphore_mem>>, %arg21: memref<!tpu.dma_semaphore, #tpu.memory_space<semaphore_mem>>, %arg22: memref<!tpu.dma_semaphore, #tpu.memory_space<semaphore_mem>>, %arg23: memref<!tpu.dma_semaphore, #tpu.memory_space<semaphore_mem>>, %arg24: memref<!tpu.dma_semaphore, #tpu.memory_space<semaphore_mem>>, %arg25: memref<!tpu.dma_semaphore, #tpu.memory_space<semaphore_mem>>, %arg26: memref<!tpu.dma_semaphore, #tpu.memory_space<semaphore_mem>>, %arg27: memref<!tpu.dma_semaphore, #tpu.memory_space<semaphore_mem>>, %arg28: memref<10000x3x32xf32, #tpu.memory_space<vmem_shared>>) attributes {dimension_semantics = [#tpu.dimension_semantics<core_parallel>, #tpu.dimension_semantics<subcore_parallel>], iteration_bounds = array<i64: 2, 16>, scalar_prefetch = 0 : i64, scratch_operands = 20 : i64, tpu.core_type = #tpu.core_type<sc_vector_subcore>, window_params = [{transform_indices = #map}, {transform_indices = #map1}, {transform_indices = #map1}, {transform_indices = #map1}, {transform_indices = #map}, {transform_indices = #map}, {transform_indices = #map2}]} {
    %mul3A = arith.constant 10000 : i32
    %mul3A_0 = arith.muli %arg1, %mul3A : i32
    %scan3A = arith.constant 0 : i32
    %scan3A_1 = arith.constant 0 : i32
    %scan3A_2 = arith.constant 2 : i32
    %scan3A_3 = arith.addi %scan3A_1, %scan3A_2 : i32
    %scan3A_4 = arith.constant 1 : i32
    scf.for %scan3A_6 = %scan3A_1 to %scan3A_3 step %scan3A_4  : i32 {
      %mul3A_7 = arith.constant 64 : i32
      %mul3A_8 = arith.muli %scan3A_6, %mul3A_7 : i32
      %mul3A_9 = arith.constant 32 : i32
      %mul3A_10 = arith.muli %arg0, %mul3A_9 : i32
      %add3A = arith.addi %mul3A_8, %mul3A_10 : i32
      "tpu.region"() ({
        %run_scoped3A = tpu.sem_alloc : memref<!tpu.dma_semaphore, #tpu.memory_space<semaphore_mem>>
        %dma_start3A_223 = arith.constant 0 : i32
        %dma_start3A_224 = arith.constant 0 : i32
        %dma_start3A_225 = tpu.memref_slice %arg7[%arg1, %dma_start3A_223, %dma_start3A_224] : memref<16x125x80xi32, #tpu.memory_space<hbm>> -> memref<1x125x80xi32, #tpu.memory_space<hbm>>
        %dma_start3A_226 = tpu.memref_squeeze %dma_start3A_225 : memref<1x125x80xi32, #tpu.memory_space<hbm>> -> memref<125x80xi32, #tpu.memory_space<hbm>>
        %dma_start3A_227 = arith.constant 0 : i32
        %dma_start3A_228 = arith.constant 0 : i32
        %dma_start3A_229 = tpu.memref_slice %arg7[%arg1, %dma_start3A_227, %dma_start3A_228] : memref<16x125x80xi32, #tpu.memory_space<hbm>> -> memref<1x125x80xi32, #tpu.memory_space<hbm>>
        %dma_start3A_230 = tpu.memref_squeeze %dma_start3A_229 : memref<1x125x80xi32, #tpu.memory_space<hbm>> -> memref<125x80xi32, #tpu.memory_space<hbm>>
        tpu.enqueue_dma source(%dma_start3A_230 : memref<125x80xi32, #tpu.memory_space<hbm>>) target(%arg19 : memref<125x80xi32, #tpu.memory_space<vmem>>) target_semaphore(%run_scoped3A : memref<!tpu.dma_semaphore, #tpu.memory_space<semaphore_mem>>)
        %dma_wait3A_231 = arith.constant 0 : i32
        %dma_wait3A_232 = arith.constant 0 : i32
        %dma_wait3A_233 = tpu.memref_slice %arg7[%arg1, %dma_wait3A_231, %dma_wait3A_232] : memref<16x125x80xi32, #tpu.memory_space<hbm>> -> memref<1x125x80xi32, #tpu.memory_space<hbm>>
        %dma_wait3A_234 = tpu.memref_squeeze %dma_wait3A_233 : memref<1x125x80xi32, #tpu.memory_space<hbm>> -> memref<125x80xi32, #tpu.memory_space<hbm>>
        %dma_wait3A_235 = arith.constant 0 : i32
        %dma_wait3A_236 = arith.constant 0 : i32
        %dma_wait3A_237 = tpu.memref_slice %arg7[%arg1, %dma_wait3A_235, %dma_wait3A_236] : memref<16x125x80xi32, #tpu.memory_space<hbm>> -> memref<1x125x80xi32, #tpu.memory_space<hbm>>
        %dma_wait3A_238 = tpu.memref_squeeze %dma_wait3A_237 : memref<1x125x80xi32, #tpu.memory_space<hbm>> -> memref<125x80xi32, #tpu.memory_space<hbm>>
        tpu.wait_dma2 semaphore(%run_scoped3A : memref<!tpu.dma_semaphore, #tpu.memory_space<semaphore_mem>>) src(%dma_wait3A_238 : memref<125x80xi32, #tpu.memory_space<hbm>>) dst(%arg19 : memref<125x80xi32, #tpu.memory_space<vmem>>)
        tpu.yield
      }) : () -> ()
      %scan3A_11 = arith.constant 0 : i32
      %scan3A_12 = arith.constant 0 : i32
      %scan3A_13 = arith.constant 80 : i32
      %scan3A_14 = arith.addi %scan3A_12, %scan3A_13 : i32
      %scan3A_15 = arith.constant 1 : i32
      scf.for %scan3A_223 = %scan3A_12 to %scan3A_14 step %scan3A_15  : i32 {
        %broadcast_in_dim3A = arith.constant 0.000000e+00 : f32
        %broadcast_in_dim3A_224 = vector.broadcast %broadcast_in_dim3A : f32 to vector<16xf32>
        %swap3A = arith.constant 0 : i32
        %swap3A_225 = arith.index_cast %scan3A_223 : i32 to index
        %swap3A_226 = arith.index_cast %swap3A : i32 to index
        %swap3A_227 = arith.constant 0 : index
        %swap3A_228 = tpu.vector_load %arg11[%swap3A_225, %swap3A_226, %swap3A_227] {strides = array<i32>} : memref<80x3x32xf32, #tpu.memory_space<vmem>>, vector<1x1x16xf32>,
        %swap3A_229 = vector.shape_cast %swap3A_228 : vector<1x1x16xf32> to vector<16xf32>
        %swap3A_230 = vector.shape_cast %broadcast_in_dim3A_224 : vector<16xf32> to vector<1x1x16xf32>
        tpu.vector_store %arg11[%swap3A_225, %swap3A_226, %swap3A_227], %swap3A_230 {strides = array<i32>} : memref<80x3x32xf32, #tpu.memory_space<vmem>>, vector<1x1x16xf32>,
        %broadcast_in_dim3A_231 = arith.constant 0.000000e+00 : f32
        %broadcast_in_dim3A_232 = vector.broadcast %broadcast_in_dim3A_231 : f32 to vector<16xf32>
        %swap3A_233 = arith.constant 0 : i32
        %swap3A_234 = arith.index_cast %scan3A_223 : i32 to index
        %swap3A_235 = arith.index_cast %swap3A_233 : i32 to index
        %swap3A_236 = arith.constant 16 : index
        %swap3A_237 = tpu.vector_load %arg11[%swap3A_234, %swap3A_235, %swap3A_236] {strides = array<i32>} : memref<80x3x32xf32, #tpu.memory_space<vmem>>, vector<1x1x16xf32>,
        %swap3A_238 = vector.shape_cast %swap3A_237 : vector<1x1x16xf32> to vector<16xf32>
        %swap3A_239 = vector.shape_cast %broadcast_in_dim3A_232 : vector<16xf32> to vector<1x1x16xf32>
        tpu.vector_store %arg11[%swap3A_234, %swap3A_235, %swap3A_236], %swap3A_239 {strides = array<i32>} : memref<80x3x32xf32, #tpu.memory_space<vmem>>, vector<1x1x16xf32>,
        %broadcast_in_dim3A_240 = arith.constant 0.000000e+00 : f32
        %broadcast_in_dim3A_241 = vector.broadcast %broadcast_in_dim3A_240 : f32 to vector<16xf32>
        %swap3A_242 = arith.constant 1 : i32
        %swap3A_243 = arith.index_cast %scan3A_223 : i32 to index
        %swap3A_244 = arith.index_cast %swap3A_242 : i32 to index
        %swap3A_245 = arith.constant 0 : index
        %swap3A_246 = tpu.vector_load %arg11[%swap3A_243, %swap3A_244, %swap3A_245] {strides = array<i32>} : memref<80x3x32xf32, #tpu.memory_space<vmem>>, vector<1x1x16xf32>,
        %swap3A_247 = vector.shape_cast %swap3A_246 : vector<1x1x16xf32> to vector<16xf32>
        %swap3A_248 = vector.shape_cast %broadcast_in_dim3A_241 : vector<16xf32> to vector<1x1x16xf32>
        tpu.vector_store %arg11[%swap3A_243, %swap3A_244, %swap3A_245], %swap3A_248 {strides = array<i32>} : memref<80x3x32xf32, #tpu.memory_space<vmem>>, vector<1x1x16xf32>,
        %broadcast_in_dim3A_249 = arith.constant 0.000000e+00 : f32
        %broadcast_in_dim3A_250 = vector.broadcast %broadcast_in_dim3A_249 : f32 to vector<16xf32>
        %swap3A_251 = arith.constant 1 : i32
        %swap3A_252 = arith.index_cast %scan3A_223 : i32 to index
        %swap3A_253 = arith.index_cast %swap3A_251 : i32 to index
        %swap3A_254 = arith.constant 16 : index
        %swap3A_255 = tpu.vector_load %arg11[%swap3A_252, %swap3A_253, %swap3A_254] {strides = array<i32>} : memref<80x3x32xf32, #tpu.memory_space<vmem>>, vector<1x1x16xf32>,
        %swap3A_256 = vector.shape_cast %swap3A_255 : vector<1x1x16xf32> to vector<16xf32>
        %swap3A_257 = vector.shape_cast %broadcast_in_dim3A_250 : vector<16xf32> to vector<1x1x16xf32>
        tpu.vector_store %arg11[%swap3A_252, %swap3A_253, %swap3A_254], %swap3A_257 {strides = array<i32>} : memref<80x3x32xf32, #tpu.memory_space<vmem>>, vector<1x1x16xf32>,
        %broadcast_in_dim3A_258 = arith.constant 0.000000e+00 : f32
        %broadcast_in_dim3A_259 = vector.broadcast %broadcast_in_dim3A_258 : f32 to vector<16xf32>
        %swap3A_260 = arith.constant 2 : i32
        %swap3A_261 = arith.index_cast %scan3A_223 : i32 to index
        %swap3A_262 = arith.index_cast %swap3A_260 : i32 to index
        %swap3A_263 = arith.constant 0 : index
        %swap3A_264 = tpu.vector_load %arg11[%swap3A_261, %swap3A_262, %swap3A_263] {strides = array<i32>} : memref<80x3x32xf32, #tpu.memory_space<vmem>>, vector<1x1x16xf32>,
        %swap3A_265 = vector.shape_cast %swap3A_264 : vector<1x1x16xf32> to vector<16xf32>
        %swap3A_266 = vector.shape_cast %broadcast_in_dim3A_259 : vector<16xf32> to vector<1x1x16xf32>
        tpu.vector_store %arg11[%swap3A_261, %swap3A_262, %swap3A_263], %swap3A_266 {strides = array<i32>} : memref<80x3x32xf32, #tpu.memory_space<vmem>>, vector<1x1x16xf32>,
        %broadcast_in_dim3A_267 = arith.constant 0.000000e+00 : f32
        %broadcast_in_dim3A_268 = vector.broadcast %broadcast_in_dim3A_267 : f32 to vector<16xf32>
        %swap3A_269 = arith.constant 2 : i32
        %swap3A_270 = arith.index_cast %scan3A_223 : i32 to index
        %swap3A_271 = arith.index_cast %swap3A_269 : i32 to index
        %swap3A_272 = arith.constant 16 : index
        %swap3A_273 = tpu.vector_load %arg11[%swap3A_270, %swap3A_271, %swap3A_272] {strides = array<i32>} : memref<80x3x32xf32, #tpu.memory_space<vmem>>, vector<1x1x16xf32>,
        %swap3A_274 = vector.shape_cast %swap3A_273 : vector<1x1x16xf32> to vector<16xf32>
        %swap3A_275 = vector.shape_cast %broadcast_in_dim3A_268 : vector<16xf32> to vector<1x1x16xf32>
        tpu.vector_store %arg11[%swap3A_270, %swap3A_271, %swap3A_272], %swap3A_275 {strides = array<i32>} : memref<80x3x32xf32, #tpu.memory_space<vmem>>, vector<1x1x16xf32>,
      }
      %scan3A_16 = arith.constant 80 : i32
      %scan3A_17 = arith.constant 0 : i32
      %scan3A_18 = arith.constant 0 : i32
      %scan3A_19 = arith.constant 80 : i32
      %scan3A_20 = arith.addi %scan3A_18, %scan3A_19 : i32
      %scan3A_21 = arith.constant 1 : i32
      scf.for %scan3A_223 = %scan3A_18 to %scan3A_20 step %scan3A_21  : i32 {
        %broadcast_in_dim3A = arith.constant 0.000000e+00 : f32
        %broadcast_in_dim3A_224 = vector.broadcast %broadcast_in_dim3A : f32 to vector<16xf32>
        %swap3A = arith.constant 0 : i32
        %swap3A_225 = arith.index_cast %scan3A_223 : i32 to index
        %swap3A_226 = arith.index_cast %swap3A : i32 to index
        %swap3A_227 = arith.constant 0 : index
        %swap3A_228 = tpu.vector_load %arg12[%swap3A_225, %swap3A_226, %swap3A_227] {strides = array<i32>} : memref<80x3x32xf32, #tpu.memory_space<vmem>>, vector<1x1x16xf32>,
        %swap3A_229 = vector.shape_cast %swap3A_228 : vector<1x1x16xf32> to vector<16xf32>
        %swap3A_230 = vector.shape_cast %broadcast_in_dim3A_224 : vector<16xf32> to vector<1x1x16xf32>
        tpu.vector_store %arg12[%swap3A_225, %swap3A_226, %swap3A_227], %swap3A_230 {strides = array<i32>} : memref<80x3x32xf32, #tpu.memory_space<vmem>>, vector<1x1x16xf32>,
        %broadcast_in_dim3A_231 = arith.constant 0.000000e+00 : f32
        %broadcast_in_dim3A_232 = vector.broadcast %broadcast_in_dim3A_231 : f32 to vector<16xf32>
        %swap3A_233 = arith.constant 0 : i32
        %swap3A_234 = arith.index_cast %scan3A_223 : i32 to index
        %swap3A_235 = arith.index_cast %swap3A_233 : i32 to index
        %swap3A_236 = arith.constant 16 : index
        %swap3A_237 = tpu.vector_load %arg12[%swap3A_234, %swap3A_235, %swap3A_236] {strides = array<i32>} : memref<80x3x32xf32, #tpu.memory_space<vmem>>, vector<1x1x16xf32>,
        %swap3A_238 = vector.shape_cast %swap3A_237 : vector<1x1x16xf32> to vector<16xf32>
        %swap3A_239 = vector.shape_cast %broadcast_in_dim3A_232 : vector<16xf32> to vector<1x1x16xf32>
        tpu.vector_store %arg12[%swap3A_234, %swap3A_235, %swap3A_236], %swap3A_239 {strides = array<i32>} : memref<80x3x32xf32, #tpu.memory_space<vmem>>, vector<1x1x16xf32>,
        %broadcast_in_dim3A_240 = arith.constant 0.000000e+00 : f32
        %broadcast_in_dim3A_241 = vector.broadcast %broadcast_in_dim3A_240 : f32 to vector<16xf32>
        %swap3A_242 = arith.constant 1 : i32
        %swap3A_243 = arith.index_cast %scan3A_223 : i32 to index
        %swap3A_244 = arith.index_cast %swap3A_242 : i32 to index
        %swap3A_245 = arith.constant 0 : index
        %swap3A_246 = tpu.vector_load %arg12[%swap3A_243, %swap3A_244, %swap3A_245] {strides = array<i32>} : memref<80x3x32xf32, #tpu.memory_space<vmem>>, vector<1x1x16xf32>,
        %swap3A_247 = vector.shape_cast %swap3A_246 : vector<1x1x16xf32> to vector<16xf32>
        %swap3A_248 = vector.shape_cast %broadcast_in_dim3A_241 : vector<16xf32> to vector<1x1x16xf32>
        tpu.vector_store %arg12[%swap3A_243, %swap3A_244, %swap3A_245], %swap3A_248 {strides = array<i32>} : memref<80x3x32xf32, #tpu.memory_space<vmem>>, vector<1x1x16xf32>,
        %broadcast_in_dim3A_249 = arith.constant 0.000000e+00 : f32
        %broadcast_in_dim3A_250 = vector.broadcast %broadcast_in_dim3A_249 : f32 to vector<16xf32>
        %swap3A_251 = arith.constant 1 : i32
        %swap3A_252 = arith.index_cast %scan3A_223 : i32 to index
        %swap3A_253 = arith.index_cast %swap3A_251 : i32 to index
        %swap3A_254 = arith.constant 16 : index
        %swap3A_255 = tpu.vector_load %arg12[%swap3A_252, %swap3A_253, %swap3A_254] {strides = array<i32>} : memref<80x3x32xf32, #tpu.memory_space<vmem>>, vector<1x1x16xf32>,
        %swap3A_256 = vector.shape_cast %swap3A_255 : vector<1x1x16xf32> to vector<16xf32>
        %swap3A_257 = vector.shape_cast %broadcast_in_dim3A_250 : vector<16xf32> to vector<1x1x16xf32>
        tpu.vector_store %arg12[%swap3A_252, %swap3A_253, %swap3A_254], %swap3A_257 {strides = array<i32>} : memref<80x3x32xf32, #tpu.memory_space<vmem>>, vector<1x1x16xf32>,
        %broadcast_in_dim3A_258 = arith.constant 0.000000e+00 : f32
        %broadcast_in_dim3A_259 = vector.broadcast %broadcast_in_dim3A_258 : f32 to vector<16xf32>
        %swap3A_260 = arith.constant 2 : i32
        %swap3A_261 = arith.index_cast %scan3A_223 : i32 to index
        %swap3A_262 = arith.index_cast %swap3A_260 : i32 to index
        %swap3A_263 = arith.constant 0 : index
        %swap3A_264 = tpu.vector_load %arg12[%swap3A_261, %swap3A_262, %swap3A_263] {strides = array<i32>} : memref<80x3x32xf32, #tpu.memory_space<vmem>>, vector<1x1x16xf32>,
        %swap3A_265 = vector.shape_cast %swap3A_264 : vector<1x1x16xf32> to vector<16xf32>
        %swap3A_266 = vector.shape_cast %broadcast_in_dim3A_259 : vector<16xf32> to vector<1x1x16xf32>
        tpu.vector_store %arg12[%swap3A_261, %swap3A_262, %swap3A_263], %swap3A_266 {strides = array<i32>} : memref<80x3x32xf32, #tpu.memory_space<vmem>>, vector<1x1x16xf32>,
        %broadcast_in_dim3A_267 = arith.constant 0.000000e+00 : f32
        %broadcast_in_dim3A_268 = vector.broadcast %broadcast_in_dim3A_267 : f32 to vector<16xf32>
        %swap3A_269 = arith.constant 2 : i32
        %swap3A_270 = arith.index_cast %scan3A_223 : i32 to index
        %swap3A_271 = arith.index_cast %swap3A_269 : i32 to index
        %swap3A_272 = arith.constant 16 : index
        %swap3A_273 = tpu.vector_load %arg12[%swap3A_270, %swap3A_271, %swap3A_272] {strides = array<i32>} : memref<80x3x32xf32, #tpu.memory_space<vmem>>, vector<1x1x16xf32>,
        %swap3A_274 = vector.shape_cast %swap3A_273 : vector<1x1x16xf32> to vector<16xf32>
        %swap3A_275 = vector.shape_cast %broadcast_in_dim3A_268 : vector<16xf32> to vector<1x1x16xf32>
        tpu.vector_store %arg12[%swap3A_270, %swap3A_271, %swap3A_272], %swap3A_275 {strides = array<i32>} : memref<80x3x32xf32, #tpu.memory_space<vmem>>, vector<1x1x16xf32>,
      }
      %scan3A_22 = arith.constant 80 : i32
      %mul3A_23 = arith.constant 625 : i32
      %mul3A_24 = arith.muli %arg1, %mul3A_23 : i32
      %add3A_25 = arith.constant 0 : i32
      %add3A_26 = arith.addi %mul3A_24, %add3A_25 : i32
      "tpu.region"() ({
        %run_scoped3A = tpu.sem_alloc : memref<!tpu.dma_semaphore, #tpu.memory_space<semaphore_mem>>
        %dma_start3A_223 = arith.constant 0 : i32
        %dma_start3A_224 = arith.constant 0 : i32
        %dma_start3A_225 = tpu.memref_slice %arg28[%add3A_26, %dma_start3A_223, %dma_start3A_224] : memref<10000x3x32xf32, #tpu.memory_space<vmem_shared>> -> memref<80x3x32xf32, #tpu.memory_space<vmem_shared>>
        %dma_start3A_226 = arith.constant 0 : i32
        %dma_start3A_227 = arith.constant 0 : i32
        %dma_start3A_228 = tpu.memref_slice %arg28[%add3A_26, %dma_start3A_226, %dma_start3A_227] : memref<10000x3x32xf32, #tpu.memory_space<vmem_shared>> -> memref<80x3x32xf32, #tpu.memory_space<vmem_shared>>
        tpu.enqueue_dma source(%arg11 : memref<80x3x32xf32, #tpu.memory_space<vmem>>) target(%dma_start3A_228 : memref<80x3x32xf32, #tpu.memory_space<vmem_shared>>) target_semaphore(%run_scoped3A : memref<!tpu.dma_semaphore, #tpu.memory_space<semaphore_mem>>)
        %dma_wait3A_229 = arith.constant 0 : i32
        %dma_wait3A_230 = arith.constant 0 : i32
        %dma_wait3A_231 = tpu.memref_slice %arg28[%add3A_26, %dma_wait3A_229, %dma_wait3A_230] : memref<10000x3x32xf32, #tpu.memory_space<vmem_shared>> -> memref<80x3x32xf32, #tpu.memory_space<vmem_shared>>
        %dma_wait3A_232 = arith.constant 0 : i32
        %dma_wait3A_233 = arith.constant 0 : i32
        %dma_wait3A_234 = tpu.memref_slice %arg28[%add3A_26, %dma_wait3A_232, %dma_wait3A_233] : memref<10000x3x32xf32, #tpu.memory_space<vmem_shared>> -> memref<80x3x32xf32, #tpu.memory_space<vmem_shared>>
        tpu.wait_dma2 semaphore(%run_scoped3A : memref<!tpu.dma_semaphore, #tpu.memory_space<semaphore_mem>>) src(%arg11 : memref<80x3x32xf32, #tpu.memory_space<vmem>>) dst(%dma_wait3A_234 : memref<80x3x32xf32, #tpu.memory_space<vmem_shared>>)
        tpu.yield
      }) : () -> ()
      %add3A_27 = arith.constant 80 : i32
      %add3A_28 = arith.addi %mul3A_24, %add3A_27 : i32
      "tpu.region"() ({
        %run_scoped3A = tpu.sem_alloc : memref<!tpu.dma_semaphore, #tpu.memory_space<semaphore_mem>>
        %dma_start3A_223 = arith.constant 0 : i32
        %dma_start3A_224 = arith.constant 0 : i32
        %dma_start3A_225 = tpu.memref_slice %arg28[%add3A_28, %dma_start3A_223, %dma_start3A_224] : memref<10000x3x32xf32, #tpu.memory_space<vmem_shared>> -> memref<80x3x32xf32, #tpu.memory_space<vmem_shared>>
        %dma_start3A_226 = arith.constant 0 : i32
        %dma_start3A_227 = arith.constant 0 : i32
        %dma_start3A_228 = tpu.memref_slice %arg28[%add3A_28, %dma_start3A_226, %dma_start3A_227] : memref<10000x3x32xf32, #tpu.memory_space<vmem_shared>> -> memref<80x3x32xf32, #tpu.memory_space<vmem_shared>>
        tpu.enqueue_dma source(%arg11 : memref<80x3x32xf32, #tpu.memory_space<vmem>>) target(%dma_start3A_228 : memref<80x3x32xf32, #tpu.memory_space<vmem_shared>>) target_semaphore(%run_scoped3A : memref<!tpu.dma_semaphore, #tpu.memory_space<semaphore_mem>>)
        %dma_wait3A_229 = arith.constant 0 : i32
        %dma_wait3A_230 = arith.constant 0 : i32
        %dma_wait3A_231 = tpu.memref_slice %arg28[%add3A_28, %dma_wait3A_229, %dma_wait3A_230] : memref<10000x3x32xf32, #tpu.memory_space<vmem_shared>> -> memref<80x3x32xf32, #tpu.memory_space<vmem_shared>>
        %dma_wait3A_232 = arith.constant 0 : i32
        %dma_wait3A_233 = arith.constant 0 : i32
        %dma_wait3A_234 = tpu.memref_slice %arg28[%add3A_28, %dma_wait3A_232, %dma_wait3A_233] : memref<10000x3x32xf32, #tpu.memory_space<vmem_shared>> -> memref<80x3x32xf32, #tpu.memory_space<vmem_shared>>
        tpu.wait_dma2 semaphore(%run_scoped3A : memref<!tpu.dma_semaphore, #tpu.memory_space<semaphore_mem>>) src(%arg11 : memref<80x3x32xf32, #tpu.memory_space<vmem>>) dst(%dma_wait3A_234 : memref<80x3x32xf32, #tpu.memory_space<vmem_shared>>)
        tpu.yield
      }) : () -> ()
      %add3A_29 = arith.constant 160 : i32
      %add3A_30 = arith.addi %mul3A_24, %add3A_29 : i32
      "tpu.region"() ({
        %run_scoped3A = tpu.sem_alloc : memref<!tpu.dma_semaphore, #tpu.memory_space<semaphore_mem>>
        %dma_start3A_223 = arith.constant 0 : i32
        %dma_start3A_224 = arith.constant 0 : i32
        %dma_start3A_225 = tpu.memref_slice %arg28[%add3A_30, %dma_start3A_223, %dma_start3A_224] : memref<10000x3x32xf32, #tpu.memory_space<vmem_shared>> -> memref<80x3x32xf32, #tpu.memory_space<vmem_shared>>
        %dma_start3A_226 = arith.constant 0 : i32
        %dma_start3A_227 = arith.constant 0 : i32
        %dma_start3A_228 = tpu.memref_slice %arg28[%add3A_30, %dma_start3A_226, %dma_start3A_227] : memref<10000x3x32xf32, #tpu.memory_space<vmem_shared>> -> memref<80x3x32xf32, #tpu.memory_space<vmem_shared>>
        tpu.enqueue_dma source(%arg11 : memref<80x3x32xf32, #tpu.memory_space<vmem>>) target(%dma_start3A_228 : memref<80x3x32xf32, #tpu.memory_space<vmem_shared>>) target_semaphore(%run_scoped3A : memref<!tpu.dma_semaphore, #tpu.memory_space<semaphore_mem>>)
        %dma_wait3A_229 = arith.constant 0 : i32
        %dma_wait3A_230 = arith.constant 0 : i32
        %dma_wait3A_231 = tpu.memref_slice %arg28[%add3A_30, %dma_wait3A_229, %dma_wait3A_230] : memref<10000x3x32xf32, #tpu.memory_space<vmem_shared>> -> memref<80x3x32xf32, #tpu.memory_space<vmem_shared>>
        %dma_wait3A_232 = arith.constant 0 : i32
        %dma_wait3A_233 = arith.constant 0 : i32
        %dma_wait3A_234 = tpu.memref_slice %arg28[%add3A_30, %dma_wait3A_232, %dma_wait3A_233] : memref<10000x3x32xf32, #tpu.memory_space<vmem_shared>> -> memref<80x3x32xf32, #tpu.memory_space<vmem_shared>>
        tpu.wait_dma2 semaphore(%run_scoped3A : memref<!tpu.dma_semaphore, #tpu.memory_space<semaphore_mem>>) src(%arg11 : memref<80x3x32xf32, #tpu.memory_space<vmem>>) dst(%dma_wait3A_234 : memref<80x3x32xf32, #tpu.memory_space<vmem_shared>>)
        tpu.yield
      }) : () -> ()
      %add3A_31 = arith.constant 240 : i32
      %add3A_32 = arith.addi %mul3A_24, %add3A_31 : i32
      "tpu.region"() ({
        %run_scoped3A = tpu.sem_alloc : memref<!tpu.dma_semaphore, #tpu.memory_space<semaphore_mem>>
        %dma_start3A_223 = arith.constant 0 : i32
        %dma_start3A_224 = arith.constant 0 : i32
        %dma_start3A_225 = tpu.memref_slice %arg28[%add3A_32, %dma_start3A_223, %dma_start3A_224] : memref<10000x3x32xf32, #tpu.memory_space<vmem_shared>> -> memref<80x3x32xf32, #tpu.memory_space<vmem_shared>>
        %dma_start3A_226 = arith.constant 0 : i32
        %dma_start3A_227 = arith.constant 0 : i32
        %dma_start3A_228 = tpu.memref_slice %arg28[%add3A_32, %dma_start3A_226, %dma_start3A_227] : memref<10000x3x32xf32, #tpu.memory_space<vmem_shared>> -> memref<80x3x32xf32, #tpu.memory_space<vmem_shared>>
        tpu.enqueue_dma source(%arg11 : memref<80x3x32xf32, #tpu.memory_space<vmem>>) target(%dma_start3A_228 : memref<80x3x32xf32, #tpu.memory_space<vmem_shared>>) target_semaphore(%run_scoped3A : memref<!tpu.dma_semaphore, #tpu.memory_space<semaphore_mem>>)
        %dma_wait3A_229 = arith.constant 0 : i32
        %dma_wait3A_230 = arith.constant 0 : i32
        %dma_wait3A_231 = tpu.memref_slice %arg28[%add3A_32, %dma_wait3A_229, %dma_wait3A_230] : memref<10000x3x32xf32, #tpu.memory_space<vmem_shared>> -> memref<80x3x32xf32, #tpu.memory_space<vmem_shared>>
        %dma_wait3A_232 = arith.constant 0 : i32
        %dma_wait3A_233 = arith.constant 0 : i32
        %dma_wait3A_234 = tpu.memref_slice %arg28[%add3A_32, %dma_wait3A_232, %dma_wait3A_233] : memref<10000x3x32xf32, #tpu.memory_space<vmem_shared>> -> memref<80x3x32xf32, #tpu.memory_space<vmem_shared>>
        tpu.wait_dma2 semaphore(%run_scoped3A : memref<!tpu.dma_semaphore, #tpu.memory_space<semaphore_mem>>) src(%arg11 : memref<80x3x32xf32, #tpu.memory_space<vmem>>) dst(%dma_wait3A_234 : memref<80x3x32xf32, #tpu.memory_space<vmem_shared>>)
        tpu.yield
      }) : () -> ()
      %add3A_33 = arith.constant 320 : i32
      %add3A_34 = arith.addi %mul3A_24, %add3A_33 : i32
      "tpu.region"() ({
        %run_scoped3A = tpu.sem_alloc : memref<!tpu.dma_semaphore, #tpu.memory_space<semaphore_mem>>
        %dma_start3A_223 = arith.constant 0 : i32
        %dma_start3A_224 = arith.constant 0 : i32
        %dma_start3A_225 = tpu.memref_slice %arg28[%add3A_34, %dma_start3A_223, %dma_start3A_224] : memref<10000x3x32xf32, #tpu.memory_space<vmem_shared>> -> memref<80x3x32xf32, #tpu.memory_space<vmem_shared>>
        %dma_start3A_226 = arith.constant 0 : i32
        %dma_start3A_227 = arith.constant 0 : i32
        %dma_start3A_228 = tpu.memref_slice %arg28[%add3A_34, %dma_start3A_226, %dma_start3A_227] : memref<10000x3x32xf32, #tpu.memory_space<vmem_shared>> -> memref<80x3x32xf32, #tpu.memory_space<vmem_shared>>
        tpu.enqueue_dma source(%arg11 : memref<80x3x32xf32, #tpu.memory_space<vmem>>) target(%dma_start3A_228 : memref<80x3x32xf32, #tpu.memory_space<vmem_shared>>) target_semaphore(%run_scoped3A : memref<!tpu.dma_semaphore, #tpu.memory_space<semaphore_mem>>)
        %dma_wait3A_229 = arith.constant 0 : i32
        %dma_wait3A_230 = arith.constant 0 : i32
        %dma_wait3A_231 = tpu.memref_slice %arg28[%add3A_34, %dma_wait3A_229, %dma_wait3A_230] : memref<10000x3x32xf32, #tpu.memory_space<vmem_shared>> -> memref<80x3x32xf32, #tpu.memory_space<vmem_shared>>
        %dma_wait3A_232 = arith.constant 0 : i32
        %dma_wait3A_233 = arith.constant 0 : i32
        %dma_wait3A_234 = tpu.memref_slice %arg28[%add3A_34, %dma_wait3A_232, %dma_wait3A_233] : memref<10000x3x32xf32, #tpu.memory_space<vmem_shared>> -> memref<80x3x32xf32, #tpu.memory_space<vmem_shared>>
        tpu.wait_dma2 semaphore(%run_scoped3A : memref<!tpu.dma_semaphore, #tpu.memory_space<semaphore_mem>>) src(%arg11 : memref<80x3x32xf32, #tpu.memory_space<vmem>>) dst(%dma_wait3A_234 : memref<80x3x32xf32, #tpu.memory_space<vmem_shared>>)
        tpu.yield
      }) : () -> ()
      %add3A_35 = arith.constant 400 : i32
      %add3A_36 = arith.addi %mul3A_24, %add3A_35 : i32
      "tpu.region"() ({
        %run_scoped3A = tpu.sem_alloc : memref<!tpu.dma_semaphore, #tpu.memory_space<semaphore_mem>>
        %dma_start3A_223 = arith.constant 0 : i32
        %dma_start3A_224 = arith.constant 0 : i32
        %dma_start3A_225 = tpu.memref_slice %arg28[%add3A_36, %dma_start3A_223, %dma_start3A_224] : memref<10000x3x32xf32, #tpu.memory_space<vmem_shared>> -> memref<80x3x32xf32, #tpu.memory_space<vmem_shared>>
        %dma_start3A_226 = arith.constant 0 : i32
        %dma_start3A_227 = arith.constant 0 : i32
        %dma_start3A_228 = tpu.memref_slice %arg28[%add3A_36, %dma_start3A_226, %dma_start3A_227] : memref<10000x3x32xf32, #tpu.memory_space<vmem_shared>> -> memref<80x3x32xf32, #tpu.memory_space<vmem_shared>>
        tpu.enqueue_dma source(%arg11 : memref<80x3x32xf32, #tpu.memory_space<vmem>>) target(%dma_start3A_228 : memref<80x3x32xf32, #tpu.memory_space<vmem_shared>>) target_semaphore(%run_scoped3A : memref<!tpu.dma_semaphore, #tpu.memory_space<semaphore_mem>>)
        %dma_wait3A_229 = arith.constant 0 : i32
        %dma_wait3A_230 = arith.constant 0 : i32
        %dma_wait3A_231 = tpu.memref_slice %arg28[%add3A_36, %dma_wait3A_229, %dma_wait3A_230] : memref<10000x3x32xf32, #tpu.memory_space<vmem_shared>> -> memref<80x3x32xf32, #tpu.memory_space<vmem_shared>>
        %dma_wait3A_232 = arith.constant 0 : i32
        %dma_wait3A_233 = arith.constant 0 : i32
        %dma_wait3A_234 = tpu.memref_slice %arg28[%add3A_36, %dma_wait3A_232, %dma_wait3A_233] : memref<10000x3x32xf32, #tpu.memory_space<vmem_shared>> -> memref<80x3x32xf32, #tpu.memory_space<vmem_shared>>
        tpu.wait_dma2 semaphore(%run_scoped3A : memref<!tpu.dma_semaphore, #tpu.memory_space<semaphore_mem>>) src(%arg11 : memref<80x3x32xf32, #tpu.memory_space<vmem>>) dst(%dma_wait3A_234 : memref<80x3x32xf32, #tpu.memory_space<vmem_shared>>)
        tpu.yield
      }) : () -> ()
      %add3A_37 = arith.constant 480 : i32
      %add3A_38 = arith.addi %mul3A_24, %add3A_37 : i32
      "tpu.region"() ({
        %run_scoped3A = tpu.sem_alloc : memref<!tpu.dma_semaphore, #tpu.memory_space<semaphore_mem>>
        %dma_start3A_223 = arith.constant 0 : i32
        %dma_start3A_224 = arith.constant 0 : i32
        %dma_start3A_225 = tpu.memref_slice %arg28[%add3A_38, %dma_start3A_223, %dma_start3A_224] : memref<10000x3x32xf32, #tpu.memory_space<vmem_shared>> -> memref<80x3x32xf32, #tpu.memory_space<vmem_shared>>
        %dma_start3A_226 = arith.constant 0 : i32
        %dma_start3A_227 = arith.constant 0 : i32
        %dma_start3A_228 = tpu.memref_slice %arg28[%add3A_38, %dma_start3A_226, %dma_start3A_227] : memref<10000x3x32xf32, #tpu.memory_space<vmem_shared>> -> memref<80x3x32xf32, #tpu.memory_space<vmem_shared>>
        tpu.enqueue_dma source(%arg11 : memref<80x3x32xf32, #tpu.memory_space<vmem>>) target(%dma_start3A_228 : memref<80x3x32xf32, #tpu.memory_space<vmem_shared>>) target_semaphore(%run_scoped3A : memref<!tpu.dma_semaphore, #tpu.memory_space<semaphore_mem>>)
        %dma_wait3A_229 = arith.constant 0 : i32
        %dma_wait3A_230 = arith.constant 0 : i32
        %dma_wait3A_231 = tpu.memref_slice %arg28[%add3A_38, %dma_wait3A_229, %dma_wait3A_230] : memref<10000x3x32xf32, #tpu.memory_space<vmem_shared>> -> memref<80x3x32xf32, #tpu.memory_space<vmem_shared>>
        %dma_wait3A_232 = arith.constant 0 : i32
        %dma_wait3A_233 = arith.constant 0 : i32
        %dma_wait3A_234 = tpu.memref_slice %arg28[%add3A_38, %dma_wait3A_232, %dma_wait3A_233] : memref<10000x3x32xf32, #tpu.memory_space<vmem_shared>> -> memref<80x3x32xf32, #tpu.memory_space<vmem_shared>>
        tpu.wait_dma2 semaphore(%run_scoped3A : memref<!tpu.dma_semaphore, #tpu.memory_space<semaphore_mem>>) src(%arg11 : memref<80x3x32xf32, #tpu.memory_space<vmem>>) dst(%dma_wait3A_234 : memref<80x3x32xf32, #tpu.memory_space<vmem_shared>>)
        tpu.yield
      }) : () -> ()
      %add3A_39 = arith.constant 560 : i32
      %add3A_40 = arith.addi %mul3A_24, %add3A_39 : i32
      "tpu.region"() ({
        %run_scoped3A = tpu.sem_alloc : memref<!tpu.dma_semaphore, #tpu.memory_space<semaphore_mem>>
        %dma_start3A_223 = arith.constant 0 : i32
        %dma_start3A_224 = arith.constant 0 : i32
        %dma_start3A_225 = arith.constant 0 : i32
        %dma_start3A_226 = tpu.memref_slice %arg11[%dma_start3A_223, %dma_start3A_224, %dma_start3A_225] : memref<80x3x32xf32, #tpu.memory_space<vmem>> -> memref<65x3x32xf32, #tpu.memory_space<vmem>>
        %dma_start3A_227 = arith.constant 0 : i32
        %dma_start3A_228 = arith.constant 0 : i32
        %dma_start3A_229 = tpu.memref_slice %arg28[%add3A_40, %dma_start3A_227, %dma_start3A_228] : memref<10000x3x32xf32, #tpu.memory_space<vmem_shared>> -> memref<65x3x32xf32, #tpu.memory_space<vmem_shared>>
        %dma_start3A_230 = arith.constant 0 : i32
        %dma_start3A_231 = arith.constant 0 : i32
        %dma_start3A_232 = tpu.memref_slice %arg28[%add3A_40, %dma_start3A_230, %dma_start3A_231] : memref<10000x3x32xf32, #tpu.memory_space<vmem_shared>> -> memref<65x3x32xf32, #tpu.memory_space<vmem_shared>>
        %dma_start3A_233 = arith.constant 0 : i32
        %dma_start3A_234 = arith.constant 0 : i32
        %dma_start3A_235 = arith.constant 0 : i32
        %dma_start3A_236 = tpu.memref_slice %arg11[%dma_start3A_233, %dma_start3A_234, %dma_start3A_235] : memref<80x3x32xf32, #tpu.memory_space<vmem>> -> memref<65x3x32xf32, #tpu.memory_space<vmem>>
        tpu.enqueue_dma source(%dma_start3A_236 : memref<65x3x32xf32, #tpu.memory_space<vmem>>) target(%dma_start3A_232 : memref<65x3x32xf32, #tpu.memory_space<vmem_shared>>) target_semaphore(%run_scoped3A : memref<!tpu.dma_semaphore, #tpu.memory_space<semaphore_mem>>)
        %dma_wait3A_237 = arith.constant 0 : i32
        %dma_wait3A_238 = arith.constant 0 : i32
        %dma_wait3A_239 = arith.constant 0 : i32
        %dma_wait3A_240 = tpu.memref_slice %arg11[%dma_wait3A_237, %dma_wait3A_238, %dma_wait3A_239] : memref<80x3x32xf32, #tpu.memory_space<vmem>> -> memref<65x3x32xf32, #tpu.memory_space<vmem>>
        %dma_wait3A_241 = arith.constant 0 : i32
        %dma_wait3A_242 = arith.constant 0 : i32
        %dma_wait3A_243 = tpu.memref_slice %arg28[%add3A_40, %dma_wait3A_241, %dma_wait3A_242] : memref<10000x3x32xf32, #tpu.memory_space<vmem_shared>> -> memref<65x3x32xf32, #tpu.memory_space<vmem_shared>>
        %dma_wait3A_244 = arith.constant 0 : i32
        %dma_wait3A_245 = arith.constant 0 : i32
        %dma_wait3A_246 = tpu.memref_slice %arg28[%add3A_40, %dma_wait3A_244, %dma_wait3A_245] : memref<10000x3x32xf32, #tpu.memory_space<vmem_shared>> -> memref<65x3x32xf32, #tpu.memory_space<vmem_shared>>
        %dma_wait3A_247 = arith.constant 0 : i32
        %dma_wait3A_248 = arith.constant 0 : i32
        %dma_wait3A_249 = arith.constant 0 : i32
        %dma_wait3A_250 = tpu.memref_slice %arg11[%dma_wait3A_247, %dma_wait3A_248, %dma_wait3A_249] : memref<80x3x32xf32, #tpu.memory_space<vmem>> -> memref<65x3x32xf32, #tpu.memory_space<vmem>>
        tpu.wait_dma2 semaphore(%run_scoped3A : memref<!tpu.dma_semaphore, #tpu.memory_space<semaphore_mem>>) src(%dma_wait3A_250 : memref<65x3x32xf32, #tpu.memory_space<vmem>>) dst(%dma_wait3A_246 : memref<65x3x32xf32, #tpu.memory_space<vmem_shared>>)
        tpu.yield
      }) : () -> ()
      %barrier3A = arith.constant 0 : index
      tpu.barrier barrier_id(%barrier3A)
      %add3A_41 = arith.constant 0 : i32
      %add3A_42 = arith.addi %mul3A_0, %add3A_41 : i32
      %dma_start3A = arith.constant 0 : i32
      %dma_start3A_43 = tpu.memref_slice %arg2[%add3A_42, %dma_start3A, %add3A] : memref<160000x3x128xf32, #tpu.memory_space<hbm>> -> memref<80x3x32xf32, #tpu.memory_space<hbm>>
      %dma_start3A_44 = arith.constant 0 : i32
      %dma_start3A_45 = tpu.memref_slice %arg2[%add3A_42, %dma_start3A_44, %add3A] : memref<160000x3x128xf32, #tpu.memory_space<hbm>> -> memref<80x3x32xf32, #tpu.memory_space<hbm>>
      tpu.enqueue_dma source(%dma_start3A_45 : memref<80x3x32xf32, #tpu.memory_space<hbm>>) target(%arg9 : memref<80x3x32xf32, #tpu.memory_space<vmem>>) target_semaphore(%arg20 : memref<!tpu.dma_semaphore, #tpu.memory_space<semaphore_mem>>)
      %dma_start3A_46 = tpu.memref_slice %arg3[%add3A_42, %add3A] : memref<160000x128xf32, #tpu.memory_space<hbm>> -> memref<80x32xf32, #tpu.memory_space<hbm>>
      %dma_start3A_47 = tpu.memref_slice %arg3[%add3A_42, %add3A] : memref<160000x128xf32, #tpu.memory_space<hbm>> -> memref<80x32xf32, #tpu.memory_space<hbm>>
      tpu.enqueue_dma source(%dma_start3A_47 : memref<80x32xf32, #tpu.memory_space<hbm>>) target(%arg13 : memref<80x32xf32, #tpu.memory_space<vmem>>) target_semaphore(%arg20 : memref<!tpu.dma_semaphore, #tpu.memory_space<semaphore_mem>>)
      %dma_start3A_48 = tpu.memref_slice %arg4[%add3A_42, %add3A] : memref<160000x128xf32, #tpu.memory_space<hbm>> -> memref<80x32xf32, #tpu.memory_space<hbm>>
      %dma_start3A_49 = tpu.memref_slice %arg4[%add3A_42, %add3A] : memref<160000x128xf32, #tpu.memory_space<hbm>> -> memref<80x32xf32, #tpu.memory_space<hbm>>
      tpu.enqueue_dma source(%dma_start3A_49 : memref<80x32xf32, #tpu.memory_space<hbm>>) target(%arg15 : memref<80x32xf32, #tpu.memory_space<vmem>>) target_semaphore(%arg20 : memref<!tpu.dma_semaphore, #tpu.memory_space<semaphore_mem>>)
      %dma_start3A_50 = arith.constant 0 : i32
      %dma_start3A_51 = arith.constant 0 : i32
      %dma_start3A_52 = tpu.memref_slice %arg17[%dma_start3A_50, %dma_start3A_51] : memref<80x16xf32, #tpu.memory_space<vmem>> -> memref<80x3xf32, #tpu.memory_space<vmem>>
      %dma_start3A_53 = arith.constant 0 : i32
      %dma_start3A_54 = tpu.memref_slice %arg5[%add3A_42, %dma_start3A_53] : memref<160000x3xf32, #tpu.memory_space<hbm>> -> memref<80x3xf32, #tpu.memory_space<hbm>>
      %dma_start3A_55 = arith.constant 0 : i32
      %dma_start3A_56 = arith.constant 0 : i32
      %dma_start3A_57 = tpu.memref_slice %arg17[%dma_start3A_55, %dma_start3A_56] : memref<80x16xf32, #tpu.memory_space<vmem>> -> memref<80x3xf32, #tpu.memory_space<vmem>>
      %dma_start3A_58 = arith.constant 0 : i32
      %dma_start3A_59 = tpu.memref_slice %arg5[%add3A_42, %dma_start3A_58] : memref<160000x3xf32, #tpu.memory_space<hbm>> -> memref<80x3xf32, #tpu.memory_space<hbm>>
      tpu.enqueue_dma source(%dma_start3A_59 : memref<80x3xf32, #tpu.memory_space<hbm>>) target(%dma_start3A_57 : memref<80x3xf32, #tpu.memory_space<vmem>>) target_semaphore(%arg20 : memref<!tpu.dma_semaphore, #tpu.memory_space<semaphore_mem>>)
      %add3A_60 = arith.constant 80 : i32
      %add3A_61 = arith.addi %mul3A_0, %add3A_60 : i32
      %dma_start3A_62 = arith.constant 0 : i32
      %dma_start3A_63 = tpu.memref_slice %arg2[%add3A_61, %dma_start3A_62, %add3A] : memref<160000x3x128xf32, #tpu.memory_space<hbm>> -> memref<80x3x32xf32, #tpu.memory_space<hbm>>
      %dma_start3A_64 = arith.constant 0 : i32
      %dma_start3A_65 = tpu.memref_slice %arg2[%add3A_61, %dma_start3A_64, %add3A] : memref<160000x3x128xf32, #tpu.memory_space<hbm>> -> memref<80x3x32xf32, #tpu.memory_space<hbm>>
      tpu.enqueue_dma source(%dma_start3A_65 : memref<80x3x32xf32, #tpu.memory_space<hbm>>) target(%arg10 : memref<80x3x32xf32, #tpu.memory_space<vmem>>) target_semaphore(%arg21 : memref<!tpu.dma_semaphore, #tpu.memory_space<semaphore_mem>>)
      %dma_start3A_66 = tpu.memref_slice %arg3[%add3A_61, %add3A] : memref<160000x128xf32, #tpu.memory_space<hbm>> -> memref<80x32xf32, #tpu.memory_space<hbm>>
      %dma_start3A_67 = tpu.memref_slice %arg3[%add3A_61, %add3A] : memref<160000x128xf32, #tpu.memory_space<hbm>> -> memref<80x32xf32, #tpu.memory_space<hbm>>
      tpu.enqueue_dma source(%dma_start3A_67 : memref<80x32xf32, #tpu.memory_space<hbm>>) target(%arg14 : memref<80x32xf32, #tpu.memory_space<vmem>>) target_semaphore(%arg21 : memref<!tpu.dma_semaphore, #tpu.memory_space<semaphore_mem>>)
      %dma_start3A_68 = tpu.memref_slice %arg4[%add3A_61, %add3A] : memref<160000x128xf32, #tpu.memory_space<hbm>> -> memref<80x32xf32, #tpu.memory_space<hbm>>
      %dma_start3A_69 = tpu.memref_slice %arg4[%add3A_61, %add3A] : memref<160000x128xf32, #tpu.memory_space<hbm>> -> memref<80x32xf32, #tpu.memory_space<hbm>>
      tpu.enqueue_dma source(%dma_start3A_69 : memref<80x32xf32, #tpu.memory_space<hbm>>) target(%arg16 : memref<80x32xf32, #tpu.memory_space<vmem>>) target_semaphore(%arg21 : memref<!tpu.dma_semaphore, #tpu.memory_space<semaphore_mem>>)
      %dma_start3A_70 = arith.constant 0 : i32
      %dma_start3A_71 = arith.constant 0 : i32
      %dma_start3A_72 = tpu.memref_slice %arg18[%dma_start3A_70, %dma_start3A_71] : memref<80x16xf32, #tpu.memory_space<vmem>> -> memref<80x3xf32, #tpu.memory_space<vmem>>
      %dma_start3A_73 = arith.constant 0 : i32
      %dma_start3A_74 = tpu.memref_slice %arg5[%add3A_61, %dma_start3A_73] : memref<160000x3xf32, #tpu.memory_space<hbm>> -> memref<80x3xf32, #tpu.memory_space<hbm>>
      %dma_start3A_75 = arith.constant 0 : i32
      %dma_start3A_76 = arith.constant 0 : i32
      %dma_start3A_77 = tpu.memref_slice %arg18[%dma_start3A_75, %dma_start3A_76] : memref<80x16xf32, #tpu.memory_space<vmem>> -> memref<80x3xf32, #tpu.memory_space<vmem>>
      %dma_start3A_78 = arith.constant 0 : i32
      %dma_start3A_79 = tpu.memref_slice %arg5[%add3A_61, %dma_start3A_78] : memref<160000x3xf32, #tpu.memory_space<hbm>> -> memref<80x3xf32, #tpu.memory_space<hbm>>
      tpu.enqueue_dma source(%dma_start3A_79 : memref<80x3xf32, #tpu.memory_space<hbm>>) target(%dma_start3A_77 : memref<80x3xf32, #tpu.memory_space<vmem>>) target_semaphore(%arg21 : memref<!tpu.dma_semaphore, #tpu.memory_space<semaphore_mem>>)
      %dma_start3A_80 = arith.constant 0 : i32
      %dma_start3A_81 = arith.constant 0 : i32
      %dma_start3A_82 = tpu.memref_slice %arg19[%dma_start3A_80, %dma_start3A_81] : memref<125x80xi32, #tpu.memory_space<vmem>> -> memref<1x80xi32, #tpu.memory_space<vmem>>
      %dma_start3A_83 = tpu.memref_squeeze %dma_start3A_82 : memref<1x80xi32, #tpu.memory_space<vmem>> -> memref<80xi32, #tpu.memory_space<vmem>>
      %dma_start3A_84 = arith.constant 0 : i32
      %dma_start3A_85 = arith.constant 0 : i32
      %dma_start3A_86 = arith.constant 0 : i32
      %dma_start3A_87 = tpu.memref_slice %arg28[%dma_start3A_84, %dma_start3A_85, %dma_start3A_86] : memref<10000x3x32xf32, #tpu.memory_space<vmem_shared>> -> memref<10000x3x32xf32, #tpu.memory_space<vmem_shared>>
      tpu.enqueue_indirect_dma source(%arg11 : memref<80x3x32xf32, #tpu.memory_space<vmem>>) target(%dma_start3A_87 : memref<10000x3x32xf32, #tpu.memory_space<vmem_shared>>) offsets(%dma_start3A_83 : memref<80xi32, #tpu.memory_space<vmem>>) semaphore(%arg22 : memref<!tpu.dma_semaphore, #tpu.memory_space<semaphore_mem>>) {add = true}
      %dma_start3A_88 = arith.constant 0 : i32
      %dma_start3A_89 = arith.constant 0 : i32
      %dma_start3A_90 = tpu.memref_slice %arg19[%dma_start3A_88, %dma_start3A_89] : memref<125x80xi32, #tpu.memory_space<vmem>> -> memref<1x80xi32, #tpu.memory_space<vmem>>
      %dma_start3A_91 = tpu.memref_squeeze %dma_start3A_90 : memref<1x80xi32, #tpu.memory_space<vmem>> -> memref<80xi32, #tpu.memory_space<vmem>>
      %dma_start3A_92 = arith.constant 0 : i32
      %dma_start3A_93 = arith.constant 0 : i32
      %dma_start3A_94 = arith.constant 0 : i32
      %dma_start3A_95 = tpu.memref_slice %arg28[%dma_start3A_92, %dma_start3A_93, %dma_start3A_94] : memref<10000x3x32xf32, #tpu.memory_space<vmem_shared>> -> memref<10000x3x32xf32, #tpu.memory_space<vmem_shared>>
      tpu.enqueue_indirect_dma source(%arg12 : memref<80x3x32xf32, #tpu.memory_space<vmem>>) target(%dma_start3A_95 : memref<10000x3x32xf32, #tpu.memory_space<vmem_shared>>) offsets(%dma_start3A_91 : memref<80xi32, #tpu.memory_space<vmem>>) semaphore(%arg23 : memref<!tpu.dma_semaphore, #tpu.memory_space<semaphore_mem>>) {add = true}
      %scan3A_96 = arith.constant 0 : i32
      %scan3A_97 = arith.constant 0 : i32
      %scan3A_98 = arith.constant 62 : i32
      %scan3A_99 = arith.addi %scan3A_97, %scan3A_98 : i32
      %scan3A_100 = arith.constant 1 : i32
      scf.for %scan3A_223 = %scan3A_97 to %scan3A_99 step %scan3A_100  : i32 {
        %mul3A_224 = arith.constant 2 : i32
        %mul3A_225 = arith.muli %mul3A_224, %scan3A_223 : i32
        %dma_wait3A_226 = arith.constant 0 : i32
        %dma_wait3A_227 = arith.constant 0 : i32
        %dma_wait3A_228 = arith.constant 0 : i32
        %dma_wait3A_229 = tpu.memref_slice %arg2[%dma_wait3A_226, %dma_wait3A_227, %dma_wait3A_228] : memref<160000x3x128xf32, #tpu.memory_space<hbm>> -> memref<80x3x32xf32, #tpu.memory_space<hbm>>
        %dma_wait3A_230 = arith.constant 0 : i32
        %dma_wait3A_231 = arith.constant 0 : i32
        %dma_wait3A_232 = arith.constant 0 : i32
        %dma_wait3A_233 = tpu.memref_slice %arg2[%dma_wait3A_230, %dma_wait3A_231, %dma_wait3A_232] : memref<160000x3x128xf32, #tpu.memory_space<hbm>> -> memref<80x3x32xf32, #tpu.memory_space<hbm>>
        tpu.wait_dma2 semaphore(%arg20 : memref<!tpu.dma_semaphore, #tpu.memory_space<semaphore_mem>>) src(%dma_wait3A_233 : memref<80x3x32xf32, #tpu.memory_space<hbm>>) dst(%arg9 : memref<80x3x32xf32, #tpu.memory_space<vmem>>)
        %dma_wait3A_234 = arith.constant 0 : i32
        %dma_wait3A_235 = arith.constant 0 : i32
        %dma_wait3A_236 = tpu.memref_slice %arg3[%dma_wait3A_234, %dma_wait3A_235] : memref<160000x128xf32, #tpu.memory_space<hbm>> -> memref<80x32xf32, #tpu.memory_space<hbm>>
        %dma_wait3A_237 = arith.constant 0 : i32
        %dma_wait3A_238 = arith.constant 0 : i32
        %dma_wait3A_239 = tpu.memref_slice %arg3[%dma_wait3A_237, %dma_wait3A_238] : memref<160000x128xf32, #tpu.memory_space<hbm>> -> memref<80x32xf32, #tpu.memory_space<hbm>>
        tpu.wait_dma2 semaphore(%arg20 : memref<!tpu.dma_semaphore, #tpu.memory_space<semaphore_mem>>) src(%dma_wait3A_239 : memref<80x32xf32, #tpu.memory_space<hbm>>) dst(%arg13 : memref<80x32xf32, #tpu.memory_space<vmem>>)
        %dma_wait3A_240 = arith.constant 0 : i32
        %dma_wait3A_241 = arith.constant 0 : i32
        %dma_wait3A_242 = tpu.memref_slice %arg4[%dma_wait3A_240, %dma_wait3A_241] : memref<160000x128xf32, #tpu.memory_space<hbm>> -> memref<80x32xf32, #tpu.memory_space<hbm>>
        %dma_wait3A_243 = arith.constant 0 : i32
        %dma_wait3A_244 = arith.constant 0 : i32
        %dma_wait3A_245 = tpu.memref_slice %arg4[%dma_wait3A_243, %dma_wait3A_244] : memref<160000x128xf32, #tpu.memory_space<hbm>> -> memref<80x32xf32, #tpu.memory_space<hbm>>
        tpu.wait_dma2 semaphore(%arg20 : memref<!tpu.dma_semaphore, #tpu.memory_space<semaphore_mem>>) src(%dma_wait3A_245 : memref<80x32xf32, #tpu.memory_space<hbm>>) dst(%arg15 : memref<80x32xf32, #tpu.memory_space<vmem>>)
        %dma_wait3A_246 = arith.constant 0 : i32
        %dma_wait3A_247 = arith.constant 0 : i32
        %dma_wait3A_248 = tpu.memref_slice %arg17[%dma_wait3A_246, %dma_wait3A_247] : memref<80x16xf32, #tpu.memory_space<vmem>> -> memref<80x3xf32, #tpu.memory_space<vmem>>
        %dma_wait3A_249 = arith.constant 0 : i32
        %dma_wait3A_250 = arith.constant 0 : i32
        %dma_wait3A_251 = tpu.memref_slice %arg5[%dma_wait3A_249, %dma_wait3A_250] : memref<160000x3xf32, #tpu.memory_space<hbm>> -> memref<80x3xf32, #tpu.memory_space<hbm>>
        %dma_wait3A_252 = arith.constant 0 : i32
        %dma_wait3A_253 = arith.constant 0 : i32
        %dma_wait3A_254 = tpu.memref_slice %arg17[%dma_wait3A_252, %dma_wait3A_253] : memref<80x16xf32, #tpu.memory_space<vmem>> -> memref<80x3xf32, #tpu.memory_space<vmem>>
        %dma_wait3A_255 = arith.constant 0 : i32
        %dma_wait3A_256 = arith.constant 0 : i32
        %dma_wait3A_257 = tpu.memref_slice %arg5[%dma_wait3A_255, %dma_wait3A_256] : memref<160000x3xf32, #tpu.memory_space<hbm>> -> memref<80x3xf32, #tpu.memory_space<hbm>>
        tpu.wait_dma2 semaphore(%arg20 : memref<!tpu.dma_semaphore, #tpu.memory_space<semaphore_mem>>) src(%dma_wait3A_257 : memref<80x3xf32, #tpu.memory_space<hbm>>) dst(%dma_wait3A_254 : memref<80x3xf32, #tpu.memory_space<vmem>>)
        %dma_wait3A_258 = arith.constant 0 : i32
        %dma_wait3A_259 = arith.constant 0 : i32
        %dma_wait3A_260 = tpu.memref_slice %arg19[%dma_wait3A_258, %dma_wait3A_259] : memref<125x80xi32, #tpu.memory_space<vmem>> -> memref<1x80xi32, #tpu.memory_space<vmem>>
        %dma_wait3A_261 = tpu.memref_squeeze %dma_wait3A_260 : memref<1x80xi32, #tpu.memory_space<vmem>> -> memref<80xi32, #tpu.memory_space<vmem>>
        %dma_wait3A_262 = arith.constant 0 : i32
        %dma_wait3A_263 = arith.constant 0 : i32
        %dma_wait3A_264 = arith.constant 0 : i32
        %dma_wait3A_265 = tpu.memref_slice %arg28[%dma_wait3A_262, %dma_wait3A_263, %dma_wait3A_264] : memref<10000x3x32xf32, #tpu.memory_space<vmem_shared>> -> memref<10000x3x32xf32, #tpu.memory_space<vmem_shared>>
        tpu.wait_indirect_dma semaphore(%arg22 : memref<!tpu.dma_semaphore, #tpu.memory_space<semaphore_mem>>) src(%arg11 : memref<80x3x32xf32, #tpu.memory_space<vmem>>) dst(%dma_wait3A_265 : memref<10000x3x32xf32, #tpu.memory_space<vmem_shared>>)
        %scan3A_266 = arith.constant 0 : i32
        %scan3A_267 = arith.constant 0 : i32
        %scan3A_268 = arith.constant 80 : i32
        %scan3A_269 = arith.addi %scan3A_267, %scan3A_268 : i32
        %scan3A_270 = arith.constant 4 : i32
        scf.for %scan3A_347 = %scan3A_267 to %scan3A_269 step %scan3A_270  : i32 {
          %get3A = arith.index_cast %scan3A_347 : i32 to index
          %get3A_348 = arith.constant 0 : index
          %get3A_349 = tpu.vector_load %arg13[%get3A, %get3A_348] {strides = array<i32>} : memref<80x32xf32, #tpu.memory_space<vmem>>, vector<1x16xf32>,
          %get3A_350 = vector.shape_cast %get3A_349 : vector<1x16xf32> to vector<16xf32>
          %get3A_351 = arith.index_cast %scan3A_347 : i32 to index
          %get3A_352 = arith.constant 16 : index
          %get3A_353 = tpu.vector_load %arg13[%get3A_351, %get3A_352] {strides = array<i32>} : memref<80x32xf32, #tpu.memory_space<vmem>>, vector<1x16xf32>,
          %get3A_354 = vector.shape_cast %get3A_353 : vector<1x16xf32> to vector<16xf32>
          %get3A_355 = arith.index_cast %scan3A_347 : i32 to index
          %get3A_356 = arith.constant 0 : index
          %get3A_357 = tpu.vector_load %arg15[%get3A_355, %get3A_356] {strides = array<i32>} : memref<80x32xf32, #tpu.memory_space<vmem>>, vector<1x16xf32>,
          %get3A_358 = vector.shape_cast %get3A_357 : vector<1x16xf32> to vector<16xf32>
          %get3A_359 = arith.index_cast %scan3A_347 : i32 to index
          %get3A_360 = arith.constant 16 : index
          %get3A_361 = tpu.vector_load %arg15[%get3A_359, %get3A_360] {strides = array<i32>} : memref<80x32xf32, #tpu.memory_space<vmem>>, vector<1x16xf32>,
          %get3A_362 = vector.shape_cast %get3A_361 : vector<1x16xf32> to vector<16xf32>
          %get3A_363 = arith.index_cast %scan3A_347 : i32 to index
          %get3A_364 = arith.constant 0 : index
          %get3A_365 = tpu.vector_load %arg17[%get3A_363, %get3A_364] {strides = array<i32>} : memref<80x16xf32, #tpu.memory_space<vmem>>, vector<1x16xf32>,
          %get3A_366 = vector.shape_cast %get3A_365 : vector<1x16xf32> to vector<16xf32>
          %slice3A = vector.extract_strided_slice %get3A_366 {offsets = [0], sizes = [1], strides = [1]} : vector<16xf32> to vector<1xf32>
          %squeeze3A = vector.extract %slice3A[0] : f32 from vector<1xf32>
          %get3A_367 = arith.constant 0 : i32
          %get3A_368 = arith.index_cast %scan3A_347 : i32 to index
          %get3A_369 = arith.index_cast %get3A_367 : i32 to index
          %get3A_370 = arith.constant 0 : index
          %get3A_371 = tpu.vector_load %arg9[%get3A_368, %get3A_369, %get3A_370] {strides = array<i32>} : memref<80x3x32xf32, #tpu.memory_space<vmem>>, vector<1x1x16xf32>,
          %get3A_372 = vector.shape_cast %get3A_371 : vector<1x1x16xf32> to vector<16xf32>
          %mul3A_373 = arith.mulf %get3A_372, %get3A_350 : vector<16xf32>
          %mul3A_374 = vector.broadcast %squeeze3A : f32 to vector<16xf32>
          %mul3A_375 = arith.mulf %get3A_358, %mul3A_374 : vector<16xf32>
          %add3A_376 = arith.addf %mul3A_373, %mul3A_375 : vector<16xf32>
          %swap3A = arith.constant 0 : i32
          %swap3A_377 = arith.index_cast %scan3A_347 : i32 to index
          %swap3A_378 = arith.index_cast %swap3A : i32 to index
          %swap3A_379 = arith.constant 0 : index
          %swap3A_380 = tpu.vector_load %arg11[%swap3A_377, %swap3A_378, %swap3A_379] {strides = array<i32>} : memref<80x3x32xf32, #tpu.memory_space<vmem>>, vector<1x1x16xf32>,
          %swap3A_381 = vector.shape_cast %swap3A_380 : vector<1x1x16xf32> to vector<16xf32>
          %swap3A_382 = vector.shape_cast %add3A_376 : vector<16xf32> to vector<1x1x16xf32>
          tpu.vector_store %arg11[%swap3A_377, %swap3A_378, %swap3A_379], %swap3A_382 {strides = array<i32>} : memref<80x3x32xf32, #tpu.memory_space<vmem>>, vector<1x1x16xf32>,
          %get3A_383 = arith.constant 0 : i32
          %get3A_384 = arith.index_cast %scan3A_347 : i32 to index
          %get3A_385 = arith.index_cast %get3A_383 : i32 to index
          %get3A_386 = arith.constant 16 : index
          %get3A_387 = tpu.vector_load %arg9[%get3A_384, %get3A_385, %get3A_386] {strides = array<i32>} : memref<80x3x32xf32, #tpu.memory_space<vmem>>, vector<1x1x16xf32>,
          %get3A_388 = vector.shape_cast %get3A_387 : vector<1x1x16xf32> to vector<16xf32>
          %mul3A_389 = arith.mulf %get3A_388, %get3A_354 : vector<16xf32>
          %mul3A_390 = vector.broadcast %squeeze3A : f32 to vector<16xf32>
          %mul3A_391 = arith.mulf %get3A_362, %mul3A_390 : vector<16xf32>
          %add3A_392 = arith.addf %mul3A_389, %mul3A_391 : vector<16xf32>
          %swap3A_393 = arith.constant 0 : i32
          %swap3A_394 = arith.index_cast %scan3A_347 : i32 to index
          %swap3A_395 = arith.index_cast %swap3A_393 : i32 to index
          %swap3A_396 = arith.constant 16 : index
          %swap3A_397 = tpu.vector_load %arg11[%swap3A_394, %swap3A_395, %swap3A_396] {strides = array<i32>} : memref<80x3x32xf32, #tpu.memory_space<vmem>>, vector<1x1x16xf32>,
          %swap3A_398 = vector.shape_cast %swap3A_397 : vector<1x1x16xf32> to vector<16xf32>
          %swap3A_399 = vector.shape_cast %add3A_392 : vector<16xf32> to vector<1x1x16xf32>
          tpu.vector_store %arg11[%swap3A_394, %swap3A_395, %swap3A_396], %swap3A_399 {strides = array<i32>} : memref<80x3x32xf32, #tpu.memory_space<vmem>>, vector<1x1x16xf32>,
          %slice3A_400 = vector.extract_strided_slice %get3A_366 {offsets = [1], sizes = [1], strides = [1]} : vector<16xf32> to vector<1xf32>
          %squeeze3A_401 = vector.extract %slice3A_400[0] : f32 from vector<1xf32>
          %get3A_402 = arith.constant 1 : i32
          %get3A_403 = arith.index_cast %scan3A_347 : i32 to index
          %get3A_404 = arith.index_cast %get3A_402 : i32 to index
          %get3A_405 = arith.constant 0 : index
          %get3A_406 = tpu.vector_load %arg9[%get3A_403, %get3A_404, %get3A_405] {strides = array<i32>} : memref<80x3x32xf32, #tpu.memory_space<vmem>>, vector<1x1x16xf32>,
          %get3A_407 = vector.shape_cast %get3A_406 : vector<1x1x16xf32> to vector<16xf32>
          %mul3A_408 = arith.mulf %get3A_407, %get3A_350 : vector<16xf32>
          %mul3A_409 = vector.broadcast %squeeze3A_401 : f32 to vector<16xf32>
          %mul3A_410 = arith.mulf %get3A_358, %mul3A_409 : vector<16xf32>
          %add3A_411 = arith.addf %mul3A_408, %mul3A_410 : vector<16xf32>
          %swap3A_412 = arith.constant 1 : i32
          %swap3A_413 = arith.index_cast %scan3A_347 : i32 to index
          %swap3A_414 = arith.index_cast %swap3A_412 : i32 to index
          %swap3A_415 = arith.constant 0 : index
          %swap3A_416 = tpu.vector_load %arg11[%swap3A_413, %swap3A_414, %swap3A_415] {strides = array<i32>} : memref<80x3x32xf32, #tpu.memory_space<vmem>>, vector<1x1x16xf32>,
          %swap3A_417 = vector.shape_cast %swap3A_416 : vector<1x1x16xf32> to vector<16xf32>
          %swap3A_418 = vector.shape_cast %add3A_411 : vector<16xf32> to vector<1x1x16xf32>
          tpu.vector_store %arg11[%swap3A_413, %swap3A_414, %swap3A_415], %swap3A_418 {strides = array<i32>} : memref<80x3x32xf32, #tpu.memory_space<vmem>>, vector<1x1x16xf32>,
          %get3A_419 = arith.constant 1 : i32
          %get3A_420 = arith.index_cast %scan3A_347 : i32 to index
          %get3A_421 = arith.index_cast %get3A_419 : i32 to index
          %get3A_422 = arith.constant 16 : index
          %get3A_423 = tpu.vector_load %arg9[%get3A_420, %get3A_421, %get3A_422] {strides = array<i32>} : memref<80x3x32xf32, #tpu.memory_space<vmem>>, vector<1x1x16xf32>,
          %get3A_424 = vector.shape_cast %get3A_423 : vector<1x1x16xf32> to vector<16xf32>
          %mul3A_425 = arith.mulf %get3A_424, %get3A_354 : vector<16xf32>
          %mul3A_426 = vector.broadcast %squeeze3A_401 : f32 to vector<16xf32>
          %mul3A_427 = arith.mulf %get3A_362, %mul3A_426 : vector<16xf32>
          %add3A_428 = arith.addf %mul3A_425, %mul3A_427 : vector<16xf32>
          %swap3A_429 = arith.constant 1 : i32
          %swap3A_430 = arith.index_cast %scan3A_347 : i32 to index
          %swap3A_431 = arith.index_cast %swap3A_429 : i32 to index
          %swap3A_432 = arith.constant 16 : index
          %swap3A_433 = tpu.vector_load %arg11[%swap3A_430, %swap3A_431, %swap3A_432] {strides = array<i32>} : memref<80x3x32xf32, #tpu.memory_space<vmem>>, vector<1x1x16xf32>,
          %swap3A_434 = vector.shape_cast %swap3A_433 : vector<1x1x16xf32> to vector<16xf32>
          %swap3A_435 = vector.shape_cast %add3A_428 : vector<16xf32> to vector<1x1x16xf32>
          tpu.vector_store %arg11[%swap3A_430, %swap3A_431, %swap3A_432], %swap3A_435 {strides = array<i32>} : memref<80x3x32xf32, #tpu.memory_space<vmem>>, vector<1x1x16xf32>,
          %slice3A_436 = vector.extract_strided_slice %get3A_366 {offsets = [2], sizes = [1], strides = [1]} : vector<16xf32> to vector<1xf32>
          %squeeze3A_437 = vector.extract %slice3A_436[0] : f32 from vector<1xf32>
          %get3A_438 = arith.constant 2 : i32
          %get3A_439 = arith.index_cast %scan3A_347 : i32 to index
          %get3A_440 = arith.index_cast %get3A_438 : i32 to index
          %get3A_441 = arith.constant 0 : index
          %get3A_442 = tpu.vector_load %arg9[%get3A_439, %get3A_440, %get3A_441] {strides = array<i32>} : memref<80x3x32xf32, #tpu.memory_space<vmem>>, vector<1x1x16xf32>,
          %get3A_443 = vector.shape_cast %get3A_442 : vector<1x1x16xf32> to vector<16xf32>
          %mul3A_444 = arith.mulf %get3A_443, %get3A_350 : vector<16xf32>
          %mul3A_445 = vector.broadcast %squeeze3A_437 : f32 to vector<16xf32>
          %mul3A_446 = arith.mulf %get3A_358, %mul3A_445 : vector<16xf32>
          %add3A_447 = arith.addf %mul3A_444, %mul3A_446 : vector<16xf32>
          %swap3A_448 = arith.constant 2 : i32
          %swap3A_449 = arith.index_cast %scan3A_347 : i32 to index
          %swap3A_450 = arith.index_cast %swap3A_448 : i32 to index
          %swap3A_451 = arith.constant 0 : index
          %swap3A_452 = tpu.vector_load %arg11[%swap3A_449, %swap3A_450, %swap3A_451] {strides = array<i32>} : memref<80x3x32xf32, #tpu.memory_space<vmem>>, vector<1x1x16xf32>,
          %swap3A_453 = vector.shape_cast %swap3A_452 : vector<1x1x16xf32> to vector<16xf32>
          %swap3A_454 = vector.shape_cast %add3A_447 : vector<16xf32> to vector<1x1x16xf32>
          tpu.vector_store %arg11[%swap3A_449, %swap3A_450, %swap3A_451], %swap3A_454 {strides = array<i32>} : memref<80x3x32xf32, #tpu.memory_space<vmem>>, vector<1x1x16xf32>,
          %get3A_455 = arith.constant 2 : i32
          %get3A_456 = arith.index_cast %scan3A_347 : i32 to index
          %get3A_457 = arith.index_cast %get3A_455 : i32 to index
          %get3A_458 = arith.constant 16 : index
          %get3A_459 = tpu.vector_load %arg9[%get3A_456, %get3A_457, %get3A_458] {strides = array<i32>} : memref<80x3x32xf32, #tpu.memory_space<vmem>>, vector<1x1x16xf32>,
          %get3A_460 = vector.shape_cast %get3A_459 : vector<1x1x16xf32> to vector<16xf32>
          %mul3A_461 = arith.mulf %get3A_460, %get3A_354 : vector<16xf32>
          %mul3A_462 = vector.broadcast %squeeze3A_437 : f32 to vector<16xf32>
          %mul3A_463 = arith.mulf %get3A_362, %mul3A_462 : vector<16xf32>
          %add3A_464 = arith.addf %mul3A_461, %mul3A_463 : vector<16xf32>
          %swap3A_465 = arith.constant 2 : i32
          %swap3A_466 = arith.index_cast %scan3A_347 : i32 to index
          %swap3A_467 = arith.index_cast %swap3A_465 : i32 to index
          %swap3A_468 = arith.constant 16 : index
          %swap3A_469 = tpu.vector_load %arg11[%swap3A_466, %swap3A_467, %swap3A_468] {strides = array<i32>} : memref<80x3x32xf32, #tpu.memory_space<vmem>>, vector<1x1x16xf32>,
          %swap3A_470 = vector.shape_cast %swap3A_469 : vector<1x1x16xf32> to vector<16xf32>
          %swap3A_471 = vector.shape_cast %add3A_464 : vector<16xf32> to vector<1x1x16xf32>
          tpu.vector_store %arg11[%swap3A_466, %swap3A_467, %swap3A_468], %swap3A_471 {strides = array<i32>} : memref<80x3x32xf32, #tpu.memory_space<vmem>>, vector<1x1x16xf32>,
          %scan3A_472 = arith.constant 1 : i32
          %scan3A_473 = arith.addi %scan3A_347, %scan3A_472 : i32
          %get3A_474 = arith.index_cast %scan3A_473 : i32 to index
          %get3A_475 = arith.constant 0 : index
          %get3A_476 = tpu.vector_load %arg13[%get3A_474, %get3A_475] {strides = array<i32>} : memref<80x32xf32, #tpu.memory_space<vmem>>, vector<1x16xf32>,
          %get3A_477 = vector.shape_cast %get3A_476 : vector<1x16xf32> to vector<16xf32>
          %get3A_478 = arith.index_cast %scan3A_473 : i32 to index
          %get3A_479 = arith.constant 16 : index
          %get3A_480 = tpu.vector_load %arg13[%get3A_478, %get3A_479] {strides = array<i32>} : memref<80x32xf32, #tpu.memory_space<vmem>>, vector<1x16xf32>,
          %get3A_481 = vector.shape_cast %get3A_480 : vector<1x16xf32> to vector<16xf32>
          %get3A_482 = arith.index_cast %scan3A_473 : i32 to index
          %get3A_483 = arith.constant 0 : index
          %get3A_484 = tpu.vector_load %arg15[%get3A_482, %get3A_483] {strides = array<i32>} : memref<80x32xf32, #tpu.memory_space<vmem>>, vector<1x16xf32>,
          %get3A_485 = vector.shape_cast %get3A_484 : vector<1x16xf32> to vector<16xf32>
          %get3A_486 = arith.index_cast %scan3A_473 : i32 to index
          %get3A_487 = arith.constant 16 : index
          %get3A_488 = tpu.vector_load %arg15[%get3A_486, %get3A_487] {strides = array<i32>} : memref<80x32xf32, #tpu.memory_space<vmem>>, vector<1x16xf32>,
          %get3A_489 = vector.shape_cast %get3A_488 : vector<1x16xf32> to vector<16xf32>
          %get3A_490 = arith.index_cast %scan3A_473 : i32 to index
          %get3A_491 = arith.constant 0 : index
          %get3A_492 = tpu.vector_load %arg17[%get3A_490, %get3A_491] {strides = array<i32>} : memref<80x16xf32, #tpu.memory_space<vmem>>, vector<1x16xf32>,
          %get3A_493 = vector.shape_cast %get3A_492 : vector<1x16xf32> to vector<16xf32>
          %slice3A_494 = vector.extract_strided_slice %get3A_493 {offsets = [0], sizes = [1], strides = [1]} : vector<16xf32> to vector<1xf32>
          %squeeze3A_495 = vector.extract %slice3A_494[0] : f32 from vector<1xf32>
          %get3A_496 = arith.constant 0 : i32
          %get3A_497 = arith.index_cast %scan3A_473 : i32 to index
          %get3A_498 = arith.index_cast %get3A_496 : i32 to index
          %get3A_499 = arith.constant 0 : index
          %get3A_500 = tpu.vector_load %arg9[%get3A_497, %get3A_498, %get3A_499] {strides = array<i32>} : memref<80x3x32xf32, #tpu.memory_space<vmem>>, vector<1x1x16xf32>,
          %get3A_501 = vector.shape_cast %get3A_500 : vector<1x1x16xf32> to vector<16xf32>
          %mul3A_502 = arith.mulf %get3A_501, %get3A_477 : vector<16xf32>
          %mul3A_503 = vector.broadcast %squeeze3A_495 : f32 to vector<16xf32>
          %mul3A_504 = arith.mulf %get3A_485, %mul3A_503 : vector<16xf32>
          %add3A_505 = arith.addf %mul3A_502, %mul3A_504 : vector<16xf32>
          %swap3A_506 = arith.constant 0 : i32
          %swap3A_507 = arith.index_cast %scan3A_473 : i32 to index
          %swap3A_508 = arith.index_cast %swap3A_506 : i32 to index
          %swap3A_509 = arith.constant 0 : index
          %swap3A_510 = tpu.vector_load %arg11[%swap3A_507, %swap3A_508, %swap3A_509] {strides = array<i32>} : memref<80x3x32xf32, #tpu.memory_space<vmem>>, vector<1x1x16xf32>,
          %swap3A_511 = vector.shape_cast %swap3A_510 : vector<1x1x16xf32> to vector<16xf32>
          %swap3A_512 = vector.shape_cast %add3A_505 : vector<16xf32> to vector<1x1x16xf32>
          tpu.vector_store %arg11[%swap3A_507, %swap3A_508, %swap3A_509], %swap3A_512 {strides = array<i32>} : memref<80x3x32xf32, #tpu.memory_space<vmem>>, vector<1x1x16xf32>,
          %get3A_513 = arith.constant 0 : i32
          %get3A_514 = arith.index_cast %scan3A_473 : i32 to index
          %get3A_515 = arith.index_cast %get3A_513 : i32 to index
          %get3A_516 = arith.constant 16 : index
          %get3A_517 = tpu.vector_load %arg9[%get3A_514, %get3A_515, %get3A_516] {strides = array<i32>} : memref<80x3x32xf32, #tpu.memory_space<vmem>>, vector<1x1x16xf32>,
          %get3A_518 = vector.shape_cast %get3A_517 : vector<1x1x16xf32> to vector<16xf32>
          %mul3A_519 = arith.mulf %get3A_518, %get3A_481 : vector<16xf32>
          %mul3A_520 = vector.broadcast %squeeze3A_495 : f32 to vector<16xf32>
          %mul3A_521 = arith.mulf %get3A_489, %mul3A_520 : vector<16xf32>
          %add3A_522 = arith.addf %mul3A_519, %mul3A_521 : vector<16xf32>
          %swap3A_523 = arith.constant 0 : i32
          %swap3A_524 = arith.index_cast %scan3A_473 : i32 to index
          %swap3A_525 = arith.index_cast %swap3A_523 : i32 to index
          %swap3A_526 = arith.constant 16 : index
          %swap3A_527 = tpu.vector_load %arg11[%swap3A_524, %swap3A_525, %swap3A_526] {strides = array<i32>} : memref<80x3x32xf32, #tpu.memory_space<vmem>>, vector<1x1x16xf32>,
          %swap3A_528 = vector.shape_cast %swap3A_527 : vector<1x1x16xf32> to vector<16xf32>
          %swap3A_529 = vector.shape_cast %add3A_522 : vector<16xf32> to vector<1x1x16xf32>
          tpu.vector_store %arg11[%swap3A_524, %swap3A_525, %swap3A_526], %swap3A_529 {strides = array<i32>} : memref<80x3x32xf32, #tpu.memory_space<vmem>>, vector<1x1x16xf32>,
          %slice3A_530 = vector.extract_strided_slice %get3A_493 {offsets = [1], sizes = [1], strides = [1]} : vector<16xf32> to vector<1xf32>
          %squeeze3A_531 = vector.extract %slice3A_530[0] : f32 from vector<1xf32>
          %get3A_532 = arith.constant 1 : i32
          %get3A_533 = arith.index_cast %scan3A_473 : i32 to index
          %get3A_534 = arith.index_cast %get3A_532 : i32 to index
          %get3A_535 = arith.constant 0 : index
          %get3A_536 = tpu.vector_load %arg9[%get3A_533, %get3A_534, %get3A_535] {strides = array<i32>} : memref<80x3x32xf32, #tpu.memory_space<vmem>>, vector<1x1x16xf32>,
          %get3A_537 = vector.shape_cast %get3A_536 : vector<1x1x16xf32> to vector<16xf32>
          %mul3A_538 = arith.mulf %get3A_537, %get3A_477 : vector<16xf32>
          %mul3A_539 = vector.broadcast %squeeze3A_531 : f32 to vector<16xf32>
          %mul3A_540 = arith.mulf %get3A_485, %mul3A_539 : vector<16xf32>
          %add3A_541 = arith.addf %mul3A_538, %mul3A_540 : vector<16xf32>
          %swap3A_542 = arith.constant 1 : i32
          %swap3A_543 = arith.index_cast %scan3A_473 : i32 to index
          %swap3A_544 = arith.index_cast %swap3A_542 : i32 to index
          %swap3A_545 = arith.constant 0 : index
          %swap3A_546 = tpu.vector_load %arg11[%swap3A_543, %swap3A_544, %swap3A_545] {strides = array<i32>} : memref<80x3x32xf32, #tpu.memory_space<vmem>>, vector<1x1x16xf32>,
          %swap3A_547 = vector.shape_cast %swap3A_546 : vector<1x1x16xf32> to vector<16xf32>
          %swap3A_548 = vector.shape_cast %add3A_541 : vector<16xf32> to vector<1x1x16xf32>
          tpu.vector_store %arg11[%swap3A_543, %swap3A_544, %swap3A_545], %swap3A_548 {strides = array<i32>} : memref<80x3x32xf32, #tpu.memory_space<vmem>>, vector<1x1x16xf32>,
          %get3A_549 = arith.constant 1 : i32
          %get3A_550 = arith.index_cast %scan3A_473 : i32 to index
          %get3A_551 = arith.index_cast %get3A_549 : i32 to index
          %get3A_552 = arith.constant 16 : index
          %get3A_553 = tpu.vector_load %arg9[%get3A_550, %get3A_551, %get3A_552] {strides = array<i32>} : memref<80x3x32xf32, #tpu.memory_space<vmem>>, vector<1x1x16xf32>,
          %get3A_554 = vector.shape_cast %get3A_553 : vector<1x1x16xf32> to vector<16xf32>
          %mul3A_555 = arith.mulf %get3A_554, %get3A_481 : vector<16xf32>
          %mul3A_556 = vector.broadcast %squeeze3A_531 : f32 to vector<16xf32>
          %mul3A_557 = arith.mulf %get3A_489, %mul3A_556 : vector<16xf32>
          %add3A_558 = arith.addf %mul3A_555, %mul3A_557 : vector<16xf32>
          %swap3A_559 = arith.constant 1 : i32
          %swap3A_560 = arith.index_cast %scan3A_473 : i32 to index
          %swap3A_561 = arith.index_cast %swap3A_559 : i32 to index
          %swap3A_562 = arith.constant 16 : index
          %swap3A_563 = tpu.vector_load %arg11[%swap3A_560, %swap3A_561, %swap3A_562] {strides = array<i32>} : memref<80x3x32xf32, #tpu.memory_space<vmem>>, vector<1x1x16xf32>,
          %swap3A_564 = vector.shape_cast %swap3A_563 : vector<1x1x16xf32> to vector<16xf32>
          %swap3A_565 = vector.shape_cast %add3A_558 : vector<16xf32> to vector<1x1x16xf32>
          tpu.vector_store %arg11[%swap3A_560, %swap3A_561, %swap3A_562], %swap3A_565 {strides = array<i32>} : memref<80x3x32xf32, #tpu.memory_space<vmem>>, vector<1x1x16xf32>,
          %slice3A_566 = vector.extract_strided_slice %get3A_493 {offsets = [2], sizes = [1], strides = [1]} : vector<16xf32> to vector<1xf32>
          %squeeze3A_567 = vector.extract %slice3A_566[0] : f32 from vector<1xf32>
          %get3A_568 = arith.constant 2 : i32
          %get3A_569 = arith.index_cast %scan3A_473 : i32 to index
          %get3A_570 = arith.index_cast %get3A_568 : i32 to index
          %get3A_571 = arith.constant 0 : index
          %get3A_572 = tpu.vector_load %arg9[%get3A_569, %get3A_570, %get3A_571] {strides = array<i32>} : memref<80x3x32xf32, #tpu.memory_space<vmem>>, vector<1x1x16xf32>,
          %get3A_573 = vector.shape_cast %get3A_572 : vector<1x1x16xf32> to vector<16xf32>
          %mul3A_574 = arith.mulf %get3A_573, %get3A_477 : vector<16xf32>
          %mul3A_575 = vector.broadcast %squeeze3A_567 : f32 to vector<16xf32>
          %mul3A_576 = arith.mulf %get3A_485, %mul3A_575 : vector<16xf32>
          %add3A_577 = arith.addf %mul3A_574, %mul3A_576 : vector<16xf32>
          %swap3A_578 = arith.constant 2 : i32
          %swap3A_579 = arith.index_cast %scan3A_473 : i32 to index
          %swap3A_580 = arith.index_cast %swap3A_578 : i32 to index
          %swap3A_581 = arith.constant 0 : index
          %swap3A_582 = tpu.vector_load %arg11[%swap3A_579, %swap3A_580, %swap3A_581] {strides = array<i32>} : memref<80x3x32xf32, #tpu.memory_space<vmem>>, vector<1x1x16xf32>,
          %swap3A_583 = vector.shape_cast %swap3A_582 : vector<1x1x16xf32> to vector<16xf32>
          %swap3A_584 = vector.shape_cast %add3A_577 : vector<16xf32> to vector<1x1x16xf32>
          tpu.vector_store %arg11[%swap3A_579, %swap3A_580, %swap3A_581], %swap3A_584 {strides = array<i32>} : memref<80x3x32xf32, #tpu.memory_space<vmem>>, vector<1x1x16xf32>,
          %get3A_585 = arith.constant 2 : i32
          %get3A_586 = arith.index_cast %scan3A_473 : i32 to index
          %get3A_587 = arith.index_cast %get3A_585 : i32 to index
          %get3A_588 = arith.constant 16 : index
          %get3A_589 = tpu.vector_load %arg9[%get3A_586, %get3A_587, %get3A_588] {strides = array<i32>} : memref<80x3x32xf32, #tpu.memory_space<vmem>>, vector<1x1x16xf32>,
          %get3A_590 = vector.shape_cast %get3A_589 : vector<1x1x16xf32> to vector<16xf32>
          %mul3A_591 = arith.mulf %get3A_590, %get3A_481 : vector<16xf32>
          %mul3A_592 = vector.broadcast %squeeze3A_567 : f32 to vector<16xf32>
          %mul3A_593 = arith.mulf %get3A_489, %mul3A_592 : vector<16xf32>
          %add3A_594 = arith.addf %mul3A_591, %mul3A_593 : vector<16xf32>
          %swap3A_595 = arith.constant 2 : i32
          %swap3A_596 = arith.index_cast %scan3A_473 : i32 to index
          %swap3A_597 = arith.index_cast %swap3A_595 : i32 to index
          %swap3A_598 = arith.constant 16 : index
          %swap3A_599 = tpu.vector_load %arg11[%swap3A_596, %swap3A_597, %swap3A_598] {strides = array<i32>} : memref<80x3x32xf32, #tpu.memory_space<vmem>>, vector<1x1x16xf32>,
          %swap3A_600 = vector.shape_cast %swap3A_599 : vector<1x1x16xf32> to vector<16xf32>
          %swap3A_601 = vector.shape_cast %add3A_594 : vector<16xf32> to vector<1x1x16xf32>
          tpu.vector_store %arg11[%swap3A_596, %swap3A_597, %swap3A_598], %swap3A_601 {strides = array<i32>} : memref<80x3x32xf32, #tpu.memory_space<vmem>>, vector<1x1x16xf32>,
          %scan3A_602 = arith.constant 2 : i32
          %scan3A_603 = arith.addi %scan3A_347, %scan3A_602 : i32
          %get3A_604 = arith.index_cast %scan3A_603 : i32 to index
          %get3A_605 = arith.constant 0 : index
          %get3A_606 = tpu.vector_load %arg13[%get3A_604, %get3A_605] {strides = array<i32>} : memref<80x32xf32, #tpu.memory_space<vmem>>, vector<1x16xf32>,
          %get3A_607 = vector.shape_cast %get3A_606 : vector<1x16xf32> to vector<16xf32>
          %get3A_608 = arith.index_cast %scan3A_603 : i32 to index
          %get3A_609 = arith.constant 16 : index
          %get3A_610 = tpu.vector_load %arg13[%get3A_608, %get3A_609] {strides = array<i32>} : memref<80x32xf32, #tpu.memory_space<vmem>>, vector<1x16xf32>,
          %get3A_611 = vector.shape_cast %get3A_610 : vector<1x16xf32> to vector<16xf32>
          %get3A_612 = arith.index_cast %scan3A_603 : i32 to index
          %get3A_613 = arith.constant 0 : index
          %get3A_614 = tpu.vector_load %arg15[%get3A_612, %get3A_613] {strides = array<i32>} : memref<80x32xf32, #tpu.memory_space<vmem>>, vector<1x16xf32>,
          %get3A_615 = vector.shape_cast %get3A_614 : vector<1x16xf32> to vector<16xf32>
          %get3A_616 = arith.index_cast %scan3A_603 : i32 to index
          %get3A_617 = arith.constant 16 : index
          %get3A_618 = tpu.vector_load %arg15[%get3A_616, %get3A_617] {strides = array<i32>} : memref<80x32xf32, #tpu.memory_space<vmem>>, vector<1x16xf32>,
          %get3A_619 = vector.shape_cast %get3A_618 : vector<1x16xf32> to vector<16xf32>
          %get3A_620 = arith.index_cast %scan3A_603 : i32 to index
          %get3A_621 = arith.constant 0 : index
          %get3A_622 = tpu.vector_load %arg17[%get3A_620, %get3A_621] {strides = array<i32>} : memref<80x16xf32, #tpu.memory_space<vmem>>, vector<1x16xf32>,
          %get3A_623 = vector.shape_cast %get3A_622 : vector<1x16xf32> to vector<16xf32>
          %slice3A_624 = vector.extract_strided_slice %get3A_623 {offsets = [0], sizes = [1], strides = [1]} : vector<16xf32> to vector<1xf32>
          %squeeze3A_625 = vector.extract %slice3A_624[0] : f32 from vector<1xf32>
          %get3A_626 = arith.constant 0 : i32
          %get3A_627 = arith.index_cast %scan3A_603 : i32 to index
          %get3A_628 = arith.index_cast %get3A_626 : i32 to index
          %get3A_629 = arith.constant 0 : index
          %get3A_630 = tpu.vector_load %arg9[%get3A_627, %get3A_628, %get3A_629] {strides = array<i32>} : memref<80x3x32xf32, #tpu.memory_space<vmem>>, vector<1x1x16xf32>,
          %get3A_631 = vector.shape_cast %get3A_630 : vector<1x1x16xf32> to vector<16xf32>
          %mul3A_632 = arith.mulf %get3A_631, %get3A_607 : vector<16xf32>
          %mul3A_633 = vector.broadcast %squeeze3A_625 : f32 to vector<16xf32>
          %mul3A_634 = arith.mulf %get3A_615, %mul3A_633 : vector<16xf32>
          %add3A_635 = arith.addf %mul3A_632, %mul3A_634 : vector<16xf32>
          %swap3A_636 = arith.constant 0 : i32
          %swap3A_637 = arith.index_cast %scan3A_603 : i32 to index
          %swap3A_638 = arith.index_cast %swap3A_636 : i32 to index
          %swap3A_639 = arith.constant 0 : index
          %swap3A_640 = tpu.vector_load %arg11[%swap3A_637, %swap3A_638, %swap3A_639] {strides = array<i32>} : memref<80x3x32xf32, #tpu.memory_space<vmem>>, vector<1x1x16xf32>,
          %swap3A_641 = vector.shape_cast %swap3A_640 : vector<1x1x16xf32> to vector<16xf32>
          %swap3A_642 = vector.shape_cast %add3A_635 : vector<16xf32> to vector<1x1x16xf32>
          tpu.vector_store %arg11[%swap3A_637, %swap3A_638, %swap3A_639], %swap3A_642 {strides = array<i32>} : memref<80x3x32xf32, #tpu.memory_space<vmem>>, vector<1x1x16xf32>,
          %get3A_643 = arith.constant 0 : i32
          %get3A_644 = arith.index_cast %scan3A_603 : i32 to index
          %get3A_645 = arith.index_cast %get3A_643 : i32 to index
          %get3A_646 = arith.constant 16 : index
          %get3A_647 = tpu.vector_load %arg9[%get3A_644, %get3A_645, %get3A_646] {strides = array<i32>} : memref<80x3x32xf32, #tpu.memory_space<vmem>>, vector<1x1x16xf32>,
          %get3A_648 = vector.shape_cast %get3A_647 : vector<1x1x16xf32> to vector<16xf32>
          %mul3A_649 = arith.mulf %get3A_648, %get3A_611 : vector<16xf32>
          %mul3A_650 = vector.broadcast %squeeze3A_625 : f32 to vector<16xf32>
          %mul3A_651 = arith.mulf %get3A_619, %mul3A_650 : vector<16xf32>
          %add3A_652 = arith.addf %mul3A_649, %mul3A_651 : vector<16xf32>
          %swap3A_653 = arith.constant 0 : i32
          %swap3A_654 = arith.index_cast %scan3A_603 : i32 to index
          %swap3A_655 = arith.index_cast %swap3A_653 : i32 to index
          %swap3A_656 = arith.constant 16 : index
          %swap3A_657 = tpu.vector_load %arg11[%swap3A_654, %swap3A_655, %swap3A_656] {strides = array<i32>} : memref<80x3x32xf32, #tpu.memory_space<vmem>>, vector<1x1x16xf32>,
          %swap3A_658 = vector.shape_cast %swap3A_657 : vector<1x1x16xf32> to vector<16xf32>
          %swap3A_659 = vector.shape_cast %add3A_652 : vector<16xf32> to vector<1x1x16xf32>
          tpu.vector_store %arg11[%swap3A_654, %swap3A_655, %swap3A_656], %swap3A_659 {strides = array<i32>} : memref<80x3x32xf32, #tpu.memory_space<vmem>>, vector<1x1x16xf32>,
          %slice3A_660 = vector.extract_strided_slice %get3A_623 {offsets = [1], sizes = [1], strides = [1]} : vector<16xf32> to vector<1xf32>
          %squeeze3A_661 = vector.extract %slice3A_660[0] : f32 from vector<1xf32>
          %get3A_662 = arith.constant 1 : i32
          %get3A_663 = arith.index_cast %scan3A_603 : i32 to index
          %get3A_664 = arith.index_cast %get3A_662 : i32 to index
          %get3A_665 = arith.constant 0 : index
          %get3A_666 = tpu.vector_load %arg9[%get3A_663, %get3A_664, %get3A_665] {strides = array<i32>} : memref<80x3x32xf32, #tpu.memory_space<vmem>>, vector<1x1x16xf32>,
          %get3A_667 = vector.shape_cast %get3A_666 : vector<1x1x16xf32> to vector<16xf32>
          %mul3A_668 = arith.mulf %get3A_667, %get3A_607 : vector<16xf32>
          %mul3A_669 = vector.broadcast %squeeze3A_661 : f32 to vector<16xf32>
          %mul3A_670 = arith.mulf %get3A_615, %mul3A_669 : vector<16xf32>
          %add3A_671 = arith.addf %mul3A_668, %mul3A_670 : vector<16xf32>
          %swap3A_672 = arith.constant 1 : i32
          %swap3A_673 = arith.index_cast %scan3A_603 : i32 to index
          %swap3A_674 = arith.index_cast %swap3A_672 : i32 to index
          %swap3A_675 = arith.constant 0 : index
          %swap3A_676 = tpu.vector_load %arg11[%swap3A_673, %swap3A_674, %swap3A_675] {strides = array<i32>} : memref<80x3x32xf32, #tpu.memory_space<vmem>>, vector<1x1x16xf32>,
          %swap3A_677 = vector.shape_cast %swap3A_676 : vector<1x1x16xf32> to vector<16xf32>
          %swap3A_678 = vector.shape_cast %add3A_671 : vector<16xf32> to vector<1x1x16xf32>
          tpu.vector_store %arg11[%swap3A_673, %swap3A_674, %swap3A_675], %swap3A_678 {strides = array<i32>} : memref<80x3x32xf32, #tpu.memory_space<vmem>>, vector<1x1x16xf32>,
          %get3A_679 = arith.constant 1 : i32
          %get3A_680 = arith.index_cast %scan3A_603 : i32 to index
          %get3A_681 = arith.index_cast %get3A_679 : i32 to index
          %get3A_682 = arith.constant 16 : index
          %get3A_683 = tpu.vector_load %arg9[%get3A_680, %get3A_681, %get3A_682] {strides = array<i32>} : memref<80x3x32xf32, #tpu.memory_space<vmem>>, vector<1x1x16xf32>,
          %get3A_684 = vector.shape_cast %get3A_683 : vector<1x1x16xf32> to vector<16xf32>
          %mul3A_685 = arith.mulf %get3A_684, %get3A_611 : vector<16xf32>
          %mul3A_686 = vector.broadcast %squeeze3A_661 : f32 to vector<16xf32>
          %mul3A_687 = arith.mulf %get3A_619, %mul3A_686 : vector<16xf32>
          %add3A_688 = arith.addf %mul3A_685, %mul3A_687 : vector<16xf32>
          %swap3A_689 = arith.constant 1 : i32
          %swap3A_690 = arith.index_cast %scan3A_603 : i32 to index
          %swap3A_691 = arith.index_cast %swap3A_689 : i32 to index
          %swap3A_692 = arith.constant 16 : index
          %swap3A_693 = tpu.vector_load %arg11[%swap3A_690, %swap3A_691, %swap3A_692] {strides = array<i32>} : memref<80x3x32xf32, #tpu.memory_space<vmem>>, vector<1x1x16xf32>,
          %swap3A_694 = vector.shape_cast %swap3A_693 : vector<1x1x16xf32> to vector<16xf32>
          %swap3A_695 = vector.shape_cast %add3A_688 : vector<16xf32> to vector<1x1x16xf32>
          tpu.vector_store %arg11[%swap3A_690, %swap3A_691, %swap3A_692], %swap3A_695 {strides = array<i32>} : memref<80x3x32xf32, #tpu.memory_space<vmem>>, vector<1x1x16xf32>,
          %slice3A_696 = vector.extract_strided_slice %get3A_623 {offsets = [2], sizes = [1], strides = [1]} : vector<16xf32> to vector<1xf32>
          %squeeze3A_697 = vector.extract %slice3A_696[0] : f32 from vector<1xf32>
          %get3A_698 = arith.constant 2 : i32
          %get3A_699 = arith.index_cast %scan3A_603 : i32 to index
          %get3A_700 = arith.index_cast %get3A_698 : i32 to index
          %get3A_701 = arith.constant 0 : index
          %get3A_702 = tpu.vector_load %arg9[%get3A_699, %get3A_700, %get3A_701] {strides = array<i32>} : memref<80x3x32xf32, #tpu.memory_space<vmem>>, vector<1x1x16xf32>,
          %get3A_703 = vector.shape_cast %get3A_702 : vector<1x1x16xf32> to vector<16xf32>
          %mul3A_704 = arith.mulf %get3A_703, %get3A_607 : vector<16xf32>
          %mul3A_705 = vector.broadcast %squeeze3A_697 : f32 to vector<16xf32>
          %mul3A_706 = arith.mulf %get3A_615, %mul3A_705 : vector<16xf32>
          %add3A_707 = arith.addf %mul3A_704, %mul3A_706 : vector<16xf32>
          %swap3A_708 = arith.constant 2 : i32
          %swap3A_709 = arith.index_cast %scan3A_603 : i32 to index
          %swap3A_710 = arith.index_cast %swap3A_708 : i32 to index
          %swap3A_711 = arith.constant 0 : index
          %swap3A_712 = tpu.vector_load %arg11[%swap3A_709, %swap3A_710, %swap3A_711] {strides = array<i32>} : memref<80x3x32xf32, #tpu.memory_space<vmem>>, vector<1x1x16xf32>,
          %swap3A_713 = vector.shape_cast %swap3A_712 : vector<1x1x16xf32> to vector<16xf32>
          %swap3A_714 = vector.shape_cast %add3A_707 : vector<16xf32> to vector<1x1x16xf32>
          tpu.vector_store %arg11[%swap3A_709, %swap3A_710, %swap3A_711], %swap3A_714 {strides = array<i32>} : memref<80x3x32xf32, #tpu.memory_space<vmem>>, vector<1x1x16xf32>,
          %get3A_715 = arith.constant 2 : i32
          %get3A_716 = arith.index_cast %scan3A_603 : i32 to index
          %get3A_717 = arith.index_cast %get3A_715 : i32 to index
          %get3A_718 = arith.constant 16 : index
          %get3A_719 = tpu.vector_load %arg9[%get3A_716, %get3A_717, %get3A_718] {strides = array<i32>} : memref<80x3x32xf32, #tpu.memory_space<vmem>>, vector<1x1x16xf32>,
          %get3A_720 = vector.shape_cast %get3A_719 : vector<1x1x16xf32> to vector<16xf32>
          %mul3A_721 = arith.mulf %get3A_720, %get3A_611 : vector<16xf32>
          %mul3A_722 = vector.broadcast %squeeze3A_697 : f32 to vector<16xf32>
          %mul3A_723 = arith.mulf %get3A_619, %mul3A_722 : vector<16xf32>
          %add3A_724 = arith.addf %mul3A_721, %mul3A_723 : vector<16xf32>
          %swap3A_725 = arith.constant 2 : i32
          %swap3A_726 = arith.index_cast %scan3A_603 : i32 to index
          %swap3A_727 = arith.index_cast %swap3A_725 : i32 to index
          %swap3A_728 = arith.constant 16 : index
          %swap3A_729 = tpu.vector_load %arg11[%swap3A_726, %swap3A_727, %swap3A_728] {strides = array<i32>} : memref<80x3x32xf32, #tpu.memory_space<vmem>>, vector<1x1x16xf32>,
          %swap3A_730 = vector.shape_cast %swap3A_729 : vector<1x1x16xf32> to vector<16xf32>
          %swap3A_731 = vector.shape_cast %add3A_724 : vector<16xf32> to vector<1x1x16xf32>
          tpu.vector_store %arg11[%swap3A_726, %swap3A_727, %swap3A_728], %swap3A_731 {strides = array<i32>} : memref<80x3x32xf32, #tpu.memory_space<vmem>>, vector<1x1x16xf32>,
          %scan3A_732 = arith.constant 3 : i32
          %scan3A_733 = arith.addi %scan3A_347, %scan3A_732 : i32
          %get3A_734 = arith.index_cast %scan3A_733 : i32 to index
          %get3A_735 = arith.constant 0 : index
          %get3A_736 = tpu.vector_load %arg13[%get3A_734, %get3A_735] {strides = array<i32>} : memref<80x32xf32, #tpu.memory_space<vmem>>, vector<1x16xf32>,
          %get3A_737 = vector.shape_cast %get3A_736 : vector<1x16xf32> to vector<16xf32>
          %get3A_738 = arith.index_cast %scan3A_733 : i32 to index
          %get3A_739 = arith.constant 16 : index
          %get3A_740 = tpu.vector_load %arg13[%get3A_738, %get3A_739] {strides = array<i32>} : memref<80x32xf32, #tpu.memory_space<vmem>>, vector<1x16xf32>,
          %get3A_741 = vector.shape_cast %get3A_740 : vector<1x16xf32> to vector<16xf32>
          %get3A_742 = arith.index_cast %scan3A_733 : i32 to index
          %get3A_743 = arith.constant 0 : index
          %get3A_744 = tpu.vector_load %arg15[%get3A_742, %get3A_743] {strides = array<i32>} : memref<80x32xf32, #tpu.memory_space<vmem>>, vector<1x16xf32>,
          %get3A_745 = vector.shape_cast %get3A_744 : vector<1x16xf32> to vector<16xf32>
          %get3A_746 = arith.index_cast %scan3A_733 : i32 to index
          %get3A_747 = arith.constant 16 : index
          %get3A_748 = tpu.vector_load %arg15[%get3A_746, %get3A_747] {strides = array<i32>} : memref<80x32xf32, #tpu.memory_space<vmem>>, vector<1x16xf32>,
          %get3A_749 = vector.shape_cast %get3A_748 : vector<1x16xf32> to vector<16xf32>
          %get3A_750 = arith.index_cast %scan3A_733 : i32 to index
          %get3A_751 = arith.constant 0 : index
          %get3A_752 = tpu.vector_load %arg17[%get3A_750, %get3A_751] {strides = array<i32>} : memref<80x16xf32, #tpu.memory_space<vmem>>, vector<1x16xf32>,
          %get3A_753 = vector.shape_cast %get3A_752 : vector<1x16xf32> to vector<16xf32>
          %slice3A_754 = vector.extract_strided_slice %get3A_753 {offsets = [0], sizes = [1], strides = [1]} : vector<16xf32> to vector<1xf32>
          %squeeze3A_755 = vector.extract %slice3A_754[0] : f32 from vector<1xf32>
          %get3A_756 = arith.constant 0 : i32
          %get3A_757 = arith.index_cast %scan3A_733 : i32 to index
          %get3A_758 = arith.index_cast %get3A_756 : i32 to index
          %get3A_759 = arith.constant 0 : index
          %get3A_760 = tpu.vector_load %arg9[%get3A_757, %get3A_758, %get3A_759] {strides = array<i32>} : memref<80x3x32xf32, #tpu.memory_space<vmem>>, vector<1x1x16xf32>,
          %get3A_761 = vector.shape_cast %get3A_760 : vector<1x1x16xf32> to vector<16xf32>
          %mul3A_762 = arith.mulf %get3A_761, %get3A_737 : vector<16xf32>
          %mul3A_763 = vector.broadcast %squeeze3A_755 : f32 to vector<16xf32>
          %mul3A_764 = arith.mulf %get3A_745, %mul3A_763 : vector<16xf32>
          %add3A_765 = arith.addf %mul3A_762, %mul3A_764 : vector<16xf32>
          %swap3A_766 = arith.constant 0 : i32
          %swap3A_767 = arith.index_cast %scan3A_733 : i32 to index
          %swap3A_768 = arith.index_cast %swap3A_766 : i32 to index
          %swap3A_769 = arith.constant 0 : index
          %swap3A_770 = tpu.vector_load %arg11[%swap3A_767, %swap3A_768, %swap3A_769] {strides = array<i32>} : memref<80x3x32xf32, #tpu.memory_space<vmem>>, vector<1x1x16xf32>,
          %swap3A_771 = vector.shape_cast %swap3A_770 : vector<1x1x16xf32> to vector<16xf32>
          %swap3A_772 = vector.shape_cast %add3A_765 : vector<16xf32> to vector<1x1x16xf32>
          tpu.vector_store %arg11[%swap3A_767, %swap3A_768, %swap3A_769], %swap3A_772 {strides = array<i32>} : memref<80x3x32xf32, #tpu.memory_space<vmem>>, vector<1x1x16xf32>,
          %get3A_773 = arith.constant 0 : i32
          %get3A_774 = arith.index_cast %scan3A_733 : i32 to index
          %get3A_775 = arith.index_cast %get3A_773 : i32 to index
          %get3A_776 = arith.constant 16 : index
          %get3A_777 = tpu.vector_load %arg9[%get3A_774, %get3A_775, %get3A_776] {strides = array<i32>} : memref<80x3x32xf32, #tpu.memory_space<vmem>>, vector<1x1x16xf32>,
          %get3A_778 = vector.shape_cast %get3A_777 : vector<1x1x16xf32> to vector<16xf32>
          %mul3A_779 = arith.mulf %get3A_778, %get3A_741 : vector<16xf32>
          %mul3A_780 = vector.broadcast %squeeze3A_755 : f32 to vector<16xf32>
          %mul3A_781 = arith.mulf %get3A_749, %mul3A_780 : vector<16xf32>
          %add3A_782 = arith.addf %mul3A_779, %mul3A_781 : vector<16xf32>
          %swap3A_783 = arith.constant 0 : i32
          %swap3A_784 = arith.index_cast %scan3A_733 : i32 to index
          %swap3A_785 = arith.index_cast %swap3A_783 : i32 to index
          %swap3A_786 = arith.constant 16 : index
          %swap3A_787 = tpu.vector_load %arg11[%swap3A_784, %swap3A_785, %swap3A_786] {strides = array<i32>} : memref<80x3x32xf32, #tpu.memory_space<vmem>>, vector<1x1x16xf32>,
          %swap3A_788 = vector.shape_cast %swap3A_787 : vector<1x1x16xf32> to vector<16xf32>
          %swap3A_789 = vector.shape_cast %add3A_782 : vector<16xf32> to vector<1x1x16xf32>
          tpu.vector_store %arg11[%swap3A_784, %swap3A_785, %swap3A_786], %swap3A_789 {strides = array<i32>} : memref<80x3x32xf32, #tpu.memory_space<vmem>>, vector<1x1x16xf32>,
          %slice3A_790 = vector.extract_strided_slice %get3A_753 {offsets = [1], sizes = [1], strides = [1]} : vector<16xf32> to vector<1xf32>
          %squeeze3A_791 = vector.extract %slice3A_790[0] : f32 from vector<1xf32>
          %get3A_792 = arith.constant 1 : i32
          %get3A_793 = arith.index_cast %scan3A_733 : i32 to index
          %get3A_794 = arith.index_cast %get3A_792 : i32 to index
          %get3A_795 = arith.constant 0 : index
          %get3A_796 = tpu.vector_load %arg9[%get3A_793, %get3A_794, %get3A_795] {strides = array<i32>} : memref<80x3x32xf32, #tpu.memory_space<vmem>>, vector<1x1x16xf32>,
          %get3A_797 = vector.shape_cast %get3A_796 : vector<1x1x16xf32> to vector<16xf32>
          %mul3A_798 = arith.mulf %get3A_797, %get3A_737 : vector<16xf32>
          %mul3A_799 = vector.broadcast %squeeze3A_791 : f32 to vector<16xf32>
          %mul3A_800 = arith.mulf %get3A_745, %mul3A_799 : vector<16xf32>
          %add3A_801 = arith.addf %mul3A_798, %mul3A_800 : vector<16xf32>
          %swap3A_802 = arith.constant 1 : i32
          %swap3A_803 = arith.index_cast %scan3A_733 : i32 to index
          %swap3A_804 = arith.index_cast %swap3A_802 : i32 to index
          %swap3A_805 = arith.constant 0 : index
          %swap3A_806 = tpu.vector_load %arg11[%swap3A_803, %swap3A_804, %swap3A_805] {strides = array<i32>} : memref<80x3x32xf32, #tpu.memory_space<vmem>>, vector<1x1x16xf32>,
          %swap3A_807 = vector.shape_cast %swap3A_806 : vector<1x1x16xf32> to vector<16xf32>
          %swap3A_808 = vector.shape_cast %add3A_801 : vector<16xf32> to vector<1x1x16xf32>
          tpu.vector_store %arg11[%swap3A_803, %swap3A_804, %swap3A_805], %swap3A_808 {strides = array<i32>} : memref<80x3x32xf32, #tpu.memory_space<vmem>>, vector<1x1x16xf32>,
          %get3A_809 = arith.constant 1 : i32
          %get3A_810 = arith.index_cast %scan3A_733 : i32 to index
          %get3A_811 = arith.index_cast %get3A_809 : i32 to index
          %get3A_812 = arith.constant 16 : index
          %get3A_813 = tpu.vector_load %arg9[%get3A_810, %get3A_811, %get3A_812] {strides = array<i32>} : memref<80x3x32xf32, #tpu.memory_space<vmem>>, vector<1x1x16xf32>,
          %get3A_814 = vector.shape_cast %get3A_813 : vector<1x1x16xf32> to vector<16xf32>
          %mul3A_815 = arith.mulf %get3A_814, %get3A_741 : vector<16xf32>
          %mul3A_816 = vector.broadcast %squeeze3A_791 : f32 to vector<16xf32>
          %mul3A_817 = arith.mulf %get3A_749, %mul3A_816 : vector<16xf32>
          %add3A_818 = arith.addf %mul3A_815, %mul3A_817 : vector<16xf32>
          %swap3A_819 = arith.constant 1 : i32
          %swap3A_820 = arith.index_cast %scan3A_733 : i32 to index
          %swap3A_821 = arith.index_cast %swap3A_819 : i32 to index
          %swap3A_822 = arith.constant 16 : index
          %swap3A_823 = tpu.vector_load %arg11[%swap3A_820, %swap3A_821, %swap3A_822] {strides = array<i32>} : memref<80x3x32xf32, #tpu.memory_space<vmem>>, vector<1x1x16xf32>,
          %swap3A_824 = vector.shape_cast %swap3A_823 : vector<1x1x16xf32> to vector<16xf32>
          %swap3A_825 = vector.shape_cast %add3A_818 : vector<16xf32> to vector<1x1x16xf32>
          tpu.vector_store %arg11[%swap3A_820, %swap3A_821, %swap3A_822], %swap3A_825 {strides = array<i32>} : memref<80x3x32xf32, #tpu.memory_space<vmem>>, vector<1x1x16xf32>,
          %slice3A_826 = vector.extract_strided_slice %get3A_753 {offsets = [2], sizes = [1], strides = [1]} : vector<16xf32> to vector<1xf32>
          %squeeze3A_827 = vector.extract %slice3A_826[0] : f32 from vector<1xf32>
          %get3A_828 = arith.constant 2 : i32
          %get3A_829 = arith.index_cast %scan3A_733 : i32 to index
          %get3A_830 = arith.index_cast %get3A_828 : i32 to index
          %get3A_831 = arith.constant 0 : index
          %get3A_832 = tpu.vector_load %arg9[%get3A_829, %get3A_830, %get3A_831] {strides = array<i32>} : memref<80x3x32xf32, #tpu.memory_space<vmem>>, vector<1x1x16xf32>,
          %get3A_833 = vector.shape_cast %get3A_832 : vector<1x1x16xf32> to vector<16xf32>
          %mul3A_834 = arith.mulf %get3A_833, %get3A_737 : vector<16xf32>
          %mul3A_835 = vector.broadcast %squeeze3A_827 : f32 to vector<16xf32>
          %mul3A_836 = arith.mulf %get3A_745, %mul3A_835 : vector<16xf32>
          %add3A_837 = arith.addf %mul3A_834, %mul3A_836 : vector<16xf32>
          %swap3A_838 = arith.constant 2 : i32
          %swap3A_839 = arith.index_cast %scan3A_733 : i32 to index
          %swap3A_840 = arith.index_cast %swap3A_838 : i32 to index
          %swap3A_841 = arith.constant 0 : index
          %swap3A_842 = tpu.vector_load %arg11[%swap3A_839, %swap3A_840, %swap3A_841] {strides = array<i32>} : memref<80x3x32xf32, #tpu.memory_space<vmem>>, vector<1x1x16xf32>,
          %swap3A_843 = vector.shape_cast %swap3A_842 : vector<1x1x16xf32> to vector<16xf32>
          %swap3A_844 = vector.shape_cast %add3A_837 : vector<16xf32> to vector<1x1x16xf32>
          tpu.vector_store %arg11[%swap3A_839, %swap3A_840, %swap3A_841], %swap3A_844 {strides = array<i32>} : memref<80x3x32xf32, #tpu.memory_space<vmem>>, vector<1x1x16xf32>,
          %get3A_845 = arith.constant 2 : i32
          %get3A_846 = arith.index_cast %scan3A_733 : i32 to index
          %get3A_847 = arith.index_cast %get3A_845 : i32 to index
          %get3A_848 = arith.constant 16 : index
          %get3A_849 = tpu.vector_load %arg9[%get3A_846, %get3A_847, %get3A_848] {strides = array<i32>} : memref<80x3x32xf32, #tpu.memory_space<vmem>>, vector<1x1x16xf32>,
          %get3A_850 = vector.shape_cast %get3A_849 : vector<1x1x16xf32> to vector<16xf32>
          %mul3A_851 = arith.mulf %get3A_850, %get3A_741 : vector<16xf32>
          %mul3A_852 = vector.broadcast %squeeze3A_827 : f32 to vector<16xf32>
          %mul3A_853 = arith.mulf %get3A_749, %mul3A_852 : vector<16xf32>
          %add3A_854 = arith.addf %mul3A_851, %mul3A_853 : vector<16xf32>
          %swap3A_855 = arith.constant 2 : i32
          %swap3A_856 = arith.index_cast %scan3A_733 : i32 to index
          %swap3A_857 = arith.index_cast %swap3A_855 : i32 to index
          %swap3A_858 = arith.constant 16 : index
          %swap3A_859 = tpu.vector_load %arg11[%swap3A_856, %swap3A_857, %swap3A_858] {strides = array<i32>} : memref<80x3x32xf32, #tpu.memory_space<vmem>>, vector<1x1x16xf32>,
          %swap3A_860 = vector.shape_cast %swap3A_859 : vector<1x1x16xf32> to vector<16xf32>
          %swap3A_861 = vector.shape_cast %add3A_854 : vector<16xf32> to vector<1x1x16xf32>
          tpu.vector_store %arg11[%swap3A_856, %swap3A_857, %swap3A_858], %swap3A_861 {strides = array<i32>} : memref<80x3x32xf32, #tpu.memory_space<vmem>>, vector<1x1x16xf32>,
        }
        %scan3A_271 = arith.constant 80 : i32
        %add3A_272 = arith.constant 2 : i32
        %add3A_273 = arith.addi %mul3A_225, %add3A_272 : i32
        %lt3A = arith.constant 125 : i32
        %lt3A_274 = arith.cmpi slt, %add3A_273, %lt3A : i32
        %convert_element_type3A = arith.extui %lt3A_274 : i1 to i32
        %cond3A = arith.constant 0 : i32
        %cond3A_275 = arith.cmpi ne, %convert_element_type3A, %cond3A : i32
        scf.if %cond3A_275 {
          %add3A_347 = arith.constant 2 : i32
          %add3A_348 = arith.addi %mul3A_225, %add3A_347 : i32
          %mul3A_349 = arith.constant 80 : i32
          %mul3A_350 = arith.muli %add3A_348, %mul3A_349 : i32
          %add3A_351 = arith.addi %mul3A_0, %mul3A_350 : i32
          %dma_start3A_352 = arith.constant 0 : i32
          %dma_start3A_353 = tpu.memref_slice %arg2[%add3A_351, %dma_start3A_352, %add3A] : memref<160000x3x128xf32, #tpu.memory_space<hbm>> -> memref<80x3x32xf32, #tpu.memory_space<hbm>>
          %dma_start3A_354 = arith.constant 0 : i32
          %dma_start3A_355 = tpu.memref_slice %arg2[%add3A_351, %dma_start3A_354, %add3A] : memref<160000x3x128xf32, #tpu.memory_space<hbm>> -> memref<80x3x32xf32, #tpu.memory_space<hbm>>
          tpu.enqueue_dma source(%dma_start3A_355 : memref<80x3x32xf32, #tpu.memory_space<hbm>>) target(%arg9 : memref<80x3x32xf32, #tpu.memory_space<vmem>>) target_semaphore(%arg20 : memref<!tpu.dma_semaphore, #tpu.memory_space<semaphore_mem>>)
          %dma_start3A_356 = tpu.memref_slice %arg3[%add3A_351, %add3A] : memref<160000x128xf32, #tpu.memory_space<hbm>> -> memref<80x32xf32, #tpu.memory_space<hbm>>
          %dma_start3A_357 = tpu.memref_slice %arg3[%add3A_351, %add3A] : memref<160000x128xf32, #tpu.memory_space<hbm>> -> memref<80x32xf32, #tpu.memory_space<hbm>>
          tpu.enqueue_dma source(%dma_start3A_357 : memref<80x32xf32, #tpu.memory_space<hbm>>) target(%arg13 : memref<80x32xf32, #tpu.memory_space<vmem>>) target_semaphore(%arg20 : memref<!tpu.dma_semaphore, #tpu.memory_space<semaphore_mem>>)
          %dma_start3A_358 = tpu.memref_slice %arg4[%add3A_351, %add3A] : memref<160000x128xf32, #tpu.memory_space<hbm>> -> memref<80x32xf32, #tpu.memory_space<hbm>>
          %dma_start3A_359 = tpu.memref_slice %arg4[%add3A_351, %add3A] : memref<160000x128xf32, #tpu.memory_space<hbm>> -> memref<80x32xf32, #tpu.memory_space<hbm>>
          tpu.enqueue_dma source(%dma_start3A_359 : memref<80x32xf32, #tpu.memory_space<hbm>>) target(%arg15 : memref<80x32xf32, #tpu.memory_space<vmem>>) target_semaphore(%arg20 : memref<!tpu.dma_semaphore, #tpu.memory_space<semaphore_mem>>)
          %dma_start3A_360 = arith.constant 0 : i32
          %dma_start3A_361 = arith.constant 0 : i32
          %dma_start3A_362 = tpu.memref_slice %arg17[%dma_start3A_360, %dma_start3A_361] : memref<80x16xf32, #tpu.memory_space<vmem>> -> memref<80x3xf32, #tpu.memory_space<vmem>>
          %dma_start3A_363 = arith.constant 0 : i32
          %dma_start3A_364 = tpu.memref_slice %arg5[%add3A_351, %dma_start3A_363] : memref<160000x3xf32, #tpu.memory_space<hbm>> -> memref<80x3xf32, #tpu.memory_space<hbm>>
          %dma_start3A_365 = arith.constant 0 : i32
          %dma_start3A_366 = arith.constant 0 : i32
          %dma_start3A_367 = tpu.memref_slice %arg17[%dma_start3A_365, %dma_start3A_366] : memref<80x16xf32, #tpu.memory_space<vmem>> -> memref<80x3xf32, #tpu.memory_space<vmem>>
          %dma_start3A_368 = arith.constant 0 : i32
          %dma_start3A_369 = tpu.memref_slice %arg5[%add3A_351, %dma_start3A_368] : memref<160000x3xf32, #tpu.memory_space<hbm>> -> memref<80x3xf32, #tpu.memory_space<hbm>>
          tpu.enqueue_dma source(%dma_start3A_369 : memref<80x3xf32, #tpu.memory_space<hbm>>) target(%dma_start3A_367 : memref<80x3xf32, #tpu.memory_space<vmem>>) target_semaphore(%arg20 : memref<!tpu.dma_semaphore, #tpu.memory_space<semaphore_mem>>)
        } else {
        }
        %dma_start3A_276 = arith.constant 0 : i32
        %dma_start3A_277 = tpu.memref_slice %arg19[%mul3A_225, %dma_start3A_276] : memref<125x80xi32, #tpu.memory_space<vmem>> -> memref<1x80xi32, #tpu.memory_space<vmem>>
        %dma_start3A_278 = tpu.memref_squeeze %dma_start3A_277 : memref<1x80xi32, #tpu.memory_space<vmem>> -> memref<80xi32, #tpu.memory_space<vmem>>
        %dma_start3A_279 = arith.constant 0 : i32
        %dma_start3A_280 = arith.constant 0 : i32
        %dma_start3A_281 = arith.constant 0 : i32
        %dma_start3A_282 = tpu.memref_slice %arg28[%dma_start3A_279, %dma_start3A_280, %dma_start3A_281] : memref<10000x3x32xf32, #tpu.memory_space<vmem_shared>> -> memref<10000x3x32xf32, #tpu.memory_space<vmem_shared>>
        tpu.enqueue_indirect_dma source(%arg11 : memref<80x3x32xf32, #tpu.memory_space<vmem>>) target(%dma_start3A_282 : memref<10000x3x32xf32, #tpu.memory_space<vmem_shared>>) offsets(%dma_start3A_278 : memref<80xi32, #tpu.memory_space<vmem>>) semaphore(%arg22 : memref<!tpu.dma_semaphore, #tpu.memory_space<semaphore_mem>>) {add = true}
        %mul3A_283 = arith.constant 2 : i32
        %mul3A_284 = arith.muli %mul3A_283, %scan3A_223 : i32
        %add3A_285 = arith.constant 1 : i32
        %add3A_286 = arith.addi %mul3A_284, %add3A_285 : i32
        %dma_wait3A_287 = arith.constant 0 : i32
        %dma_wait3A_288 = arith.constant 0 : i32
        %dma_wait3A_289 = arith.constant 0 : i32
        %dma_wait3A_290 = tpu.memref_slice %arg2[%dma_wait3A_287, %dma_wait3A_288, %dma_wait3A_289] : memref<160000x3x128xf32, #tpu.memory_space<hbm>> -> memref<80x3x32xf32, #tpu.memory_space<hbm>>
        %dma_wait3A_291 = arith.constant 0 : i32
        %dma_wait3A_292 = arith.constant 0 : i32
        %dma_wait3A_293 = arith.constant 0 : i32
        %dma_wait3A_294 = tpu.memref_slice %arg2[%dma_wait3A_291, %dma_wait3A_292, %dma_wait3A_293] : memref<160000x3x128xf32, #tpu.memory_space<hbm>> -> memref<80x3x32xf32, #tpu.memory_space<hbm>>
        tpu.wait_dma2 semaphore(%arg21 : memref<!tpu.dma_semaphore, #tpu.memory_space<semaphore_mem>>) src(%dma_wait3A_294 : memref<80x3x32xf32, #tpu.memory_space<hbm>>) dst(%arg10 : memref<80x3x32xf32, #tpu.memory_space<vmem>>)
        %dma_wait3A_295 = arith.constant 0 : i32
        %dma_wait3A_296 = arith.constant 0 : i32
        %dma_wait3A_297 = tpu.memref_slice %arg3[%dma_wait3A_295, %dma_wait3A_296] : memref<160000x128xf32, #tpu.memory_space<hbm>> -> memref<80x32xf32, #tpu.memory_space<hbm>>
        %dma_wait3A_298 = arith.constant 0 : i32
        %dma_wait3A_299 = arith.constant 0 : i32
        %dma_wait3A_300 = tpu.memref_slice %arg3[%dma_wait3A_298, %dma_wait3A_299] : memref<160000x128xf32, #tpu.memory_space<hbm>> -> memref<80x32xf32, #tpu.memory_space<hbm>>
        tpu.wait_dma2 semaphore(%arg21 : memref<!tpu.dma_semaphore, #tpu.memory_space<semaphore_mem>>) src(%dma_wait3A_300 : memref<80x32xf32, #tpu.memory_space<hbm>>) dst(%arg14 : memref<80x32xf32, #tpu.memory_space<vmem>>)
        %dma_wait3A_301 = arith.constant 0 : i32
        %dma_wait3A_302 = arith.constant 0 : i32
        %dma_wait3A_303 = tpu.memref_slice %arg4[%dma_wait3A_301, %dma_wait3A_302] : memref<160000x128xf32, #tpu.memory_space<hbm>> -> memref<80x32xf32, #tpu.memory_space<hbm>>
        %dma_wait3A_304 = arith.constant 0 : i32
        %dma_wait3A_305 = arith.constant 0 : i32
        %dma_wait3A_306 = tpu.memref_slice %arg4[%dma_wait3A_304, %dma_wait3A_305] : memref<160000x128xf32, #tpu.memory_space<hbm>> -> memref<80x32xf32, #tpu.memory_space<hbm>>
        tpu.wait_dma2 semaphore(%arg21 : memref<!tpu.dma_semaphore, #tpu.memory_space<semaphore_mem>>) src(%dma_wait3A_306 : memref<80x32xf32, #tpu.memory_space<hbm>>) dst(%arg16 : memref<80x32xf32, #tpu.memory_space<vmem>>)
        %dma_wait3A_307 = arith.constant 0 : i32
        %dma_wait3A_308 = arith.constant 0 : i32
        %dma_wait3A_309 = tpu.memref_slice %arg18[%dma_wait3A_307, %dma_wait3A_308] : memref<80x16xf32, #tpu.memory_space<vmem>> -> memref<80x3xf32, #tpu.memory_space<vmem>>
        %dma_wait3A_310 = arith.constant 0 : i32
        %dma_wait3A_311 = arith.constant 0 : i32
        %dma_wait3A_312 = tpu.memref_slice %arg5[%dma_wait3A_310, %dma_wait3A_311] : memref<160000x3xf32, #tpu.memory_space<hbm>> -> memref<80x3xf32, #tpu.memory_space<hbm>>
        %dma_wait3A_313 = arith.constant 0 : i32
        %dma_wait3A_314 = arith.constant 0 : i32
        %dma_wait3A_315 = tpu.memref_slice %arg18[%dma_wait3A_313, %dma_wait3A_314] : memref<80x16xf32, #tpu.memory_space<vmem>> -> memref<80x3xf32, #tpu.memory_space<vmem>>
        %dma_wait3A_316 = arith.constant 0 : i32
        %dma_wait3A_317 = arith.constant 0 : i32
        %dma_wait3A_318 = tpu.memref_slice %arg5[%dma_wait3A_316, %dma_wait3A_317] : memref<160000x3xf32, #tpu.memory_space<hbm>> -> memref<80x3xf32, #tpu.memory_space<hbm>>
        tpu.wait_dma2 semaphore(%arg21 : memref<!tpu.dma_semaphore, #tpu.memory_space<semaphore_mem>>) src(%dma_wait3A_318 : memref<80x3xf32, #tpu.memory_space<hbm>>) dst(%dma_wait3A_315 : memref<80x3xf32, #tpu.memory_space<vmem>>)
        %dma_wait3A_319 = arith.constant 0 : i32
        %dma_wait3A_320 = arith.constant 0 : i32
        %dma_wait3A_321 = tpu.memref_slice %arg19[%dma_wait3A_319, %dma_wait3A_320] : memref<125x80xi32, #tpu.memory_space<vmem>> -> memref<1x80xi32, #tpu.memory_space<vmem>>
        %dma_wait3A_322 = tpu.memref_squeeze %dma_wait3A_321 : memref<1x80xi32, #tpu.memory_space<vmem>> -> memref<80xi32, #tpu.memory_space<vmem>>
        %dma_wait3A_323 = arith.constant 0 : i32
        %dma_wait3A_324 = arith.constant 0 : i32
        %dma_wait3A_325 = arith.constant 0 : i32
        %dma_wait3A_326 = tpu.memref_slice %arg28[%dma_wait3A_323, %dma_wait3A_324, %dma_wait3A_325] : memref<10000x3x32xf32, #tpu.memory_space<vmem_shared>> -> memref<10000x3x32xf32, #tpu.memory_space<vmem_shared>>
        tpu.wait_indirect_dma semaphore(%arg23 : memref<!tpu.dma_semaphore, #tpu.memory_space<semaphore_mem>>) src(%arg12 : memref<80x3x32xf32, #tpu.memory_space<vmem>>) dst(%dma_wait3A_326 : memref<10000x3x32xf32, #tpu.memory_space<vmem_shared>>)
        %scan3A_327 = arith.constant 0 : i32
        %scan3A_328 = arith.constant 0 : i32
        %scan3A_329 = arith.constant 80 : i32
        %scan3A_330 = arith.addi %scan3A_328, %scan3A_329 : i32
        %scan3A_331 = arith.constant 4 : i32
        scf.for %scan3A_347 = %scan3A_328 to %scan3A_330 step %scan3A_331  : i32 {
          %get3A = arith.index_cast %scan3A_347 : i32 to index
          %get3A_348 = arith.constant 0 : index
          %get3A_349 = tpu.vector_load %arg14[%get3A, %get3A_348] {strides = array<i32>} : memref<80x32xf32, #tpu.memory_space<vmem>>, vector<1x16xf32>,
          %get3A_350 = vector.shape_cast %get3A_349 : vector<1x16xf32> to vector<16xf32>
          %get3A_351 = arith.index_cast %scan3A_347 : i32 to index
          %get3A_352 = arith.constant 16 : index
          %get3A_353 = tpu.vector_load %arg14[%get3A_351, %get3A_352] {strides = array<i32>} : memref<80x32xf32, #tpu.memory_space<vmem>>, vector<1x16xf32>,
          %get3A_354 = vector.shape_cast %get3A_353 : vector<1x16xf32> to vector<16xf32>
          %get3A_355 = arith.index_cast %scan3A_347 : i32 to index
          %get3A_356 = arith.constant 0 : index
          %get3A_357 = tpu.vector_load %arg16[%get3A_355, %get3A_356] {strides = array<i32>} : memref<80x32xf32, #tpu.memory_space<vmem>>, vector<1x16xf32>,
          %get3A_358 = vector.shape_cast %get3A_357 : vector<1x16xf32> to vector<16xf32>
          %get3A_359 = arith.index_cast %scan3A_347 : i32 to index
          %get3A_360 = arith.constant 16 : index
          %get3A_361 = tpu.vector_load %arg16[%get3A_359, %get3A_360] {strides = array<i32>} : memref<80x32xf32, #tpu.memory_space<vmem>>, vector<1x16xf32>,
          %get3A_362 = vector.shape_cast %get3A_361 : vector<1x16xf32> to vector<16xf32>
          %get3A_363 = arith.index_cast %scan3A_347 : i32 to index
          %get3A_364 = arith.constant 0 : index
          %get3A_365 = tpu.vector_load %arg18[%get3A_363, %get3A_364] {strides = array<i32>} : memref<80x16xf32, #tpu.memory_space<vmem>>, vector<1x16xf32>,
          %get3A_366 = vector.shape_cast %get3A_365 : vector<1x16xf32> to vector<16xf32>
          %slice3A = vector.extract_strided_slice %get3A_366 {offsets = [0], sizes = [1], strides = [1]} : vector<16xf32> to vector<1xf32>
          %squeeze3A = vector.extract %slice3A[0] : f32 from vector<1xf32>
          %get3A_367 = arith.constant 0 : i32
          %get3A_368 = arith.index_cast %scan3A_347 : i32 to index
          %get3A_369 = arith.index_cast %get3A_367 : i32 to index
          %get3A_370 = arith.constant 0 : index
          %get3A_371 = tpu.vector_load %arg10[%get3A_368, %get3A_369, %get3A_370] {strides = array<i32>} : memref<80x3x32xf32, #tpu.memory_space<vmem>>, vector<1x1x16xf32>,
          %get3A_372 = vector.shape_cast %get3A_371 : vector<1x1x16xf32> to vector<16xf32>
          %mul3A_373 = arith.mulf %get3A_372, %get3A_350 : vector<16xf32>
          %mul3A_374 = vector.broadcast %squeeze3A : f32 to vector<16xf32>
          %mul3A_375 = arith.mulf %get3A_358, %mul3A_374 : vector<16xf32>
          %add3A_376 = arith.addf %mul3A_373, %mul3A_375 : vector<16xf32>
          %swap3A = arith.constant 0 : i32
          %swap3A_377 = arith.index_cast %scan3A_347 : i32 to index
          %swap3A_378 = arith.index_cast %swap3A : i32 to index
          %swap3A_379 = arith.constant 0 : index
          %swap3A_380 = tpu.vector_load %arg12[%swap3A_377, %swap3A_378, %swap3A_379] {strides = array<i32>} : memref<80x3x32xf32, #tpu.memory_space<vmem>>, vector<1x1x16xf32>,
          %swap3A_381 = vector.shape_cast %swap3A_380 : vector<1x1x16xf32> to vector<16xf32>
          %swap3A_382 = vector.shape_cast %add3A_376 : vector<16xf32> to vector<1x1x16xf32>
          tpu.vector_store %arg12[%swap3A_377, %swap3A_378, %swap3A_379], %swap3A_382 {strides = array<i32>} : memref<80x3x32xf32, #tpu.memory_space<vmem>>, vector<1x1x16xf32>,
          %get3A_383 = arith.constant 0 : i32
          %get3A_384 = arith.index_cast %scan3A_347 : i32 to index
          %get3A_385 = arith.index_cast %get3A_383 : i32 to index
          %get3A_386 = arith.constant 16 : index
          %get3A_387 = tpu.vector_load %arg10[%get3A_384, %get3A_385, %get3A_386] {strides = array<i32>} : memref<80x3x32xf32, #tpu.memory_space<vmem>>, vector<1x1x16xf32>,
          %get3A_388 = vector.shape_cast %get3A_387 : vector<1x1x16xf32> to vector<16xf32>
          %mul3A_389 = arith.mulf %get3A_388, %get3A_354 : vector<16xf32>
          %mul3A_390 = vector.broadcast %squeeze3A : f32 to vector<16xf32>
          %mul3A_391 = arith.mulf %get3A_362, %mul3A_390 : vector<16xf32>
          %add3A_392 = arith.addf %mul3A_389, %mul3A_391 : vector<16xf32>
          %swap3A_393 = arith.constant 0 : i32
          %swap3A_394 = arith.index_cast %scan3A_347 : i32 to index
          %swap3A_395 = arith.index_cast %swap3A_393 : i32 to index
          %swap3A_396 = arith.constant 16 : index
          %swap3A_397 = tpu.vector_load %arg12[%swap3A_394, %swap3A_395, %swap3A_396] {strides = array<i32>} : memref<80x3x32xf32, #tpu.memory_space<vmem>>, vector<1x1x16xf32>,
          %swap3A_398 = vector.shape_cast %swap3A_397 : vector<1x1x16xf32> to vector<16xf32>
          %swap3A_399 = vector.shape_cast %add3A_392 : vector<16xf32> to vector<1x1x16xf32>
          tpu.vector_store %arg12[%swap3A_394, %swap3A_395, %swap3A_396], %swap3A_399 {strides = array<i32>} : memref<80x3x32xf32, #tpu.memory_space<vmem>>, vector<1x1x16xf32>,
          %slice3A_400 = vector.extract_strided_slice %get3A_366 {offsets = [1], sizes = [1], strides = [1]} : vector<16xf32> to vector<1xf32>
          %squeeze3A_401 = vector.extract %slice3A_400[0] : f32 from vector<1xf32>
          %get3A_402 = arith.constant 1 : i32
          %get3A_403 = arith.index_cast %scan3A_347 : i32 to index
          %get3A_404 = arith.index_cast %get3A_402 : i32 to index
          %get3A_405 = arith.constant 0 : index
          %get3A_406 = tpu.vector_load %arg10[%get3A_403, %get3A_404, %get3A_405] {strides = array<i32>} : memref<80x3x32xf32, #tpu.memory_space<vmem>>, vector<1x1x16xf32>,
          %get3A_407 = vector.shape_cast %get3A_406 : vector<1x1x16xf32> to vector<16xf32>
          %mul3A_408 = arith.mulf %get3A_407, %get3A_350 : vector<16xf32>
          %mul3A_409 = vector.broadcast %squeeze3A_401 : f32 to vector<16xf32>
          %mul3A_410 = arith.mulf %get3A_358, %mul3A_409 : vector<16xf32>
          %add3A_411 = arith.addf %mul3A_408, %mul3A_410 : vector<16xf32>
          %swap3A_412 = arith.constant 1 : i32
          %swap3A_413 = arith.index_cast %scan3A_347 : i32 to index
          %swap3A_414 = arith.index_cast %swap3A_412 : i32 to index
          %swap3A_415 = arith.constant 0 : index
          %swap3A_416 = tpu.vector_load %arg12[%swap3A_413, %swap3A_414, %swap3A_415] {strides = array<i32>} : memref<80x3x32xf32, #tpu.memory_space<vmem>>, vector<1x1x16xf32>,
          %swap3A_417 = vector.shape_cast %swap3A_416 : vector<1x1x16xf32> to vector<16xf32>
          %swap3A_418 = vector.shape_cast %add3A_411 : vector<16xf32> to vector<1x1x16xf32>
          tpu.vector_store %arg12[%swap3A_413, %swap3A_414, %swap3A_415], %swap3A_418 {strides = array<i32>} : memref<80x3x32xf32, #tpu.memory_space<vmem>>, vector<1x1x16xf32>,
          %get3A_419 = arith.constant 1 : i32
          %get3A_420 = arith.index_cast %scan3A_347 : i32 to index
          %get3A_421 = arith.index_cast %get3A_419 : i32 to index
          %get3A_422 = arith.constant 16 : index
          %get3A_423 = tpu.vector_load %arg10[%get3A_420, %get3A_421, %get3A_422] {strides = array<i32>} : memref<80x3x32xf32, #tpu.memory_space<vmem>>, vector<1x1x16xf32>,
          %get3A_424 = vector.shape_cast %get3A_423 : vector<1x1x16xf32> to vector<16xf32>
          %mul3A_425 = arith.mulf %get3A_424, %get3A_354 : vector<16xf32>
          %mul3A_426 = vector.broadcast %squeeze3A_401 : f32 to vector<16xf32>
          %mul3A_427 = arith.mulf %get3A_362, %mul3A_426 : vector<16xf32>
          %add3A_428 = arith.addf %mul3A_425, %mul3A_427 : vector<16xf32>
          %swap3A_429 = arith.constant 1 : i32
          %swap3A_430 = arith.index_cast %scan3A_347 : i32 to index
          %swap3A_431 = arith.index_cast %swap3A_429 : i32 to index
          %swap3A_432 = arith.constant 16 : index
          %swap3A_433 = tpu.vector_load %arg12[%swap3A_430, %swap3A_431, %swap3A_432] {strides = array<i32>} : memref<80x3x32xf32, #tpu.memory_space<vmem>>, vector<1x1x16xf32>,
          %swap3A_434 = vector.shape_cast %swap3A_433 : vector<1x1x16xf32> to vector<16xf32>
          %swap3A_435 = vector.shape_cast %add3A_428 : vector<16xf32> to vector<1x1x16xf32>
          tpu.vector_store %arg12[%swap3A_430, %swap3A_431, %swap3A_432], %swap3A_435 {strides = array<i32>} : memref<80x3x32xf32, #tpu.memory_space<vmem>>, vector<1x1x16xf32>,
          %slice3A_436 = vector.extract_strided_slice %get3A_366 {offsets = [2], sizes = [1], strides = [1]} : vector<16xf32> to vector<1xf32>
          %squeeze3A_437 = vector.extract %slice3A_436[0] : f32 from vector<1xf32>
          %get3A_438 = arith.constant 2 : i32
          %get3A_439 = arith.index_cast %scan3A_347 : i32 to index
          %get3A_440 = arith.index_cast %get3A_438 : i32 to index
          %get3A_441 = arith.constant 0 : index
          %get3A_442 = tpu.vector_load %arg10[%get3A_439, %get3A_440, %get3A_441] {strides = array<i32>} : memref<80x3x32xf32, #tpu.memory_space<vmem>>, vector<1x1x16xf32>,
          %get3A_443 = vector.shape_cast %get3A_442 : vector<1x1x16xf32> to vector<16xf32>
          %mul3A_444 = arith.mulf %get3A_443, %get3A_350 : vector<16xf32>
          %mul3A_445 = vector.broadcast %squeeze3A_437 : f32 to vector<16xf32>
          %mul3A_446 = arith.mulf %get3A_358, %mul3A_445 : vector<16xf32>
          %add3A_447 = arith.addf %mul3A_444, %mul3A_446 : vector<16xf32>
          %swap3A_448 = arith.constant 2 : i32
          %swap3A_449 = arith.index_cast %scan3A_347 : i32 to index
          %swap3A_450 = arith.index_cast %swap3A_448 : i32 to index
          %swap3A_451 = arith.constant 0 : index
          %swap3A_452 = tpu.vector_load %arg12[%swap3A_449, %swap3A_450, %swap3A_451] {strides = array<i32>} : memref<80x3x32xf32, #tpu.memory_space<vmem>>, vector<1x1x16xf32>,
          %swap3A_453 = vector.shape_cast %swap3A_452 : vector<1x1x16xf32> to vector<16xf32>
          %swap3A_454 = vector.shape_cast %add3A_447 : vector<16xf32> to vector<1x1x16xf32>
          tpu.vector_store %arg12[%swap3A_449, %swap3A_450, %swap3A_451], %swap3A_454 {strides = array<i32>} : memref<80x3x32xf32, #tpu.memory_space<vmem>>, vector<1x1x16xf32>,
          %get3A_455 = arith.constant 2 : i32
          %get3A_456 = arith.index_cast %scan3A_347 : i32 to index
          %get3A_457 = arith.index_cast %get3A_455 : i32 to index
          %get3A_458 = arith.constant 16 : index
          %get3A_459 = tpu.vector_load %arg10[%get3A_456, %get3A_457, %get3A_458] {strides = array<i32>} : memref<80x3x32xf32, #tpu.memory_space<vmem>>, vector<1x1x16xf32>,
          %get3A_460 = vector.shape_cast %get3A_459 : vector<1x1x16xf32> to vector<16xf32>
          %mul3A_461 = arith.mulf %get3A_460, %get3A_354 : vector<16xf32>
          %mul3A_462 = vector.broadcast %squeeze3A_437 : f32 to vector<16xf32>
          %mul3A_463 = arith.mulf %get3A_362, %mul3A_462 : vector<16xf32>
          %add3A_464 = arith.addf %mul3A_461, %mul3A_463 : vector<16xf32>
          %swap3A_465 = arith.constant 2 : i32
          %swap3A_466 = arith.index_cast %scan3A_347 : i32 to index
          %swap3A_467 = arith.index_cast %swap3A_465 : i32 to index
          %swap3A_468 = arith.constant 16 : index
          %swap3A_469 = tpu.vector_load %arg12[%swap3A_466, %swap3A_467, %swap3A_468] {strides = array<i32>} : memref<80x3x32xf32, #tpu.memory_space<vmem>>, vector<1x1x16xf32>,
          %swap3A_470 = vector.shape_cast %swap3A_469 : vector<1x1x16xf32> to vector<16xf32>
          %swap3A_471 = vector.shape_cast %add3A_464 : vector<16xf32> to vector<1x1x16xf32>
          tpu.vector_store %arg12[%swap3A_466, %swap3A_467, %swap3A_468], %swap3A_471 {strides = array<i32>} : memref<80x3x32xf32, #tpu.memory_space<vmem>>, vector<1x1x16xf32>,
          %scan3A_472 = arith.constant 1 : i32
          %scan3A_473 = arith.addi %scan3A_347, %scan3A_472 : i32
          %get3A_474 = arith.index_cast %scan3A_473 : i32 to index
          %get3A_475 = arith.constant 0 : index
          %get3A_476 = tpu.vector_load %arg14[%get3A_474, %get3A_475] {strides = array<i32>} : memref<80x32xf32, #tpu.memory_space<vmem>>, vector<1x16xf32>,
          %get3A_477 = vector.shape_cast %get3A_476 : vector<1x16xf32> to vector<16xf32>
          %get3A_478 = arith.index_cast %scan3A_473 : i32 to index
          %get3A_479 = arith.constant 16 : index
          %get3A_480 = tpu.vector_load %arg14[%get3A_478, %get3A_479] {strides = array<i32>} : memref<80x32xf32, #tpu.memory_space<vmem>>, vector<1x16xf32>,
          %get3A_481 = vector.shape_cast %get3A_480 : vector<1x16xf32> to vector<16xf32>
          %get3A_482 = arith.index_cast %scan3A_473 : i32 to index
          %get3A_483 = arith.constant 0 : index
          %get3A_484 = tpu.vector_load %arg16[%get3A_482, %get3A_483] {strides = array<i32>} : memref<80x32xf32, #tpu.memory_space<vmem>>, vector<1x16xf32>,
          %get3A_485 = vector.shape_cast %get3A_484 : vector<1x16xf32> to vector<16xf32>
          %get3A_486 = arith.index_cast %scan3A_473 : i32 to index
          %get3A_487 = arith.constant 16 : index
          %get3A_488 = tpu.vector_load %arg16[%get3A_486, %get3A_487] {strides = array<i32>} : memref<80x32xf32, #tpu.memory_space<vmem>>, vector<1x16xf32>,
          %get3A_489 = vector.shape_cast %get3A_488 : vector<1x16xf32> to vector<16xf32>
          %get3A_490 = arith.index_cast %scan3A_473 : i32 to index
          %get3A_491 = arith.constant 0 : index
          %get3A_492 = tpu.vector_load %arg18[%get3A_490, %get3A_491] {strides = array<i32>} : memref<80x16xf32, #tpu.memory_space<vmem>>, vector<1x16xf32>,
          %get3A_493 = vector.shape_cast %get3A_492 : vector<1x16xf32> to vector<16xf32>
          %slice3A_494 = vector.extract_strided_slice %get3A_493 {offsets = [0], sizes = [1], strides = [1]} : vector<16xf32> to vector<1xf32>
          %squeeze3A_495 = vector.extract %slice3A_494[0] : f32 from vector<1xf32>
          %get3A_496 = arith.constant 0 : i32
          %get3A_497 = arith.index_cast %scan3A_473 : i32 to index
          %get3A_498 = arith.index_cast %get3A_496 : i32 to index
          %get3A_499 = arith.constant 0 : index
          %get3A_500 = tpu.vector_load %arg10[%get3A_497, %get3A_498, %get3A_499] {strides = array<i32>} : memref<80x3x32xf32, #tpu.memory_space<vmem>>, vector<1x1x16xf32>,
          %get3A_501 = vector.shape_cast %get3A_500 : vector<1x1x16xf32> to vector<16xf32>
          %mul3A_502 = arith.mulf %get3A_501, %get3A_477 : vector<16xf32>
          %mul3A_503 = vector.broadcast %squeeze3A_495 : f32 to vector<16xf32>
          %mul3A_504 = arith.mulf %get3A_485, %mul3A_503 : vector<16xf32>
          %add3A_505 = arith.addf %mul3A_502, %mul3A_504 : vector<16xf32>
          %swap3A_506 = arith.constant 0 : i32
          %swap3A_507 = arith.index_cast %scan3A_473 : i32 to index
          %swap3A_508 = arith.index_cast %swap3A_506 : i32 to index
          %swap3A_509 = arith.constant 0 : index
          %swap3A_510 = tpu.vector_load %arg12[%swap3A_507, %swap3A_508, %swap3A_509] {strides = array<i32>} : memref<80x3x32xf32, #tpu.memory_space<vmem>>, vector<1x1x16xf32>,
          %swap3A_511 = vector.shape_cast %swap3A_510 : vector<1x1x16xf32> to vector<16xf32>
          %swap3A_512 = vector.shape_cast %add3A_505 : vector<16xf32> to vector<1x1x16xf32>
          tpu.vector_store %arg12[%swap3A_507, %swap3A_508, %swap3A_509], %swap3A_512 {strides = array<i32>} : memref<80x3x32xf32, #tpu.memory_space<vmem>>, vector<1x1x16xf32>,
          %get3A_513 = arith.constant 0 : i32
          %get3A_514 = arith.index_cast %scan3A_473 : i32 to index
          %get3A_515 = arith.index_cast %get3A_513 : i32 to index
          %get3A_516 = arith.constant 16 : index
          %get3A_517 = tpu.vector_load %arg10[%get3A_514, %get3A_515, %get3A_516] {strides = array<i32>} : memref<80x3x32xf32, #tpu.memory_space<vmem>>, vector<1x1x16xf32>,
          %get3A_518 = vector.shape_cast %get3A_517 : vector<1x1x16xf32> to vector<16xf32>
          %mul3A_519 = arith.mulf %get3A_518, %get3A_481 : vector<16xf32>
          %mul3A_520 = vector.broadcast %squeeze3A_495 : f32 to vector<16xf32>
          %mul3A_521 = arith.mulf %get3A_489, %mul3A_520 : vector<16xf32>
          %add3A_522 = arith.addf %mul3A_519, %mul3A_521 : vector<16xf32>
          %swap3A_523 = arith.constant 0 : i32
          %swap3A_524 = arith.index_cast %scan3A_473 : i32 to index
          %swap3A_525 = arith.index_cast %swap3A_523 : i32 to index
          %swap3A_526 = arith.constant 16 : index
          %swap3A_527 = tpu.vector_load %arg12[%swap3A_524, %swap3A_525, %swap3A_526] {strides = array<i32>} : memref<80x3x32xf32, #tpu.memory_space<vmem>>, vector<1x1x16xf32>,
          %swap3A_528 = vector.shape_cast %swap3A_527 : vector<1x1x16xf32> to vector<16xf32>
          %swap3A_529 = vector.shape_cast %add3A_522 : vector<16xf32> to vector<1x1x16xf32>
          tpu.vector_store %arg12[%swap3A_524, %swap3A_525, %swap3A_526], %swap3A_529 {strides = array<i32>} : memref<80x3x32xf32, #tpu.memory_space<vmem>>, vector<1x1x16xf32>,
          %slice3A_530 = vector.extract_strided_slice %get3A_493 {offsets = [1], sizes = [1], strides = [1]} : vector<16xf32> to vector<1xf32>
          %squeeze3A_531 = vector.extract %slice3A_530[0] : f32 from vector<1xf32>
          %get3A_532 = arith.constant 1 : i32
          %get3A_533 = arith.index_cast %scan3A_473 : i32 to index
          %get3A_534 = arith.index_cast %get3A_532 : i32 to index
          %get3A_535 = arith.constant 0 : index
          %get3A_536 = tpu.vector_load %arg10[%get3A_533, %get3A_534, %get3A_535] {strides = array<i32>} : memref<80x3x32xf32, #tpu.memory_space<vmem>>, vector<1x1x16xf32>,
          %get3A_537 = vector.shape_cast %get3A_536 : vector<1x1x16xf32> to vector<16xf32>
          %mul3A_538 = arith.mulf %get3A_537, %get3A_477 : vector<16xf32>
          %mul3A_539 = vector.broadcast %squeeze3A_531 : f32 to vector<16xf32>
          %mul3A_540 = arith.mulf %get3A_485, %mul3A_539 : vector<16xf32>
          %add3A_541 = arith.addf %mul3A_538, %mul3A_540 : vector<16xf32>
          %swap3A_542 = arith.constant 1 : i32
          %swap3A_543 = arith.index_cast %scan3A_473 : i32 to index
          %swap3A_544 = arith.index_cast %swap3A_542 : i32 to index
          %swap3A_545 = arith.constant 0 : index
          %swap3A_546 = tpu.vector_load %arg12[%swap3A_543, %swap3A_544, %swap3A_545] {strides = array<i32>} : memref<80x3x32xf32, #tpu.memory_space<vmem>>, vector<1x1x16xf32>,
          %swap3A_547 = vector.shape_cast %swap3A_546 : vector<1x1x16xf32> to vector<16xf32>
          %swap3A_548 = vector.shape_cast %add3A_541 : vector<16xf32> to vector<1x1x16xf32>
          tpu.vector_store %arg12[%swap3A_543, %swap3A_544, %swap3A_545], %swap3A_548 {strides = array<i32>} : memref<80x3x32xf32, #tpu.memory_space<vmem>>, vector<1x1x16xf32>,
          %get3A_549 = arith.constant 1 : i32
          %get3A_550 = arith.index_cast %scan3A_473 : i32 to index
          %get3A_551 = arith.index_cast %get3A_549 : i32 to index
          %get3A_552 = arith.constant 16 : index
          %get3A_553 = tpu.vector_load %arg10[%get3A_550, %get3A_551, %get3A_552] {strides = array<i32>} : memref<80x3x32xf32, #tpu.memory_space<vmem>>, vector<1x1x16xf32>,
          %get3A_554 = vector.shape_cast %get3A_553 : vector<1x1x16xf32> to vector<16xf32>
          %mul3A_555 = arith.mulf %get3A_554, %get3A_481 : vector<16xf32>
          %mul3A_556 = vector.broadcast %squeeze3A_531 : f32 to vector<16xf32>
          %mul3A_557 = arith.mulf %get3A_489, %mul3A_556 : vector<16xf32>
          %add3A_558 = arith.addf %mul3A_555, %mul3A_557 : vector<16xf32>
          %swap3A_559 = arith.constant 1 : i32
          %swap3A_560 = arith.index_cast %scan3A_473 : i32 to index
          %swap3A_561 = arith.index_cast %swap3A_559 : i32 to index
          %swap3A_562 = arith.constant 16 : index
          %swap3A_563 = tpu.vector_load %arg12[%swap3A_560, %swap3A_561, %swap3A_562] {strides = array<i32>} : memref<80x3x32xf32, #tpu.memory_space<vmem>>, vector<1x1x16xf32>,
          %swap3A_564 = vector.shape_cast %swap3A_563 : vector<1x1x16xf32> to vector<16xf32>
          %swap3A_565 = vector.shape_cast %add3A_558 : vector<16xf32> to vector<1x1x16xf32>
          tpu.vector_store %arg12[%swap3A_560, %swap3A_561, %swap3A_562], %swap3A_565 {strides = array<i32>} : memref<80x3x32xf32, #tpu.memory_space<vmem>>, vector<1x1x16xf32>,
          %slice3A_566 = vector.extract_strided_slice %get3A_493 {offsets = [2], sizes = [1], strides = [1]} : vector<16xf32> to vector<1xf32>
          %squeeze3A_567 = vector.extract %slice3A_566[0] : f32 from vector<1xf32>
          %get3A_568 = arith.constant 2 : i32
          %get3A_569 = arith.index_cast %scan3A_473 : i32 to index
          %get3A_570 = arith.index_cast %get3A_568 : i32 to index
          %get3A_571 = arith.constant 0 : index
          %get3A_572 = tpu.vector_load %arg10[%get3A_569, %get3A_570, %get3A_571] {strides = array<i32>} : memref<80x3x32xf32, #tpu.memory_space<vmem>>, vector<1x1x16xf32>,
          %get3A_573 = vector.shape_cast %get3A_572 : vector<1x1x16xf32> to vector<16xf32>
          %mul3A_574 = arith.mulf %get3A_573, %get3A_477 : vector<16xf32>
          %mul3A_575 = vector.broadcast %squeeze3A_567 : f32 to vector<16xf32>
          %mul3A_576 = arith.mulf %get3A_485, %mul3A_575 : vector<16xf32>
          %add3A_577 = arith.addf %mul3A_574, %mul3A_576 : vector<16xf32>
          %swap3A_578 = arith.constant 2 : i32
          %swap3A_579 = arith.index_cast %scan3A_473 : i32 to index
          %swap3A_580 = arith.index_cast %swap3A_578 : i32 to index
          %swap3A_581 = arith.constant 0 : index
          %swap3A_582 = tpu.vector_load %arg12[%swap3A_579, %swap3A_580, %swap3A_581] {strides = array<i32>} : memref<80x3x32xf32, #tpu.memory_space<vmem>>, vector<1x1x16xf32>,
          %swap3A_583 = vector.shape_cast %swap3A_582 : vector<1x1x16xf32> to vector<16xf32>
          %swap3A_584 = vector.shape_cast %add3A_577 : vector<16xf32> to vector<1x1x16xf32>
          tpu.vector_store %arg12[%swap3A_579, %swap3A_580, %swap3A_581], %swap3A_584 {strides = array<i32>} : memref<80x3x32xf32, #tpu.memory_space<vmem>>, vector<1x1x16xf32>,
          %get3A_585 = arith.constant 2 : i32
          %get3A_586 = arith.index_cast %scan3A_473 : i32 to index
          %get3A_587 = arith.index_cast %get3A_585 : i32 to index
          %get3A_588 = arith.constant 16 : index
          %get3A_589 = tpu.vector_load %arg10[%get3A_586, %get3A_587, %get3A_588] {strides = array<i32>} : memref<80x3x32xf32, #tpu.memory_space<vmem>>, vector<1x1x16xf32>,
          %get3A_590 = vector.shape_cast %get3A_589 : vector<1x1x16xf32> to vector<16xf32>
          %mul3A_591 = arith.mulf %get3A_590, %get3A_481 : vector<16xf32>
          %mul3A_592 = vector.broadcast %squeeze3A_567 : f32 to vector<16xf32>
          %mul3A_593 = arith.mulf %get3A_489, %mul3A_592 : vector<16xf32>
          %add3A_594 = arith.addf %mul3A_591, %mul3A_593 : vector<16xf32>
          %swap3A_595 = arith.constant 2 : i32
          %swap3A_596 = arith.index_cast %scan3A_473 : i32 to index
          %swap3A_597 = arith.index_cast %swap3A_595 : i32 to index
          %swap3A_598 = arith.constant 16 : index
          %swap3A_599 = tpu.vector_load %arg12[%swap3A_596, %swap3A_597, %swap3A_598] {strides = array<i32>} : memref<80x3x32xf32, #tpu.memory_space<vmem>>, vector<1x1x16xf32>,
          %swap3A_600 = vector.shape_cast %swap3A_599 : vector<1x1x16xf32> to vector<16xf32>
          %swap3A_601 = vector.shape_cast %add3A_594 : vector<16xf32> to vector<1x1x16xf32>
          tpu.vector_store %arg12[%swap3A_596, %swap3A_597, %swap3A_598], %swap3A_601 {strides = array<i32>} : memref<80x3x32xf32, #tpu.memory_space<vmem>>, vector<1x1x16xf32>,
          %scan3A_602 = arith.constant 2 : i32
          %scan3A_603 = arith.addi %scan3A_347, %scan3A_602 : i32
          %get3A_604 = arith.index_cast %scan3A_603 : i32 to index
          %get3A_605 = arith.constant 0 : index
          %get3A_606 = tpu.vector_load %arg14[%get3A_604, %get3A_605] {strides = array<i32>} : memref<80x32xf32, #tpu.memory_space<vmem>>, vector<1x16xf32>,
          %get3A_607 = vector.shape_cast %get3A_606 : vector<1x16xf32> to vector<16xf32>
          %get3A_608 = arith.index_cast %scan3A_603 : i32 to index
          %get3A_609 = arith.constant 16 : index
          %get3A_610 = tpu.vector_load %arg14[%get3A_608, %get3A_609] {strides = array<i32>} : memref<80x32xf32, #tpu.memory_space<vmem>>, vector<1x16xf32>,
          %get3A_611 = vector.shape_cast %get3A_610 : vector<1x16xf32> to vector<16xf32>
          %get3A_612 = arith.index_cast %scan3A_603 : i32 to index
          %get3A_613 = arith.constant 0 : index
          %get3A_614 = tpu.vector_load %arg16[%get3A_612, %get3A_613] {strides = array<i32>} : memref<80x32xf32, #tpu.memory_space<vmem>>, vector<1x16xf32>,
          %get3A_615 = vector.shape_cast %get3A_614 : vector<1x16xf32> to vector<16xf32>
          %get3A_616 = arith.index_cast %scan3A_603 : i32 to index
          %get3A_617 = arith.constant 16 : index
          %get3A_618 = tpu.vector_load %arg16[%get3A_616, %get3A_617] {strides = array<i32>} : memref<80x32xf32, #tpu.memory_space<vmem>>, vector<1x16xf32>,
          %get3A_619 = vector.shape_cast %get3A_618 : vector<1x16xf32> to vector<16xf32>
          %get3A_620 = arith.index_cast %scan3A_603 : i32 to index
          %get3A_621 = arith.constant 0 : index
          %get3A_622 = tpu.vector_load %arg18[%get3A_620, %get3A_621] {strides = array<i32>} : memref<80x16xf32, #tpu.memory_space<vmem>>, vector<1x16xf32>,
          %get3A_623 = vector.shape_cast %get3A_622 : vector<1x16xf32> to vector<16xf32>
          %slice3A_624 = vector.extract_strided_slice %get3A_623 {offsets = [0], sizes = [1], strides = [1]} : vector<16xf32> to vector<1xf32>
          %squeeze3A_625 = vector.extract %slice3A_624[0] : f32 from vector<1xf32>
          %get3A_626 = arith.constant 0 : i32
          %get3A_627 = arith.index_cast %scan3A_603 : i32 to index
          %get3A_628 = arith.index_cast %get3A_626 : i32 to index
          %get3A_629 = arith.constant 0 : index
          %get3A_630 = tpu.vector_load %arg10[%get3A_627, %get3A_628, %get3A_629] {strides = array<i32>} : memref<80x3x32xf32, #tpu.memory_space<vmem>>, vector<1x1x16xf32>,
          %get3A_631 = vector.shape_cast %get3A_630 : vector<1x1x16xf32> to vector<16xf32>
          %mul3A_632 = arith.mulf %get3A_631, %get3A_607 : vector<16xf32>
          %mul3A_633 = vector.broadcast %squeeze3A_625 : f32 to vector<16xf32>
          %mul3A_634 = arith.mulf %get3A_615, %mul3A_633 : vector<16xf32>
          %add3A_635 = arith.addf %mul3A_632, %mul3A_634 : vector<16xf32>
          %swap3A_636 = arith.constant 0 : i32
          %swap3A_637 = arith.index_cast %scan3A_603 : i32 to index
          %swap3A_638 = arith.index_cast %swap3A_636 : i32 to index
          %swap3A_639 = arith.constant 0 : index
          %swap3A_640 = tpu.vector_load %arg12[%swap3A_637, %swap3A_638, %swap3A_639] {strides = array<i32>} : memref<80x3x32xf32, #tpu.memory_space<vmem>>, vector<1x1x16xf32>,
          %swap3A_641 = vector.shape_cast %swap3A_640 : vector<1x1x16xf32> to vector<16xf32>
          %swap3A_642 = vector.shape_cast %add3A_635 : vector<16xf32> to vector<1x1x16xf32>
          tpu.vector_store %arg12[%swap3A_637, %swap3A_638, %swap3A_639], %swap3A_642 {strides = array<i32>} : memref<80x3x32xf32, #tpu.memory_space<vmem>>, vector<1x1x16xf32>,
          %get3A_643 = arith.constant 0 : i32
          %get3A_644 = arith.index_cast %scan3A_603 : i32 to index
          %get3A_645 = arith.index_cast %get3A_643 : i32 to index
          %get3A_646 = arith.constant 16 : index
          %get3A_647 = tpu.vector_load %arg10[%get3A_644, %get3A_645, %get3A_646] {strides = array<i32>} : memref<80x3x32xf32, #tpu.memory_space<vmem>>, vector<1x1x16xf32>,
          %get3A_648 = vector.shape_cast %get3A_647 : vector<1x1x16xf32> to vector<16xf32>
          %mul3A_649 = arith.mulf %get3A_648, %get3A_611 : vector<16xf32>
          %mul3A_650 = vector.broadcast %squeeze3A_625 : f32 to vector<16xf32>
          %mul3A_651 = arith.mulf %get3A_619, %mul3A_650 : vector<16xf32>
          %add3A_652 = arith.addf %mul3A_649, %mul3A_651 : vector<16xf32>
          %swap3A_653 = arith.constant 0 : i32
          %swap3A_654 = arith.index_cast %scan3A_603 : i32 to index
          %swap3A_655 = arith.index_cast %swap3A_653 : i32 to index
          %swap3A_656 = arith.constant 16 : index
          %swap3A_657 = tpu.vector_load %arg12[%swap3A_654, %swap3A_655, %swap3A_656] {strides = array<i32>} : memref<80x3x32xf32, #tpu.memory_space<vmem>>, vector<1x1x16xf32>,
          %swap3A_658 = vector.shape_cast %swap3A_657 : vector<1x1x16xf32> to vector<16xf32>
          %swap3A_659 = vector.shape_cast %add3A_652 : vector<16xf32> to vector<1x1x16xf32>
          tpu.vector_store %arg12[%swap3A_654, %swap3A_655, %swap3A_656], %swap3A_659 {strides = array<i32>} : memref<80x3x32xf32, #tpu.memory_space<vmem>>, vector<1x1x16xf32>,
          %slice3A_660 = vector.extract_strided_slice %get3A_623 {offsets = [1], sizes = [1], strides = [1]} : vector<16xf32> to vector<1xf32>
          %squeeze3A_661 = vector.extract %slice3A_660[0] : f32 from vector<1xf32>
          %get3A_662 = arith.constant 1 : i32
          %get3A_663 = arith.index_cast %scan3A_603 : i32 to index
          %get3A_664 = arith.index_cast %get3A_662 : i32 to index
          %get3A_665 = arith.constant 0 : index
          %get3A_666 = tpu.vector_load %arg10[%get3A_663, %get3A_664, %get3A_665] {strides = array<i32>} : memref<80x3x32xf32, #tpu.memory_space<vmem>>, vector<1x1x16xf32>,
          %get3A_667 = vector.shape_cast %get3A_666 : vector<1x1x16xf32> to vector<16xf32>
          %mul3A_668 = arith.mulf %get3A_667, %get3A_607 : vector<16xf32>
          %mul3A_669 = vector.broadcast %squeeze3A_661 : f32 to vector<16xf32>
          %mul3A_670 = arith.mulf %get3A_615, %mul3A_669 : vector<16xf32>
          %add3A_671 = arith.addf %mul3A_668, %mul3A_670 : vector<16xf32>
          %swap3A_672 = arith.constant 1 : i32
          %swap3A_673 = arith.index_cast %scan3A_603 : i32 to index
          %swap3A_674 = arith.index_cast %swap3A_672 : i32 to index
          %swap3A_675 = arith.constant 0 : index
          %swap3A_676 = tpu.vector_load %arg12[%swap3A_673, %swap3A_674, %swap3A_675] {strides = array<i32>} : memref<80x3x32xf32, #tpu.memory_space<vmem>>, vector<1x1x16xf32>,
          %swap3A_677 = vector.shape_cast %swap3A_676 : vector<1x1x16xf32> to vector<16xf32>
          %swap3A_678 = vector.shape_cast %add3A_671 : vector<16xf32> to vector<1x1x16xf32>
          tpu.vector_store %arg12[%swap3A_673, %swap3A_674, %swap3A_675], %swap3A_678 {strides = array<i32>} : memref<80x3x32xf32, #tpu.memory_space<vmem>>, vector<1x1x16xf32>,
          %get3A_679 = arith.constant 1 : i32
          %get3A_680 = arith.index_cast %scan3A_603 : i32 to index
          %get3A_681 = arith.index_cast %get3A_679 : i32 to index
          %get3A_682 = arith.constant 16 : index
          %get3A_683 = tpu.vector_load %arg10[%get3A_680, %get3A_681, %get3A_682] {strides = array<i32>} : memref<80x3x32xf32, #tpu.memory_space<vmem>>, vector<1x1x16xf32>,
          %get3A_684 = vector.shape_cast %get3A_683 : vector<1x1x16xf32> to vector<16xf32>
          %mul3A_685 = arith.mulf %get3A_684, %get3A_611 : vector<16xf32>
          %mul3A_686 = vector.broadcast %squeeze3A_661 : f32 to vector<16xf32>
          %mul3A_687 = arith.mulf %get3A_619, %mul3A_686 : vector<16xf32>
          %add3A_688 = arith.addf %mul3A_685, %mul3A_687 : vector<16xf32>
          %swap3A_689 = arith.constant 1 : i32
          %swap3A_690 = arith.index_cast %scan3A_603 : i32 to index
          %swap3A_691 = arith.index_cast %swap3A_689 : i32 to index
          %swap3A_692 = arith.constant 16 : index
          %swap3A_693 = tpu.vector_load %arg12[%swap3A_690, %swap3A_691, %swap3A_692] {strides = array<i32>} : memref<80x3x32xf32, #tpu.memory_space<vmem>>, vector<1x1x16xf32>,
          %swap3A_694 = vector.shape_cast %swap3A_693 : vector<1x1x16xf32> to vector<16xf32>
          %swap3A_695 = vector.shape_cast %add3A_688 : vector<16xf32> to vector<1x1x16xf32>
          tpu.vector_store %arg12[%swap3A_690, %swap3A_691, %swap3A_692], %swap3A_695 {strides = array<i32>} : memref<80x3x32xf32, #tpu.memory_space<vmem>>, vector<1x1x16xf32>,
          %slice3A_696 = vector.extract_strided_slice %get3A_623 {offsets = [2], sizes = [1], strides = [1]} : vector<16xf32> to vector<1xf32>
          %squeeze3A_697 = vector.extract %slice3A_696[0] : f32 from vector<1xf32>
          %get3A_698 = arith.constant 2 : i32
          %get3A_699 = arith.index_cast %scan3A_603 : i32 to index
          %get3A_700 = arith.index_cast %get3A_698 : i32 to index
          %get3A_701 = arith.constant 0 : index
          %get3A_702 = tpu.vector_load %arg10[%get3A_699, %get3A_700, %get3A_701] {strides = array<i32>} : memref<80x3x32xf32, #tpu.memory_space<vmem>>, vector<1x1x16xf32>,
          %get3A_703 = vector.shape_cast %get3A_702 : vector<1x1x16xf32> to vector<16xf32>
          %mul3A_704 = arith.mulf %get3A_703, %get3A_607 : vector<16xf32>
          %mul3A_705 = vector.broadcast %squeeze3A_697 : f32 to vector<16xf32>
          %mul3A_706 = arith.mulf %get3A_615, %mul3A_705 : vector<16xf32>
          %add3A_707 = arith.addf %mul3A_704, %mul3A_706 : vector<16xf32>
          %swap3A_708 = arith.constant 2 : i32
          %swap3A_709 = arith.index_cast %scan3A_603 : i32 to index
          %swap3A_710 = arith.index_cast %swap3A_708 : i32 to index
          %swap3A_711 = arith.constant 0 : index
          %swap3A_712 = tpu.vector_load %arg12[%swap3A_709, %swap3A_710, %swap3A_711] {strides = array<i32>} : memref<80x3x32xf32, #tpu.memory_space<vmem>>, vector<1x1x16xf32>,
          %swap3A_713 = vector.shape_cast %swap3A_712 : vector<1x1x16xf32> to vector<16xf32>
          %swap3A_714 = vector.shape_cast %add3A_707 : vector<16xf32> to vector<1x1x16xf32>
          tpu.vector_store %arg12[%swap3A_709, %swap3A_710, %swap3A_711], %swap3A_714 {strides = array<i32>} : memref<80x3x32xf32, #tpu.memory_space<vmem>>, vector<1x1x16xf32>,
          %get3A_715 = arith.constant 2 : i32
          %get3A_716 = arith.index_cast %scan3A_603 : i32 to index
          %get3A_717 = arith.index_cast %get3A_715 : i32 to index
          %get3A_718 = arith.constant 16 : index
          %get3A_719 = tpu.vector_load %arg10[%get3A_716, %get3A_717, %get3A_718] {strides = array<i32>} : memref<80x3x32xf32, #tpu.memory_space<vmem>>, vector<1x1x16xf32>,
          %get3A_720 = vector.shape_cast %get3A_719 : vector<1x1x16xf32> to vector<16xf32>
          %mul3A_721 = arith.mulf %get3A_720, %get3A_611 : vector<16xf32>
          %mul3A_722 = vector.broadcast %squeeze3A_697 : f32 to vector<16xf32>
          %mul3A_723 = arith.mulf %get3A_619, %mul3A_722 : vector<16xf32>
          %add3A_724 = arith.addf %mul3A_721, %mul3A_723 : vector<16xf32>
          %swap3A_725 = arith.constant 2 : i32
          %swap3A_726 = arith.index_cast %scan3A_603 : i32 to index
          %swap3A_727 = arith.index_cast %swap3A_725 : i32 to index
          %swap3A_728 = arith.constant 16 : index
          %swap3A_729 = tpu.vector_load %arg12[%swap3A_726, %swap3A_727, %swap3A_728] {strides = array<i32>} : memref<80x3x32xf32, #tpu.memory_space<vmem>>, vector<1x1x16xf32>,
          %swap3A_730 = vector.shape_cast %swap3A_729 : vector<1x1x16xf32> to vector<16xf32>
          %swap3A_731 = vector.shape_cast %add3A_724 : vector<16xf32> to vector<1x1x16xf32>
          tpu.vector_store %arg12[%swap3A_726, %swap3A_727, %swap3A_728], %swap3A_731 {strides = array<i32>} : memref<80x3x32xf32, #tpu.memory_space<vmem>>, vector<1x1x16xf32>,
          %scan3A_732 = arith.constant 3 : i32
          %scan3A_733 = arith.addi %scan3A_347, %scan3A_732 : i32
          %get3A_734 = arith.index_cast %scan3A_733 : i32 to index
          %get3A_735 = arith.constant 0 : index
          %get3A_736 = tpu.vector_load %arg14[%get3A_734, %get3A_735] {strides = array<i32>} : memref<80x32xf32, #tpu.memory_space<vmem>>, vector<1x16xf32>,
          %get3A_737 = vector.shape_cast %get3A_736 : vector<1x16xf32> to vector<16xf32>
          %get3A_738 = arith.index_cast %scan3A_733 : i32 to index
          %get3A_739 = arith.constant 16 : index
          %get3A_740 = tpu.vector_load %arg14[%get3A_738, %get3A_739] {strides = array<i32>} : memref<80x32xf32, #tpu.memory_space<vmem>>, vector<1x16xf32>,
          %get3A_741 = vector.shape_cast %get3A_740 : vector<1x16xf32> to vector<16xf32>
          %get3A_742 = arith.index_cast %scan3A_733 : i32 to index
          %get3A_743 = arith.constant 0 : index
          %get3A_744 = tpu.vector_load %arg16[%get3A_742, %get3A_743] {strides = array<i32>} : memref<80x32xf32, #tpu.memory_space<vmem>>, vector<1x16xf32>,
          %get3A_745 = vector.shape_cast %get3A_744 : vector<1x16xf32> to vector<16xf32>
          %get3A_746 = arith.index_cast %scan3A_733 : i32 to index
          %get3A_747 = arith.constant 16 : index
          %get3A_748 = tpu.vector_load %arg16[%get3A_746, %get3A_747] {strides = array<i32>} : memref<80x32xf32, #tpu.memory_space<vmem>>, vector<1x16xf32>,
          %get3A_749 = vector.shape_cast %get3A_748 : vector<1x16xf32> to vector<16xf32>
          %get3A_750 = arith.index_cast %scan3A_733 : i32 to index
          %get3A_751 = arith.constant 0 : index
          %get3A_752 = tpu.vector_load %arg18[%get3A_750, %get3A_751] {strides = array<i32>} : memref<80x16xf32, #tpu.memory_space<vmem>>, vector<1x16xf32>,
          %get3A_753 = vector.shape_cast %get3A_752 : vector<1x16xf32> to vector<16xf32>
          %slice3A_754 = vector.extract_strided_slice %get3A_753 {offsets = [0], sizes = [1], strides = [1]} : vector<16xf32> to vector<1xf32>
          %squeeze3A_755 = vector.extract %slice3A_754[0] : f32 from vector<1xf32>
          %get3A_756 = arith.constant 0 : i32
          %get3A_757 = arith.index_cast %scan3A_733 : i32 to index
          %get3A_758 = arith.index_cast %get3A_756 : i32 to index
          %get3A_759 = arith.constant 0 : index
          %get3A_760 = tpu.vector_load %arg10[%get3A_757, %get3A_758, %get3A_759] {strides = array<i32>} : memref<80x3x32xf32, #tpu.memory_space<vmem>>, vector<1x1x16xf32>,
          %get3A_761 = vector.shape_cast %get3A_760 : vector<1x1x16xf32> to vector<16xf32>
          %mul3A_762 = arith.mulf %get3A_761, %get3A_737 : vector<16xf32>
          %mul3A_763 = vector.broadcast %squeeze3A_755 : f32 to vector<16xf32>
          %mul3A_764 = arith.mulf %get3A_745, %mul3A_763 : vector<16xf32>
          %add3A_765 = arith.addf %mul3A_762, %mul3A_764 : vector<16xf32>
          %swap3A_766 = arith.constant 0 : i32
          %swap3A_767 = arith.index_cast %scan3A_733 : i32 to index
          %swap3A_768 = arith.index_cast %swap3A_766 : i32 to index
          %swap3A_769 = arith.constant 0 : index
          %swap3A_770 = tpu.vector_load %arg12[%swap3A_767, %swap3A_768, %swap3A_769] {strides = array<i32>} : memref<80x3x32xf32, #tpu.memory_space<vmem>>, vector<1x1x16xf32>,
          %swap3A_771 = vector.shape_cast %swap3A_770 : vector<1x1x16xf32> to vector<16xf32>
          %swap3A_772 = vector.shape_cast %add3A_765 : vector<16xf32> to vector<1x1x16xf32>
          tpu.vector_store %arg12[%swap3A_767, %swap3A_768, %swap3A_769], %swap3A_772 {strides = array<i32>} : memref<80x3x32xf32, #tpu.memory_space<vmem>>, vector<1x1x16xf32>,
          %get3A_773 = arith.constant 0 : i32
          %get3A_774 = arith.index_cast %scan3A_733 : i32 to index
          %get3A_775 = arith.index_cast %get3A_773 : i32 to index
          %get3A_776 = arith.constant 16 : index
          %get3A_777 = tpu.vector_load %arg10[%get3A_774, %get3A_775, %get3A_776] {strides = array<i32>} : memref<80x3x32xf32, #tpu.memory_space<vmem>>, vector<1x1x16xf32>,
          %get3A_778 = vector.shape_cast %get3A_777 : vector<1x1x16xf32> to vector<16xf32>
          %mul3A_779 = arith.mulf %get3A_778, %get3A_741 : vector<16xf32>
          %mul3A_780 = vector.broadcast %squeeze3A_755 : f32 to vector<16xf32>
          %mul3A_781 = arith.mulf %get3A_749, %mul3A_780 : vector<16xf32>
          %add3A_782 = arith.addf %mul3A_779, %mul3A_781 : vector<16xf32>
          %swap3A_783 = arith.constant 0 : i32
          %swap3A_784 = arith.index_cast %scan3A_733 : i32 to index
          %swap3A_785 = arith.index_cast %swap3A_783 : i32 to index
          %swap3A_786 = arith.constant 16 : index
          %swap3A_787 = tpu.vector_load %arg12[%swap3A_784, %swap3A_785, %swap3A_786] {strides = array<i32>} : memref<80x3x32xf32, #tpu.memory_space<vmem>>, vector<1x1x16xf32>,
          %swap3A_788 = vector.shape_cast %swap3A_787 : vector<1x1x16xf32> to vector<16xf32>
          %swap3A_789 = vector.shape_cast %add3A_782 : vector<16xf32> to vector<1x1x16xf32>
          tpu.vector_store %arg12[%swap3A_784, %swap3A_785, %swap3A_786], %swap3A_789 {strides = array<i32>} : memref<80x3x32xf32, #tpu.memory_space<vmem>>, vector<1x1x16xf32>,
          %slice3A_790 = vector.extract_strided_slice %get3A_753 {offsets = [1], sizes = [1], strides = [1]} : vector<16xf32> to vector<1xf32>
          %squeeze3A_791 = vector.extract %slice3A_790[0] : f32 from vector<1xf32>
          %get3A_792 = arith.constant 1 : i32
          %get3A_793 = arith.index_cast %scan3A_733 : i32 to index
          %get3A_794 = arith.index_cast %get3A_792 : i32 to index
          %get3A_795 = arith.constant 0 : index
          %get3A_796 = tpu.vector_load %arg10[%get3A_793, %get3A_794, %get3A_795] {strides = array<i32>} : memref<80x3x32xf32, #tpu.memory_space<vmem>>, vector<1x1x16xf32>,
          %get3A_797 = vector.shape_cast %get3A_796 : vector<1x1x16xf32> to vector<16xf32>
          %mul3A_798 = arith.mulf %get3A_797, %get3A_737 : vector<16xf32>
          %mul3A_799 = vector.broadcast %squeeze3A_791 : f32 to vector<16xf32>
          %mul3A_800 = arith.mulf %get3A_745, %mul3A_799 : vector<16xf32>
          %add3A_801 = arith.addf %mul3A_798, %mul3A_800 : vector<16xf32>
          %swap3A_802 = arith.constant 1 : i32
          %swap3A_803 = arith.index_cast %scan3A_733 : i32 to index
          %swap3A_804 = arith.index_cast %swap3A_802 : i32 to index
          %swap3A_805 = arith.constant 0 : index
          %swap3A_806 = tpu.vector_load %arg12[%swap3A_803, %swap3A_804, %swap3A_805] {strides = array<i32>} : memref<80x3x32xf32, #tpu.memory_space<vmem>>, vector<1x1x16xf32>,
          %swap3A_807 = vector.shape_cast %swap3A_806 : vector<1x1x16xf32> to vector<16xf32>
          %swap3A_808 = vector.shape_cast %add3A_801 : vector<16xf32> to vector<1x1x16xf32>
          tpu.vector_store %arg12[%swap3A_803, %swap3A_804, %swap3A_805], %swap3A_808 {strides = array<i32>} : memref<80x3x32xf32, #tpu.memory_space<vmem>>, vector<1x1x16xf32>,
          %get3A_809 = arith.constant 1 : i32
          %get3A_810 = arith.index_cast %scan3A_733 : i32 to index
          %get3A_811 = arith.index_cast %get3A_809 : i32 to index
          %get3A_812 = arith.constant 16 : index
          %get3A_813 = tpu.vector_load %arg10[%get3A_810, %get3A_811, %get3A_812] {strides = array<i32>} : memref<80x3x32xf32, #tpu.memory_space<vmem>>, vector<1x1x16xf32>,
          %get3A_814 = vector.shape_cast %get3A_813 : vector<1x1x16xf32> to vector<16xf32>
          %mul3A_815 = arith.mulf %get3A_814, %get3A_741 : vector<16xf32>
          %mul3A_816 = vector.broadcast %squeeze3A_791 : f32 to vector<16xf32>
          %mul3A_817 = arith.mulf %get3A_749, %mul3A_816 : vector<16xf32>
          %add3A_818 = arith.addf %mul3A_815, %mul3A_817 : vector<16xf32>
          %swap3A_819 = arith.constant 1 : i32
          %swap3A_820 = arith.index_cast %scan3A_733 : i32 to index
          %swap3A_821 = arith.index_cast %swap3A_819 : i32 to index
          %swap3A_822 = arith.constant 16 : index
          %swap3A_823 = tpu.vector_load %arg12[%swap3A_820, %swap3A_821, %swap3A_822] {strides = array<i32>} : memref<80x3x32xf32, #tpu.memory_space<vmem>>, vector<1x1x16xf32>,
          %swap3A_824 = vector.shape_cast %swap3A_823 : vector<1x1x16xf32> to vector<16xf32>
          %swap3A_825 = vector.shape_cast %add3A_818 : vector<16xf32> to vector<1x1x16xf32>
          tpu.vector_store %arg12[%swap3A_820, %swap3A_821, %swap3A_822], %swap3A_825 {strides = array<i32>} : memref<80x3x32xf32, #tpu.memory_space<vmem>>, vector<1x1x16xf32>,
          %slice3A_826 = vector.extract_strided_slice %get3A_753 {offsets = [2], sizes = [1], strides = [1]} : vector<16xf32> to vector<1xf32>
          %squeeze3A_827 = vector.extract %slice3A_826[0] : f32 from vector<1xf32>
          %get3A_828 = arith.constant 2 : i32
          %get3A_829 = arith.index_cast %scan3A_733 : i32 to index
          %get3A_830 = arith.index_cast %get3A_828 : i32 to index
          %get3A_831 = arith.constant 0 : index
          %get3A_832 = tpu.vector_load %arg10[%get3A_829, %get3A_830, %get3A_831] {strides = array<i32>} : memref<80x3x32xf32, #tpu.memory_space<vmem>>, vector<1x1x16xf32>,
          %get3A_833 = vector.shape_cast %get3A_832 : vector<1x1x16xf32> to vector<16xf32>
          %mul3A_834 = arith.mulf %get3A_833, %get3A_737 : vector<16xf32>
          %mul3A_835 = vector.broadcast %squeeze3A_827 : f32 to vector<16xf32>
          %mul3A_836 = arith.mulf %get3A_745, %mul3A_835 : vector<16xf32>
          %add3A_837 = arith.addf %mul3A_834, %mul3A_836 : vector<16xf32>
          %swap3A_838 = arith.constant 2 : i32
          %swap3A_839 = arith.index_cast %scan3A_733 : i32 to index
          %swap3A_840 = arith.index_cast %swap3A_838 : i32 to index
          %swap3A_841 = arith.constant 0 : index
          %swap3A_842 = tpu.vector_load %arg12[%swap3A_839, %swap3A_840, %swap3A_841] {strides = array<i32>} : memref<80x3x32xf32, #tpu.memory_space<vmem>>, vector<1x1x16xf32>,
          %swap3A_843 = vector.shape_cast %swap3A_842 : vector<1x1x16xf32> to vector<16xf32>
          %swap3A_844 = vector.shape_cast %add3A_837 : vector<16xf32> to vector<1x1x16xf32>
          tpu.vector_store %arg12[%swap3A_839, %swap3A_840, %swap3A_841], %swap3A_844 {strides = array<i32>} : memref<80x3x32xf32, #tpu.memory_space<vmem>>, vector<1x1x16xf32>,
          %get3A_845 = arith.constant 2 : i32
          %get3A_846 = arith.index_cast %scan3A_733 : i32 to index
          %get3A_847 = arith.index_cast %get3A_845 : i32 to index
          %get3A_848 = arith.constant 16 : index
          %get3A_849 = tpu.vector_load %arg10[%get3A_846, %get3A_847, %get3A_848] {strides = array<i32>} : memref<80x3x32xf32, #tpu.memory_space<vmem>>, vector<1x1x16xf32>,
          %get3A_850 = vector.shape_cast %get3A_849 : vector<1x1x16xf32> to vector<16xf32>
          %mul3A_851 = arith.mulf %get3A_850, %get3A_741 : vector<16xf32>
          %mul3A_852 = vector.broadcast %squeeze3A_827 : f32 to vector<16xf32>
          %mul3A_853 = arith.mulf %get3A_749, %mul3A_852 : vector<16xf32>
          %add3A_854 = arith.addf %mul3A_851, %mul3A_853 : vector<16xf32>
          %swap3A_855 = arith.constant 2 : i32
          %swap3A_856 = arith.index_cast %scan3A_733 : i32 to index
          %swap3A_857 = arith.index_cast %swap3A_855 : i32 to index
          %swap3A_858 = arith.constant 16 : index
          %swap3A_859 = tpu.vector_load %arg12[%swap3A_856, %swap3A_857, %swap3A_858] {strides = array<i32>} : memref<80x3x32xf32, #tpu.memory_space<vmem>>, vector<1x1x16xf32>,
          %swap3A_860 = vector.shape_cast %swap3A_859 : vector<1x1x16xf32> to vector<16xf32>
          %swap3A_861 = vector.shape_cast %add3A_854 : vector<16xf32> to vector<1x1x16xf32>
          tpu.vector_store %arg12[%swap3A_856, %swap3A_857, %swap3A_858], %swap3A_861 {strides = array<i32>} : memref<80x3x32xf32, #tpu.memory_space<vmem>>, vector<1x1x16xf32>,
        }
        %scan3A_332 = arith.constant 80 : i32
        %add3A_333 = arith.constant 2 : i32
        %add3A_334 = arith.addi %add3A_286, %add3A_333 : i32
        %lt3A_335 = arith.constant 125 : i32
        %lt3A_336 = arith.cmpi slt, %add3A_334, %lt3A_335 : i32
        %convert_element_type3A_337 = arith.extui %lt3A_336 : i1 to i32
        %cond3A_338 = arith.constant 0 : i32
        %cond3A_339 = arith.cmpi ne, %convert_element_type3A_337, %cond3A_338 : i32
        scf.if %cond3A_339 {
          %add3A_347 = arith.constant 2 : i32
          %add3A_348 = arith.addi %add3A_286, %add3A_347 : i32
          %mul3A_349 = arith.constant 80 : i32
          %mul3A_350 = arith.muli %add3A_348, %mul3A_349 : i32
          %add3A_351 = arith.addi %mul3A_0, %mul3A_350 : i32
          %dma_start3A_352 = arith.constant 0 : i32
          %dma_start3A_353 = tpu.memref_slice %arg2[%add3A_351, %dma_start3A_352, %add3A] : memref<160000x3x128xf32, #tpu.memory_space<hbm>> -> memref<80x3x32xf32, #tpu.memory_space<hbm>>
          %dma_start3A_354 = arith.constant 0 : i32
          %dma_start3A_355 = tpu.memref_slice %arg2[%add3A_351, %dma_start3A_354, %add3A] : memref<160000x3x128xf32, #tpu.memory_space<hbm>> -> memref<80x3x32xf32, #tpu.memory_space<hbm>>
          tpu.enqueue_dma source(%dma_start3A_355 : memref<80x3x32xf32, #tpu.memory_space<hbm>>) target(%arg10 : memref<80x3x32xf32, #tpu.memory_space<vmem>>) target_semaphore(%arg21 : memref<!tpu.dma_semaphore, #tpu.memory_space<semaphore_mem>>)
          %dma_start3A_356 = tpu.memref_slice %arg3[%add3A_351, %add3A] : memref<160000x128xf32, #tpu.memory_space<hbm>> -> memref<80x32xf32, #tpu.memory_space<hbm>>
          %dma_start3A_357 = tpu.memref_slice %arg3[%add3A_351, %add3A] : memref<160000x128xf32, #tpu.memory_space<hbm>> -> memref<80x32xf32, #tpu.memory_space<hbm>>
          tpu.enqueue_dma source(%dma_start3A_357 : memref<80x32xf32, #tpu.memory_space<hbm>>) target(%arg14 : memref<80x32xf32, #tpu.memory_space<vmem>>) target_semaphore(%arg21 : memref<!tpu.dma_semaphore, #tpu.memory_space<semaphore_mem>>)
          %dma_start3A_358 = tpu.memref_slice %arg4[%add3A_351, %add3A] : memref<160000x128xf32, #tpu.memory_space<hbm>> -> memref<80x32xf32, #tpu.memory_space<hbm>>
          %dma_start3A_359 = tpu.memref_slice %arg4[%add3A_351, %add3A] : memref<160000x128xf32, #tpu.memory_space<hbm>> -> memref<80x32xf32, #tpu.memory_space<hbm>>
          tpu.enqueue_dma source(%dma_start3A_359 : memref<80x32xf32, #tpu.memory_space<hbm>>) target(%arg16 : memref<80x32xf32, #tpu.memory_space<vmem>>) target_semaphore(%arg21 : memref<!tpu.dma_semaphore, #tpu.memory_space<semaphore_mem>>)
          %dma_start3A_360 = arith.constant 0 : i32
          %dma_start3A_361 = arith.constant 0 : i32
          %dma_start3A_362 = tpu.memref_slice %arg18[%dma_start3A_360, %dma_start3A_361] : memref<80x16xf32, #tpu.memory_space<vmem>> -> memref<80x3xf32, #tpu.memory_space<vmem>>
          %dma_start3A_363 = arith.constant 0 : i32
          %dma_start3A_364 = tpu.memref_slice %arg5[%add3A_351, %dma_start3A_363] : memref<160000x3xf32, #tpu.memory_space<hbm>> -> memref<80x3xf32, #tpu.memory_space<hbm>>
          %dma_start3A_365 = arith.constant 0 : i32
          %dma_start3A_366 = arith.constant 0 : i32
          %dma_start3A_367 = tpu.memref_slice %arg18[%dma_start3A_365, %dma_start3A_366] : memref<80x16xf32, #tpu.memory_space<vmem>> -> memref<80x3xf32, #tpu.memory_space<vmem>>
          %dma_start3A_368 = arith.constant 0 : i32
          %dma_start3A_369 = tpu.memref_slice %arg5[%add3A_351, %dma_start3A_368] : memref<160000x3xf32, #tpu.memory_space<hbm>> -> memref<80x3xf32, #tpu.memory_space<hbm>>
          tpu.enqueue_dma source(%dma_start3A_369 : memref<80x3xf32, #tpu.memory_space<hbm>>) target(%dma_start3A_367 : memref<80x3xf32, #tpu.memory_space<vmem>>) target_semaphore(%arg21 : memref<!tpu.dma_semaphore, #tpu.memory_space<semaphore_mem>>)
        } else {
        }
        %dma_start3A_340 = arith.constant 0 : i32
        %dma_start3A_341 = tpu.memref_slice %arg19[%add3A_286, %dma_start3A_340] : memref<125x80xi32, #tpu.memory_space<vmem>> -> memref<1x80xi32, #tpu.memory_space<vmem>>
        %dma_start3A_342 = tpu.memref_squeeze %dma_start3A_341 : memref<1x80xi32, #tpu.memory_space<vmem>> -> memref<80xi32, #tpu.memory_space<vmem>>
        %dma_start3A_343 = arith.constant 0 : i32
        %dma_start3A_344 = arith.constant 0 : i32
        %dma_start3A_345 = arith.constant 0 : i32
        %dma_start3A_346 = tpu.memref_slice %arg28[%dma_start3A_343, %dma_start3A_344, %dma_start3A_345] : memref<10000x3x32xf32, #tpu.memory_space<vmem_shared>> -> memref<10000x3x32xf32, #tpu.memory_space<vmem_shared>>
        tpu.enqueue_indirect_dma source(%arg12 : memref<80x3x32xf32, #tpu.memory_space<vmem>>) target(%dma_start3A_346 : memref<10000x3x32xf32, #tpu.memory_space<vmem_shared>>) offsets(%dma_start3A_342 : memref<80xi32, #tpu.memory_space<vmem>>) semaphore(%arg23 : memref<!tpu.dma_semaphore, #tpu.memory_space<semaphore_mem>>) {add = true}
      }
      %scan3A_101 = arith.constant 62 : i32
      %dma_wait3A = arith.constant 0 : i32
      %dma_wait3A_102 = arith.constant 0 : i32
      %dma_wait3A_103 = arith.constant 0 : i32
      %dma_wait3A_104 = tpu.memref_slice %arg2[%dma_wait3A, %dma_wait3A_102, %dma_wait3A_103] : memref<160000x3x128xf32, #tpu.memory_space<hbm>> -> memref<80x3x32xf32, #tpu.memory_space<hbm>>
      %dma_wait3A_105 = arith.constant 0 : i32
      %dma_wait3A_106 = arith.constant 0 : i32
      %dma_wait3A_107 = arith.constant 0 : i32
      %dma_wait3A_108 = tpu.memref_slice %arg2[%dma_wait3A_105, %dma_wait3A_106, %dma_wait3A_107] : memref<160000x3x128xf32, #tpu.memory_space<hbm>> -> memref<80x3x32xf32, #tpu.memory_space<hbm>>
      tpu.wait_dma2 semaphore(%arg20 : memref<!tpu.dma_semaphore, #tpu.memory_space<semaphore_mem>>) src(%dma_wait3A_108 : memref<80x3x32xf32, #tpu.memory_space<hbm>>) dst(%arg9 : memref<80x3x32xf32, #tpu.memory_space<vmem>>)
      %dma_wait3A_109 = arith.constant 0 : i32
      %dma_wait3A_110 = arith.constant 0 : i32
      %dma_wait3A_111 = tpu.memref_slice %arg3[%dma_wait3A_109, %dma_wait3A_110] : memref<160000x128xf32, #tpu.memory_space<hbm>> -> memref<80x32xf32, #tpu.memory_space<hbm>>
      %dma_wait3A_112 = arith.constant 0 : i32
      %dma_wait3A_113 = arith.constant 0 : i32
      %dma_wait3A_114 = tpu.memref_slice %arg3[%dma_wait3A_112, %dma_wait3A_113] : memref<160000x128xf32, #tpu.memory_space<hbm>> -> memref<80x32xf32, #tpu.memory_space<hbm>>
      tpu.wait_dma2 semaphore(%arg20 : memref<!tpu.dma_semaphore, #tpu.memory_space<semaphore_mem>>) src(%dma_wait3A_114 : memref<80x32xf32, #tpu.memory_space<hbm>>) dst(%arg13 : memref<80x32xf32, #tpu.memory_space<vmem>>)
      %dma_wait3A_115 = arith.constant 0 : i32
      %dma_wait3A_116 = arith.constant 0 : i32
      %dma_wait3A_117 = tpu.memref_slice %arg4[%dma_wait3A_115, %dma_wait3A_116] : memref<160000x128xf32, #tpu.memory_space<hbm>> -> memref<80x32xf32, #tpu.memory_space<hbm>>
      %dma_wait3A_118 = arith.constant 0 : i32
      %dma_wait3A_119 = arith.constant 0 : i32
      %dma_wait3A_120 = tpu.memref_slice %arg4[%dma_wait3A_118, %dma_wait3A_119] : memref<160000x128xf32, #tpu.memory_space<hbm>> -> memref<80x32xf32, #tpu.memory_space<hbm>>
      tpu.wait_dma2 semaphore(%arg20 : memref<!tpu.dma_semaphore, #tpu.memory_space<semaphore_mem>>) src(%dma_wait3A_120 : memref<80x32xf32, #tpu.memory_space<hbm>>) dst(%arg15 : memref<80x32xf32, #tpu.memory_space<vmem>>)
      %dma_wait3A_121 = arith.constant 0 : i32
      %dma_wait3A_122 = arith.constant 0 : i32
      %dma_wait3A_123 = tpu.memref_slice %arg17[%dma_wait3A_121, %dma_wait3A_122] : memref<80x16xf32, #tpu.memory_space<vmem>> -> memref<80x3xf32, #tpu.memory_space<vmem>>
      %dma_wait3A_124 = arith.constant 0 : i32
      %dma_wait3A_125 = arith.constant 0 : i32
      %dma_wait3A_126 = tpu.memref_slice %arg5[%dma_wait3A_124, %dma_wait3A_125] : memref<160000x3xf32, #tpu.memory_space<hbm>> -> memref<80x3xf32, #tpu.memory_space<hbm>>
      %dma_wait3A_127 = arith.constant 0 : i32
      %dma_wait3A_128 = arith.constant 0 : i32
      %dma_wait3A_129 = tpu.memref_slice %arg17[%dma_wait3A_127, %dma_wait3A_128] : memref<80x16xf32, #tpu.memory_space<vmem>> -> memref<80x3xf32, #tpu.memory_space<vmem>>
      %dma_wait3A_130 = arith.constant 0 : i32
      %dma_wait3A_131 = arith.constant 0 : i32
      %dma_wait3A_132 = tpu.memref_slice %arg5[%dma_wait3A_130, %dma_wait3A_131] : memref<160000x3xf32, #tpu.memory_space<hbm>> -> memref<80x3xf32, #tpu.memory_space<hbm>>
      tpu.wait_dma2 semaphore(%arg20 : memref<!tpu.dma_semaphore, #tpu.memory_space<semaphore_mem>>) src(%dma_wait3A_132 : memref<80x3xf32, #tpu.memory_space<hbm>>) dst(%dma_wait3A_129 : memref<80x3xf32, #tpu.memory_space<vmem>>)
      %dma_wait3A_133 = arith.constant 0 : i32
      %dma_wait3A_134 = arith.constant 0 : i32
      %dma_wait3A_135 = tpu.memref_slice %arg19[%dma_wait3A_133, %dma_wait3A_134] : memref<125x80xi32, #tpu.memory_space<vmem>> -> memref<1x80xi32, #tpu.memory_space<vmem>>
      %dma_wait3A_136 = tpu.memref_squeeze %dma_wait3A_135 : memref<1x80xi32, #tpu.memory_space<vmem>> -> memref<80xi32, #tpu.memory_space<vmem>>
      %dma_wait3A_137 = arith.constant 0 : i32
      %dma_wait3A_138 = arith.constant 0 : i32
      %dma_wait3A_139 = arith.constant 0 : i32
      %dma_wait3A_140 = tpu.memref_slice %arg28[%dma_wait3A_137, %dma_wait3A_138, %dma_wait3A_139] : memref<10000x3x32xf32, #tpu.memory_space<vmem_shared>> -> memref<10000x3x32xf32, #tpu.memory_space<vmem_shared>>
      tpu.wait_indirect_dma semaphore(%arg22 : memref<!tpu.dma_semaphore, #tpu.memory_space<semaphore_mem>>) src(%arg11 : memref<80x3x32xf32, #tpu.memory_space<vmem>>) dst(%dma_wait3A_140 : memref<10000x3x32xf32, #tpu.memory_space<vmem_shared>>)
      %scan3A_141 = arith.constant 0 : i32
      %scan3A_142 = arith.constant 0 : i32
      %scan3A_143 = arith.constant 80 : i32
      %scan3A_144 = arith.addi %scan3A_142, %scan3A_143 : i32
      %scan3A_145 = arith.constant 4 : i32
      scf.for %scan3A_223 = %scan3A_142 to %scan3A_144 step %scan3A_145  : i32 {
        %get3A = arith.index_cast %scan3A_223 : i32 to index
        %get3A_224 = arith.constant 0 : index
        %get3A_225 = tpu.vector_load %arg13[%get3A, %get3A_224] {strides = array<i32>} : memref<80x32xf32, #tpu.memory_space<vmem>>, vector<1x16xf32>,
        %get3A_226 = vector.shape_cast %get3A_225 : vector<1x16xf32> to vector<16xf32>
        %get3A_227 = arith.index_cast %scan3A_223 : i32 to index
        %get3A_228 = arith.constant 16 : index
        %get3A_229 = tpu.vector_load %arg13[%get3A_227, %get3A_228] {strides = array<i32>} : memref<80x32xf32, #tpu.memory_space<vmem>>, vector<1x16xf32>,
        %get3A_230 = vector.shape_cast %get3A_229 : vector<1x16xf32> to vector<16xf32>
        %get3A_231 = arith.index_cast %scan3A_223 : i32 to index
        %get3A_232 = arith.constant 0 : index
        %get3A_233 = tpu.vector_load %arg15[%get3A_231, %get3A_232] {strides = array<i32>} : memref<80x32xf32, #tpu.memory_space<vmem>>, vector<1x16xf32>,
        %get3A_234 = vector.shape_cast %get3A_233 : vector<1x16xf32> to vector<16xf32>
        %get3A_235 = arith.index_cast %scan3A_223 : i32 to index
        %get3A_236 = arith.constant 16 : index
        %get3A_237 = tpu.vector_load %arg15[%get3A_235, %get3A_236] {strides = array<i32>} : memref<80x32xf32, #tpu.memory_space<vmem>>, vector<1x16xf32>,
        %get3A_238 = vector.shape_cast %get3A_237 : vector<1x16xf32> to vector<16xf32>
        %get3A_239 = arith.index_cast %scan3A_223 : i32 to index
        %get3A_240 = arith.constant 0 : index
        %get3A_241 = tpu.vector_load %arg17[%get3A_239, %get3A_240] {strides = array<i32>} : memref<80x16xf32, #tpu.memory_space<vmem>>, vector<1x16xf32>,
        %get3A_242 = vector.shape_cast %get3A_241 : vector<1x16xf32> to vector<16xf32>
        %slice3A = vector.extract_strided_slice %get3A_242 {offsets = [0], sizes = [1], strides = [1]} : vector<16xf32> to vector<1xf32>
        %squeeze3A = vector.extract %slice3A[0] : f32 from vector<1xf32>
        %get3A_243 = arith.constant 0 : i32
        %get3A_244 = arith.index_cast %scan3A_223 : i32 to index
        %get3A_245 = arith.index_cast %get3A_243 : i32 to index
        %get3A_246 = arith.constant 0 : index
        %get3A_247 = tpu.vector_load %arg9[%get3A_244, %get3A_245, %get3A_246] {strides = array<i32>} : memref<80x3x32xf32, #tpu.memory_space<vmem>>, vector<1x1x16xf32>,
        %get3A_248 = vector.shape_cast %get3A_247 : vector<1x1x16xf32> to vector<16xf32>
        %mul3A_249 = arith.mulf %get3A_248, %get3A_226 : vector<16xf32>
        %mul3A_250 = vector.broadcast %squeeze3A : f32 to vector<16xf32>
        %mul3A_251 = arith.mulf %get3A_234, %mul3A_250 : vector<16xf32>
        %add3A_252 = arith.addf %mul3A_249, %mul3A_251 : vector<16xf32>
        %swap3A = arith.constant 0 : i32
        %swap3A_253 = arith.index_cast %scan3A_223 : i32 to index
        %swap3A_254 = arith.index_cast %swap3A : i32 to index
        %swap3A_255 = arith.constant 0 : index
        %swap3A_256 = tpu.vector_load %arg11[%swap3A_253, %swap3A_254, %swap3A_255] {strides = array<i32>} : memref<80x3x32xf32, #tpu.memory_space<vmem>>, vector<1x1x16xf32>,
        %swap3A_257 = vector.shape_cast %swap3A_256 : vector<1x1x16xf32> to vector<16xf32>
        %swap3A_258 = vector.shape_cast %add3A_252 : vector<16xf32> to vector<1x1x16xf32>
        tpu.vector_store %arg11[%swap3A_253, %swap3A_254, %swap3A_255], %swap3A_258 {strides = array<i32>} : memref<80x3x32xf32, #tpu.memory_space<vmem>>, vector<1x1x16xf32>,
        %get3A_259 = arith.constant 0 : i32
        %get3A_260 = arith.index_cast %scan3A_223 : i32 to index
        %get3A_261 = arith.index_cast %get3A_259 : i32 to index
        %get3A_262 = arith.constant 16 : index
        %get3A_263 = tpu.vector_load %arg9[%get3A_260, %get3A_261, %get3A_262] {strides = array<i32>} : memref<80x3x32xf32, #tpu.memory_space<vmem>>, vector<1x1x16xf32>,
        %get3A_264 = vector.shape_cast %get3A_263 : vector<1x1x16xf32> to vector<16xf32>
        %mul3A_265 = arith.mulf %get3A_264, %get3A_230 : vector<16xf32>
        %mul3A_266 = vector.broadcast %squeeze3A : f32 to vector<16xf32>
        %mul3A_267 = arith.mulf %get3A_238, %mul3A_266 : vector<16xf32>
        %add3A_268 = arith.addf %mul3A_265, %mul3A_267 : vector<16xf32>
        %swap3A_269 = arith.constant 0 : i32
        %swap3A_270 = arith.index_cast %scan3A_223 : i32 to index
        %swap3A_271 = arith.index_cast %swap3A_269 : i32 to index
        %swap3A_272 = arith.constant 16 : index
        %swap3A_273 = tpu.vector_load %arg11[%swap3A_270, %swap3A_271, %swap3A_272] {strides = array<i32>} : memref<80x3x32xf32, #tpu.memory_space<vmem>>, vector<1x1x16xf32>,
        %swap3A_274 = vector.shape_cast %swap3A_273 : vector<1x1x16xf32> to vector<16xf32>
        %swap3A_275 = vector.shape_cast %add3A_268 : vector<16xf32> to vector<1x1x16xf32>
        tpu.vector_store %arg11[%swap3A_270, %swap3A_271, %swap3A_272], %swap3A_275 {strides = array<i32>} : memref<80x3x32xf32, #tpu.memory_space<vmem>>, vector<1x1x16xf32>,
        %slice3A_276 = vector.extract_strided_slice %get3A_242 {offsets = [1], sizes = [1], strides = [1]} : vector<16xf32> to vector<1xf32>
        %squeeze3A_277 = vector.extract %slice3A_276[0] : f32 from vector<1xf32>
        %get3A_278 = arith.constant 1 : i32
        %get3A_279 = arith.index_cast %scan3A_223 : i32 to index
        %get3A_280 = arith.index_cast %get3A_278 : i32 to index
        %get3A_281 = arith.constant 0 : index
        %get3A_282 = tpu.vector_load %arg9[%get3A_279, %get3A_280, %get3A_281] {strides = array<i32>} : memref<80x3x32xf32, #tpu.memory_space<vmem>>, vector<1x1x16xf32>,
        %get3A_283 = vector.shape_cast %get3A_282 : vector<1x1x16xf32> to vector<16xf32>
        %mul3A_284 = arith.mulf %get3A_283, %get3A_226 : vector<16xf32>
        %mul3A_285 = vector.broadcast %squeeze3A_277 : f32 to vector<16xf32>
        %mul3A_286 = arith.mulf %get3A_234, %mul3A_285 : vector<16xf32>
        %add3A_287 = arith.addf %mul3A_284, %mul3A_286 : vector<16xf32>
        %swap3A_288 = arith.constant 1 : i32
        %swap3A_289 = arith.index_cast %scan3A_223 : i32 to index
        %swap3A_290 = arith.index_cast %swap3A_288 : i32 to index
        %swap3A_291 = arith.constant 0 : index
        %swap3A_292 = tpu.vector_load %arg11[%swap3A_289, %swap3A_290, %swap3A_291] {strides = array<i32>} : memref<80x3x32xf32, #tpu.memory_space<vmem>>, vector<1x1x16xf32>,
        %swap3A_293 = vector.shape_cast %swap3A_292 : vector<1x1x16xf32> to vector<16xf32>
        %swap3A_294 = vector.shape_cast %add3A_287 : vector<16xf32> to vector<1x1x16xf32>
        tpu.vector_store %arg11[%swap3A_289, %swap3A_290, %swap3A_291], %swap3A_294 {strides = array<i32>} : memref<80x3x32xf32, #tpu.memory_space<vmem>>, vector<1x1x16xf32>,
        %get3A_295 = arith.constant 1 : i32
        %get3A_296 = arith.index_cast %scan3A_223 : i32 to index
        %get3A_297 = arith.index_cast %get3A_295 : i32 to index
        %get3A_298 = arith.constant 16 : index
        %get3A_299 = tpu.vector_load %arg9[%get3A_296, %get3A_297, %get3A_298] {strides = array<i32>} : memref<80x3x32xf32, #tpu.memory_space<vmem>>, vector<1x1x16xf32>,
        %get3A_300 = vector.shape_cast %get3A_299 : vector<1x1x16xf32> to vector<16xf32>
        %mul3A_301 = arith.mulf %get3A_300, %get3A_230 : vector<16xf32>
        %mul3A_302 = vector.broadcast %squeeze3A_277 : f32 to vector<16xf32>
        %mul3A_303 = arith.mulf %get3A_238, %mul3A_302 : vector<16xf32>
        %add3A_304 = arith.addf %mul3A_301, %mul3A_303 : vector<16xf32>
        %swap3A_305 = arith.constant 1 : i32
        %swap3A_306 = arith.index_cast %scan3A_223 : i32 to index
        %swap3A_307 = arith.index_cast %swap3A_305 : i32 to index
        %swap3A_308 = arith.constant 16 : index
        %swap3A_309 = tpu.vector_load %arg11[%swap3A_306, %swap3A_307, %swap3A_308] {strides = array<i32>} : memref<80x3x32xf32, #tpu.memory_space<vmem>>, vector<1x1x16xf32>,
        %swap3A_310 = vector.shape_cast %swap3A_309 : vector<1x1x16xf32> to vector<16xf32>
        %swap3A_311 = vector.shape_cast %add3A_304 : vector<16xf32> to vector<1x1x16xf32>
        tpu.vector_store %arg11[%swap3A_306, %swap3A_307, %swap3A_308], %swap3A_311 {strides = array<i32>} : memref<80x3x32xf32, #tpu.memory_space<vmem>>, vector<1x1x16xf32>,
        %slice3A_312 = vector.extract_strided_slice %get3A_242 {offsets = [2], sizes = [1], strides = [1]} : vector<16xf32> to vector<1xf32>
        %squeeze3A_313 = vector.extract %slice3A_312[0] : f32 from vector<1xf32>
        %get3A_314 = arith.constant 2 : i32
        %get3A_315 = arith.index_cast %scan3A_223 : i32 to index
        %get3A_316 = arith.index_cast %get3A_314 : i32 to index
        %get3A_317 = arith.constant 0 : index
        %get3A_318 = tpu.vector_load %arg9[%get3A_315, %get3A_316, %get3A_317] {strides = array<i32>} : memref<80x3x32xf32, #tpu.memory_space<vmem>>, vector<1x1x16xf32>,
        %get3A_319 = vector.shape_cast %get3A_318 : vector<1x1x16xf32> to vector<16xf32>
        %mul3A_320 = arith.mulf %get3A_319, %get3A_226 : vector<16xf32>
        %mul3A_321 = vector.broadcast %squeeze3A_313 : f32 to vector<16xf32>
        %mul3A_322 = arith.mulf %get3A_234, %mul3A_321 : vector<16xf32>
        %add3A_323 = arith.addf %mul3A_320, %mul3A_322 : vector<16xf32>
        %swap3A_324 = arith.constant 2 : i32
        %swap3A_325 = arith.index_cast %scan3A_223 : i32 to index
        %swap3A_326 = arith.index_cast %swap3A_324 : i32 to index
        %swap3A_327 = arith.constant 0 : index
        %swap3A_328 = tpu.vector_load %arg11[%swap3A_325, %swap3A_326, %swap3A_327] {strides = array<i32>} : memref<80x3x32xf32, #tpu.memory_space<vmem>>, vector<1x1x16xf32>,
        %swap3A_329 = vector.shape_cast %swap3A_328 : vector<1x1x16xf32> to vector<16xf32>
        %swap3A_330 = vector.shape_cast %add3A_323 : vector<16xf32> to vector<1x1x16xf32>
        tpu.vector_store %arg11[%swap3A_325, %swap3A_326, %swap3A_327], %swap3A_330 {strides = array<i32>} : memref<80x3x32xf32, #tpu.memory_space<vmem>>, vector<1x1x16xf32>,
        %get3A_331 = arith.constant 2 : i32
        %get3A_332 = arith.index_cast %scan3A_223 : i32 to index
        %get3A_333 = arith.index_cast %get3A_331 : i32 to index
        %get3A_334 = arith.constant 16 : index
        %get3A_335 = tpu.vector_load %arg9[%get3A_332, %get3A_333, %get3A_334] {strides = array<i32>} : memref<80x3x32xf32, #tpu.memory_space<vmem>>, vector<1x1x16xf32>,
        %get3A_336 = vector.shape_cast %get3A_335 : vector<1x1x16xf32> to vector<16xf32>
        %mul3A_337 = arith.mulf %get3A_336, %get3A_230 : vector<16xf32>
        %mul3A_338 = vector.broadcast %squeeze3A_313 : f32 to vector<16xf32>
        %mul3A_339 = arith.mulf %get3A_238, %mul3A_338 : vector<16xf32>
        %add3A_340 = arith.addf %mul3A_337, %mul3A_339 : vector<16xf32>
        %swap3A_341 = arith.constant 2 : i32
        %swap3A_342 = arith.index_cast %scan3A_223 : i32 to index
        %swap3A_343 = arith.index_cast %swap3A_341 : i32 to index
        %swap3A_344 = arith.constant 16 : index
        %swap3A_345 = tpu.vector_load %arg11[%swap3A_342, %swap3A_343, %swap3A_344] {strides = array<i32>} : memref<80x3x32xf32, #tpu.memory_space<vmem>>, vector<1x1x16xf32>,
        %swap3A_346 = vector.shape_cast %swap3A_345 : vector<1x1x16xf32> to vector<16xf32>
        %swap3A_347 = vector.shape_cast %add3A_340 : vector<16xf32> to vector<1x1x16xf32>
        tpu.vector_store %arg11[%swap3A_342, %swap3A_343, %swap3A_344], %swap3A_347 {strides = array<i32>} : memref<80x3x32xf32, #tpu.memory_space<vmem>>, vector<1x1x16xf32>,
        %scan3A_348 = arith.constant 1 : i32
        %scan3A_349 = arith.addi %scan3A_223, %scan3A_348 : i32
        %get3A_350 = arith.index_cast %scan3A_349 : i32 to index
        %get3A_351 = arith.constant 0 : index
        %get3A_352 = tpu.vector_load %arg13[%get3A_350, %get3A_351] {strides = array<i32>} : memref<80x32xf32, #tpu.memory_space<vmem>>, vector<1x16xf32>,
        %get3A_353 = vector.shape_cast %get3A_352 : vector<1x16xf32> to vector<16xf32>
        %get3A_354 = arith.index_cast %scan3A_349 : i32 to index
        %get3A_355 = arith.constant 16 : index
        %get3A_356 = tpu.vector_load %arg13[%get3A_354, %get3A_355] {strides = array<i32>} : memref<80x32xf32, #tpu.memory_space<vmem>>, vector<1x16xf32>,
        %get3A_357 = vector.shape_cast %get3A_356 : vector<1x16xf32> to vector<16xf32>
        %get3A_358 = arith.index_cast %scan3A_349 : i32 to index
        %get3A_359 = arith.constant 0 : index
        %get3A_360 = tpu.vector_load %arg15[%get3A_358, %get3A_359] {strides = array<i32>} : memref<80x32xf32, #tpu.memory_space<vmem>>, vector<1x16xf32>,
        %get3A_361 = vector.shape_cast %get3A_360 : vector<1x16xf32> to vector<16xf32>
        %get3A_362 = arith.index_cast %scan3A_349 : i32 to index
        %get3A_363 = arith.constant 16 : index
        %get3A_364 = tpu.vector_load %arg15[%get3A_362, %get3A_363] {strides = array<i32>} : memref<80x32xf32, #tpu.memory_space<vmem>>, vector<1x16xf32>,
        %get3A_365 = vector.shape_cast %get3A_364 : vector<1x16xf32> to vector<16xf32>
        %get3A_366 = arith.index_cast %scan3A_349 : i32 to index
        %get3A_367 = arith.constant 0 : index
        %get3A_368 = tpu.vector_load %arg17[%get3A_366, %get3A_367] {strides = array<i32>} : memref<80x16xf32, #tpu.memory_space<vmem>>, vector<1x16xf32>,
        %get3A_369 = vector.shape_cast %get3A_368 : vector<1x16xf32> to vector<16xf32>
        %slice3A_370 = vector.extract_strided_slice %get3A_369 {offsets = [0], sizes = [1], strides = [1]} : vector<16xf32> to vector<1xf32>
        %squeeze3A_371 = vector.extract %slice3A_370[0] : f32 from vector<1xf32>
        %get3A_372 = arith.constant 0 : i32
        %get3A_373 = arith.index_cast %scan3A_349 : i32 to index
        %get3A_374 = arith.index_cast %get3A_372 : i32 to index
        %get3A_375 = arith.constant 0 : index
        %get3A_376 = tpu.vector_load %arg9[%get3A_373, %get3A_374, %get3A_375] {strides = array<i32>} : memref<80x3x32xf32, #tpu.memory_space<vmem>>, vector<1x1x16xf32>,
        %get3A_377 = vector.shape_cast %get3A_376 : vector<1x1x16xf32> to vector<16xf32>
        %mul3A_378 = arith.mulf %get3A_377, %get3A_353 : vector<16xf32>
        %mul3A_379 = vector.broadcast %squeeze3A_371 : f32 to vector<16xf32>
        %mul3A_380 = arith.mulf %get3A_361, %mul3A_379 : vector<16xf32>
        %add3A_381 = arith.addf %mul3A_378, %mul3A_380 : vector<16xf32>
        %swap3A_382 = arith.constant 0 : i32
        %swap3A_383 = arith.index_cast %scan3A_349 : i32 to index
        %swap3A_384 = arith.index_cast %swap3A_382 : i32 to index
        %swap3A_385 = arith.constant 0 : index
        %swap3A_386 = tpu.vector_load %arg11[%swap3A_383, %swap3A_384, %swap3A_385] {strides = array<i32>} : memref<80x3x32xf32, #tpu.memory_space<vmem>>, vector<1x1x16xf32>,
        %swap3A_387 = vector.shape_cast %swap3A_386 : vector<1x1x16xf32> to vector<16xf32>
        %swap3A_388 = vector.shape_cast %add3A_381 : vector<16xf32> to vector<1x1x16xf32>
        tpu.vector_store %arg11[%swap3A_383, %swap3A_384, %swap3A_385], %swap3A_388 {strides = array<i32>} : memref<80x3x32xf32, #tpu.memory_space<vmem>>, vector<1x1x16xf32>,
        %get3A_389 = arith.constant 0 : i32
        %get3A_390 = arith.index_cast %scan3A_349 : i32 to index
        %get3A_391 = arith.index_cast %get3A_389 : i32 to index
        %get3A_392 = arith.constant 16 : index
        %get3A_393 = tpu.vector_load %arg9[%get3A_390, %get3A_391, %get3A_392] {strides = array<i32>} : memref<80x3x32xf32, #tpu.memory_space<vmem>>, vector<1x1x16xf32>,
        %get3A_394 = vector.shape_cast %get3A_393 : vector<1x1x16xf32> to vector<16xf32>
        %mul3A_395 = arith.mulf %get3A_394, %get3A_357 : vector<16xf32>
        %mul3A_396 = vector.broadcast %squeeze3A_371 : f32 to vector<16xf32>
        %mul3A_397 = arith.mulf %get3A_365, %mul3A_396 : vector<16xf32>
        %add3A_398 = arith.addf %mul3A_395, %mul3A_397 : vector<16xf32>
        %swap3A_399 = arith.constant 0 : i32
        %swap3A_400 = arith.index_cast %scan3A_349 : i32 to index
        %swap3A_401 = arith.index_cast %swap3A_399 : i32 to index
        %swap3A_402 = arith.constant 16 : index
        %swap3A_403 = tpu.vector_load %arg11[%swap3A_400, %swap3A_401, %swap3A_402] {strides = array<i32>} : memref<80x3x32xf32, #tpu.memory_space<vmem>>, vector<1x1x16xf32>,
        %swap3A_404 = vector.shape_cast %swap3A_403 : vector<1x1x16xf32> to vector<16xf32>
        %swap3A_405 = vector.shape_cast %add3A_398 : vector<16xf32> to vector<1x1x16xf32>
        tpu.vector_store %arg11[%swap3A_400, %swap3A_401, %swap3A_402], %swap3A_405 {strides = array<i32>} : memref<80x3x32xf32, #tpu.memory_space<vmem>>, vector<1x1x16xf32>,
        %slice3A_406 = vector.extract_strided_slice %get3A_369 {offsets = [1], sizes = [1], strides = [1]} : vector<16xf32> to vector<1xf32>
        %squeeze3A_407 = vector.extract %slice3A_406[0] : f32 from vector<1xf32>
        %get3A_408 = arith.constant 1 : i32
        %get3A_409 = arith.index_cast %scan3A_349 : i32 to index
        %get3A_410 = arith.index_cast %get3A_408 : i32 to index
        %get3A_411 = arith.constant 0 : index
        %get3A_412 = tpu.vector_load %arg9[%get3A_409, %get3A_410, %get3A_411] {strides = array<i32>} : memref<80x3x32xf32, #tpu.memory_space<vmem>>, vector<1x1x16xf32>,
        %get3A_413 = vector.shape_cast %get3A_412 : vector<1x1x16xf32> to vector<16xf32>
        %mul3A_414 = arith.mulf %get3A_413, %get3A_353 : vector<16xf32>
        %mul3A_415 = vector.broadcast %squeeze3A_407 : f32 to vector<16xf32>
        %mul3A_416 = arith.mulf %get3A_361, %mul3A_415 : vector<16xf32>
        %add3A_417 = arith.addf %mul3A_414, %mul3A_416 : vector<16xf32>
        %swap3A_418 = arith.constant 1 : i32
        %swap3A_419 = arith.index_cast %scan3A_349 : i32 to index
        %swap3A_420 = arith.index_cast %swap3A_418 : i32 to index
        %swap3A_421 = arith.constant 0 : index
        %swap3A_422 = tpu.vector_load %arg11[%swap3A_419, %swap3A_420, %swap3A_421] {strides = array<i32>} : memref<80x3x32xf32, #tpu.memory_space<vmem>>, vector<1x1x16xf32>,
        %swap3A_423 = vector.shape_cast %swap3A_422 : vector<1x1x16xf32> to vector<16xf32>
        %swap3A_424 = vector.shape_cast %add3A_417 : vector<16xf32> to vector<1x1x16xf32>
        tpu.vector_store %arg11[%swap3A_419, %swap3A_420, %swap3A_421], %swap3A_424 {strides = array<i32>} : memref<80x3x32xf32, #tpu.memory_space<vmem>>, vector<1x1x16xf32>,
        %get3A_425 = arith.constant 1 : i32
        %get3A_426 = arith.index_cast %scan3A_349 : i32 to index
        %get3A_427 = arith.index_cast %get3A_425 : i32 to index
        %get3A_428 = arith.constant 16 : index
        %get3A_429 = tpu.vector_load %arg9[%get3A_426, %get3A_427, %get3A_428] {strides = array<i32>} : memref<80x3x32xf32, #tpu.memory_space<vmem>>, vector<1x1x16xf32>,
        %get3A_430 = vector.shape_cast %get3A_429 : vector<1x1x16xf32> to vector<16xf32>
        %mul3A_431 = arith.mulf %get3A_430, %get3A_357 : vector<16xf32>
        %mul3A_432 = vector.broadcast %squeeze3A_407 : f32 to vector<16xf32>
        %mul3A_433 = arith.mulf %get3A_365, %mul3A_432 : vector<16xf32>
        %add3A_434 = arith.addf %mul3A_431, %mul3A_433 : vector<16xf32>
        %swap3A_435 = arith.constant 1 : i32
        %swap3A_436 = arith.index_cast %scan3A_349 : i32 to index
        %swap3A_437 = arith.index_cast %swap3A_435 : i32 to index
        %swap3A_438 = arith.constant 16 : index
        %swap3A_439 = tpu.vector_load %arg11[%swap3A_436, %swap3A_437, %swap3A_438] {strides = array<i32>} : memref<80x3x32xf32, #tpu.memory_space<vmem>>, vector<1x1x16xf32>,
        %swap3A_440 = vector.shape_cast %swap3A_439 : vector<1x1x16xf32> to vector<16xf32>
        %swap3A_441 = vector.shape_cast %add3A_434 : vector<16xf32> to vector<1x1x16xf32>
        tpu.vector_store %arg11[%swap3A_436, %swap3A_437, %swap3A_438], %swap3A_441 {strides = array<i32>} : memref<80x3x32xf32, #tpu.memory_space<vmem>>, vector<1x1x16xf32>,
        %slice3A_442 = vector.extract_strided_slice %get3A_369 {offsets = [2], sizes = [1], strides = [1]} : vector<16xf32> to vector<1xf32>
        %squeeze3A_443 = vector.extract %slice3A_442[0] : f32 from vector<1xf32>
        %get3A_444 = arith.constant 2 : i32
        %get3A_445 = arith.index_cast %scan3A_349 : i32 to index
        %get3A_446 = arith.index_cast %get3A_444 : i32 to index
        %get3A_447 = arith.constant 0 : index
        %get3A_448 = tpu.vector_load %arg9[%get3A_445, %get3A_446, %get3A_447] {strides = array<i32>} : memref<80x3x32xf32, #tpu.memory_space<vmem>>, vector<1x1x16xf32>,
        %get3A_449 = vector.shape_cast %get3A_448 : vector<1x1x16xf32> to vector<16xf32>
        %mul3A_450 = arith.mulf %get3A_449, %get3A_353 : vector<16xf32>
        %mul3A_451 = vector.broadcast %squeeze3A_443 : f32 to vector<16xf32>
        %mul3A_452 = arith.mulf %get3A_361, %mul3A_451 : vector<16xf32>
        %add3A_453 = arith.addf %mul3A_450, %mul3A_452 : vector<16xf32>
        %swap3A_454 = arith.constant 2 : i32
        %swap3A_455 = arith.index_cast %scan3A_349 : i32 to index
        %swap3A_456 = arith.index_cast %swap3A_454 : i32 to index
        %swap3A_457 = arith.constant 0 : index
        %swap3A_458 = tpu.vector_load %arg11[%swap3A_455, %swap3A_456, %swap3A_457] {strides = array<i32>} : memref<80x3x32xf32, #tpu.memory_space<vmem>>, vector<1x1x16xf32>,
        %swap3A_459 = vector.shape_cast %swap3A_458 : vector<1x1x16xf32> to vector<16xf32>
        %swap3A_460 = vector.shape_cast %add3A_453 : vector<16xf32> to vector<1x1x16xf32>
        tpu.vector_store %arg11[%swap3A_455, %swap3A_456, %swap3A_457], %swap3A_460 {strides = array<i32>} : memref<80x3x32xf32, #tpu.memory_space<vmem>>, vector<1x1x16xf32>,
        %get3A_461 = arith.constant 2 : i32
        %get3A_462 = arith.index_cast %scan3A_349 : i32 to index
        %get3A_463 = arith.index_cast %get3A_461 : i32 to index
        %get3A_464 = arith.constant 16 : index
        %get3A_465 = tpu.vector_load %arg9[%get3A_462, %get3A_463, %get3A_464] {strides = array<i32>} : memref<80x3x32xf32, #tpu.memory_space<vmem>>, vector<1x1x16xf32>,
        %get3A_466 = vector.shape_cast %get3A_465 : vector<1x1x16xf32> to vector<16xf32>
        %mul3A_467 = arith.mulf %get3A_466, %get3A_357 : vector<16xf32>
        %mul3A_468 = vector.broadcast %squeeze3A_443 : f32 to vector<16xf32>
        %mul3A_469 = arith.mulf %get3A_365, %mul3A_468 : vector<16xf32>
        %add3A_470 = arith.addf %mul3A_467, %mul3A_469 : vector<16xf32>
        %swap3A_471 = arith.constant 2 : i32
        %swap3A_472 = arith.index_cast %scan3A_349 : i32 to index
        %swap3A_473 = arith.index_cast %swap3A_471 : i32 to index
        %swap3A_474 = arith.constant 16 : index
        %swap3A_475 = tpu.vector_load %arg11[%swap3A_472, %swap3A_473, %swap3A_474] {strides = array<i32>} : memref<80x3x32xf32, #tpu.memory_space<vmem>>, vector<1x1x16xf32>,
        %swap3A_476 = vector.shape_cast %swap3A_475 : vector<1x1x16xf32> to vector<16xf32>
        %swap3A_477 = vector.shape_cast %add3A_470 : vector<16xf32> to vector<1x1x16xf32>
        tpu.vector_store %arg11[%swap3A_472, %swap3A_473, %swap3A_474], %swap3A_477 {strides = array<i32>} : memref<80x3x32xf32, #tpu.memory_space<vmem>>, vector<1x1x16xf32>,
        %scan3A_478 = arith.constant 2 : i32
        %scan3A_479 = arith.addi %scan3A_223, %scan3A_478 : i32
        %get3A_480 = arith.index_cast %scan3A_479 : i32 to index
        %get3A_481 = arith.constant 0 : index
        %get3A_482 = tpu.vector_load %arg13[%get3A_480, %get3A_481] {strides = array<i32>} : memref<80x32xf32, #tpu.memory_space<vmem>>, vector<1x16xf32>,
        %get3A_483 = vector.shape_cast %get3A_482 : vector<1x16xf32> to vector<16xf32>
        %get3A_484 = arith.index_cast %scan3A_479 : i32 to index
        %get3A_485 = arith.constant 16 : index
        %get3A_486 = tpu.vector_load %arg13[%get3A_484, %get3A_485] {strides = array<i32>} : memref<80x32xf32, #tpu.memory_space<vmem>>, vector<1x16xf32>,
        %get3A_487 = vector.shape_cast %get3A_486 : vector<1x16xf32> to vector<16xf32>
        %get3A_488 = arith.index_cast %scan3A_479 : i32 to index
        %get3A_489 = arith.constant 0 : index
        %get3A_490 = tpu.vector_load %arg15[%get3A_488, %get3A_489] {strides = array<i32>} : memref<80x32xf32, #tpu.memory_space<vmem>>, vector<1x16xf32>,
        %get3A_491 = vector.shape_cast %get3A_490 : vector<1x16xf32> to vector<16xf32>
        %get3A_492 = arith.index_cast %scan3A_479 : i32 to index
        %get3A_493 = arith.constant 16 : index
        %get3A_494 = tpu.vector_load %arg15[%get3A_492, %get3A_493] {strides = array<i32>} : memref<80x32xf32, #tpu.memory_space<vmem>>, vector<1x16xf32>,
        %get3A_495 = vector.shape_cast %get3A_494 : vector<1x16xf32> to vector<16xf32>
        %get3A_496 = arith.index_cast %scan3A_479 : i32 to index
        %get3A_497 = arith.constant 0 : index
        %get3A_498 = tpu.vector_load %arg17[%get3A_496, %get3A_497] {strides = array<i32>} : memref<80x16xf32, #tpu.memory_space<vmem>>, vector<1x16xf32>,
        %get3A_499 = vector.shape_cast %get3A_498 : vector<1x16xf32> to vector<16xf32>
        %slice3A_500 = vector.extract_strided_slice %get3A_499 {offsets = [0], sizes = [1], strides = [1]} : vector<16xf32> to vector<1xf32>
        %squeeze3A_501 = vector.extract %slice3A_500[0] : f32 from vector<1xf32>
        %get3A_502 = arith.constant 0 : i32
        %get3A_503 = arith.index_cast %scan3A_479 : i32 to index
        %get3A_504 = arith.index_cast %get3A_502 : i32 to index
        %get3A_505 = arith.constant 0 : index
        %get3A_506 = tpu.vector_load %arg9[%get3A_503, %get3A_504, %get3A_505] {strides = array<i32>} : memref<80x3x32xf32, #tpu.memory_space<vmem>>, vector<1x1x16xf32>,
        %get3A_507 = vector.shape_cast %get3A_506 : vector<1x1x16xf32> to vector<16xf32>
        %mul3A_508 = arith.mulf %get3A_507, %get3A_483 : vector<16xf32>
        %mul3A_509 = vector.broadcast %squeeze3A_501 : f32 to vector<16xf32>
        %mul3A_510 = arith.mulf %get3A_491, %mul3A_509 : vector<16xf32>
        %add3A_511 = arith.addf %mul3A_508, %mul3A_510 : vector<16xf32>
        %swap3A_512 = arith.constant 0 : i32
        %swap3A_513 = arith.index_cast %scan3A_479 : i32 to index
        %swap3A_514 = arith.index_cast %swap3A_512 : i32 to index
        %swap3A_515 = arith.constant 0 : index
        %swap3A_516 = tpu.vector_load %arg11[%swap3A_513, %swap3A_514, %swap3A_515] {strides = array<i32>} : memref<80x3x32xf32, #tpu.memory_space<vmem>>, vector<1x1x16xf32>,
        %swap3A_517 = vector.shape_cast %swap3A_516 : vector<1x1x16xf32> to vector<16xf32>
        %swap3A_518 = vector.shape_cast %add3A_511 : vector<16xf32> to vector<1x1x16xf32>
        tpu.vector_store %arg11[%swap3A_513, %swap3A_514, %swap3A_515], %swap3A_518 {strides = array<i32>} : memref<80x3x32xf32, #tpu.memory_space<vmem>>, vector<1x1x16xf32>,
        %get3A_519 = arith.constant 0 : i32
        %get3A_520 = arith.index_cast %scan3A_479 : i32 to index
        %get3A_521 = arith.index_cast %get3A_519 : i32 to index
        %get3A_522 = arith.constant 16 : index
        %get3A_523 = tpu.vector_load %arg9[%get3A_520, %get3A_521, %get3A_522] {strides = array<i32>} : memref<80x3x32xf32, #tpu.memory_space<vmem>>, vector<1x1x16xf32>,
        %get3A_524 = vector.shape_cast %get3A_523 : vector<1x1x16xf32> to vector<16xf32>
        %mul3A_525 = arith.mulf %get3A_524, %get3A_487 : vector<16xf32>
        %mul3A_526 = vector.broadcast %squeeze3A_501 : f32 to vector<16xf32>
        %mul3A_527 = arith.mulf %get3A_495, %mul3A_526 : vector<16xf32>
        %add3A_528 = arith.addf %mul3A_525, %mul3A_527 : vector<16xf32>
        %swap3A_529 = arith.constant 0 : i32
        %swap3A_530 = arith.index_cast %scan3A_479 : i32 to index
        %swap3A_531 = arith.index_cast %swap3A_529 : i32 to index
        %swap3A_532 = arith.constant 16 : index
        %swap3A_533 = tpu.vector_load %arg11[%swap3A_530, %swap3A_531, %swap3A_532] {strides = array<i32>} : memref<80x3x32xf32, #tpu.memory_space<vmem>>, vector<1x1x16xf32>,
        %swap3A_534 = vector.shape_cast %swap3A_533 : vector<1x1x16xf32> to vector<16xf32>
        %swap3A_535 = vector.shape_cast %add3A_528 : vector<16xf32> to vector<1x1x16xf32>
        tpu.vector_store %arg11[%swap3A_530, %swap3A_531, %swap3A_532], %swap3A_535 {strides = array<i32>} : memref<80x3x32xf32, #tpu.memory_space<vmem>>, vector<1x1x16xf32>,
        %slice3A_536 = vector.extract_strided_slice %get3A_499 {offsets = [1], sizes = [1], strides = [1]} : vector<16xf32> to vector<1xf32>
        %squeeze3A_537 = vector.extract %slice3A_536[0] : f32 from vector<1xf32>
        %get3A_538 = arith.constant 1 : i32
        %get3A_539 = arith.index_cast %scan3A_479 : i32 to index
        %get3A_540 = arith.index_cast %get3A_538 : i32 to index
        %get3A_541 = arith.constant 0 : index
        %get3A_542 = tpu.vector_load %arg9[%get3A_539, %get3A_540, %get3A_541] {strides = array<i32>} : memref<80x3x32xf32, #tpu.memory_space<vmem>>, vector<1x1x16xf32>,
        %get3A_543 = vector.shape_cast %get3A_542 : vector<1x1x16xf32> to vector<16xf32>
        %mul3A_544 = arith.mulf %get3A_543, %get3A_483 : vector<16xf32>
        %mul3A_545 = vector.broadcast %squeeze3A_537 : f32 to vector<16xf32>
        %mul3A_546 = arith.mulf %get3A_491, %mul3A_545 : vector<16xf32>
        %add3A_547 = arith.addf %mul3A_544, %mul3A_546 : vector<16xf32>
        %swap3A_548 = arith.constant 1 : i32
        %swap3A_549 = arith.index_cast %scan3A_479 : i32 to index
        %swap3A_550 = arith.index_cast %swap3A_548 : i32 to index
        %swap3A_551 = arith.constant 0 : index
        %swap3A_552 = tpu.vector_load %arg11[%swap3A_549, %swap3A_550, %swap3A_551] {strides = array<i32>} : memref<80x3x32xf32, #tpu.memory_space<vmem>>, vector<1x1x16xf32>,
        %swap3A_553 = vector.shape_cast %swap3A_552 : vector<1x1x16xf32> to vector<16xf32>
        %swap3A_554 = vector.shape_cast %add3A_547 : vector<16xf32> to vector<1x1x16xf32>
        tpu.vector_store %arg11[%swap3A_549, %swap3A_550, %swap3A_551], %swap3A_554 {strides = array<i32>} : memref<80x3x32xf32, #tpu.memory_space<vmem>>, vector<1x1x16xf32>,
        %get3A_555 = arith.constant 1 : i32
        %get3A_556 = arith.index_cast %scan3A_479 : i32 to index
        %get3A_557 = arith.index_cast %get3A_555 : i32 to index
        %get3A_558 = arith.constant 16 : index
        %get3A_559 = tpu.vector_load %arg9[%get3A_556, %get3A_557, %get3A_558] {strides = array<i32>} : memref<80x3x32xf32, #tpu.memory_space<vmem>>, vector<1x1x16xf32>,
        %get3A_560 = vector.shape_cast %get3A_559 : vector<1x1x16xf32> to vector<16xf32>
        %mul3A_561 = arith.mulf %get3A_560, %get3A_487 : vector<16xf32>
        %mul3A_562 = vector.broadcast %squeeze3A_537 : f32 to vector<16xf32>
        %mul3A_563 = arith.mulf %get3A_495, %mul3A_562 : vector<16xf32>
        %add3A_564 = arith.addf %mul3A_561, %mul3A_563 : vector<16xf32>
        %swap3A_565 = arith.constant 1 : i32
        %swap3A_566 = arith.index_cast %scan3A_479 : i32 to index
        %swap3A_567 = arith.index_cast %swap3A_565 : i32 to index
        %swap3A_568 = arith.constant 16 : index
        %swap3A_569 = tpu.vector_load %arg11[%swap3A_566, %swap3A_567, %swap3A_568] {strides = array<i32>} : memref<80x3x32xf32, #tpu.memory_space<vmem>>, vector<1x1x16xf32>,
        %swap3A_570 = vector.shape_cast %swap3A_569 : vector<1x1x16xf32> to vector<16xf32>
        %swap3A_571 = vector.shape_cast %add3A_564 : vector<16xf32> to vector<1x1x16xf32>
        tpu.vector_store %arg11[%swap3A_566, %swap3A_567, %swap3A_568], %swap3A_571 {strides = array<i32>} : memref<80x3x32xf32, #tpu.memory_space<vmem>>, vector<1x1x16xf32>,
        %slice3A_572 = vector.extract_strided_slice %get3A_499 {offsets = [2], sizes = [1], strides = [1]} : vector<16xf32> to vector<1xf32>
        %squeeze3A_573 = vector.extract %slice3A_572[0] : f32 from vector<1xf32>
        %get3A_574 = arith.constant 2 : i32
        %get3A_575 = arith.index_cast %scan3A_479 : i32 to index
        %get3A_576 = arith.index_cast %get3A_574 : i32 to index
        %get3A_577 = arith.constant 0 : index
        %get3A_578 = tpu.vector_load %arg9[%get3A_575, %get3A_576, %get3A_577] {strides = array<i32>} : memref<80x3x32xf32, #tpu.memory_space<vmem>>, vector<1x1x16xf32>,
        %get3A_579 = vector.shape_cast %get3A_578 : vector<1x1x16xf32> to vector<16xf32>
        %mul3A_580 = arith.mulf %get3A_579, %get3A_483 : vector<16xf32>
        %mul3A_581 = vector.broadcast %squeeze3A_573 : f32 to vector<16xf32>
        %mul3A_582 = arith.mulf %get3A_491, %mul3A_581 : vector<16xf32>
        %add3A_583 = arith.addf %mul3A_580, %mul3A_582 : vector<16xf32>
        %swap3A_584 = arith.constant 2 : i32
        %swap3A_585 = arith.index_cast %scan3A_479 : i32 to index
        %swap3A_586 = arith.index_cast %swap3A_584 : i32 to index
        %swap3A_587 = arith.constant 0 : index
        %swap3A_588 = tpu.vector_load %arg11[%swap3A_585, %swap3A_586, %swap3A_587] {strides = array<i32>} : memref<80x3x32xf32, #tpu.memory_space<vmem>>, vector<1x1x16xf32>,
        %swap3A_589 = vector.shape_cast %swap3A_588 : vector<1x1x16xf32> to vector<16xf32>
        %swap3A_590 = vector.shape_cast %add3A_583 : vector<16xf32> to vector<1x1x16xf32>
        tpu.vector_store %arg11[%swap3A_585, %swap3A_586, %swap3A_587], %swap3A_590 {strides = array<i32>} : memref<80x3x32xf32, #tpu.memory_space<vmem>>, vector<1x1x16xf32>,
        %get3A_591 = arith.constant 2 : i32
        %get3A_592 = arith.index_cast %scan3A_479 : i32 to index
        %get3A_593 = arith.index_cast %get3A_591 : i32 to index
        %get3A_594 = arith.constant 16 : index
        %get3A_595 = tpu.vector_load %arg9[%get3A_592, %get3A_593, %get3A_594] {strides = array<i32>} : memref<80x3x32xf32, #tpu.memory_space<vmem>>, vector<1x1x16xf32>,
        %get3A_596 = vector.shape_cast %get3A_595 : vector<1x1x16xf32> to vector<16xf32>
        %mul3A_597 = arith.mulf %get3A_596, %get3A_487 : vector<16xf32>
        %mul3A_598 = vector.broadcast %squeeze3A_573 : f32 to vector<16xf32>
        %mul3A_599 = arith.mulf %get3A_495, %mul3A_598 : vector<16xf32>
        %add3A_600 = arith.addf %mul3A_597, %mul3A_599 : vector<16xf32>
        %swap3A_601 = arith.constant 2 : i32
        %swap3A_602 = arith.index_cast %scan3A_479 : i32 to index
        %swap3A_603 = arith.index_cast %swap3A_601 : i32 to index
        %swap3A_604 = arith.constant 16 : index
        %swap3A_605 = tpu.vector_load %arg11[%swap3A_602, %swap3A_603, %swap3A_604] {strides = array<i32>} : memref<80x3x32xf32, #tpu.memory_space<vmem>>, vector<1x1x16xf32>,
        %swap3A_606 = vector.shape_cast %swap3A_605 : vector<1x1x16xf32> to vector<16xf32>
        %swap3A_607 = vector.shape_cast %add3A_600 : vector<16xf32> to vector<1x1x16xf32>
        tpu.vector_store %arg11[%swap3A_602, %swap3A_603, %swap3A_604], %swap3A_607 {strides = array<i32>} : memref<80x3x32xf32, #tpu.memory_space<vmem>>, vector<1x1x16xf32>,
        %scan3A_608 = arith.constant 3 : i32
        %scan3A_609 = arith.addi %scan3A_223, %scan3A_608 : i32
        %get3A_610 = arith.index_cast %scan3A_609 : i32 to index
        %get3A_611 = arith.constant 0 : index
        %get3A_612 = tpu.vector_load %arg13[%get3A_610, %get3A_611] {strides = array<i32>} : memref<80x32xf32, #tpu.memory_space<vmem>>, vector<1x16xf32>,
        %get3A_613 = vector.shape_cast %get3A_612 : vector<1x16xf32> to vector<16xf32>
        %get3A_614 = arith.index_cast %scan3A_609 : i32 to index
        %get3A_615 = arith.constant 16 : index
        %get3A_616 = tpu.vector_load %arg13[%get3A_614, %get3A_615] {strides = array<i32>} : memref<80x32xf32, #tpu.memory_space<vmem>>, vector<1x16xf32>,
        %get3A_617 = vector.shape_cast %get3A_616 : vector<1x16xf32> to vector<16xf32>
        %get3A_618 = arith.index_cast %scan3A_609 : i32 to index
        %get3A_619 = arith.constant 0 : index
        %get3A_620 = tpu.vector_load %arg15[%get3A_618, %get3A_619] {strides = array<i32>} : memref<80x32xf32, #tpu.memory_space<vmem>>, vector<1x16xf32>,
        %get3A_621 = vector.shape_cast %get3A_620 : vector<1x16xf32> to vector<16xf32>
        %get3A_622 = arith.index_cast %scan3A_609 : i32 to index
        %get3A_623 = arith.constant 16 : index
        %get3A_624 = tpu.vector_load %arg15[%get3A_622, %get3A_623] {strides = array<i32>} : memref<80x32xf32, #tpu.memory_space<vmem>>, vector<1x16xf32>,
        %get3A_625 = vector.shape_cast %get3A_624 : vector<1x16xf32> to vector<16xf32>
        %get3A_626 = arith.index_cast %scan3A_609 : i32 to index
        %get3A_627 = arith.constant 0 : index
        %get3A_628 = tpu.vector_load %arg17[%get3A_626, %get3A_627] {strides = array<i32>} : memref<80x16xf32, #tpu.memory_space<vmem>>, vector<1x16xf32>,
        %get3A_629 = vector.shape_cast %get3A_628 : vector<1x16xf32> to vector<16xf32>
        %slice3A_630 = vector.extract_strided_slice %get3A_629 {offsets = [0], sizes = [1], strides = [1]} : vector<16xf32> to vector<1xf32>
        %squeeze3A_631 = vector.extract %slice3A_630[0] : f32 from vector<1xf32>
        %get3A_632 = arith.constant 0 : i32
        %get3A_633 = arith.index_cast %scan3A_609 : i32 to index
        %get3A_634 = arith.index_cast %get3A_632 : i32 to index
        %get3A_635 = arith.constant 0 : index
        %get3A_636 = tpu.vector_load %arg9[%get3A_633, %get3A_634, %get3A_635] {strides = array<i32>} : memref<80x3x32xf32, #tpu.memory_space<vmem>>, vector<1x1x16xf32>,
        %get3A_637 = vector.shape_cast %get3A_636 : vector<1x1x16xf32> to vector<16xf32>
        %mul3A_638 = arith.mulf %get3A_637, %get3A_613 : vector<16xf32>
        %mul3A_639 = vector.broadcast %squeeze3A_631 : f32 to vector<16xf32>
        %mul3A_640 = arith.mulf %get3A_621, %mul3A_639 : vector<16xf32>
        %add3A_641 = arith.addf %mul3A_638, %mul3A_640 : vector<16xf32>
        %swap3A_642 = arith.constant 0 : i32
        %swap3A_643 = arith.index_cast %scan3A_609 : i32 to index
        %swap3A_644 = arith.index_cast %swap3A_642 : i32 to index
        %swap3A_645 = arith.constant 0 : index
        %swap3A_646 = tpu.vector_load %arg11[%swap3A_643, %swap3A_644, %swap3A_645] {strides = array<i32>} : memref<80x3x32xf32, #tpu.memory_space<vmem>>, vector<1x1x16xf32>,
        %swap3A_647 = vector.shape_cast %swap3A_646 : vector<1x1x16xf32> to vector<16xf32>
        %swap3A_648 = vector.shape_cast %add3A_641 : vector<16xf32> to vector<1x1x16xf32>
        tpu.vector_store %arg11[%swap3A_643, %swap3A_644, %swap3A_645], %swap3A_648 {strides = array<i32>} : memref<80x3x32xf32, #tpu.memory_space<vmem>>, vector<1x1x16xf32>,
        %get3A_649 = arith.constant 0 : i32
        %get3A_650 = arith.index_cast %scan3A_609 : i32 to index
        %get3A_651 = arith.index_cast %get3A_649 : i32 to index
        %get3A_652 = arith.constant 16 : index
        %get3A_653 = tpu.vector_load %arg9[%get3A_650, %get3A_651, %get3A_652] {strides = array<i32>} : memref<80x3x32xf32, #tpu.memory_space<vmem>>, vector<1x1x16xf32>,
        %get3A_654 = vector.shape_cast %get3A_653 : vector<1x1x16xf32> to vector<16xf32>
        %mul3A_655 = arith.mulf %get3A_654, %get3A_617 : vector<16xf32>
        %mul3A_656 = vector.broadcast %squeeze3A_631 : f32 to vector<16xf32>
        %mul3A_657 = arith.mulf %get3A_625, %mul3A_656 : vector<16xf32>
        %add3A_658 = arith.addf %mul3A_655, %mul3A_657 : vector<16xf32>
        %swap3A_659 = arith.constant 0 : i32
        %swap3A_660 = arith.index_cast %scan3A_609 : i32 to index
        %swap3A_661 = arith.index_cast %swap3A_659 : i32 to index
        %swap3A_662 = arith.constant 16 : index
        %swap3A_663 = tpu.vector_load %arg11[%swap3A_660, %swap3A_661, %swap3A_662] {strides = array<i32>} : memref<80x3x32xf32, #tpu.memory_space<vmem>>, vector<1x1x16xf32>,
        %swap3A_664 = vector.shape_cast %swap3A_663 : vector<1x1x16xf32> to vector<16xf32>
        %swap3A_665 = vector.shape_cast %add3A_658 : vector<16xf32> to vector<1x1x16xf32>
        tpu.vector_store %arg11[%swap3A_660, %swap3A_661, %swap3A_662], %swap3A_665 {strides = array<i32>} : memref<80x3x32xf32, #tpu.memory_space<vmem>>, vector<1x1x16xf32>,
        %slice3A_666 = vector.extract_strided_slice %get3A_629 {offsets = [1], sizes = [1], strides = [1]} : vector<16xf32> to vector<1xf32>
        %squeeze3A_667 = vector.extract %slice3A_666[0] : f32 from vector<1xf32>
        %get3A_668 = arith.constant 1 : i32
        %get3A_669 = arith.index_cast %scan3A_609 : i32 to index
        %get3A_670 = arith.index_cast %get3A_668 : i32 to index
        %get3A_671 = arith.constant 0 : index
        %get3A_672 = tpu.vector_load %arg9[%get3A_669, %get3A_670, %get3A_671] {strides = array<i32>} : memref<80x3x32xf32, #tpu.memory_space<vmem>>, vector<1x1x16xf32>,
        %get3A_673 = vector.shape_cast %get3A_672 : vector<1x1x16xf32> to vector<16xf32>
        %mul3A_674 = arith.mulf %get3A_673, %get3A_613 : vector<16xf32>
        %mul3A_675 = vector.broadcast %squeeze3A_667 : f32 to vector<16xf32>
        %mul3A_676 = arith.mulf %get3A_621, %mul3A_675 : vector<16xf32>
        %add3A_677 = arith.addf %mul3A_674, %mul3A_676 : vector<16xf32>
        %swap3A_678 = arith.constant 1 : i32
        %swap3A_679 = arith.index_cast %scan3A_609 : i32 to index
        %swap3A_680 = arith.index_cast %swap3A_678 : i32 to index
        %swap3A_681 = arith.constant 0 : index
        %swap3A_682 = tpu.vector_load %arg11[%swap3A_679, %swap3A_680, %swap3A_681] {strides = array<i32>} : memref<80x3x32xf32, #tpu.memory_space<vmem>>, vector<1x1x16xf32>,
        %swap3A_683 = vector.shape_cast %swap3A_682 : vector<1x1x16xf32> to vector<16xf32>
        %swap3A_684 = vector.shape_cast %add3A_677 : vector<16xf32> to vector<1x1x16xf32>
        tpu.vector_store %arg11[%swap3A_679, %swap3A_680, %swap3A_681], %swap3A_684 {strides = array<i32>} : memref<80x3x32xf32, #tpu.memory_space<vmem>>, vector<1x1x16xf32>,
        %get3A_685 = arith.constant 1 : i32
        %get3A_686 = arith.index_cast %scan3A_609 : i32 to index
        %get3A_687 = arith.index_cast %get3A_685 : i32 to index
        %get3A_688 = arith.constant 16 : index
        %get3A_689 = tpu.vector_load %arg9[%get3A_686, %get3A_687, %get3A_688] {strides = array<i32>} : memref<80x3x32xf32, #tpu.memory_space<vmem>>, vector<1x1x16xf32>,
        %get3A_690 = vector.shape_cast %get3A_689 : vector<1x1x16xf32> to vector<16xf32>
        %mul3A_691 = arith.mulf %get3A_690, %get3A_617 : vector<16xf32>
        %mul3A_692 = vector.broadcast %squeeze3A_667 : f32 to vector<16xf32>
        %mul3A_693 = arith.mulf %get3A_625, %mul3A_692 : vector<16xf32>
        %add3A_694 = arith.addf %mul3A_691, %mul3A_693 : vector<16xf32>
        %swap3A_695 = arith.constant 1 : i32
        %swap3A_696 = arith.index_cast %scan3A_609 : i32 to index
        %swap3A_697 = arith.index_cast %swap3A_695 : i32 to index
        %swap3A_698 = arith.constant 16 : index
        %swap3A_699 = tpu.vector_load %arg11[%swap3A_696, %swap3A_697, %swap3A_698] {strides = array<i32>} : memref<80x3x32xf32, #tpu.memory_space<vmem>>, vector<1x1x16xf32>,
        %swap3A_700 = vector.shape_cast %swap3A_699 : vector<1x1x16xf32> to vector<16xf32>
        %swap3A_701 = vector.shape_cast %add3A_694 : vector<16xf32> to vector<1x1x16xf32>
        tpu.vector_store %arg11[%swap3A_696, %swap3A_697, %swap3A_698], %swap3A_701 {strides = array<i32>} : memref<80x3x32xf32, #tpu.memory_space<vmem>>, vector<1x1x16xf32>,
        %slice3A_702 = vector.extract_strided_slice %get3A_629 {offsets = [2], sizes = [1], strides = [1]} : vector<16xf32> to vector<1xf32>
        %squeeze3A_703 = vector.extract %slice3A_702[0] : f32 from vector<1xf32>
        %get3A_704 = arith.constant 2 : i32
        %get3A_705 = arith.index_cast %scan3A_609 : i32 to index
        %get3A_706 = arith.index_cast %get3A_704 : i32 to index
        %get3A_707 = arith.constant 0 : index
        %get3A_708 = tpu.vector_load %arg9[%get3A_705, %get3A_706, %get3A_707] {strides = array<i32>} : memref<80x3x32xf32, #tpu.memory_space<vmem>>, vector<1x1x16xf32>,
        %get3A_709 = vector.shape_cast %get3A_708 : vector<1x1x16xf32> to vector<16xf32>
        %mul3A_710 = arith.mulf %get3A_709, %get3A_613 : vector<16xf32>
        %mul3A_711 = vector.broadcast %squeeze3A_703 : f32 to vector<16xf32>
        %mul3A_712 = arith.mulf %get3A_621, %mul3A_711 : vector<16xf32>
        %add3A_713 = arith.addf %mul3A_710, %mul3A_712 : vector<16xf32>
        %swap3A_714 = arith.constant 2 : i32
        %swap3A_715 = arith.index_cast %scan3A_609 : i32 to index
        %swap3A_716 = arith.index_cast %swap3A_714 : i32 to index
        %swap3A_717 = arith.constant 0 : index
        %swap3A_718 = tpu.vector_load %arg11[%swap3A_715, %swap3A_716, %swap3A_717] {strides = array<i32>} : memref<80x3x32xf32, #tpu.memory_space<vmem>>, vector<1x1x16xf32>,
        %swap3A_719 = vector.shape_cast %swap3A_718 : vector<1x1x16xf32> to vector<16xf32>
        %swap3A_720 = vector.shape_cast %add3A_713 : vector<16xf32> to vector<1x1x16xf32>
        tpu.vector_store %arg11[%swap3A_715, %swap3A_716, %swap3A_717], %swap3A_720 {strides = array<i32>} : memref<80x3x32xf32, #tpu.memory_space<vmem>>, vector<1x1x16xf32>,
        %get3A_721 = arith.constant 2 : i32
        %get3A_722 = arith.index_cast %scan3A_609 : i32 to index
        %get3A_723 = arith.index_cast %get3A_721 : i32 to index
        %get3A_724 = arith.constant 16 : index
        %get3A_725 = tpu.vector_load %arg9[%get3A_722, %get3A_723, %get3A_724] {strides = array<i32>} : memref<80x3x32xf32, #tpu.memory_space<vmem>>, vector<1x1x16xf32>,
        %get3A_726 = vector.shape_cast %get3A_725 : vector<1x1x16xf32> to vector<16xf32>
        %mul3A_727 = arith.mulf %get3A_726, %get3A_617 : vector<16xf32>
        %mul3A_728 = vector.broadcast %squeeze3A_703 : f32 to vector<16xf32>
        %mul3A_729 = arith.mulf %get3A_625, %mul3A_728 : vector<16xf32>
        %add3A_730 = arith.addf %mul3A_727, %mul3A_729 : vector<16xf32>
        %swap3A_731 = arith.constant 2 : i32
        %swap3A_732 = arith.index_cast %scan3A_609 : i32 to index
        %swap3A_733 = arith.index_cast %swap3A_731 : i32 to index
        %swap3A_734 = arith.constant 16 : index
        %swap3A_735 = tpu.vector_load %arg11[%swap3A_732, %swap3A_733, %swap3A_734] {strides = array<i32>} : memref<80x3x32xf32, #tpu.memory_space<vmem>>, vector<1x1x16xf32>,
        %swap3A_736 = vector.shape_cast %swap3A_735 : vector<1x1x16xf32> to vector<16xf32>
        %swap3A_737 = vector.shape_cast %add3A_730 : vector<16xf32> to vector<1x1x16xf32>
        tpu.vector_store %arg11[%swap3A_732, %swap3A_733, %swap3A_734], %swap3A_737 {strides = array<i32>} : memref<80x3x32xf32, #tpu.memory_space<vmem>>, vector<1x1x16xf32>,
      }
      %scan3A_146 = arith.constant 80 : i32
      %dma_start3A_147 = arith.constant 124 : i32
      %dma_start3A_148 = arith.constant 0 : i32
      %dma_start3A_149 = tpu.memref_slice %arg19[%dma_start3A_147, %dma_start3A_148] : memref<125x80xi32, #tpu.memory_space<vmem>> -> memref<1x80xi32, #tpu.memory_space<vmem>>
      %dma_start3A_150 = tpu.memref_squeeze %dma_start3A_149 : memref<1x80xi32, #tpu.memory_space<vmem>> -> memref<80xi32, #tpu.memory_space<vmem>>
      %dma_start3A_151 = arith.constant 0 : i32
      %dma_start3A_152 = arith.constant 0 : i32
      %dma_start3A_153 = arith.constant 0 : i32
      %dma_start3A_154 = tpu.memref_slice %arg28[%dma_start3A_151, %dma_start3A_152, %dma_start3A_153] : memref<10000x3x32xf32, #tpu.memory_space<vmem_shared>> -> memref<10000x3x32xf32, #tpu.memory_space<vmem_shared>>
      tpu.enqueue_indirect_dma source(%arg11 : memref<80x3x32xf32, #tpu.memory_space<vmem>>) target(%dma_start3A_154 : memref<10000x3x32xf32, #tpu.memory_space<vmem_shared>>) offsets(%dma_start3A_150 : memref<80xi32, #tpu.memory_space<vmem>>) semaphore(%arg22 : memref<!tpu.dma_semaphore, #tpu.memory_space<semaphore_mem>>) {add = true}
      %dma_wait3A_155 = arith.constant 0 : i32
      %dma_wait3A_156 = arith.constant 0 : i32
      %dma_wait3A_157 = tpu.memref_slice %arg19[%dma_wait3A_155, %dma_wait3A_156] : memref<125x80xi32, #tpu.memory_space<vmem>> -> memref<1x80xi32, #tpu.memory_space<vmem>>
      %dma_wait3A_158 = tpu.memref_squeeze %dma_wait3A_157 : memref<1x80xi32, #tpu.memory_space<vmem>> -> memref<80xi32, #tpu.memory_space<vmem>>
      %dma_wait3A_159 = arith.constant 0 : i32
      %dma_wait3A_160 = arith.constant 0 : i32
      %dma_wait3A_161 = arith.constant 0 : i32
      %dma_wait3A_162 = tpu.memref_slice %arg28[%dma_wait3A_159, %dma_wait3A_160, %dma_wait3A_161] : memref<10000x3x32xf32, #tpu.memory_space<vmem_shared>> -> memref<10000x3x32xf32, #tpu.memory_space<vmem_shared>>
      tpu.wait_indirect_dma semaphore(%arg22 : memref<!tpu.dma_semaphore, #tpu.memory_space<semaphore_mem>>) src(%arg11 : memref<80x3x32xf32, #tpu.memory_space<vmem>>) dst(%dma_wait3A_162 : memref<10000x3x32xf32, #tpu.memory_space<vmem_shared>>)
      %dma_wait3A_163 = arith.constant 0 : i32
      %dma_wait3A_164 = arith.constant 0 : i32
      %dma_wait3A_165 = tpu.memref_slice %arg19[%dma_wait3A_163, %dma_wait3A_164] : memref<125x80xi32, #tpu.memory_space<vmem>> -> memref<1x80xi32, #tpu.memory_space<vmem>>
      %dma_wait3A_166 = tpu.memref_squeeze %dma_wait3A_165 : memref<1x80xi32, #tpu.memory_space<vmem>> -> memref<80xi32, #tpu.memory_space<vmem>>
      %dma_wait3A_167 = arith.constant 0 : i32
      %dma_wait3A_168 = arith.constant 0 : i32
      %dma_wait3A_169 = arith.constant 0 : i32
      %dma_wait3A_170 = tpu.memref_slice %arg28[%dma_wait3A_167, %dma_wait3A_168, %dma_wait3A_169] : memref<10000x3x32xf32, #tpu.memory_space<vmem_shared>> -> memref<10000x3x32xf32, #tpu.memory_space<vmem_shared>>
      tpu.wait_indirect_dma semaphore(%arg23 : memref<!tpu.dma_semaphore, #tpu.memory_space<semaphore_mem>>) src(%arg12 : memref<80x3x32xf32, #tpu.memory_space<vmem>>) dst(%dma_wait3A_170 : memref<10000x3x32xf32, #tpu.memory_space<vmem_shared>>)
      %barrier3A_171 = arith.constant 0 : index
      tpu.barrier barrier_id(%barrier3A_171)
      "tpu.region"() ({
        %run_scoped3A = tpu.sem_alloc : memref<!tpu.dma_semaphore, #tpu.memory_space<semaphore_mem>>
        %dma_start3A_223 = arith.constant 0 : i32
        %dma_start3A_224 = arith.constant 0 : i32
        %dma_start3A_225 = tpu.memref_slice %arg6[%arg1, %dma_start3A_223, %dma_start3A_224] : memref<16x125x80xi32, #tpu.memory_space<hbm>> -> memref<1x125x80xi32, #tpu.memory_space<hbm>>
        %dma_start3A_226 = tpu.memref_squeeze %dma_start3A_225 : memref<1x125x80xi32, #tpu.memory_space<hbm>> -> memref<125x80xi32, #tpu.memory_space<hbm>>
        %dma_start3A_227 = arith.constant 0 : i32
        %dma_start3A_228 = arith.constant 0 : i32
        %dma_start3A_229 = tpu.memref_slice %arg6[%arg1, %dma_start3A_227, %dma_start3A_228] : memref<16x125x80xi32, #tpu.memory_space<hbm>> -> memref<1x125x80xi32, #tpu.memory_space<hbm>>
        %dma_start3A_230 = tpu.memref_squeeze %dma_start3A_229 : memref<1x125x80xi32, #tpu.memory_space<hbm>> -> memref<125x80xi32, #tpu.memory_space<hbm>>
        tpu.enqueue_dma source(%dma_start3A_230 : memref<125x80xi32, #tpu.memory_space<hbm>>) target(%arg19 : memref<125x80xi32, #tpu.memory_space<vmem>>) target_semaphore(%run_scoped3A : memref<!tpu.dma_semaphore, #tpu.memory_space<semaphore_mem>>)
        %dma_wait3A_231 = arith.constant 0 : i32
        %dma_wait3A_232 = arith.constant 0 : i32
        %dma_wait3A_233 = tpu.memref_slice %arg6[%arg1, %dma_wait3A_231, %dma_wait3A_232] : memref<16x125x80xi32, #tpu.memory_space<hbm>> -> memref<1x125x80xi32, #tpu.memory_space<hbm>>
        %dma_wait3A_234 = tpu.memref_squeeze %dma_wait3A_233 : memref<1x125x80xi32, #tpu.memory_space<hbm>> -> memref<125x80xi32, #tpu.memory_space<hbm>>
        %dma_wait3A_235 = arith.constant 0 : i32
        %dma_wait3A_236 = arith.constant 0 : i32
        %dma_wait3A_237 = tpu.memref_slice %arg6[%arg1, %dma_wait3A_235, %dma_wait3A_236] : memref<16x125x80xi32, #tpu.memory_space<hbm>> -> memref<1x125x80xi32, #tpu.memory_space<hbm>>
        %dma_wait3A_238 = tpu.memref_squeeze %dma_wait3A_237 : memref<1x125x80xi32, #tpu.memory_space<hbm>> -> memref<125x80xi32, #tpu.memory_space<hbm>>
        tpu.wait_dma2 semaphore(%run_scoped3A : memref<!tpu.dma_semaphore, #tpu.memory_space<semaphore_mem>>) src(%dma_wait3A_238 : memref<125x80xi32, #tpu.memory_space<hbm>>) dst(%arg19 : memref<125x80xi32, #tpu.memory_space<vmem>>)
        tpu.yield
      }) : () -> ()
      %dma_start3A_172 = arith.constant 0 : i32
      %dma_start3A_173 = arith.constant 0 : i32
      %dma_start3A_174 = tpu.memref_slice %arg19[%dma_start3A_172, %dma_start3A_173] : memref<125x80xi32, #tpu.memory_space<vmem>> -> memref<1x80xi32, #tpu.memory_space<vmem>>
      %dma_start3A_175 = tpu.memref_squeeze %dma_start3A_174 : memref<1x80xi32, #tpu.memory_space<vmem>> -> memref<80xi32, #tpu.memory_space<vmem>>
      %dma_start3A_176 = arith.constant 0 : i32
      %dma_start3A_177 = arith.constant 0 : i32
      %dma_start3A_178 = arith.constant 0 : i32
      %dma_start3A_179 = tpu.memref_slice %arg28[%dma_start3A_176, %dma_start3A_177, %dma_start3A_178] : memref<10000x3x32xf32, #tpu.memory_space<vmem_shared>> -> memref<10000x3x32xf32, #tpu.memory_space<vmem_shared>>
      tpu.enqueue_indirect_dma source(%dma_start3A_179 : memref<10000x3x32xf32, #tpu.memory_space<vmem_shared>>) target(%arg11 : memref<80x3x32xf32, #tpu.memory_space<vmem>>) offsets(%dma_start3A_175 : memref<80xi32, #tpu.memory_space<vmem>>) semaphore(%arg24 : memref<!tpu.dma_semaphore, #tpu.memory_space<semaphore_mem>>)
      %dma_wait3A_180 = arith.constant 0 : i32
      %dma_wait3A_181 = arith.constant 0 : i32
      %dma_wait3A_182 = tpu.memref_slice %arg19[%dma_wait3A_180, %dma_wait3A_181] : memref<125x80xi32, #tpu.memory_space<vmem>> -> memref<1x80xi32, #tpu.memory_space<vmem>>
      %dma_wait3A_183 = tpu.memref_squeeze %dma_wait3A_182 : memref<1x80xi32, #tpu.memory_space<vmem>> -> memref<80xi32, #tpu.memory_space<vmem>>
      %dma_wait3A_184 = arith.constant 0 : i32
      %dma_wait3A_185 = arith.constant 0 : i32
      %dma_wait3A_186 = arith.constant 0 : i32
      %dma_wait3A_187 = tpu.memref_slice %arg28[%dma_wait3A_184, %dma_wait3A_185, %dma_wait3A_186] : memref<10000x3x32xf32, #tpu.memory_space<vmem_shared>> -> memref<10000x3x32xf32, #tpu.memory_space<vmem_shared>>
      tpu.wait_indirect_dma semaphore(%arg24 : memref<!tpu.dma_semaphore, #tpu.memory_space<semaphore_mem>>) src(%dma_wait3A_187 : memref<10000x3x32xf32, #tpu.memory_space<vmem_shared>>) dst(%arg11 : memref<80x3x32xf32, #tpu.memory_space<vmem>>)
      %dma_start3A_188 = arith.constant 1 : i32
      %dma_start3A_189 = arith.constant 0 : i32
      %dma_start3A_190 = tpu.memref_slice %arg19[%dma_start3A_188, %dma_start3A_189] : memref<125x80xi32, #tpu.memory_space<vmem>> -> memref<1x80xi32, #tpu.memory_space<vmem>>
      %dma_start3A_191 = tpu.memref_squeeze %dma_start3A_190 : memref<1x80xi32, #tpu.memory_space<vmem>> -> memref<80xi32, #tpu.memory_space<vmem>>
      %dma_start3A_192 = arith.constant 0 : i32
      %dma_start3A_193 = arith.constant 0 : i32
      %dma_start3A_194 = arith.constant 0 : i32
      %dma_start3A_195 = tpu.memref_slice %arg28[%dma_start3A_192, %dma_start3A_193, %dma_start3A_194] : memref<10000x3x32xf32, #tpu.memory_space<vmem_shared>> -> memref<10000x3x32xf32, #tpu.memory_space<vmem_shared>>
      tpu.enqueue_indirect_dma source(%dma_start3A_195 : memref<10000x3x32xf32, #tpu.memory_space<vmem_shared>>) target(%arg12 : memref<80x3x32xf32, #tpu.memory_space<vmem>>) offsets(%dma_start3A_191 : memref<80xi32, #tpu.memory_space<vmem>>) semaphore(%arg25 : memref<!tpu.dma_semaphore, #tpu.memory_space<semaphore_mem>>)
      %add3A_196 = arith.constant 0 : i32
      %add3A_197 = arith.addi %mul3A_0, %add3A_196 : i32
      %dma_start3A_198 = arith.constant 0 : i32
      %dma_start3A_199 = arith.constant 0 : i32
      %dma_start3A_200 = tpu.memref_slice %arg8[%dma_start3A_198, %add3A_197, %dma_start3A_199, %add3A] : memref<1x160000x3x128xf32, #tpu.memory_space<hbm>> -> memref<1x80x3x32xf32, #tpu.memory_space<hbm>>
      %dma_start3A_201 = tpu.memref_squeeze %dma_start3A_200 : memref<1x80x3x32xf32, #tpu.memory_space<hbm>> -> memref<80x3x32xf32, #tpu.memory_space<hbm>>
      %dma_start3A_202 = arith.constant 0 : i32
      %dma_start3A_203 = tpu.memref_slice %arg8[%dma_start3A_198, %add3A_197, %dma_start3A_202, %add3A] : memref<1x160000x3x128xf32, #tpu.memory_space<hbm>> -> memref<1x80x3x32xf32, #tpu.memory_space<hbm>>
      %dma_start3A_204 = tpu.memref_squeeze %dma_start3A_203 : memref<1x80x3x32xf32, #tpu.memory_space<hbm>> -> memref<80x3x32xf32, #tpu.memory_space<hbm>>
      tpu.enqueue_dma source(%arg11 : memref<80x3x32xf32, #tpu.memory_space<vmem>>) target(%dma_start3A_204 : memref<80x3x32xf32, #tpu.memory_space<hbm>>) target_semaphore(%arg26 : memref<!tpu.dma_semaphore, #tpu.memory_space<semaphore_mem>>)
      %scan3A_205 = arith.constant 0 : i32
      %scan3A_206 = arith.constant 0 : i32
      %scan3A_207 = arith.constant 62 : i32
      %scan3A_208 = arith.addi %scan3A_206, %scan3A_207 : i32
      %scan3A_209 = arith.constant 1 : i32
      scf.for %scan3A_223 = %scan3A_206 to %scan3A_208 step %scan3A_209  : i32 {
        %mul3A_224 = arith.constant 2 : i32
        %mul3A_225 = arith.muli %mul3A_224, %scan3A_223 : i32
        %add3A_226 = arith.constant 1 : i32
        %add3A_227 = arith.addi %mul3A_225, %add3A_226 : i32
        %dma_wait3A_228 = arith.constant 0 : i32
        %dma_wait3A_229 = arith.constant 0 : i32
        %dma_wait3A_230 = tpu.memref_slice %arg19[%dma_wait3A_228, %dma_wait3A_229] : memref<125x80xi32, #tpu.memory_space<vmem>> -> memref<1x80xi32, #tpu.memory_space<vmem>>
        %dma_wait3A_231 = tpu.memref_squeeze %dma_wait3A_230 : memref<1x80xi32, #tpu.memory_space<vmem>> -> memref<80xi32, #tpu.memory_space<vmem>>
        %dma_wait3A_232 = arith.constant 0 : i32
        %dma_wait3A_233 = arith.constant 0 : i32
        %dma_wait3A_234 = arith.constant 0 : i32
        %dma_wait3A_235 = tpu.memref_slice %arg28[%dma_wait3A_232, %dma_wait3A_233, %dma_wait3A_234] : memref<10000x3x32xf32, #tpu.memory_space<vmem_shared>> -> memref<10000x3x32xf32, #tpu.memory_space<vmem_shared>>
        tpu.wait_indirect_dma semaphore(%arg25 : memref<!tpu.dma_semaphore, #tpu.memory_space<semaphore_mem>>) src(%dma_wait3A_235 : memref<10000x3x32xf32, #tpu.memory_space<vmem_shared>>) dst(%arg12 : memref<80x3x32xf32, #tpu.memory_space<vmem>>)
        %dma_wait3A_236 = arith.constant 0 : i32
        %dma_wait3A_237 = arith.constant 0 : i32
        %dma_wait3A_238 = arith.constant 0 : i32
        %dma_wait3A_239 = arith.constant 0 : i32
        %dma_wait3A_240 = tpu.memref_slice %arg8[%dma_wait3A_236, %dma_wait3A_237, %dma_wait3A_238, %dma_wait3A_239] : memref<1x160000x3x128xf32, #tpu.memory_space<hbm>> -> memref<1x80x3x32xf32, #tpu.memory_space<hbm>>
        %dma_wait3A_241 = tpu.memref_squeeze %dma_wait3A_240 : memref<1x80x3x32xf32, #tpu.memory_space<hbm>> -> memref<80x3x32xf32, #tpu.memory_space<hbm>>
        %dma_wait3A_242 = arith.constant 0 : i32
        %dma_wait3A_243 = arith.constant 0 : i32
        %dma_wait3A_244 = arith.constant 0 : i32
        %dma_wait3A_245 = tpu.memref_slice %arg8[%dma_wait3A_236, %dma_wait3A_242, %dma_wait3A_243, %dma_wait3A_244] : memref<1x160000x3x128xf32, #tpu.memory_space<hbm>> -> memref<1x80x3x32xf32, #tpu.memory_space<hbm>>
        %dma_wait3A_246 = tpu.memref_squeeze %dma_wait3A_245 : memref<1x80x3x32xf32, #tpu.memory_space<hbm>> -> memref<80x3x32xf32, #tpu.memory_space<hbm>>
        tpu.wait_dma2 semaphore(%arg26 : memref<!tpu.dma_semaphore, #tpu.memory_space<semaphore_mem>>) src(%arg11 : memref<80x3x32xf32, #tpu.memory_space<vmem>>) dst(%dma_wait3A_246 : memref<80x3x32xf32, #tpu.memory_space<hbm>>)
        %add3A_247 = arith.constant 1 : i32
        %add3A_248 = arith.addi %add3A_227, %add3A_247 : i32
        %dma_start3A_249 = arith.constant 0 : i32
        %dma_start3A_250 = tpu.memref_slice %arg19[%add3A_248, %dma_start3A_249] : memref<125x80xi32, #tpu.memory_space<vmem>> -> memref<1x80xi32, #tpu.memory_space<vmem>>
        %dma_start3A_251 = tpu.memref_squeeze %dma_start3A_250 : memref<1x80xi32, #tpu.memory_space<vmem>> -> memref<80xi32, #tpu.memory_space<vmem>>
        %dma_start3A_252 = arith.constant 0 : i32
        %dma_start3A_253 = arith.constant 0 : i32
        %dma_start3A_254 = arith.constant 0 : i32
        %dma_start3A_255 = tpu.memref_slice %arg28[%dma_start3A_252, %dma_start3A_253, %dma_start3A_254] : memref<10000x3x32xf32, #tpu.memory_space<vmem_shared>> -> memref<10000x3x32xf32, #tpu.memory_space<vmem_shared>>
        tpu.enqueue_indirect_dma source(%dma_start3A_255 : memref<10000x3x32xf32, #tpu.memory_space<vmem_shared>>) target(%arg11 : memref<80x3x32xf32, #tpu.memory_space<vmem>>) offsets(%dma_start3A_251 : memref<80xi32, #tpu.memory_space<vmem>>) semaphore(%arg24 : memref<!tpu.dma_semaphore, #tpu.memory_space<semaphore_mem>>)
        %mul3A_256 = arith.constant 80 : i32
        %mul3A_257 = arith.muli %add3A_227, %mul3A_256 : i32
        %add3A_258 = arith.addi %mul3A_0, %mul3A_257 : i32
        %dma_start3A_259 = arith.constant 0 : i32
        %dma_start3A_260 = arith.constant 0 : i32
        %dma_start3A_261 = tpu.memref_slice %arg8[%dma_start3A_259, %add3A_258, %dma_start3A_260, %add3A] : memref<1x160000x3x128xf32, #tpu.memory_space<hbm>> -> memref<1x80x3x32xf32, #tpu.memory_space<hbm>>
        %dma_start3A_262 = tpu.memref_squeeze %dma_start3A_261 : memref<1x80x3x32xf32, #tpu.memory_space<hbm>> -> memref<80x3x32xf32, #tpu.memory_space<hbm>>
        %dma_start3A_263 = arith.constant 0 : i32
        %dma_start3A_264 = tpu.memref_slice %arg8[%dma_start3A_259, %add3A_258, %dma_start3A_263, %add3A] : memref<1x160000x3x128xf32, #tpu.memory_space<hbm>> -> memref<1x80x3x32xf32, #tpu.memory_space<hbm>>
        %dma_start3A_265 = tpu.memref_squeeze %dma_start3A_264 : memref<1x80x3x32xf32, #tpu.memory_space<hbm>> -> memref<80x3x32xf32, #tpu.memory_space<hbm>>
        tpu.enqueue_dma source(%arg12 : memref<80x3x32xf32, #tpu.memory_space<vmem>>) target(%dma_start3A_265 : memref<80x3x32xf32, #tpu.memory_space<hbm>>) target_semaphore(%arg27 : memref<!tpu.dma_semaphore, #tpu.memory_space<semaphore_mem>>)
        %mul3A_266 = arith.constant 2 : i32
        %mul3A_267 = arith.muli %mul3A_266, %scan3A_223 : i32
        %add3A_268 = arith.constant 2 : i32
        %add3A_269 = arith.addi %mul3A_267, %add3A_268 : i32
        %dma_wait3A_270 = arith.constant 0 : i32
        %dma_wait3A_271 = arith.constant 0 : i32
        %dma_wait3A_272 = tpu.memref_slice %arg19[%dma_wait3A_270, %dma_wait3A_271] : memref<125x80xi32, #tpu.memory_space<vmem>> -> memref<1x80xi32, #tpu.memory_space<vmem>>
        %dma_wait3A_273 = tpu.memref_squeeze %dma_wait3A_272 : memref<1x80xi32, #tpu.memory_space<vmem>> -> memref<80xi32, #tpu.memory_space<vmem>>
        %dma_wait3A_274 = arith.constant 0 : i32
        %dma_wait3A_275 = arith.constant 0 : i32
        %dma_wait3A_276 = arith.constant 0 : i32
        %dma_wait3A_277 = tpu.memref_slice %arg28[%dma_wait3A_274, %dma_wait3A_275, %dma_wait3A_276] : memref<10000x3x32xf32, #tpu.memory_space<vmem_shared>> -> memref<10000x3x32xf32, #tpu.memory_space<vmem_shared>>
        tpu.wait_indirect_dma semaphore(%arg24 : memref<!tpu.dma_semaphore, #tpu.memory_space<semaphore_mem>>) src(%dma_wait3A_277 : memref<10000x3x32xf32, #tpu.memory_space<vmem_shared>>) dst(%arg11 : memref<80x3x32xf32, #tpu.memory_space<vmem>>)
        %dma_wait3A_278 = arith.constant 0 : i32
        %dma_wait3A_279 = arith.constant 0 : i32
        %dma_wait3A_280 = arith.constant 0 : i32
        %dma_wait3A_281 = arith.constant 0 : i32
        %dma_wait3A_282 = tpu.memref_slice %arg8[%dma_wait3A_278, %dma_wait3A_279, %dma_wait3A_280, %dma_wait3A_281] : memref<1x160000x3x128xf32, #tpu.memory_space<hbm>> -> memref<1x80x3x32xf32, #tpu.memory_space<hbm>>
        %dma_wait3A_283 = tpu.memref_squeeze %dma_wait3A_282 : memref<1x80x3x32xf32, #tpu.memory_space<hbm>> -> memref<80x3x32xf32, #tpu.memory_space<hbm>>
        %dma_wait3A_284 = arith.constant 0 : i32
        %dma_wait3A_285 = arith.constant 0 : i32
        %dma_wait3A_286 = arith.constant 0 : i32
        %dma_wait3A_287 = tpu.memref_slice %arg8[%dma_wait3A_278, %dma_wait3A_284, %dma_wait3A_285, %dma_wait3A_286] : memref<1x160000x3x128xf32, #tpu.memory_space<hbm>> -> memref<1x80x3x32xf32, #tpu.memory_space<hbm>>
        %dma_wait3A_288 = tpu.memref_squeeze %dma_wait3A_287 : memref<1x80x3x32xf32, #tpu.memory_space<hbm>> -> memref<80x3x32xf32, #tpu.memory_space<hbm>>
        tpu.wait_dma2 semaphore(%arg27 : memref<!tpu.dma_semaphore, #tpu.memory_space<semaphore_mem>>) src(%arg12 : memref<80x3x32xf32, #tpu.memory_space<vmem>>) dst(%dma_wait3A_288 : memref<80x3x32xf32, #tpu.memory_space<hbm>>)
        %add3A_289 = arith.constant 1 : i32
        %add3A_290 = arith.addi %add3A_269, %add3A_289 : i32
        %lt3A = arith.constant 125 : i32
        %lt3A_291 = arith.cmpi slt, %add3A_290, %lt3A : i32
        %convert_element_type3A = arith.extui %lt3A_291 : i1 to i32
        %cond3A = arith.constant 0 : i32
        %cond3A_292 = arith.cmpi ne, %convert_element_type3A, %cond3A : i32
        scf.if %cond3A_292 {
          %add3A_303 = arith.constant 1 : i32
          %add3A_304 = arith.addi %add3A_269, %add3A_303 : i32
          %dma_start3A_305 = arith.constant 0 : i32
          %dma_start3A_306 = tpu.memref_slice %arg19[%add3A_304, %dma_start3A_305] : memref<125x80xi32, #tpu.memory_space<vmem>> -> memref<1x80xi32, #tpu.memory_space<vmem>>
          %dma_start3A_307 = tpu.memref_squeeze %dma_start3A_306 : memref<1x80xi32, #tpu.memory_space<vmem>> -> memref<80xi32, #tpu.memory_space<vmem>>
          %dma_start3A_308 = arith.constant 0 : i32
          %dma_start3A_309 = arith.constant 0 : i32
          %dma_start3A_310 = arith.constant 0 : i32
          %dma_start3A_311 = tpu.memref_slice %arg28[%dma_start3A_308, %dma_start3A_309, %dma_start3A_310] : memref<10000x3x32xf32, #tpu.memory_space<vmem_shared>> -> memref<10000x3x32xf32, #tpu.memory_space<vmem_shared>>
          tpu.enqueue_indirect_dma source(%dma_start3A_311 : memref<10000x3x32xf32, #tpu.memory_space<vmem_shared>>) target(%arg12 : memref<80x3x32xf32, #tpu.memory_space<vmem>>) offsets(%dma_start3A_307 : memref<80xi32, #tpu.memory_space<vmem>>) semaphore(%arg25 : memref<!tpu.dma_semaphore, #tpu.memory_space<semaphore_mem>>)
        } else {
        }
        %mul3A_293 = arith.constant 80 : i32
        %mul3A_294 = arith.muli %add3A_269, %mul3A_293 : i32
        %add3A_295 = arith.addi %mul3A_0, %mul3A_294 : i32
        %dma_start3A_296 = arith.constant 0 : i32
        %dma_start3A_297 = arith.constant 0 : i32
        %dma_start3A_298 = tpu.memref_slice %arg8[%dma_start3A_296, %add3A_295, %dma_start3A_297, %add3A] : memref<1x160000x3x128xf32, #tpu.memory_space<hbm>> -> memref<1x80x3x32xf32, #tpu.memory_space<hbm>>
        %dma_start3A_299 = tpu.memref_squeeze %dma_start3A_298 : memref<1x80x3x32xf32, #tpu.memory_space<hbm>> -> memref<80x3x32xf32, #tpu.memory_space<hbm>>
        %dma_start3A_300 = arith.constant 0 : i32
        %dma_start3A_301 = tpu.memref_slice %arg8[%dma_start3A_296, %add3A_295, %dma_start3A_300, %add3A] : memref<1x160000x3x128xf32, #tpu.memory_space<hbm>> -> memref<1x80x3x32xf32, #tpu.memory_space<hbm>>
        %dma_start3A_302 = tpu.memref_squeeze %dma_start3A_301 : memref<1x80x3x32xf32, #tpu.memory_space<hbm>> -> memref<80x3x32xf32, #tpu.memory_space<hbm>>
        tpu.enqueue_dma source(%arg11 : memref<80x3x32xf32, #tpu.memory_space<vmem>>) target(%dma_start3A_302 : memref<80x3x32xf32, #tpu.memory_space<hbm>>) target_semaphore(%arg26 : memref<!tpu.dma_semaphore, #tpu.memory_space<semaphore_mem>>)
      }
      %scan3A_210 = arith.constant 62 : i32
      %dma_wait3A_211 = arith.constant 0 : i32
      %dma_wait3A_212 = arith.constant 0 : i32
      %dma_wait3A_213 = arith.constant 0 : i32
      %dma_wait3A_214 = arith.constant 0 : i32
      %dma_wait3A_215 = tpu.memref_slice %arg8[%dma_wait3A_211, %dma_wait3A_212, %dma_wait3A_213, %dma_wait3A_214] : memref<1x160000x3x128xf32, #tpu.memory_space<hbm>> -> memref<1x80x3x32xf32, #tpu.memory_space<hbm>>
      %dma_wait3A_216 = tpu.memref_squeeze %dma_wait3A_215 : memref<1x80x3x32xf32, #tpu.memory_space<hbm>> -> memref<80x3x32xf32, #tpu.memory_space<hbm>>
      %dma_wait3A_217 = arith.constant 0 : i32
      %dma_wait3A_218 = arith.constant 0 : i32
      %dma_wait3A_219 = arith.constant 0 : i32
      %dma_wait3A_220 = tpu.memref_slice %arg8[%dma_wait3A_211, %dma_wait3A_217, %dma_wait3A_218, %dma_wait3A_219] : memref<1x160000x3x128xf32, #tpu.memory_space<hbm>> -> memref<1x80x3x32xf32, #tpu.memory_space<hbm>>
      %dma_wait3A_221 = tpu.memref_squeeze %dma_wait3A_220 : memref<1x80x3x32xf32, #tpu.memory_space<hbm>> -> memref<80x3x32xf32, #tpu.memory_space<hbm>>
      tpu.wait_dma2 semaphore(%arg26 : memref<!tpu.dma_semaphore, #tpu.memory_space<semaphore_mem>>) src(%arg11 : memref<80x3x32xf32, #tpu.memory_space<vmem>>) dst(%dma_wait3A_221 : memref<80x3x32xf32, #tpu.memory_space<hbm>>)
      %barrier3A_222 = arith.constant 0 : index
      tpu.barrier barrier_id(%barrier3A_222)
    }
    %scan3A_5 = arith.constant 2 : i32
    return
  }
}

</mosaic_0001>

<sc_bundles>
// kernel: _mpnn_sc.3.cloned.1.call-start
scs
__scs_entry_jumppad:
0x0: {  	(pc) =	sbr.rel $0x88, $3  }
0x1: {  	(tag) =	ssettag $0x0;
	lr =	simm.s32 $0x1  }
0x2: {  	[smem:$0x3F9B] =	sst lr;
	_ =	strace $0xD0000000  }
0x3: {  	_ = 	snop  }
0x4: {  	_ = 	snop  }
0x5: {  	_ = 	snop  }
0x6: {  	_ = 	snop  }
0x7: {  	_ = 	snop  }
__scs_overlays_trampoline_lowered:
0x8: {  	[smem:$0x3FAA] =	sst s0  }
0x9: {  	[smem:$0x3FAB] =	sst s1  }
0xa: {  	[smem:$0x3FAC] =	sst s2  }
0xb: {  	[smem:$0x3FAD] =	sst s3  }
0xc: {  	[smem:$0x3FAE] =	sst s4  }
0xd: {  	[smem:$0x3FAF] =	sst s5  }
0xe: {  	[smem:$0x3FB0] =	sst s6  }
0xf: {  	[smem:$0x3FB1] =	sst s7  }
0x10: {  	[smem:$0x3FB2] =	sst s8  }
0x11: {  	[smem:$0x3FB3] =	sst s9;
	s0 =	simm.s32 @!p0 $0x0  }
0x12: {  	s1 =	sld [smem:$0x3F99];
	s0 =	simm.s32 @p0 $0x1  }
0x13: {  	[smem:$0x3FB4] =	sst s0;
	s0 =	simm.s32 @!p1 $0x0  }
0x14: {  	s2 =	sld [smem:$0x3F98];
	s0 =	simm.s32 @p1 $0x1  }
0x15: {  	[smem:$0x3FB5] =	sst s0;
	s0 =	simm.s32 @!p2 $0x0  }
0x16: {  	s3 =	sld [smem:$0x3FDB];
	s0 =	simm.s32 @p2 $0x1  }
0x17: {  	s4 =	simm.s32 $0x1BF5;
	[smem:$0x3FB7] =	sst s0  }
0x18: {  	s0 =	sld [smem:$0x3F9A];
	_ =	swait.ge [sflag:s4], $0x0  }
0x19: {  	s7 =	sld [smem:$0x3F9B]  }
0x1a: {  	s8 =	sadd.s32 $0xFFFFE003, lr  }
0x1b: {  	s9 =	sadd.s32 $0xFFFFFEF7, lr;
	s5 =	simm.s32 $0xFFFFFFFF;
	p2 =	slt.u32 s8, $0xFFFFF086  }
0x1c: {  	p1 =	slt.u32 s9, $0xF7A;
	s5 =	simm.s32 @!p2 $0x0  }
0x1d: {  	s5 =	simm.s32 @p1 $0x1;
	p0 =	seq.s32 s7, s2  }
0x1e: {  	s7 =	smul.u32 @!p0 $0xF7A, s2;
	p2 =	seq.s32 @!p0 s5, $0x0  }
0x1f: {  	s9 =	smul.u32 $0xF7A, s1;
	s8 =	simm.s32 @!p0 $0x1BF5;
	p2 =	por !p2, p0  }
0x20: {  	[sflag:s8] =	ssyncset.s32 @!p0 $0xFFFFF086;
	s6 =	sadd.s32 @!p0 s3, s7;
	s7 =	simm.s32 @!p0 $0x108  }
0x21: {  	s3 =	sadd.s32 s3, s9;
	s6 =	sadd.s32 @!p0 $0x88, s6;
	s7 =	simm.s32 @p2 $0x1082  }
0x22: {  	[simem:s7], [sflag:s8] =	dma.local @!p0 [hbm:s6], $0xF7A  }
0x23: {  	s9 =	sor.u32 $0xD0000000, s2;
	s6 =	simm.s32 $0x108;
	_ =	swait.ge @!p0 [sflag:s8], $0x0  }
0x24: {  	s3 =	sadd.s32 $0x88, s3;
	s6 =	simm.s32 @!p1 $0x1082;
	[sflag:s4] =	ssyncset.s32 $0xFFFFF086  }
0x25: {  	[simem:s6], [sflag:s4] =	dma.local [hbm:s3], $0xF7A  }
0x26: {  	[smem:$0x3F9B] =	sst s1;
	(tag) =	ssettag s2;
	_ =	strace s9  }
0x27: {  	s1 =	sld [smem:$0x3FAB]  }
0x28: {  	s2 =	sld [smem:$0x3FAC]  }
0x29: {  	s4 =	sld [smem:$0x3FAE]  }
0x2a: {  	p0 =	seq.s32 s5, $0x0;
	s5 =	sld [smem:$0x3FAF]  }
0x2b: {  	s6 =	sld [smem:$0x3FB0]  }
0x2c: {  	s7 =	sld [smem:$0x3FB1]  }
0x2d: {  	s3 =	simm.s32 $0x108;
	s8 =	sld [smem:$0x3FB2]  }
0x2e: {  	s3 =	simm.s32 @!p0 $0x1082;
	s9 =	sld [smem:$0x3FB3]  }
0x2f: {  	lr =	sadd.s32 s0, s3;
	s0 =	sld [smem:$0x3FAA]  }
0x30: {  	s3 =	sld [smem:$0x3FAD]  }
0x31: {  	[smem:$0x3FB6] =	sst s10  }
0x32: {  	s10 =	sld [smem:$0x3FB4];
	_ =	sdelay $0x3  }
0x33: {  	p0 =	seq.s32 s10, $0x1;
	s10 =	sld [smem:$0x3FB6];
	_ =	sdelay $0x3  }
0x34: {  	[smem:$0x3FB6] =	sst s10  }
0x35: {  	s10 =	sld [smem:$0x3FB5];
	_ =	sdelay $0x3  }
0x36: {  	p1 =	seq.s32 s10, $0x1;
	s10 =	sld [smem:$0x3FB6];
	_ =	sdelay $0x3  }
0x37: {  	[smem:$0x3FB6] =	sst s10  }
0x38: {  	s10 =	sld [smem:$0x3FB7]  }
0x39: {  	_ = 	snop;
	(pc) =	sbr.ind lr, $3  }
0x3a: {  	_ = 	snop  }
0x3b: {  	_ = 	snop  }
0x3c: {  	p2 =	seq.s32 s10, $0x1;
	s10 =	sld [smem:$0x3FB6]  }
0x3d: {  	_ =	shalt  }
0x3e: {  	_ =	shalt  }
0x3f: {  	_ =	shalt  }
0x40: {  	_ =	shalt  }
0x41: {  	_ =	shalt  }
0x42: {  	_ =	shalt  }
0x43: {  	_ =	shalt  }
0x44: {  	_ =	shalt  }
0x45: {  	_ =	shalt  }
0x46: {  	_ =	shalt  }
0x47: {  	_ =	shalt  }
0x48: {  	_ =	shalt  }
0x49: {  	_ =	shalt  }
0x4a: {  	_ =	shalt  }
0x4b: {  	_ =	shalt  }
0x4c: {  	_ =	shalt  }
0x4d: {  	_ =	shalt  }
0x4e: {  	_ =	shalt  }
0x4f: {  	_ =	shalt  }
0x50: {  	_ =	shalt  }
0x51: {  	_ =	shalt  }
0x52: {  	_ =	shalt  }
0x53: {  	_ =	shalt  }
0x54: {  	_ =	shalt  }
0x55: {  	_ =	shalt  }
0x56: {  	_ =	shalt  }
0x57: {  	_ =	shalt  }
0x58: {  	_ =	shalt  }
0x59: {  	_ =	shalt  }
0x5a: {  	_ =	shalt  }
0x5b: {  	_ =	shalt  }
0x5c: {  	_ =	shalt  }
0x5d: {  	_ =	shalt  }
0x5e: {  	_ =	shalt  }
0x5f: {  	_ =	shalt  }
0x60: {  	_ =	shalt  }
0x61: {  	_ =	shalt  }
0x62: {  	_ =	shalt  }
0x63: {  	_ =	shalt  }
0x64: {  	_ =	shalt  }
0x65: {  	_ =	shalt  }
0x66: {  	_ =	shalt  }
0x67: {  	_ =	shalt  }
0x68: {  	_ =	shalt  }
0x69: {  	_ =	shalt  }
0x6a: {  	_ =	shalt  }
0x6b: {  	_ =	shalt  }
0x6c: {  	_ =	shalt  }
0x6d: {  	_ =	shalt  }
0x6e: {  	_ =	shalt  }
0x6f: {  	_ =	shalt  }
0x70: {  	_ =	shalt  }
0x71: {  	_ =	shalt  }
0x72: {  	_ =	shalt  }
0x73: {  	_ =	shalt  }
0x74: {  	_ =	shalt  }
0x75: {  	_ =	shalt  }
0x76: {  	_ =	shalt  }
0x77: {  	_ =	shalt  }
0x78: {  	_ =	shalt  }
0x79: {  	_ =	shalt  }
0x7a: {  	_ =	shalt  }
0x7b: {  	_ =	shalt  }
0x7c: {  	_ =	shalt  }
0x7d: {  	_ =	shalt  }
0x7e: {  	_ =	shalt  }
0x7f: {  	_ =	shalt  }
0x80: {  	_ =	shalt  }
0x81: {  	_ =	shalt  }
0x82: {  	_ =	shalt  }
0x83: {  	_ =	shalt  }
0x84: {  	_ =	shalt  }
0x85: {  	_ =	shalt  }
0x86: {  	_ =	shalt  }
0x87: {  	_ =	shalt  }
.Lfunc_end0:
.L_simem_size_0:
called_computation.1_lowered:
.L_overlay_start_0:
0x88: {  	s2 =	sld [smem:$0x3FD9]  }
0x89: {  	s3 =	sld [smem:$0x3FFE];
	_ =	sdelay $0x1  }
0x8a: {  	s1 =	srdreg.scid  }
0x8b: {  	s0 =	sand.u32 $0x1, s1  }
0x8c: {  	s17 =	sshll.u32 s0, $0xA;
	s2 =	sadd.s32 s3, s2  }
0x8d: {  	s2 =	sadd.s32 s2, s17  }
0x8e: {  	[smem:$0x3FC2] =	sst s2  }
0x8f: {  	_ = 	snop  }
0x90: {  	s2 =	sld [smem:$0x3FC8]  }
0x91: {  	s18 =	sld [smem:$0x3FC7]  }
0x92: {  	s4 =	sld [smem:$0x3FD0];
	(tm) =	ssettm $0x1  }
0x93: {  	s5 =	sld [smem:$0x3FFB];
	_ =	sdelay $0x3  }
0x94: {  	_ =	strace s5  }
0x95: {  	s5 =	sld [smem:$0x3FFC];
	_ =	sdelay $0x3  }
0x96: {  	_ =	strace s5  }
0x97: {  	s5 =	sld [smem:$0x3FFD];
	_ =	sdelay $0x3  }
0x98: {  	_ =	strace s5  }
0x99: {  	_ =	strace $0x8FFFFFFF  }
0x9a: {  	s19 =	sld [smem:$0x3FDB];
	_ =	sdelay $0x1  }
0x9b: {  	s6 =	simm.s32 $_scs_section_size  }
0x9c: {  	s7 =	simm.s32 $_size__tile_overlayer_lowered;
	s8 =	simm.s32 $_tile_overlayer_lowered  }
0x9d: {  	s22 =	simm.s32 $0x1BFF;
	s21 =	sshll.u32 s8, $0x1;
	s5 =	sadd.s32 s6, s19  }
0x9e: {  	s9 =	simm.s32 $0x0;
	s20 =	sshll.u32 s7, $0x1;
	s7 =	sadd.s32 s21, s5  }
0x9f: {  	[timem:s9], [sflag:s22] =	dma.local [hbm:s7], s20  }
0xa0: {  	_ =	swait.ge [sflag:s22], s20  }
0xa1: {  	s6 =	ssub.s32 $0x0, s20;
	[sflag:s22] =	ssyncset.done $0x0  }
0xa2: {  	[sflag:s22] =	ssyncadd.s32 s6;
	_ =	sdelay $0x1  }
0xa3: {  	s23 =	simm.s32 $0x1B8B  }
0xa4: {  	_ =	swait.ge [sflag:s23], $0x1  }
0xa5: {  	[sflag:s23] =	ssyncset.done $0x0  }
0xa6: {  	s25 =	simm.s32 $0x1B8E;
	s24 =	sld [smem:$0x3FFE];
	[sflag:s23] =	ssyncadd.s32 $0xFFFFFFFF  }
0xa7: {  	s26 =	simm.s32 $execute0_lowered;
	[smem:$0x3FD2] =	sst s25  }
0xa8: {  	s7 =	sshll.u32 s26, $0x1;
	_ =	strace $0x80000046;
	[dreg:$0x1] =	wrdreg $0xFFFFFFFF  }
0xa9: {  	s28 =	simm.s32 $_size_execute0_lowered;
	s5 =	sadd.s32 s5, s7;
	[dreg:$0x0] =	wrdreg $0x0  }
0xaa: {  	s7 =	sshll.u32 s28, $0x1;
	[dreg:$0x2] =	wrdreg s5  }
0xab: {  	[dreg:$0x3] =	wrdreg s7  }
0xac: {  	[dreg:$0x4] =	wrdreg $0xC0  }
0xad: {  	_ =	task [dreg:s9], $0x5FFFF  }
0xae: {  	[dreg:$0x1] =	wrdreg $0xFFFFFFFF  }
0xaf: {  	[dreg:$0x0] =	wrdreg $0x60  }
0xb0: {  	[dreg:$0x2] =	wrdreg s4  }
0xb1: {  	[dreg:$0x3] =	wrdreg s2  }
0xb2: {  	[dreg:$0x4] =	wrdreg s18  }
0xb3: {  	[dreg:$0x5] =	wrdreg s24  }
0xb4: {  	[dreg:$0x6] =	wrdreg $0xD1100  }
0xb5: {  	[dreg:$0x7] =	wrdreg $0x9  }
0xb6: {  	_ =	task.clear_ibuf [dreg:s9], $0x8FFFF;
	_ =	strace $0x90000046  }
0xb7: {  	s29 =	simm.s32 $0x9;
	_ =	strace $0x80000048  }
0xb8: {  	_ =	swait.ge [sflag:s29], $0x1  }
0xb9: {  	[sflag:s29] =	ssyncadd.s32 $0xFFFFFFFF  }
0xba: {  	_ =	strace $0x90000048  }
0xbb: {  	_ =	sfence  }
0xbc: {  	s30 =	sld [smem:$0x0];
	_ =	sdelay $0x2  }
0xbd: {  	s31 =	sshll.u32 s1, $0xD;
	s1 =	sshrl.u32 s1, $0x2  }
0xbe: {  	s3 =	sand.u32 $0x4000, s31;
	s1 =	sadd.s32 s1, s30  }
0xbf: {  	s0 =	sor.u32 s3, s0;
	s1 =	sshll.u32 s1, $0x11  }
0xc0: {  	s0 =	sor.u32 s1, s0  }
0xc1: {  	s0 =	sadd.s32 $0x8F2B, s0  }
0xc2: {  	[sflag:s0] =	ssyncadd.remote.s32 $0x1  }
0xc3: {  	_ =	sfence.sel $0xFFFF  }
0xc4: {  	[dreg:$0x0] =	wrdreg $0xFFFFFFFF;
	(pc) =	sbr.abs _section_cstart, $3  }
0xc5: {  	[dreg:$0x1] =	wrdreg $0xFFFFFFFF  }
0xc6: {  	_ =	task.clear_ibuf [dreg:s9], $0x2FFFF;
	_ =	strace $0x9FFFFFFF  }
0xc7: {  	(tm) =	ssettm $0x7FFFFFFF  }
tec
execute0_lowered:
.L_overlay_start_1:
0x0: {  	(tag) =	ssettag $0x1  }
0x1: {  	s21 =	rddreg [dreg:$0x0]  }
0x2: {  	s0 =	rddreg [dreg:$0x3]  }
0x3: {  	s5 =	rddreg [dreg:$0x4];
	s6 =	simm.s32 $0x0  }
0x4: {  	s11 =	stileid.u32;
	s2 =	srdreg.scid;
	s31 =	simm.s32 $0x5  }
0x5: {  	s29 =	simm.s32 $0x8;
	[smem:$0x7FF] =	sst s6;
	s1 =	smul.u32 $0x2710, s11  }
0x6: {  	s2 =	sand.u32 $0x1, s2;
	s3 =	smul.u32 $0x3A980, s11;
	s7 =	sadd.s32 $0xE00, s0  }
0x7: {  	_ =	strace $0x80000047;
	s24 =	sshll.u32 s2, $0x5;
	s4 =	sshrl.u32 s1, $0x3  }
0x8: {  	s30 =	sadd.s32 $0x50, s1;
	s15 =	sadd.s32 $0xA0, s1;
	[dreg:$0x7] =	wrdreg s24  }
0x9: {  	s16 =	sadd.s32 s7, s1;
	s1 =	sadd.s32 $0xF0, s1;
	[dreg:$0xf] =	wrdreg s15  }
0xa: {  	s3 =	sshrl.u32 s3, $0x2;
	s14 =	sshll.u32 s30, $0x7;
	[dreg:$0x10] =	wrdreg s1  }
0xb: {  	s4 =	sadd.s32 s4, s0;
	s3 =	sadd.s32 s3, s5;
	[dreg:$0xe] =	wrdreg s14  }
0xc: {  	s8 =	sadd.s32 $0x32000, s0;
	s25 =	sadd.s32 $0x28000, s4;
	[dreg:$0x6] =	wrdreg s3  }
0xd: {  	s9 =	ssub.s32 $0x2, s2;
	s26 =	sadd.s32 $0x1E00, s3;
	[dreg:$0x8] =	wrdreg s25  }
0xe: {  	s10 =	sshrl.u32 s9, $0x1;
	s28 =	sadd.s32 $0x3C00, s3;
	[dreg:$0x9] =	wrdreg s26  }
0xf: {  	s13 =	smul.u32 $0x180, s30;
	s12 =	sadd.s32 $0x5A00, s3;
	[dreg:$0xa] =	wrdreg s28  }
0x10: {  	s2 =	simm.s32 $0x0;
	s0 =	ssub.s32 s9, s10;
	[dreg:$0xc] =	wrdreg s12  }
0x11: {  	s10 =	smul.u32 $0x3A9800, s11;
	s17 =	sadd.s32 $0x2D000, s4;
	[dreg:$0xd] =	wrdreg s13  }
0x12: {  	s19 =	sadd.s32 s7, s30;
	s22 =	sadd.s32 $0x7800, s3;
	[dreg:$0x11] =	wrdreg s17  }
0x13: {  	s9 =	simm.s32 $0x50;
	s23 =	sadd.s32 $0x9600, s3;
	[dreg:$0x14] =	wrdreg s22  }
0x14: {  	s0 =	smax.u32 s0, $0x1;
	s4 =	simm.s32 $0x7;
	[dreg:$0x15] =	wrdreg s23  }
0x15: {  	s18 =	sor.u32 s24, s10;
	s24 =	sadd.s32 $0xB400, s3;
	[dreg:$0x18] =	wrdreg s0  }
0x16: {  	s25 =	sadd.s32 $0xD200, s3;
	s26 =	smul.u32 $0x138800, s11;
	[dreg:$0xb] =	wrdreg s10  }
0x17: {  	s28 =	sadd.s32 $0x39A800, s10;
	s30 =	sadd.s32 $0x3A2000, s10;
	[dreg:$0x16] =	wrdreg s24  }
0x18: {  	s17 =	simm.s32 $0xAA00;
	s12 =	simm.s32 $0x3C00;
	[dreg:$0x17] =	wrdreg s25  }
0x19: {  	s10 =	simm.s32 $0x20;
	s13 =	simm.s32 $0x80;
	[dreg:$0x1a] =	wrdreg s28  }
0x1a: {  	s23 =	simm.s32 $0x5A00;
	s20 =	sadd.s32 $0x7800, s18;
	[dreg:$0x1b] =	wrdreg s30  }
0x1b: {  	s0 =	simm.s32 $0x6;
	s1 =	sadd.s32 $0xF000, s18;
	[dreg:$0x12] =	wrdreg s20  }
0x1c: {  	s18 =	simm.s32 $0x9;
	s24 =	simm.s32 $0x1;
	[dreg:$0x13] =	wrdreg s1  }
0x1d: {  	v0 =	vimm.f32 $0.0e+00;
	s25 =	simm.s32 $0x3;
	[dreg:$0x19] =	wrdreg s26;
	s26 =	simm.s32 $0x2  }
.LBB2_1:
0x1e: {  	[dreg:$0x1c] =	wrdreg s2;
	p1 =	por $0x1, $0x1;
	s3 =	simm.s32 $0x0  }
.LBB2_2:
0x1f: {  	s1 =	simm.s32 $0x0;
	s2 =	rddreg [dreg:$0x8]  }
0x20: {  	[tilespmem:s17], [sflag:$0x9] =	stream.linear.gather [hbm4b:s2+s1], $0x2710, $0x38;
	[tilespmem:$0x1BB70] =	vst v63  }
0x21: {  	_ =	swait.ge [sflag:s18], $0x2710  }
0x22: {  	[sflag:s18] =	ssyncset.done $0x0  }
0x23: {  	s1 =	simm.s32 $0x0;
	[sflag:s18] =	ssyncadd.s32 $0xFFFFD8F0  }
0x24: {  	[tilespmem:s1+$0x3C50] =	vst v0  }
0x25: {  	[tilespmem:s1+$0x3C00] =	vst v0  }
0x26: {  	[tilespmem:s1+$0x3C10] =	vst v0  }
0x27: {  	[tilespmem:s1+$0x3C20] =	vst v0  }
0x28: {  	p0 =	por p1, p1;
	s2 =	simm.s32 $0x180;
	[tilespmem:s1+$0x3C30] =	vst v0  }
.LBB2_3:
0x29: {  	p1 =	sne.s32 s2, $0x7680;
	[tilespmem:s1+$0x3C40] =	vst v0;
	s1 =	sshra.s32 s2, $0x2;
	s2 =	sadd.s32 $0x180, s2  }
.Ltmp0:
0x2a: {  	[tilespmem:s1+$0x3C50] =	vst v0;
	(pc) =	sbr.rel @p1 .LBB2_3-.Ltmp0, $4  }
0x2b: {  	[tilespmem:s1+$0x3C00] =	vst v0  }
0x2c: {  	[tilespmem:s1+$0x3C10] =	vst v0  }
0x2d: {  	[tilespmem:s1+$0x3C20] =	vst v0  }
0x2e: {  	[tilespmem:s1+$0x3C30] =	vst v0  }
0x2f: {  	[tilespmem:s1+$0x3C40] =	vst v0;
	s1 =	simm.s32 $0x0  }
0x30: {  	[tilespmem:s1+$0x5A50] =	vst v0  }
0x31: {  	[tilespmem:s1+$0x5A00] =	vst v0  }
0x32: {  	[tilespmem:s1+$0x5A10] =	vst v0  }
0x33: {  	[tilespmem:s1+$0x5A20] =	vst v0  }
0x34: {  	s2 =	simm.s32 $0x180;
	[tilespmem:s1+$0x5A30] =	vst v0  }
.LBB2_5:
0x35: {  	p1 =	sne.s32 s2, $0x7680;
	[tilespmem:s1+$0x5A40] =	vst v0;
	s1 =	sshra.s32 s2, $0x2;
	s2 =	sadd.s32 $0x180, s2  }
.Ltmp1:
0x36: {  	[tilespmem:s1+$0x5A50] =	vst v0;
	(pc) =	sbr.rel @p1 .LBB2_5-.Ltmp1, $4  }
0x37: {  	[tilespmem:s1+$0x5A00] =	vst v0  }
0x38: {  	[tilespmem:s1+$0x5A10] =	vst v0  }
0x39: {  	[tilespmem:s1+$0x5A20] =	vst v0  }
0x3a: {  	[tilespmem:s1+$0x5A30] =	vst v0  }
0x3b: {  	[tilespmem:s1+$0x5A40] =	vst v0;
	s2 =	rddreg [dreg:$0x6]  }
0x3c: {  	[spmem:s2] =	stream.linear.scatter [tilespmem:s12], [sflag:$0x9], $0x1E00, $0x38;
	[tilespmem:$0x1BB70] =	vst v63  }
0x3d: {  	_ =	swait.ge [sflag:s18], $0x1E00  }
0x3e: {  	[sflag:s18] =	ssyncset.done $0x0  }
0x3f: {  	s11 =	rddreg [dreg:$0x9];
	[sflag:s18] =	ssyncadd.s32 $0xFFFFE200  }
0x40: {  	[spmem:s11] =	stream.linear.scatter [tilespmem:s12], [sflag:$0x9], $0x1E00, $0x38;
	[tilespmem:$0x1BB70] =	vst v63  }
0x41: {  	_ =	swait.ge [sflag:s18], $0x1E00  }
0x42: {  	[sflag:s18] =	ssyncset.done $0x0  }
0x43: {  	s14 =	rddreg [dreg:$0xa];
	[sflag:s18] =	ssyncadd.s32 $0xFFFFE200  }
0x44: {  	[spmem:s14] =	stream.linear.scatter [tilespmem:s12], [sflag:$0x9], $0x1E00, $0x38;
	[tilespmem:$0x1BB70] =	vst v63  }
0x45: {  	_ =	swait.ge [sflag:s18], $0x1E00  }
0x46: {  	[sflag:s18] =	ssyncset.done $0x0  }
0x47: {  	s15 =	rddreg [dreg:$0xc];
	[sflag:s18] =	ssyncadd.s32 $0xFFFFE200  }
0x48: {  	[spmem:s15] =	stream.linear.scatter [tilespmem:s12], [sflag:$0x9], $0x1E00, $0x38;
	[tilespmem:$0x1BB70] =	vst v63  }
0x49: {  	_ =	swait.ge [sflag:s18], $0x1E00  }
0x4a: {  	[sflag:s18] =	ssyncset.done $0x0  }
0x4b: {  	s20 =	rddreg [dreg:$0x14];
	[sflag:s18] =	ssyncadd.s32 $0xFFFFE200  }
0x4c: {  	[spmem:s20] =	stream.linear.scatter [tilespmem:s12], [sflag:$0x9], $0x1E00, $0x38;
	[tilespmem:$0x1BB70] =	vst v63  }
0x4d: {  	_ =	swait.ge [sflag:s18], $0x1E00  }
0x4e: {  	[sflag:s18] =	ssyncset.done $0x0  }
0x4f: {  	s22 =	rddreg [dreg:$0x15];
	[sflag:s18] =	ssyncadd.s32 $0xFFFFE200  }
0x50: {  	[spmem:s22] =	stream.linear.scatter [tilespmem:s12], [sflag:$0x9], $0x1E00, $0x38;
	[tilespmem:$0x1BB70] =	vst v63  }
0x51: {  	_ =	swait.ge [sflag:s18], $0x1E00  }
0x52: {  	[sflag:s18] =	ssyncset.done $0x0  }
0x53: {  	s28 =	rddreg [dreg:$0x16];
	[sflag:s18] =	ssyncadd.s32 $0xFFFFE200  }
0x54: {  	[spmem:s28] =	stream.linear.scatter [tilespmem:s12], [sflag:$0x9], $0x1E00, $0x38;
	[tilespmem:$0x1BB70] =	vst v63  }
0x55: {  	_ =	swait.ge [sflag:s18], $0x1E00  }
0x56: {  	[dreg:$0x1d] =	wrdreg s3;
	[sflag:s18] =	ssyncset.done $0x0  }
0x57: {  	s2 =	rddreg [dreg:$0x17];
	[sflag:s18] =	ssyncadd.s32 $0xFFFFE200  }
0x58: {  	[spmem:s2] =	stream.linear.scatter [tilespmem:s12], [sflag:$0x9], $0x1860, $0x38;
	[tilespmem:$0x1BB70] =	vst v63  }
0x59: {  	s11 =	rddreg [dreg:$0x7];
	_ =	swait.ge [sflag:s18], $0x1860  }
0x5a: {  	s30 =	sor.u32 s11, s3;
	[sflag:s18] =	ssyncset.done $0x0;
	s14 =	rddreg [dreg:$0xb]  }
0x5b: {  	s1 =	sor.u32 s14, s30;
	[sflag:s18] =	ssyncadd.s32 $0xFFFFE7A0  }
0x5c: {  	s1 =	sshrl.u32 s1, $0x3;
	[bflag:$0x0] =	sbarrier.arrive $0xFFFF  }
0x5d: {  	[dreg:$0x1e] =	wrdreg s1  }
0x5e: {  	s2 =	simm.s32 $0x0;
	s1 =	sadd.s32 s21, s1;
	s15 =	rddreg [dreg:$0x19]  }
0x5f: {  	[tilespmem:s2], [sflag:$0x1] =	stream.strided.gather [hbm4b:s1+s10], $0x1E00, s13, s10, $0x38;
	[tilespmem:$0x1BB70] =	vst v63  }
0x60: {  	s1 =	sor.u32 s15, s30  }
0x61: {  	s18 =	rddreg [dreg:$0x1];
	s1 =	sshrl.u32 s1, $0x3  }
0x62: {  	s20 =	simm.s32 $0x7800;
	s22 =	rddreg [dreg:$0x2];
	s2 =	sadd.s32 s18, s1  }
0x63: {  	[tilespmem:s20], [sflag:$0x1] =	stream.strided.gather [hbm4b:s2+s10], $0xA00, s13, s10, $0x38;
	[tilespmem:$0x1BB70] =	vst v63  }
0x64: {  	s28 =	simm.s32 $0x8C00;
	s11 =	sadd.s32 $0x0, s16;
	s1 =	sadd.s32 s22, s1  }
0x65: {  	[tilespmem:s28], [sflag:$0x1] =	stream.strided.gather [hbm4b:s1+s10], $0xA00, s13, s10, $0x38;
	[tilespmem:$0x1BB70] =	vst v63  }
0x66: {  	s3 =	simm.s32 $0xA010;
	s2 =	simm.s32 $0x1;
	s1 =	simm.s32 $0xA000  }
.LBB2_7:
0x67: {  	[tilespmem:s1], [sflag:$0x1] =	stream.linear.gather [hbm4b:s11+s6], $0x3, $0x38;
	[tilespmem:$0x1BB70] =	vst v63  }
0x68: {  	s11 =	smov.u32 s2;
	s1 =	smov.u32 s3;
	p1 =	sne.s32 s2, $0x4F  }
.Ltmp2:
0x69: {  	s2 =	sadd.s32 $0x1, s2;
	(pc) =	sbr.rel @p1 .LBB2_7-.Ltmp2, $2  }
0x6a: {  	_ =	sdelay $0x2  }
0x6b: {  	s3 =	sadd.s32 $0x10, s3;
	s11 =	sadd.s32 s11, s16  }
0x6c: {  	[tilespmem:s1], [sflag:$0x1] =	stream.linear.gather [hbm4b:s11+s6], $0x3, $0x38;
	[tilespmem:$0x1BB70] =	vst v63  }
0x6d: {  	s15 =	rddreg [dreg:$0xd]  }
0x6e: {  	s1 =	sor.u32 s15, s30  }
0x6f: {  	s1 =	sshrl.u32 s1, $0x3  }
0x70: {  	s2 =	simm.s32 $0x1E00;
	s18 =	rddreg [dreg:$0xe];
	s1 =	sadd.s32 s21, s1  }
0x71: {  	[tilespmem:s2], [sflag:$0x2] =	stream.strided.gather [hbm4b:s1+s10], $0x1E00, s13, s10, $0x38;
	[tilespmem:$0x1BB70] =	vst v63  }
0x72: {  	s1 =	sor.u32 s18, s30  }
0x73: {  	s20 =	rddreg [dreg:$0x1];
	s1 =	sshrl.u32 s1, $0x3  }
0x74: {  	s3 =	simm.s32 $0x8200;
	s22 =	rddreg [dreg:$0x2];
	s2 =	sadd.s32 s20, s1  }
0x75: {  	[tilespmem:s3], [sflag:$0x2] =	stream.strided.gather [hbm4b:s2+s10], $0xA00, s13, s10, $0x38;
	[tilespmem:$0x1BB70] =	vst v63  }
0x76: {  	s28 =	simm.s32 $0x9600;
	s11 =	sadd.s32 $0x0, s19;
	s1 =	sadd.s32 s22, s1  }
0x77: {  	[tilespmem:s28], [sflag:$0x2] =	stream.strided.gather [hbm4b:s1+s10], $0xA00, s13, s10, $0x38;
	[tilespmem:$0x1BB70] =	vst v63  }
0x78: {  	s2 =	simm.s32 $0x1;
	s3 =	simm.s32 $0xA510;
	s1 =	simm.s32 $0xA500  }
.LBB2_9:
0x79: {  	[tilespmem:s1], [sflag:$0x2] =	stream.linear.gather [hbm4b:s11+s6], $0x3, $0x38;
	[tilespmem:$0x1BB70] =	vst v63  }
0x7a: {  	s11 =	smov.u32 s2;
	s1 =	smov.u32 s3;
	p1 =	sne.s32 s2, $0x4F  }
.Ltmp3:
0x7b: {  	s2 =	sadd.s32 $0x1, s2;
	(pc) =	sbr.rel @p1 .LBB2_9-.Ltmp3, $2  }
0x7c: {  	_ =	sdelay $0x2  }
0x7d: {  	s3 =	sadd.s32 $0x10, s3;
	s11 =	sadd.s32 s11, s19  }
0x7e: {  	[tilespmem:s1], [sflag:$0x2] =	stream.linear.gather [hbm4b:s11+s6], $0x3, $0x38;
	[tilespmem:$0x1BB70] =	vst v63  }
0x7f: {  	_ = 	snop  }
0x80: {  	[spmem:s5] =	stream.indirect.scatter.add.f32 [tilespmem:s12], [sflag:$0x3], $0x60, s17, s9, $0xb8;
	[tilespmem:$0x1BB70] =	vst v63  }
0x81: {  	s11 =	simm.s32 $0x0  }
0x82: {  	[spmem:s5] =	stream.indirect.scatter.add.f32 [tilespmem:s23], [sflag:$0x4], $0x60, s17, s9, $0xb8;
	[tilespmem:$0x1BB70] =	vst v63  }
.LBB2_11:
0x83: {  	_ =	swait.ge [sflag:s24], $0x1E00  }
0x84: {  	[sflag:s24] =	ssyncset.done $0x0  }
0x85: {  	[sflag:s24] =	ssyncadd.s32 $0xFFFFE200  }
0x86: {  	_ =	swait.ge [sflag:s24], $0xA00  }
0x87: {  	[sflag:s24] =	ssyncset.done $0x0  }
0x88: {  	[sflag:s24] =	ssyncadd.s32 $0xFFFFF600  }
0x89: {  	_ =	swait.ge [sflag:s24], $0xA00  }
0x8a: {  	[sflag:s24] =	ssyncset.done $0x0  }
0x8b: {  	[sflag:s24] =	ssyncadd.s32 $0xFFFFF600  }
0x8c: {  	_ =	swait.ge [sflag:s24], $0xF0  }
0x8d: {  	[sflag:s24] =	ssyncset.done $0x0  }
0x8e: {  	[sflag:s24] =	ssyncadd.s32 $0xFFFFFF10  }
0x8f: {  	_ =	swait.ge [sflag:s25], $0x1E00  }
0x90: {  	[sflag:s25] =	ssyncset.done $0x0  }
0x91: {  	s15 =	simm.s32 $0x7840;
	[sflag:s25] =	ssyncadd.s32 $0xFFFFE200  }
0x92: {  	s17 =	simm.s32 $0xA020;
	v1 =	vld [tilespmem:s15+$0xFFFFFFC0]  }
0x93: {  	s14 =	simm.s32 $0xC0;
	v2 =	vld [tilespmem:s17+$0xFFFFFFE0]  }
0x94: {  	s1 =	simm.s32 $0x8C40;
	v3 =	vld [tilespmem:s14+$0xFFFFFF40]  }
0x95: {  	v4 =	vld [tilespmem:s1+$0xFFFFFFC0];
	_ =	sdelay $0x2  }
0x96: {  	v5 =	vbroadcast v2, $0x0;
	_ =	sdelay $0x1  }
0x97: {  	v3 =	vmul.f32 v3, v1;
	v6 =	vmul.f32 v5, v4;
	_ =	sdelay $0x1  }
0x98: {  	v3 =	vadd.f32 v6, v3  }
0x99: {  	s22 =	simm.s32 $0x3CC0;
	v7 =	vld [tilespmem:s1+$0xFFFFFFD0]  }
0x9a: {  	v6 =	vld [tilespmem:s15+$0xFFFFFFD0];
	[tilespmem:s22+$0xFFFFFF40] =	vst v3  }
0x9b: {  	v3 =	vld [tilespmem:s14+$0xFFFFFF50];
	_ =	sdelay $0x4  }
0x9c: {  	v5 =	vmul.f32 v5, v7;
	v3 =	vmul.f32 v3, v6;
	_ =	sdelay $0x1  }
0x9d: {  	v3 =	vadd.f32 v3, v5;
	_ =	sdelay $0x1  }
0x9e: {  	[tilespmem:s22+$0xFFFFFF50] =	vst v3  }
0x9f: {  	v3 =	vld [tilespmem:s14+$0xFFFFFF60];
	_ =	sdelay $0x2  }
0xa0: {  	v5 =	vbroadcast v2, $0x1;
	_ =	sdelay $0x1  }
0xa1: {  	v8 =	vmul.f32 v5, v4;
	v3 =	vmul.f32 v3, v1;
	_ =	sdelay $0x1  }
0xa2: {  	v3 =	vadd.f32 v3, v8;
	_ =	sdelay $0x1  }
0xa3: {  	[tilespmem:s22+$0xFFFFFF60] =	vst v3  }
0xa4: {  	v3 =	vld [tilespmem:s14+$0xFFFFFF70];
	_ =	sdelay $0x4  }
0xa5: {  	v5 =	vmul.f32 v5, v7;
	v3 =	vmul.f32 v3, v6;
	_ =	sdelay $0x1  }
0xa6: {  	v3 =	vadd.f32 v3, v5;
	_ =	sdelay $0x1  }
0xa7: {  	[tilespmem:s22+$0xFFFFFF70] =	vst v3  }
0xa8: {  	v3 =	vld [tilespmem:s14+$0xFFFFFF80];
	_ =	sdelay $0x2  }
0xa9: {  	v2 =	vbroadcast v2, $0x2;
	_ =	sdelay $0x1  }
0xaa: {  	v4 =	vmul.f32 v2, v4;
	v1 =	vmul.f32 v3, v1;
	_ =	sdelay $0x1  }
0xab: {  	v1 =	vadd.f32 v1, v4;
	_ =	sdelay $0x1  }
0xac: {  	[tilespmem:s22+$0xFFFFFF80] =	vst v1  }
0xad: {  	v1 =	vld [tilespmem:s14+$0xFFFFFF90];
	_ =	sdelay $0x4  }
0xae: {  	v2 =	vmul.f32 v2, v7;
	v1 =	vmul.f32 v1, v6;
	_ =	sdelay $0x1  }
0xaf: {  	v1 =	vadd.f32 v1, v2;
	_ =	sdelay $0x1  }
0xb0: {  	[tilespmem:s22+$0xFFFFFF90] =	vst v1  }
0xb1: {  	v1 =	vld [tilespmem:s15+$0xFFFFFFE0]  }
0xb2: {  	v2 =	vld [tilespmem:s17+$0xFFFFFFF0]  }
0xb3: {  	v3 =	vld [tilespmem:s1+$0xFFFFFFE0]  }
0xb4: {  	v4 =	vld [tilespmem:s14+$0xFFFFFFA0];
	_ =	sdelay $0x2  }
0xb5: {  	v5 =	vbroadcast v2, $0x0;
	_ =	sdelay $0x1  }
0xb6: {  	v4 =	vmul.f32 v4, v1;
	v6 =	vmul.f32 v5, v3;
	_ =	sdelay $0x1  }
0xb7: {  	v4 =	vadd.f32 v6, v4  }
0xb8: {  	v7 =	vld [tilespmem:s1+$0xFFFFFFF0]  }
0xb9: {  	v6 =	vld [tilespmem:s15+$0xFFFFFFF0];
	[tilespmem:s22+$0xFFFFFFA0] =	vst v4  }
0xba: {  	v4 =	vld [tilespmem:s14+$0xFFFFFFB0];
	_ =	sdelay $0x4  }
0xbb: {  	v5 =	vmul.f32 v5, v7;
	v4 =	vmul.f32 v4, v6;
	_ =	sdelay $0x1  }
0xbc: {  	v4 =	vadd.f32 v4, v5;
	_ =	sdelay $0x1  }
0xbd: {  	[tilespmem:s22+$0xFFFFFFB0] =	vst v4  }
0xbe: {  	v4 =	vld [tilespmem:s14+$0xFFFFFFC0];
	_ =	sdelay $0x2  }
0xbf: {  	v5 =	vbroadcast v2, $0x1;
	_ =	sdelay $0x1  }
0xc0: {  	v8 =	vmul.f32 v5, v3;
	v4 =	vmul.f32 v4, v1;
	_ =	sdelay $0x1  }
0xc1: {  	v4 =	vadd.f32 v4, v8;
	_ =	sdelay $0x1  }
0xc2: {  	[tilespmem:s22+$0xFFFFFFC0] =	vst v4  }
0xc3: {  	v4 =	vld [tilespmem:s14+$0xFFFFFFD0];
	_ =	sdelay $0x4  }
0xc4: {  	v5 =	vmul.f32 v5, v7;
	v4 =	vmul.f32 v4, v6;
	_ =	sdelay $0x1  }
0xc5: {  	v4 =	vadd.f32 v4, v5;
	_ =	sdelay $0x1  }
0xc6: {  	[tilespmem:s22+$0xFFFFFFD0] =	vst v4  }
0xc7: {  	v4 =	vld [tilespmem:s14+$0xFFFFFFE0];
	_ =	sdelay $0x2  }
0xc8: {  	v2 =	vbroadcast v2, $0x2;
	_ =	sdelay $0x1  }
0xc9: {  	v3 =	vmul.f32 v2, v3;
	v1 =	vmul.f32 v4, v1;
	_ =	sdelay $0x1  }
0xca: {  	v1 =	vadd.f32 v1, v3;
	_ =	sdelay $0x1  }
0xcb: {  	[tilespmem:s22+$0xFFFFFFE0] =	vst v1  }
0xcc: {  	v1 =	vld [tilespmem:s14+$0xFFFFFFF0];
	_ =	sdelay $0x4  }
0xcd: {  	v2 =	vmul.f32 v2, v7;
	v1 =	vmul.f32 v1, v6;
	_ =	sdelay $0x1  }
0xce: {  	v1 =	vadd.f32 v1, v2;
	_ =	sdelay $0x1  }
0xcf: {  	[tilespmem:s22+$0xFFFFFFF0] =	vst v1  }
0xd0: {  	v1 =	vld [tilespmem:s14+$0x0]  }
0xd1: {  	v2 =	vld [tilespmem:s17+$0x0]  }
0xd2: {  	v3 =	vld [tilespmem:s15+$0x0]  }
0xd3: {  	v4 =	vld [tilespmem:s1+$0x0];
	_ =	sdelay $0x2  }
0xd4: {  	v5 =	vbroadcast v2, $0x0;
	_ =	sdelay $0x1  }
0xd5: {  	v1 =	vmul.f32 v1, v3;
	v6 =	vmul.f32 v5, v4;
	_ =	sdelay $0x1  }
0xd6: {  	v1 =	vadd.f32 v6, v1  }
0xd7: {  	v7 =	vld [tilespmem:s1+$0x10]  }
0xd8: {  	v6 =	vld [tilespmem:s15+$0x10];
	[tilespmem:s22+$0x0] =	vst v1  }
0xd9: {  	v1 =	vld [tilespmem:s14+$0x10];
	_ =	sdelay $0x4  }
0xda: {  	v5 =	vmul.f32 v5, v7;
	v1 =	vmul.f32 v1, v6;
	_ =	sdelay $0x1  }
0xdb: {  	v1 =	vadd.f32 v1, v5;
	_ =	sdelay $0x1  }
0xdc: {  	[tilespmem:s22+$0x10] =	vst v1  }
0xdd: {  	v1 =	vld [tilespmem:s14+$0x20];
	_ =	sdelay $0x2  }
0xde: {  	v5 =	vbroadcast v2, $0x1;
	_ =	sdelay $0x1  }
0xdf: {  	v8 =	vmul.f32 v5, v4;
	v1 =	vmul.f32 v1, v3;
	_ =	sdelay $0x1  }
0xe0: {  	v1 =	vadd.f32 v1, v8;
	_ =	sdelay $0x1  }
0xe1: {  	[tilespmem:s22+$0x20] =	vst v1  }
0xe2: {  	v1 =	vld [tilespmem:s14+$0x30];
	_ =	sdelay $0x4  }
0xe3: {  	v5 =	vmul.f32 v5, v7;
	v1 =	vmul.f32 v1, v6;
	_ =	sdelay $0x1  }
0xe4: {  	v1 =	vadd.f32 v1, v5;
	_ =	sdelay $0x1  }
0xe5: {  	[tilespmem:s22+$0x30] =	vst v1  }
0xe6: {  	v1 =	vld [tilespmem:s14+$0x40];
	_ =	sdelay $0x2  }
0xe7: {  	v2 =	vbroadcast v2, $0x2;
	_ =	sdelay $0x1  }
0xe8: {  	v4 =	vmul.f32 v2, v4;
	v1 =	vmul.f32 v1, v3;
	_ =	sdelay $0x1  }
0xe9: {  	v1 =	vadd.f32 v1, v4;
	_ =	sdelay $0x1  }
0xea: {  	[tilespmem:s22+$0x40] =	vst v1  }
0xeb: {  	v1 =	vld [tilespmem:s14+$0x50];
	_ =	sdelay $0x4  }
0xec: {  	v2 =	vmul.f32 v2, v7;
	v1 =	vmul.f32 v1, v6;
	_ =	sdelay $0x1  }
0xed: {  	v1 =	vadd.f32 v1, v2;
	_ =	sdelay $0x1  }
0xee: {  	[tilespmem:s22+$0x50] =	vst v1  }
0xef: {  	v1 =	vld [tilespmem:s17+$0x10]  }
0xf0: {  	v2 =	vld [tilespmem:s15+$0x20]  }
0xf1: {  	v3 =	vld [tilespmem:s1+$0x20]  }
0xf2: {  	v10 =	vld [tilespmem:s14+$0x60];
	_ =	sdelay $0x2  }
0xf3: {  	v6 =	vld [tilespmem:s1+$0x30];
	v8 =	vbroadcast v1, $0x0  }
0xf4: {  	v7 =	vbroadcast v1, $0x1;
	v5 =	vbroadcast v1, $0x2  }
0xf5: {  	s18 =	simm.s32 $0x0;
	v10 =	vmul.f32 v10, v2;
	v9 =	vmul.f32 v8, v3  }
0xf6: {  	s20 =	simm.s32 $0x8CC0;
	s2 =	simm.s32 $0x3E40;
	s1 =	simm.s32 $0x240;
	v1 =	vld [tilespmem:s15+$0x30];
	v4 =	vmul.f32 v7, v3;
	v3 =	vmul.f32 v5, v3  }
.LBB2_12:
0xf7: {  	s18 =	sadd.s32 $0x4, s18;
	s17 =	sadd.s32 $0x40, s17;
	s15 =	sadd.s32 $0x80, s15  }
0xf8: {  	p1 =	slt.u32 s18, $0x4C;
	v9 =	vadd.f32 v9, v10;
	v8 =	vmul.f32 v8, v6;
	v7 =	vmul.f32 v7, v6  }
0xf9: {  	v5 =	vmul.f32 v5, v6  }
0xfa: {  	[tilespmem:s22+$0x60] =	vst v9  }
0xfb: {  	v6 =	vld [tilespmem:s14+$0x70];
	_ =	sdelay $0x4  }
0xfc: {  	v6 =	vmul.f32 v6, v1;
	_ =	sdelay $0x1  }
0xfd: {  	v6 =	vadd.f32 v6, v8;
	_ =	sdelay $0x1  }
0xfe: {  	[tilespmem:s22+$0x70] =	vst v6  }
0xff: {  	v6 =	vld [tilespmem:s14+$0x80];
	_ =	sdelay $0x4  }
0x100: {  	v6 =	vmul.f32 v6, v2;
	_ =	sdelay $0x1  }
0x101: {  	v4 =	vadd.f32 v6, v4;
	_ =	sdelay $0x1  }
0x102: {  	[tilespmem:s22+$0x80] =	vst v4  }
0x103: {  	v4 =	vld [tilespmem:s14+$0x90];
	_ =	sdelay $0x4  }
0x104: {  	v4 =	vmul.f32 v4, v1;
	_ =	sdelay $0x1  }
0x105: {  	v4 =	vadd.f32 v4, v7;
	_ =	sdelay $0x1  }
0x106: {  	[tilespmem:s22+$0x90] =	vst v4  }
0x107: {  	v4 =	vld [tilespmem:s14+$0xA0];
	_ =	sdelay $0x4  }
0x108: {  	v2 =	vmul.f32 v4, v2;
	_ =	sdelay $0x1  }
0x109: {  	v2 =	vadd.f32 v2, v3;
	_ =	sdelay $0x1  }
0x10a: {  	[tilespmem:s22+$0xA0] =	vst v2  }
0x10b: {  	v2 =	vld [tilespmem:s14+$0xB0];
	s14 =	smov.u32 s1;
	_ =	sdelay $0x4  }
0x10c: {  	v1 =	vmul.f32 v2, v1;
	_ =	sdelay $0x1  }
0x10d: {  	v1 =	vadd.f32 v1, v5;
	_ =	sdelay $0x1  }
0x10e: {  	[tilespmem:s22+$0xB0] =	vst v1;
	s22 =	smov.u32 s2  }
0x10f: {  	v1 =	vld [tilespmem:s15+$0xFFFFFFC0]  }
0x110: {  	v2 =	vld [tilespmem:s17+$0xFFFFFFE0]  }
0x111: {  	v3 =	vld [tilespmem:s1+$0xFFFFFF40]  }
0x112: {  	v4 =	vld [tilespmem:s20+$0xFFFFFFC0];
	_ =	sdelay $0x2  }
0x113: {  	v5 =	vbroadcast v2, $0x0;
	v6 =	vbroadcast v2, $0x1  }
0x114: {  	v2 =	vbroadcast v2, $0x2;
	v3 =	vmul.f32 v3, v1  }
0x115: {  	v7 =	vmul.f32 v5, v4;
	v8 =	vmul.f32 v6, v4  }
0x116: {  	v4 =	vmul.f32 v2, v4  }
0x117: {  	v9 =	vld [tilespmem:s20+$0xFFFFFFD0];
	v3 =	vadd.f32 v7, v3  }
0x118: {  	v7 =	vld [tilespmem:s15+$0xFFFFFFD0]  }
0x119: {  	[tilespmem:s2+$0xFFFFFF40] =	vst v3  }
0x11a: {  	v3 =	vld [tilespmem:s1+$0xFFFFFF50];
	_ =	sdelay $0x1  }
0x11b: {  	v6 =	vmul.f32 v6, v9;
	v2 =	vmul.f32 v2, v9;
	_ =	sdelay $0x2  }
0x11c: {  	v5 =	vmul.f32 v5, v9;
	v3 =	vmul.f32 v3, v7;
	_ =	sdelay $0x1  }
0x11d: {  	v3 =	vadd.f32 v3, v5;
	_ =	sdelay $0x1  }
0x11e: {  	[tilespmem:s2+$0xFFFFFF50] =	vst v3  }
0x11f: {  	v3 =	vld [tilespmem:s1+$0xFFFFFF60];
	_ =	sdelay $0x4  }
0x120: {  	v3 =	vmul.f32 v3, v1;
	_ =	sdelay $0x1  }
0x121: {  	v3 =	vadd.f32 v3, v8;
	_ =	sdelay $0x1  }
0x122: {  	[tilespmem:s2+$0xFFFFFF60] =	vst v3  }
0x123: {  	v3 =	vld [tilespmem:s1+$0xFFFFFF70];
	_ =	sdelay $0x4  }
0x124: {  	v3 =	vmul.f32 v3, v7;
	_ =	sdelay $0x1  }
0x125: {  	v3 =	vadd.f32 v3, v6;
	_ =	sdelay $0x1  }
0x126: {  	[tilespmem:s2+$0xFFFFFF70] =	vst v3  }
0x127: {  	v3 =	vld [tilespmem:s1+$0xFFFFFF80];
	_ =	sdelay $0x4  }
0x128: {  	v1 =	vmul.f32 v3, v1;
	_ =	sdelay $0x1  }
0x129: {  	v1 =	vadd.f32 v1, v4;
	_ =	sdelay $0x1  }
0x12a: {  	[tilespmem:s2+$0xFFFFFF80] =	vst v1  }
0x12b: {  	v1 =	vld [tilespmem:s1+$0xFFFFFF90];
	_ =	sdelay $0x4  }
0x12c: {  	v1 =	vmul.f32 v1, v7;
	_ =	sdelay $0x1  }
0x12d: {  	v1 =	vadd.f32 v1, v2;
	_ =	sdelay $0x1  }
0x12e: {  	[tilespmem:s2+$0xFFFFFF90] =	vst v1  }
0x12f: {  	v1 =	vld [tilespmem:s15+$0xFFFFFFE0]  }
0x130: {  	v2 =	vld [tilespmem:s17+$0xFFFFFFF0]  }
0x131: {  	v3 =	vld [tilespmem:s20+$0xFFFFFFE0]  }
0x132: {  	v4 =	vld [tilespmem:s1+$0xFFFFFFA0];
	_ =	sdelay $0x2  }
0x133: {  	v5 =	vbroadcast v2, $0x0;
	v6 =	vbroadcast v2, $0x1  }
0x134: {  	v2 =	vbroadcast v2, $0x2  }
0x135: {  	v4 =	vmul.f32 v4, v1;
	v7 =	vmul.f32 v5, v3  }
0x136: {  	v8 =	vmul.f32 v6, v3;
	v3 =	vmul.f32 v2, v3  }
0x137: {  	v9 =	vld [tilespmem:s20+$0xFFFFFFF0];
	v4 =	vadd.f32 v7, v4  }
0x138: {  	v7 =	vld [tilespmem:s15+$0xFFFFFFF0]  }
0x139: {  	[tilespmem:s2+$0xFFFFFFA0] =	vst v4  }
0x13a: {  	v4 =	vld [tilespmem:s1+$0xFFFFFFB0];
	_ =	sdelay $0x1  }
0x13b: {  	v6 =	vmul.f32 v6, v9;
	v2 =	vmul.f32 v2, v9;
	_ =	sdelay $0x2  }
0x13c: {  	v5 =	vmul.f32 v5, v9;
	v4 =	vmul.f32 v4, v7;
	_ =	sdelay $0x1  }
0x13d: {  	v4 =	vadd.f32 v4, v5;
	_ =	sdelay $0x1  }
0x13e: {  	[tilespmem:s2+$0xFFFFFFB0] =	vst v4  }
0x13f: {  	v4 =	vld [tilespmem:s1+$0xFFFFFFC0];
	_ =	sdelay $0x4  }
0x140: {  	v4 =	vmul.f32 v4, v1;
	_ =	sdelay $0x1  }
0x141: {  	v4 =	vadd.f32 v4, v8;
	_ =	sdelay $0x1  }
0x142: {  	[tilespmem:s2+$0xFFFFFFC0] =	vst v4  }
0x143: {  	v4 =	vld [tilespmem:s1+$0xFFFFFFD0];
	_ =	sdelay $0x4  }
0x144: {  	v4 =	vmul.f32 v4, v7;
	_ =	sdelay $0x1  }
0x145: {  	v4 =	vadd.f32 v4, v6;
	_ =	sdelay $0x1  }
0x146: {  	[tilespmem:s2+$0xFFFFFFD0] =	vst v4  }
0x147: {  	v4 =	vld [tilespmem:s1+$0xFFFFFFE0];
	_ =	sdelay $0x4  }
0x148: {  	v1 =	vmul.f32 v4, v1;
	_ =	sdelay $0x1  }
0x149: {  	v1 =	vadd.f32 v1, v3;
	_ =	sdelay $0x1  }
0x14a: {  	[tilespmem:s2+$0xFFFFFFE0] =	vst v1  }
0x14b: {  	v1 =	vld [tilespmem:s1+$0xFFFFFFF0];
	_ =	sdelay $0x4  }
0x14c: {  	v1 =	vmul.f32 v1, v7;
	_ =	sdelay $0x1  }
0x14d: {  	v1 =	vadd.f32 v1, v2;
	_ =	sdelay $0x1  }
0x14e: {  	[tilespmem:s2+$0xFFFFFFF0] =	vst v1  }
0x14f: {  	v1 =	vld [tilespmem:s1+$0x0]  }
0x150: {  	v2 =	vld [tilespmem:s17+$0x0]  }
0x151: {  	v3 =	vld [tilespmem:s15+$0x0]  }
0x152: {  	v4 =	vld [tilespmem:s20+$0x0];
	_ =	sdelay $0x2  }
0x153: {  	v5 =	vbroadcast v2, $0x0;
	v6 =	vbroadcast v2, $0x1  }
0x154: {  	v2 =	vbroadcast v2, $0x2;
	v1 =	vmul.f32 v1, v3  }
0x155: {  	v7 =	vmul.f32 v5, v4;
	v8 =	vmul.f32 v6, v4  }
0x156: {  	v4 =	vmul.f32 v2, v4  }
0x157: {  	v9 =	vld [tilespmem:s20+$0x10];
	v1 =	vadd.f32 v7, v1  }
0x158: {  	v7 =	vld [tilespmem:s15+$0x10]  }
0x159: {  	[tilespmem:s2+$0x0] =	vst v1  }
0x15a: {  	v1 =	vld [tilespmem:s1+$0x10];
	_ =	sdelay $0x1  }
0x15b: {  	v6 =	vmul.f32 v6, v9;
	v2 =	vmul.f32 v2, v9;
	_ =	sdelay $0x2  }
0x15c: {  	v5 =	vmul.f32 v5, v9;
	v1 =	vmul.f32 v1, v7;
	_ =	sdelay $0x1  }
0x15d: {  	v1 =	vadd.f32 v1, v5;
	_ =	sdelay $0x1  }
0x15e: {  	[tilespmem:s2+$0x10] =	vst v1  }
0x15f: {  	v1 =	vld [tilespmem:s1+$0x20];
	_ =	sdelay $0x4  }
0x160: {  	v1 =	vmul.f32 v1, v3;
	_ =	sdelay $0x1  }
0x161: {  	v1 =	vadd.f32 v1, v8;
	_ =	sdelay $0x1  }
0x162: {  	[tilespmem:s2+$0x20] =	vst v1  }
0x163: {  	v1 =	vld [tilespmem:s1+$0x30];
	_ =	sdelay $0x4  }
0x164: {  	v1 =	vmul.f32 v1, v7;
	_ =	sdelay $0x1  }
0x165: {  	v1 =	vadd.f32 v1, v6;
	_ =	sdelay $0x1  }
0x166: {  	[tilespmem:s2+$0x30] =	vst v1  }
0x167: {  	v1 =	vld [tilespmem:s1+$0x40];
	_ =	sdelay $0x4  }
0x168: {  	v1 =	vmul.f32 v1, v3;
	_ =	sdelay $0x1  }
0x169: {  	v1 =	vadd.f32 v1, v4;
	_ =	sdelay $0x1  }
0x16a: {  	[tilespmem:s2+$0x40] =	vst v1  }
0x16b: {  	v1 =	vld [tilespmem:s1+$0x50];
	_ =	sdelay $0x4  }
0x16c: {  	v1 =	vmul.f32 v1, v7;
	_ =	sdelay $0x1  }
0x16d: {  	v1 =	vadd.f32 v1, v2;
	_ =	sdelay $0x1  }
0x16e: {  	[tilespmem:s2+$0x50] =	vst v1  }
0x16f: {  	v3 =	vld [tilespmem:s17+$0x10]  }
0x170: {  	v2 =	vld [tilespmem:s15+$0x20]  }
0x171: {  	v11 =	vld [tilespmem:s20+$0x20]  }
0x172: {  	v10 =	vld [tilespmem:s1+$0x60]  }
.Ltmp4:
0x173: {  	v1 =	vld [tilespmem:s15+$0x30];
	(pc) =	sbr.rel @p1 .LBB2_12-.Ltmp4, $4  }
0x174: {  	v6 =	vld [tilespmem:s20+$0x30];
	v8 =	vbroadcast v3, $0x0;
	v7 =	vbroadcast v3, $0x1  }
0x175: {  	v5 =	vbroadcast v3, $0x2  }
0x176: {  	v9 =	vmul.f32 v8, v11;
	v4 =	vmul.f32 v7, v11  }
0x177: {  	s2 =	sadd.s32 $0x180, s2;
	s1 =	sadd.s32 $0x180, s1;
	s20 =	sadd.s32 $0x80, s20;
	v3 =	vmul.f32 v5, v11;
	v10 =	vmul.f32 v10, v2  }
0x178: {  	_ = 	snop  }
0x179: {  	v9 =	vadd.f32 v9, v10;
	_ =	sdelay $0x1  }
0x17a: {  	[tilespmem:s22+$0x60] =	vst v9  }
0x17b: {  	v9 =	vld [tilespmem:s14+$0x70];
	_ =	sdelay $0x4  }
0x17c: {  	v8 =	vmul.f32 v8, v6;
	v9 =	vmul.f32 v9, v1;
	_ =	sdelay $0x1  }
0x17d: {  	v8 =	vadd.f32 v9, v8;
	_ =	sdelay $0x1  }
0x17e: {  	[tilespmem:s22+$0x70] =	vst v8  }
0x17f: {  	v8 =	vld [tilespmem:s14+$0x80];
	_ =	sdelay $0x4  }
0x180: {  	v8 =	vmul.f32 v8, v2;
	_ =	sdelay $0x1  }
0x181: {  	v4 =	vadd.f32 v8, v4;
	_ =	sdelay $0x1  }
0x182: {  	[tilespmem:s22+$0x80] =	vst v4  }
0x183: {  	v4 =	vld [tilespmem:s14+$0x90];
	_ =	sdelay $0x4  }
0x184: {  	v7 =	vmul.f32 v7, v6;
	v4 =	vmul.f32 v4, v1;
	_ =	sdelay $0x1  }
0x185: {  	v4 =	vadd.f32 v4, v7;
	_ =	sdelay $0x1  }
0x186: {  	[tilespmem:s22+$0x90] =	vst v4  }
0x187: {  	v4 =	vld [tilespmem:s14+$0xA0];
	_ =	sdelay $0x4  }
0x188: {  	v2 =	vmul.f32 v4, v2;
	_ =	sdelay $0x1  }
0x189: {  	v2 =	vadd.f32 v2, v3;
	_ =	sdelay $0x1  }
0x18a: {  	[tilespmem:s22+$0xA0] =	vst v2  }
0x18b: {  	v2 =	vld [tilespmem:s14+$0xB0];
	_ =	sdelay $0x1  }
0x18c: {  	s18 =	smul.u32 $0xA0, s11  }
0x18d: {  	s1 =	rddreg [dreg:$0xf]  }
0x18e: {  	s1 =	sadd.s32 s18, s1  }
0x18f: {  	s2 =	smul.u32 $0x180, s1;
	v3 =	vmul.f32 v5, v6;
	v1 =	vmul.f32 v2, v1;
	_ =	sdelay $0x1  }
0x190: {  	s2 =	sor.u32 s30, s2;
	v1 =	vadd.f32 v1, v3  }
0x191: {  	s2 =	sshrl.u32 s2, $0x3  }
0x192: {  	s3 =	simm.s32 $0x0;
	s15 =	sshll.u32 s1, $0x7;
	s2 =	sadd.s32 s21, s2;
	[tilespmem:s22+$0xB0] =	vst v1  }
0x193: {  	[tilespmem:s3], [sflag:$0x1] =	stream.strided.gather [hbm4b:s2+s10], $0x1E00, s13, s10, $0x38;
	[tilespmem:$0x1BB70] =	vst v63  }
0x194: {  	s28 =	smov.u32 s21;
	s2 =	sor.u32 s30, s15  }
0x195: {  	s17 =	rddreg [dreg:$0x1];
	s20 =	simm.s32 $0x7800;
	s2 =	sshrl.u32 s2, $0x3  }
0x196: {  	s1 =	sadd.s32 s7, s1;
	s21 =	rddreg [dreg:$0x2];
	s3 =	sadd.s32 s17, s2  }
0x197: {  	[tilespmem:s20], [sflag:$0x1] =	stream.strided.gather [hbm4b:s3+s10], $0xA00, s13, s10, $0x38;
	[tilespmem:$0x1BB70] =	vst v63  }
0x198: {  	s14 =	simm.s32 $0xA010;
	s22 =	simm.s32 $0x8C00;
	s2 =	sadd.s32 s21, s2  }
0x199: {  	[tilespmem:s22], [sflag:$0x1] =	stream.strided.gather [hbm4b:s2+s10], $0xA00, s13, s10, $0x38;
	[tilespmem:$0x1BB70] =	vst v63  }
0x19a: {  	s15 =	sadd.s32 $0x0, s1;
	s3 =	simm.s32 $0x1;
	s2 =	simm.s32 $0xA000  }
.LBB2_14:
0x19b: {  	[tilespmem:s2], [sflag:$0x1] =	stream.linear.gather [hbm4b:s15+s6], $0x3, $0x38;
	[tilespmem:$0x1BB70] =	vst v63  }
0x19c: {  	s15 =	smov.u32 s3;
	s2 =	smov.u32 s14;
	p1 =	sne.s32 s3, $0x4F  }
.Ltmp5:
0x19d: {  	s3 =	sadd.s32 $0x1, s3;
	(pc) =	sbr.rel @p1 .LBB2_14-.Ltmp5, $2  }
0x19e: {  	_ =	sdelay $0x2  }
0x19f: {  	s14 =	sadd.s32 $0x10, s14;
	s15 =	sadd.s32 s15, s1  }
0x1a0: {  	s1 =	smul.u32 $0x280, s11  }
0x1a1: {  	[tilespmem:s2], [sflag:$0x1] =	stream.linear.gather [hbm4b:s15+s6], $0x3, $0x38;
	[tilespmem:$0x1BB70] =	vst v63  }
0x1a2: {  	s14 =	sshra.s32 s1, $0x2  }
0x1a3: {  	s1 =	sadd.s32 $0xAA00, s14  }
0x1a4: {  	[spmem:s5] =	stream.indirect.scatter.add.f32 [tilespmem:s12], [sflag:$0x3], $0x60, s1, s9, $0xb8;
	[tilespmem:$0x1BB70] =	vst v63  }
0x1a5: {  	_ =	swait.ge [sflag:s26], $0x1E00  }
0x1a6: {  	[sflag:s26] =	ssyncset.done $0x0  }
0x1a7: {  	[sflag:s26] =	ssyncadd.s32 $0xFFFFE200  }
0x1a8: {  	_ =	swait.ge [sflag:s26], $0xA00  }
0x1a9: {  	[sflag:s26] =	ssyncset.done $0x0  }
0x1aa: {  	[sflag:s26] =	ssyncadd.s32 $0xFFFFF600  }
0x1ab: {  	_ =	swait.ge [sflag:s26], $0xA00  }
0x1ac: {  	[sflag:s26] =	ssyncset.done $0x0  }
0x1ad: {  	[sflag:s26] =	ssyncadd.s32 $0xFFFFF600  }
0x1ae: {  	_ =	swait.ge [sflag:s26], $0xF0  }
0x1af: {  	[sflag:s26] =	ssyncset.done $0x0  }
0x1b0: {  	s2 =	simm.s32 $0x4;
	[sflag:s26] =	ssyncadd.s32 $0xFFFFFF10  }
0x1b1: {  	_ =	swait.ge [sflag:s2], $0x1E00  }
0x1b2: {  	[sflag:s2] =	ssyncset.done $0x0  }
0x1b3: {  	s17 =	simm.s32 $0x8240;
	[sflag:s2] =	ssyncadd.s32 $0xFFFFE200  }
0x1b4: {  	s21 =	simm.s32 $0xA520;
	v1 =	vld [tilespmem:s17+$0xFFFFFFC0]  }
0x1b5: {  	s22 =	simm.s32 $0x1EC0;
	v2 =	vld [tilespmem:s21+$0xFFFFFFE0]  }
0x1b6: {  	s3 =	simm.s32 $0x9640;
	v3 =	vld [tilespmem:s22+$0xFFFFFF40]  }
0x1b7: {  	v4 =	vld [tilespmem:s3+$0xFFFFFFC0];
	_ =	sdelay $0x2  }
0x1b8: {  	v5 =	vbroadcast v2, $0x0;
	_ =	sdelay $0x1  }
0x1b9: {  	v3 =	vmul.f32 v3, v1;
	v6 =	vmul.f32 v5, v4;
	_ =	sdelay $0x1  }
0x1ba: {  	v3 =	vadd.f32 v6, v3  }
0x1bb: {  	s15 =	simm.s32 $0x5AC0;
	v7 =	vld [tilespmem:s3+$0xFFFFFFD0]  }
0x1bc: {  	v6 =	vld [tilespmem:s17+$0xFFFFFFD0];
	[tilespmem:s15+$0xFFFFFF40] =	vst v3  }
0x1bd: {  	v3 =	vld [tilespmem:s22+$0xFFFFFF50];
	_ =	sdelay $0x4  }
0x1be: {  	v5 =	vmul.f32 v5, v7;
	v3 =	vmul.f32 v3, v6;
	_ =	sdelay $0x1  }
0x1bf: {  	v3 =	vadd.f32 v3, v5;
	_ =	sdelay $0x1  }
0x1c0: {  	[tilespmem:s15+$0xFFFFFF50] =	vst v3  }
0x1c1: {  	v3 =	vld [tilespmem:s22+$0xFFFFFF60];
	_ =	sdelay $0x2  }
0x1c2: {  	v5 =	vbroadcast v2, $0x1;
	_ =	sdelay $0x1  }
0x1c3: {  	v8 =	vmul.f32 v5, v4;
	v3 =	vmul.f32 v3, v1;
	_ =	sdelay $0x1  }
0x1c4: {  	v3 =	vadd.f32 v3, v8;
	_ =	sdelay $0x1  }
0x1c5: {  	[tilespmem:s15+$0xFFFFFF60] =	vst v3  }
0x1c6: {  	v3 =	vld [tilespmem:s22+$0xFFFFFF70];
	_ =	sdelay $0x4  }
0x1c7: {  	v5 =	vmul.f32 v5, v7;
	v3 =	vmul.f32 v3, v6;
	_ =	sdelay $0x1  }
0x1c8: {  	v3 =	vadd.f32 v3, v5;
	_ =	sdelay $0x1  }
0x1c9: {  	[tilespmem:s15+$0xFFFFFF70] =	vst v3  }
0x1ca: {  	v3 =	vld [tilespmem:s22+$0xFFFFFF80];
	_ =	sdelay $0x2  }
0x1cb: {  	v2 =	vbroadcast v2, $0x2;
	_ =	sdelay $0x1  }
0x1cc: {  	v4 =	vmul.f32 v2, v4;
	v1 =	vmul.f32 v3, v1;
	_ =	sdelay $0x1  }
0x1cd: {  	v1 =	vadd.f32 v1, v4;
	_ =	sdelay $0x1  }
0x1ce: {  	[tilespmem:s15+$0xFFFFFF80] =	vst v1  }
0x1cf: {  	v1 =	vld [tilespmem:s22+$0xFFFFFF90];
	_ =	sdelay $0x4  }
0x1d0: {  	v2 =	vmul.f32 v2, v7;
	v1 =	vmul.f32 v1, v6;
	_ =	sdelay $0x1  }
0x1d1: {  	v1 =	vadd.f32 v1, v2;
	_ =	sdelay $0x1  }
0x1d2: {  	[tilespmem:s15+$0xFFFFFF90] =	vst v1  }
0x1d3: {  	v1 =	vld [tilespmem:s17+$0xFFFFFFE0]  }
0x1d4: {  	v2 =	vld [tilespmem:s21+$0xFFFFFFF0]  }
0x1d5: {  	v3 =	vld [tilespmem:s3+$0xFFFFFFE0]  }
0x1d6: {  	v4 =	vld [tilespmem:s22+$0xFFFFFFA0];
	_ =	sdelay $0x2  }
0x1d7: {  	v5 =	vbroadcast v2, $0x0;
	_ =	sdelay $0x1  }
0x1d8: {  	v4 =	vmul.f32 v4, v1;
	v6 =	vmul.f32 v5, v3;
	_ =	sdelay $0x1  }
0x1d9: {  	v4 =	vadd.f32 v6, v4  }
0x1da: {  	v7 =	vld [tilespmem:s3+$0xFFFFFFF0]  }
0x1db: {  	v6 =	vld [tilespmem:s17+$0xFFFFFFF0];
	[tilespmem:s15+$0xFFFFFFA0] =	vst v4  }
0x1dc: {  	v4 =	vld [tilespmem:s22+$0xFFFFFFB0];
	_ =	sdelay $0x4  }
0x1dd: {  	v5 =	vmul.f32 v5, v7;
	v4 =	vmul.f32 v4, v6;
	_ =	sdelay $0x1  }
0x1de: {  	v4 =	vadd.f32 v4, v5;
	_ =	sdelay $0x1  }
0x1df: {  	[tilespmem:s15+$0xFFFFFFB0] =	vst v4  }
0x1e0: {  	v4 =	vld [tilespmem:s22+$0xFFFFFFC0];
	_ =	sdelay $0x2  }
0x1e1: {  	v5 =	vbroadcast v2, $0x1;
	_ =	sdelay $0x1  }
0x1e2: {  	v8 =	vmul.f32 v5, v3;
	v4 =	vmul.f32 v4, v1;
	_ =	sdelay $0x1  }
0x1e3: {  	v4 =	vadd.f32 v4, v8;
	_ =	sdelay $0x1  }
0x1e4: {  	[tilespmem:s15+$0xFFFFFFC0] =	vst v4  }
0x1e5: {  	v4 =	vld [tilespmem:s22+$0xFFFFFFD0];
	_ =	sdelay $0x4  }
0x1e6: {  	v5 =	vmul.f32 v5, v7;
	v4 =	vmul.f32 v4, v6;
	_ =	sdelay $0x1  }
0x1e7: {  	v4 =	vadd.f32 v4, v5;
	_ =	sdelay $0x1  }
0x1e8: {  	[tilespmem:s15+$0xFFFFFFD0] =	vst v4  }
0x1e9: {  	v4 =	vld [tilespmem:s22+$0xFFFFFFE0];
	_ =	sdelay $0x2  }
0x1ea: {  	v2 =	vbroadcast v2, $0x2;
	_ =	sdelay $0x1  }
0x1eb: {  	v3 =	vmul.f32 v2, v3;
	v1 =	vmul.f32 v4, v1;
	_ =	sdelay $0x1  }
0x1ec: {  	v1 =	vadd.f32 v1, v3;
	_ =	sdelay $0x1  }
0x1ed: {  	[tilespmem:s15+$0xFFFFFFE0] =	vst v1  }
0x1ee: {  	v1 =	vld [tilespmem:s22+$0xFFFFFFF0];
	_ =	sdelay $0x4  }
0x1ef: {  	v2 =	vmul.f32 v2, v7;
	v1 =	vmul.f32 v1, v6;
	_ =	sdelay $0x1  }
0x1f0: {  	v1 =	vadd.f32 v1, v2;
	_ =	sdelay $0x1  }
0x1f1: {  	[tilespmem:s15+$0xFFFFFFF0] =	vst v1  }
0x1f2: {  	v1 =	vld [tilespmem:s22+$0x0]  }
0x1f3: {  	v2 =	vld [tilespmem:s21+$0x0]  }
0x1f4: {  	v3 =	vld [tilespmem:s17+$0x0]  }
0x1f5: {  	v4 =	vld [tilespmem:s3+$0x0];
	_ =	sdelay $0x2  }
0x1f6: {  	v5 =	vbroadcast v2, $0x0;
	_ =	sdelay $0x1  }
0x1f7: {  	v1 =	vmul.f32 v1, v3;
	v6 =	vmul.f32 v5, v4;
	_ =	sdelay $0x1  }
0x1f8: {  	v1 =	vadd.f32 v6, v1  }
0x1f9: {  	v7 =	vld [tilespmem:s3+$0x10]  }
0x1fa: {  	v6 =	vld [tilespmem:s17+$0x10];
	[tilespmem:s15+$0x0] =	vst v1  }
0x1fb: {  	v1 =	vld [tilespmem:s22+$0x10];
	_ =	sdelay $0x4  }
0x1fc: {  	v5 =	vmul.f32 v5, v7;
	v1 =	vmul.f32 v1, v6;
	_ =	sdelay $0x1  }
0x1fd: {  	v1 =	vadd.f32 v1, v5;
	_ =	sdelay $0x1  }
0x1fe: {  	[tilespmem:s15+$0x10] =	vst v1  }
0x1ff: {  	v1 =	vld [tilespmem:s22+$0x20];
	_ =	sdelay $0x2  }
0x200: {  	v5 =	vbroadcast v2, $0x1;
	_ =	sdelay $0x1  }
0x201: {  	v8 =	vmul.f32 v5, v4;
	v1 =	vmul.f32 v1, v3;
	_ =	sdelay $0x1  }
0x202: {  	v1 =	vadd.f32 v1, v8;
	_ =	sdelay $0x1  }
0x203: {  	[tilespmem:s15+$0x20] =	vst v1  }
0x204: {  	v1 =	vld [tilespmem:s22+$0x30];
	_ =	sdelay $0x4  }
0x205: {  	v5 =	vmul.f32 v5, v7;
	v1 =	vmul.f32 v1, v6;
	_ =	sdelay $0x1  }
0x206: {  	v1 =	vadd.f32 v1, v5;
	_ =	sdelay $0x1  }
0x207: {  	[tilespmem:s15+$0x30] =	vst v1  }
0x208: {  	v1 =	vld [tilespmem:s22+$0x40];
	_ =	sdelay $0x2  }
0x209: {  	v2 =	vbroadcast v2, $0x2;
	_ =	sdelay $0x1  }
0x20a: {  	v4 =	vmul.f32 v2, v4;
	v1 =	vmul.f32 v1, v3;
	_ =	sdelay $0x1  }
0x20b: {  	v1 =	vadd.f32 v1, v4;
	_ =	sdelay $0x1  }
0x20c: {  	[tilespmem:s15+$0x40] =	vst v1  }
0x20d: {  	v1 =	vld [tilespmem:s22+$0x50];
	_ =	sdelay $0x4  }
0x20e: {  	v2 =	vmul.f32 v2, v7;
	v1 =	vmul.f32 v1, v6;
	_ =	sdelay $0x1  }
0x20f: {  	v1 =	vadd.f32 v1, v2;
	_ =	sdelay $0x1  }
0x210: {  	[tilespmem:s15+$0x50] =	vst v1  }
0x211: {  	v1 =	vld [tilespmem:s21+$0x10]  }
0x212: {  	v2 =	vld [tilespmem:s17+$0x20]  }
0x213: {  	v3 =	vld [tilespmem:s3+$0x20]  }
0x214: {  	v10 =	vld [tilespmem:s22+$0x60];
	_ =	sdelay $0x2  }
0x215: {  	v6 =	vld [tilespmem:s3+$0x30];
	v8 =	vbroadcast v1, $0x0  }
0x216: {  	v7 =	vbroadcast v1, $0x1;
	v5 =	vbroadcast v1, $0x2  }
0x217: {  	s20 =	simm.s32 $0x0;
	v10 =	vmul.f32 v10, v2;
	v9 =	vmul.f32 v8, v3  }
0x218: {  	s1 =	simm.s32 $0x96C0;
	s2 =	simm.s32 $0x2040;
	s3 =	simm.s32 $0x5C40;
	v1 =	vld [tilespmem:s17+$0x30];
	v4 =	vmul.f32 v7, v3;
	v3 =	vmul.f32 v5, v3  }
.LBB2_16:
0x219: {  	s20 =	sadd.s32 $0x4, s20;
	s21 =	sadd.s32 $0x40, s21;
	s17 =	sadd.s32 $0x80, s17  }
0x21a: {  	p1 =	slt.u32 s20, $0x4C;
	v9 =	vadd.f32 v9, v10;
	v8 =	vmul.f32 v8, v6;
	v7 =	vmul.f32 v7, v6  }
0x21b: {  	v5 =	vmul.f32 v5, v6  }
0x21c: {  	[tilespmem:s15+$0x60] =	vst v9  }
0x21d: {  	v6 =	vld [tilespmem:s22+$0x70];
	_ =	sdelay $0x4  }
0x21e: {  	v6 =	vmul.f32 v6, v1;
	_ =	sdelay $0x1  }
0x21f: {  	v6 =	vadd.f32 v6, v8;
	_ =	sdelay $0x1  }
0x220: {  	[tilespmem:s15+$0x70] =	vst v6  }
0x221: {  	v6 =	vld [tilespmem:s22+$0x80];
	_ =	sdelay $0x4  }
0x222: {  	v6 =	vmul.f32 v6, v2;
	_ =	sdelay $0x1  }
0x223: {  	v4 =	vadd.f32 v6, v4;
	_ =	sdelay $0x1  }
0x224: {  	[tilespmem:s15+$0x80] =	vst v4  }
0x225: {  	v4 =	vld [tilespmem:s22+$0x90];
	_ =	sdelay $0x4  }
0x226: {  	v4 =	vmul.f32 v4, v1;
	_ =	sdelay $0x1  }
0x227: {  	v4 =	vadd.f32 v4, v7;
	_ =	sdelay $0x1  }
0x228: {  	[tilespmem:s15+$0x90] =	vst v4  }
0x229: {  	v4 =	vld [tilespmem:s22+$0xA0];
	_ =	sdelay $0x4  }
0x22a: {  	v2 =	vmul.f32 v4, v2;
	_ =	sdelay $0x1  }
0x22b: {  	v2 =	vadd.f32 v2, v3;
	_ =	sdelay $0x1  }
0x22c: {  	[tilespmem:s15+$0xA0] =	vst v2  }
0x22d: {  	v2 =	vld [tilespmem:s22+$0xB0];
	s22 =	smov.u32 s2;
	_ =	sdelay $0x4  }
0x22e: {  	v1 =	vmul.f32 v2, v1;
	_ =	sdelay $0x1  }
0x22f: {  	v1 =	vadd.f32 v1, v5;
	_ =	sdelay $0x1  }
0x230: {  	[tilespmem:s15+$0xB0] =	vst v1;
	s15 =	smov.u32 s3  }
0x231: {  	v1 =	vld [tilespmem:s17+$0xFFFFFFC0]  }
0x232: {  	v2 =	vld [tilespmem:s21+$0xFFFFFFE0]  }
0x233: {  	v3 =	vld [tilespmem:s2+$0xFFFFFF40]  }
0x234: {  	v4 =	vld [tilespmem:s1+$0xFFFFFFC0];
	_ =	sdelay $0x2  }
0x235: {  	v5 =	vbroadcast v2, $0x0;
	v6 =	vbroadcast v2, $0x1  }
0x236: {  	v2 =	vbroadcast v2, $0x2;
	v3 =	vmul.f32 v3, v1  }
0x237: {  	v7 =	vmul.f32 v5, v4;
	v8 =	vmul.f32 v6, v4  }
0x238: {  	v4 =	vmul.f32 v2, v4  }
0x239: {  	v9 =	vld [tilespmem:s1+$0xFFFFFFD0];
	v3 =	vadd.f32 v7, v3  }
0x23a: {  	v7 =	vld [tilespmem:s17+$0xFFFFFFD0]  }
0x23b: {  	[tilespmem:s3+$0xFFFFFF40] =	vst v3  }
0x23c: {  	v3 =	vld [tilespmem:s2+$0xFFFFFF50];
	_ =	sdelay $0x1  }
0x23d: {  	v6 =	vmul.f32 v6, v9;
	v2 =	vmul.f32 v2, v9;
	_ =	sdelay $0x2  }
0x23e: {  	v5 =	vmul.f32 v5, v9;
	v3 =	vmul.f32 v3, v7;
	_ =	sdelay $0x1  }
0x23f: {  	v3 =	vadd.f32 v3, v5;
	_ =	sdelay $0x1  }
0x240: {  	[tilespmem:s3+$0xFFFFFF50] =	vst v3  }
0x241: {  	v3 =	vld [tilespmem:s2+$0xFFFFFF60];
	_ =	sdelay $0x4  }
0x242: {  	v3 =	vmul.f32 v3, v1;
	_ =	sdelay $0x1  }
0x243: {  	v3 =	vadd.f32 v3, v8;
	_ =	sdelay $0x1  }
0x244: {  	[tilespmem:s3+$0xFFFFFF60] =	vst v3  }
0x245: {  	v3 =	vld [tilespmem:s2+$0xFFFFFF70];
	_ =	sdelay $0x4  }
0x246: {  	v3 =	vmul.f32 v3, v7;
	_ =	sdelay $0x1  }
0x247: {  	v3 =	vadd.f32 v3, v6;
	_ =	sdelay $0x1  }
0x248: {  	[tilespmem:s3+$0xFFFFFF70] =	vst v3  }
0x249: {  	v3 =	vld [tilespmem:s2+$0xFFFFFF80];
	_ =	sdelay $0x4  }
0x24a: {  	v1 =	vmul.f32 v3, v1;
	_ =	sdelay $0x1  }
0x24b: {  	v1 =	vadd.f32 v1, v4;
	_ =	sdelay $0x1  }
0x24c: {  	[tilespmem:s3+$0xFFFFFF80] =	vst v1  }
0x24d: {  	v1 =	vld [tilespmem:s2+$0xFFFFFF90];
	_ =	sdelay $0x4  }
0x24e: {  	v1 =	vmul.f32 v1, v7;
	_ =	sdelay $0x1  }
0x24f: {  	v1 =	vadd.f32 v1, v2;
	_ =	sdelay $0x1  }
0x250: {  	[tilespmem:s3+$0xFFFFFF90] =	vst v1  }
0x251: {  	v1 =	vld [tilespmem:s17+$0xFFFFFFE0]  }
0x252: {  	v2 =	vld [tilespmem:s21+$0xFFFFFFF0]  }
0x253: {  	v3 =	vld [tilespmem:s1+$0xFFFFFFE0]  }
0x254: {  	v4 =	vld [tilespmem:s2+$0xFFFFFFA0];
	_ =	sdelay $0x2  }
0x255: {  	v5 =	vbroadcast v2, $0x0;
	v6 =	vbroadcast v2, $0x1  }
0x256: {  	v2 =	vbroadcast v2, $0x2  }
0x257: {  	v4 =	vmul.f32 v4, v1;
	v7 =	vmul.f32 v5, v3  }
0x258: {  	v8 =	vmul.f32 v6, v3;
	v3 =	vmul.f32 v2, v3  }
0x259: {  	v9 =	vld [tilespmem:s1+$0xFFFFFFF0];
	v4 =	vadd.f32 v7, v4  }
0x25a: {  	v7 =	vld [tilespmem:s17+$0xFFFFFFF0]  }
0x25b: {  	[tilespmem:s3+$0xFFFFFFA0] =	vst v4  }
0x25c: {  	v4 =	vld [tilespmem:s2+$0xFFFFFFB0];
	_ =	sdelay $0x1  }
0x25d: {  	v6 =	vmul.f32 v6, v9;
	v2 =	vmul.f32 v2, v9;
	_ =	sdelay $0x2  }
0x25e: {  	v5 =	vmul.f32 v5, v9;
	v4 =	vmul.f32 v4, v7;
	_ =	sdelay $0x1  }
0x25f: {  	v4 =	vadd.f32 v4, v5;
	_ =	sdelay $0x1  }
0x260: {  	[tilespmem:s3+$0xFFFFFFB0] =	vst v4  }
0x261: {  	v4 =	vld [tilespmem:s2+$0xFFFFFFC0];
	_ =	sdelay $0x4  }
0x262: {  	v4 =	vmul.f32 v4, v1;
	_ =	sdelay $0x1  }
0x263: {  	v4 =	vadd.f32 v4, v8;
	_ =	sdelay $0x1  }
0x264: {  	[tilespmem:s3+$0xFFFFFFC0] =	vst v4  }
0x265: {  	v4 =	vld [tilespmem:s2+$0xFFFFFFD0];
	_ =	sdelay $0x4  }
0x266: {  	v4 =	vmul.f32 v4, v7;
	_ =	sdelay $0x1  }
0x267: {  	v4 =	vadd.f32 v4, v6;
	_ =	sdelay $0x1  }
0x268: {  	[tilespmem:s3+$0xFFFFFFD0] =	vst v4  }
0x269: {  	v4 =	vld [tilespmem:s2+$0xFFFFFFE0];
	_ =	sdelay $0x4  }
0x26a: {  	v1 =	vmul.f32 v4, v1;
	_ =	sdelay $0x1  }
0x26b: {  	v1 =	vadd.f32 v1, v3;
	_ =	sdelay $0x1  }
0x26c: {  	[tilespmem:s3+$0xFFFFFFE0] =	vst v1  }
0x26d: {  	v1 =	vld [tilespmem:s2+$0xFFFFFFF0];
	_ =	sdelay $0x4  }
0x26e: {  	v1 =	vmul.f32 v1, v7;
	_ =	sdelay $0x1  }
0x26f: {  	v1 =	vadd.f32 v1, v2;
	_ =	sdelay $0x1  }
0x270: {  	[tilespmem:s3+$0xFFFFFFF0] =	vst v1  }
0x271: {  	v1 =	vld [tilespmem:s2+$0x0]  }
0x272: {  	v2 =	vld [tilespmem:s21+$0x0]  }
0x273: {  	v3 =	vld [tilespmem:s17+$0x0]  }
0x274: {  	v4 =	vld [tilespmem:s1+$0x0];
	_ =	sdelay $0x2  }
0x275: {  	v5 =	vbroadcast v2, $0x0;
	v6 =	vbroadcast v2, $0x1  }
0x276: {  	v2 =	vbroadcast v2, $0x2;
	v1 =	vmul.f32 v1, v3  }
0x277: {  	v7 =	vmul.f32 v5, v4;
	v8 =	vmul.f32 v6, v4  }
0x278: {  	v4 =	vmul.f32 v2, v4  }
0x279: {  	v9 =	vld [tilespmem:s1+$0x10];
	v1 =	vadd.f32 v7, v1  }
0x27a: {  	v7 =	vld [tilespmem:s17+$0x10]  }
0x27b: {  	[tilespmem:s3+$0x0] =	vst v1  }
0x27c: {  	v1 =	vld [tilespmem:s2+$0x10];
	_ =	sdelay $0x1  }
0x27d: {  	v6 =	vmul.f32 v6, v9;
	v2 =	vmul.f32 v2, v9;
	_ =	sdelay $0x2  }
0x27e: {  	v5 =	vmul.f32 v5, v9;
	v1 =	vmul.f32 v1, v7;
	_ =	sdelay $0x1  }
0x27f: {  	v1 =	vadd.f32 v1, v5;
	_ =	sdelay $0x1  }
0x280: {  	[tilespmem:s3+$0x10] =	vst v1  }
0x281: {  	v1 =	vld [tilespmem:s2+$0x20];
	_ =	sdelay $0x4  }
0x282: {  	v1 =	vmul.f32 v1, v3;
	_ =	sdelay $0x1  }
0x283: {  	v1 =	vadd.f32 v1, v8;
	_ =	sdelay $0x1  }
0x284: {  	[tilespmem:s3+$0x20] =	vst v1  }
0x285: {  	v1 =	vld [tilespmem:s2+$0x30];
	_ =	sdelay $0x4  }
0x286: {  	v1 =	vmul.f32 v1, v7;
	_ =	sdelay $0x1  }
0x287: {  	v1 =	vadd.f32 v1, v6;
	_ =	sdelay $0x1  }
0x288: {  	[tilespmem:s3+$0x30] =	vst v1  }
0x289: {  	v1 =	vld [tilespmem:s2+$0x40];
	_ =	sdelay $0x4  }
0x28a: {  	v1 =	vmul.f32 v1, v3;
	_ =	sdelay $0x1  }
0x28b: {  	v1 =	vadd.f32 v1, v4;
	_ =	sdelay $0x1  }
0x28c: {  	[tilespmem:s3+$0x40] =	vst v1  }
0x28d: {  	v1 =	vld [tilespmem:s2+$0x50];
	_ =	sdelay $0x4  }
0x28e: {  	v1 =	vmul.f32 v1, v7;
	_ =	sdelay $0x1  }
0x28f: {  	v1 =	vadd.f32 v1, v2;
	_ =	sdelay $0x1  }
0x290: {  	[tilespmem:s3+$0x50] =	vst v1  }
0x291: {  	v3 =	vld [tilespmem:s21+$0x10]  }
0x292: {  	v2 =	vld [tilespmem:s17+$0x20]  }
0x293: {  	v11 =	vld [tilespmem:s1+$0x20]  }
0x294: {  	v10 =	vld [tilespmem:s2+$0x60]  }
.Ltmp6:
0x295: {  	v1 =	vld [tilespmem:s17+$0x30];
	(pc) =	sbr.rel @p1 .LBB2_16-.Ltmp6, $4  }
0x296: {  	v6 =	vld [tilespmem:s1+$0x30];
	v8 =	vbroadcast v3, $0x0;
	v7 =	vbroadcast v3, $0x1  }
0x297: {  	v5 =	vbroadcast v3, $0x2  }
0x298: {  	v9 =	vmul.f32 v8, v11;
	v4 =	vmul.f32 v7, v11  }
0x299: {  	s3 =	sadd.s32 $0x180, s3;
	s2 =	sadd.s32 $0x180, s2;
	s1 =	sadd.s32 $0x80, s1;
	v3 =	vmul.f32 v5, v11;
	v10 =	vmul.f32 v10, v2  }
0x29a: {  	_ = 	snop  }
0x29b: {  	v9 =	vadd.f32 v9, v10;
	_ =	sdelay $0x1  }
0x29c: {  	[tilespmem:s15+$0x60] =	vst v9  }
0x29d: {  	v9 =	vld [tilespmem:s22+$0x70];
	_ =	sdelay $0x4  }
0x29e: {  	v8 =	vmul.f32 v8, v6;
	v9 =	vmul.f32 v9, v1;
	_ =	sdelay $0x1  }
0x29f: {  	v8 =	vadd.f32 v9, v8;
	_ =	sdelay $0x1  }
0x2a0: {  	[tilespmem:s15+$0x70] =	vst v8  }
0x2a1: {  	v8 =	vld [tilespmem:s22+$0x80];
	_ =	sdelay $0x4  }
0x2a2: {  	v8 =	vmul.f32 v8, v2;
	_ =	sdelay $0x1  }
0x2a3: {  	v4 =	vadd.f32 v8, v4;
	_ =	sdelay $0x1  }
0x2a4: {  	[tilespmem:s15+$0x80] =	vst v4  }
0x2a5: {  	v4 =	vld [tilespmem:s22+$0x90];
	_ =	sdelay $0x4  }
0x2a6: {  	v7 =	vmul.f32 v7, v6;
	v4 =	vmul.f32 v4, v1;
	_ =	sdelay $0x1  }
0x2a7: {  	v4 =	vadd.f32 v4, v7;
	_ =	sdelay $0x1  }
0x2a8: {  	[tilespmem:s15+$0x90] =	vst v4  }
0x2a9: {  	v4 =	vld [tilespmem:s22+$0xA0];
	_ =	sdelay $0x4  }
0x2aa: {  	v2 =	vmul.f32 v4, v2;
	_ =	sdelay $0x1  }
0x2ab: {  	v2 =	vadd.f32 v2, v3;
	_ =	sdelay $0x1  }
0x2ac: {  	[tilespmem:s15+$0xA0] =	vst v2  }
0x2ad: {  	v2 =	vld [tilespmem:s22+$0xB0];
	_ =	sdelay $0x3  }
0x2ae: {  	p1 =	seq.s32 s11, $0x3D  }
.Ltmp7:
0x2af: {  	v3 =	vmul.f32 v5, v6;
	v1 =	vmul.f32 v2, v1;
	(pc) =	sbr.rel @p1 .LBB2_21-.Ltmp7, $3  }
0x2b0: {  	_ = 	snop  }
0x2b1: {  	v1 =	vadd.f32 v1, v3;
	_ =	sdelay $0x1  }
0x2b2: {  	s1 =	sadd.s32 $0xAA50, s14;
	[tilespmem:s15+$0xB0] =	vst v1  }
0x2b3: {  	s2 =	rddreg [dreg:$0x10]  }
0x2b4: {  	s2 =	sadd.s32 s18, s2  }
0x2b5: {  	s3 =	smul.u32 $0x180, s2;
	_ =	sdelay $0x1  }
0x2b6: {  	s3 =	sor.u32 s30, s3  }
0x2b7: {  	s3 =	sshrl.u32 s3, $0x3  }
0x2b8: {  	s14 =	simm.s32 $0x1E00;
	s18 =	sshll.u32 s2, $0x7;
	s3 =	sadd.s32 s28, s3  }
0x2b9: {  	[tilespmem:s14], [sflag:$0x2] =	stream.strided.gather [hbm4b:s3+s10], $0x1E00, s13, s10, $0x38;
	[tilespmem:$0x1BB70] =	vst v63  }
0x2ba: {  	s21 =	smov.u32 s28;
	s3 =	sor.u32 s30, s18  }
0x2bb: {  	s20 =	rddreg [dreg:$0x1];
	s15 =	simm.s32 $0x8200;
	s3 =	sshrl.u32 s3, $0x3  }
0x2bc: {  	s22 =	rddreg [dreg:$0x2];
	s2 =	sadd.s32 s7, s2;
	s14 =	sadd.s32 s20, s3  }
0x2bd: {  	[tilespmem:s15], [sflag:$0x2] =	stream.strided.gather [hbm4b:s14+s10], $0xA00, s13, s10, $0x38;
	[tilespmem:$0x1BB70] =	vst v63  }
0x2be: {  	s17 =	sadd.s32 $0x0, s2;
	s28 =	simm.s32 $0x9600;
	s3 =	sadd.s32 s22, s3  }
0x2bf: {  	[tilespmem:s28], [sflag:$0x2] =	stream.strided.gather [hbm4b:s3+s10], $0xA00, s13, s10, $0x38;
	[tilespmem:$0x1BB70] =	vst v63  }
0x2c0: {  	s14 =	simm.s32 $0x1;
	s15 =	simm.s32 $0xA510;
	s3 =	simm.s32 $0xA500  }
.LBB2_19:
0x2c1: {  	[tilespmem:s3], [sflag:$0x2] =	stream.linear.gather [hbm4b:s17+s6], $0x3, $0x38;
	[tilespmem:$0x1BB70] =	vst v63  }
0x2c2: {  	s17 =	smov.u32 s14;
	s3 =	smov.u32 s15;
	p1 =	sne.s32 s14, $0x4F  }
.Ltmp8:
0x2c3: {  	s14 =	sadd.s32 $0x1, s14;
	(pc) =	sbr.rel @p1 .LBB2_19-.Ltmp8, $2  }
0x2c4: {  	_ =	sdelay $0x2  }
0x2c5: {  	s15 =	sadd.s32 $0x10, s15;
	s17 =	sadd.s32 s17, s2  }
.Ltmp9:
0x2c6: {  	(pc) =	sbr.rel .LBB2_11-.Ltmp9, $4  }
0x2c7: {  	_ = 	snop  }
0x2c8: {  	[tilespmem:s3], [sflag:$0x2] =	stream.linear.gather [hbm4b:s17+s6], $0x3, $0x38;
	[tilespmem:$0x1BB70] =	vst v63  }
0x2c9: {  	s11 =	sadd.s32 $0x1, s11  }
0x2ca: {  	[spmem:s5] =	stream.indirect.scatter.add.f32 [tilespmem:s23], [sflag:$0x4], $0x60, s1, s9, $0xb8;
	[tilespmem:$0x1BB70] =	vst v63  }
.LBB2_21:
0x2cb: {  	[spmem:s5] =	stream.indirect.scatter.add.f32 [tilespmem:s23], [sflag:$0x4], $0x60, s1, s9, $0xb8;
	[tilespmem:$0x1BB70] =	vst v63  }
0x2cc: {  	_ =	swait.ge [sflag:s24], $0x1E00  }
0x2cd: {  	[sflag:s24] =	ssyncset.done $0x0  }
0x2ce: {  	[sflag:s24] =	ssyncadd.s32 $0xFFFFE200  }
0x2cf: {  	_ =	swait.ge [sflag:s24], $0xA00  }
0x2d0: {  	[sflag:s24] =	ssyncset.done $0x0  }
0x2d1: {  	[sflag:s24] =	ssyncadd.s32 $0xFFFFF600  }
0x2d2: {  	_ =	swait.ge [sflag:s24], $0xA00  }
0x2d3: {  	[sflag:s24] =	ssyncset.done $0x0  }
0x2d4: {  	[sflag:s24] =	ssyncadd.s32 $0xFFFFF600  }
0x2d5: {  	_ =	swait.ge [sflag:s24], $0xF0  }
0x2d6: {  	[sflag:s24] =	ssyncset.done $0x0  }
0x2d7: {  	[sflag:s24] =	ssyncadd.s32 $0xFFFFFF10  }
0x2d8: {  	_ =	swait.ge [sflag:s25], $0x1E00  }
0x2d9: {  	[sflag:s25] =	ssyncset.done $0x0  }
0x2da: {  	s15 =	simm.s32 $0x7840;
	[sflag:s25] =	ssyncadd.s32 $0xFFFFE200  }
0x2db: {  	s17 =	simm.s32 $0xA020;
	v1 =	vld [tilespmem:s15+$0xFFFFFFC0]  }
0x2dc: {  	s11 =	simm.s32 $0xC0;
	v2 =	vld [tilespmem:s17+$0xFFFFFFE0]  }
0x2dd: {  	s22 =	simm.s32 $0x8C40;
	v3 =	vld [tilespmem:s11+$0xFFFFFF40]  }
0x2de: {  	v4 =	vld [tilespmem:s22+$0xFFFFFFC0];
	_ =	sdelay $0x2  }
0x2df: {  	v5 =	vbroadcast v2, $0x0;
	_ =	sdelay $0x1  }
0x2e0: {  	v3 =	vmul.f32 v3, v1;
	v6 =	vmul.f32 v5, v4;
	_ =	sdelay $0x1  }
0x2e1: {  	v3 =	vadd.f32 v6, v3  }
0x2e2: {  	s14 =	simm.s32 $0x3CC0;
	v7 =	vld [tilespmem:s22+$0xFFFFFFD0]  }
0x2e3: {  	v6 =	vld [tilespmem:s15+$0xFFFFFFD0];
	[tilespmem:s14+$0xFFFFFF40] =	vst v3  }
0x2e4: {  	v3 =	vld [tilespmem:s11+$0xFFFFFF50];
	_ =	sdelay $0x4  }
0x2e5: {  	v5 =	vmul.f32 v5, v7;
	v3 =	vmul.f32 v3, v6;
	_ =	sdelay $0x1  }
0x2e6: {  	v3 =	vadd.f32 v3, v5;
	_ =	sdelay $0x1  }
0x2e7: {  	[tilespmem:s14+$0xFFFFFF50] =	vst v3  }
0x2e8: {  	v3 =	vld [tilespmem:s11+$0xFFFFFF60];
	_ =	sdelay $0x2  }
0x2e9: {  	v5 =	vbroadcast v2, $0x1;
	_ =	sdelay $0x1  }
0x2ea: {  	v8 =	vmul.f32 v5, v4;
	v3 =	vmul.f32 v3, v1;
	_ =	sdelay $0x1  }
0x2eb: {  	v3 =	vadd.f32 v3, v8;
	_ =	sdelay $0x1  }
0x2ec: {  	[tilespmem:s14+$0xFFFFFF60] =	vst v3  }
0x2ed: {  	v3 =	vld [tilespmem:s11+$0xFFFFFF70];
	_ =	sdelay $0x4  }
0x2ee: {  	v5 =	vmul.f32 v5, v7;
	v3 =	vmul.f32 v3, v6;
	_ =	sdelay $0x1  }
0x2ef: {  	v3 =	vadd.f32 v3, v5;
	_ =	sdelay $0x1  }
0x2f0: {  	[tilespmem:s14+$0xFFFFFF70] =	vst v3  }
0x2f1: {  	v3 =	vld [tilespmem:s11+$0xFFFFFF80];
	_ =	sdelay $0x2  }
0x2f2: {  	v2 =	vbroadcast v2, $0x2;
	_ =	sdelay $0x1  }
0x2f3: {  	v4 =	vmul.f32 v2, v4;
	v1 =	vmul.f32 v3, v1;
	_ =	sdelay $0x1  }
0x2f4: {  	v1 =	vadd.f32 v1, v4;
	_ =	sdelay $0x1  }
0x2f5: {  	[tilespmem:s14+$0xFFFFFF80] =	vst v1  }
0x2f6: {  	v1 =	vld [tilespmem:s11+$0xFFFFFF90];
	_ =	sdelay $0x4  }
0x2f7: {  	v2 =	vmul.f32 v2, v7;
	v1 =	vmul.f32 v1, v6;
	_ =	sdelay $0x1  }
0x2f8: {  	v1 =	vadd.f32 v1, v2;
	_ =	sdelay $0x1  }
0x2f9: {  	[tilespmem:s14+$0xFFFFFF90] =	vst v1  }
0x2fa: {  	v1 =	vld [tilespmem:s15+$0xFFFFFFE0]  }
0x2fb: {  	v2 =	vld [tilespmem:s17+$0xFFFFFFF0]  }
0x2fc: {  	v3 =	vld [tilespmem:s22+$0xFFFFFFE0]  }
0x2fd: {  	v4 =	vld [tilespmem:s11+$0xFFFFFFA0];
	_ =	sdelay $0x2  }
0x2fe: {  	v5 =	vbroadcast v2, $0x0;
	_ =	sdelay $0x1  }
0x2ff: {  	v4 =	vmul.f32 v4, v1;
	v6 =	vmul.f32 v5, v3;
	_ =	sdelay $0x1  }
0x300: {  	v4 =	vadd.f32 v6, v4  }
0x301: {  	v7 =	vld [tilespmem:s22+$0xFFFFFFF0]  }
0x302: {  	v6 =	vld [tilespmem:s15+$0xFFFFFFF0];
	[tilespmem:s14+$0xFFFFFFA0] =	vst v4  }
0x303: {  	v4 =	vld [tilespmem:s11+$0xFFFFFFB0];
	_ =	sdelay $0x4  }
0x304: {  	v5 =	vmul.f32 v5, v7;
	v4 =	vmul.f32 v4, v6;
	_ =	sdelay $0x1  }
0x305: {  	v4 =	vadd.f32 v4, v5;
	_ =	sdelay $0x1  }
0x306: {  	[tilespmem:s14+$0xFFFFFFB0] =	vst v4  }
0x307: {  	v4 =	vld [tilespmem:s11+$0xFFFFFFC0];
	_ =	sdelay $0x2  }
0x308: {  	v5 =	vbroadcast v2, $0x1;
	_ =	sdelay $0x1  }
0x309: {  	v8 =	vmul.f32 v5, v3;
	v4 =	vmul.f32 v4, v1;
	_ =	sdelay $0x1  }
0x30a: {  	v4 =	vadd.f32 v4, v8;
	_ =	sdelay $0x1  }
0x30b: {  	[tilespmem:s14+$0xFFFFFFC0] =	vst v4  }
0x30c: {  	v4 =	vld [tilespmem:s11+$0xFFFFFFD0];
	_ =	sdelay $0x4  }
0x30d: {  	v5 =	vmul.f32 v5, v7;
	v4 =	vmul.f32 v4, v6;
	_ =	sdelay $0x1  }
0x30e: {  	v4 =	vadd.f32 v4, v5;
	_ =	sdelay $0x1  }
0x30f: {  	[tilespmem:s14+$0xFFFFFFD0] =	vst v4  }
0x310: {  	v4 =	vld [tilespmem:s11+$0xFFFFFFE0];
	_ =	sdelay $0x2  }
0x311: {  	v2 =	vbroadcast v2, $0x2;
	_ =	sdelay $0x1  }
0x312: {  	v3 =	vmul.f32 v2, v3;
	v1 =	vmul.f32 v4, v1;
	_ =	sdelay $0x1  }
0x313: {  	v1 =	vadd.f32 v1, v3;
	_ =	sdelay $0x1  }
0x314: {  	[tilespmem:s14+$0xFFFFFFE0] =	vst v1  }
0x315: {  	v1 =	vld [tilespmem:s11+$0xFFFFFFF0];
	_ =	sdelay $0x4  }
0x316: {  	v2 =	vmul.f32 v2, v7;
	v1 =	vmul.f32 v1, v6;
	_ =	sdelay $0x1  }
0x317: {  	v1 =	vadd.f32 v1, v2;
	_ =	sdelay $0x1  }
0x318: {  	[tilespmem:s14+$0xFFFFFFF0] =	vst v1  }
0x319: {  	v1 =	vld [tilespmem:s11+$0x0]  }
0x31a: {  	v2 =	vld [tilespmem:s17+$0x0]  }
0x31b: {  	v3 =	vld [tilespmem:s15+$0x0]  }
0x31c: {  	v4 =	vld [tilespmem:s22+$0x0];
	_ =	sdelay $0x2  }
0x31d: {  	v5 =	vbroadcast v2, $0x0;
	_ =	sdelay $0x1  }
0x31e: {  	v1 =	vmul.f32 v1, v3;
	v6 =	vmul.f32 v5, v4;
	_ =	sdelay $0x1  }
0x31f: {  	v1 =	vadd.f32 v6, v1  }
0x320: {  	v7 =	vld [tilespmem:s22+$0x10]  }
0x321: {  	v6 =	vld [tilespmem:s15+$0x10];
	[tilespmem:s14+$0x0] =	vst v1  }
0x322: {  	v1 =	vld [tilespmem:s11+$0x10];
	_ =	sdelay $0x4  }
0x323: {  	v5 =	vmul.f32 v5, v7;
	v1 =	vmul.f32 v1, v6;
	_ =	sdelay $0x1  }
0x324: {  	v1 =	vadd.f32 v1, v5;
	_ =	sdelay $0x1  }
0x325: {  	[tilespmem:s14+$0x10] =	vst v1  }
0x326: {  	v1 =	vld [tilespmem:s11+$0x20];
	_ =	sdelay $0x2  }
0x327: {  	v5 =	vbroadcast v2, $0x1;
	_ =	sdelay $0x1  }
0x328: {  	v8 =	vmul.f32 v5, v4;
	v1 =	vmul.f32 v1, v3;
	_ =	sdelay $0x1  }
0x329: {  	v1 =	vadd.f32 v1, v8;
	_ =	sdelay $0x1  }
0x32a: {  	[tilespmem:s14+$0x20] =	vst v1  }
0x32b: {  	v1 =	vld [tilespmem:s11+$0x30];
	_ =	sdelay $0x4  }
0x32c: {  	v5 =	vmul.f32 v5, v7;
	v1 =	vmul.f32 v1, v6;
	_ =	sdelay $0x1  }
0x32d: {  	v1 =	vadd.f32 v1, v5;
	_ =	sdelay $0x1  }
0x32e: {  	[tilespmem:s14+$0x30] =	vst v1  }
0x32f: {  	v1 =	vld [tilespmem:s11+$0x40];
	_ =	sdelay $0x2  }
0x330: {  	v2 =	vbroadcast v2, $0x2;
	_ =	sdelay $0x1  }
0x331: {  	v4 =	vmul.f32 v2, v4;
	v1 =	vmul.f32 v1, v3;
	_ =	sdelay $0x1  }
0x332: {  	v1 =	vadd.f32 v1, v4;
	_ =	sdelay $0x1  }
0x333: {  	[tilespmem:s14+$0x40] =	vst v1  }
0x334: {  	v1 =	vld [tilespmem:s11+$0x50];
	_ =	sdelay $0x4  }
0x335: {  	v2 =	vmul.f32 v2, v7;
	v1 =	vmul.f32 v1, v6;
	_ =	sdelay $0x1  }
0x336: {  	v1 =	vadd.f32 v1, v2;
	_ =	sdelay $0x1  }
0x337: {  	[tilespmem:s14+$0x50] =	vst v1  }
0x338: {  	v1 =	vld [tilespmem:s17+$0x10]  }
0x339: {  	v2 =	vld [tilespmem:s15+$0x20]  }
0x33a: {  	v3 =	vld [tilespmem:s22+$0x20]  }
0x33b: {  	v10 =	vld [tilespmem:s11+$0x60];
	_ =	sdelay $0x2  }
0x33c: {  	v6 =	vld [tilespmem:s22+$0x30];
	v8 =	vbroadcast v1, $0x0  }
0x33d: {  	v7 =	vbroadcast v1, $0x1;
	v5 =	vbroadcast v1, $0x2  }
0x33e: {  	s18 =	simm.s32 $0x0;
	s1 =	simm.s32 $0x8CC0;
	s2 =	simm.s32 $0x240;
	v10 =	vmul.f32 v10, v2;
	v9 =	vmul.f32 v8, v3  }
0x33f: {  	s3 =	simm.s32 $0x3E40;
	s21 =	smov.u32 s28;
	s20 =	simm.s32 $0xD0C0;
	v1 =	vld [tilespmem:s15+$0x30];
	v4 =	vmul.f32 v7, v3;
	v3 =	vmul.f32 v5, v3  }
.LBB2_22:
0x340: {  	s18 =	sadd.s32 $0x4, s18;
	s17 =	sadd.s32 $0x40, s17;
	s15 =	sadd.s32 $0x80, s15  }
0x341: {  	p1 =	slt.u32 s18, $0x4C;
	v9 =	vadd.f32 v9, v10;
	v8 =	vmul.f32 v8, v6;
	v7 =	vmul.f32 v7, v6  }
0x342: {  	v5 =	vmul.f32 v5, v6  }
0x343: {  	[tilespmem:s14+$0x60] =	vst v9  }
0x344: {  	v6 =	vld [tilespmem:s11+$0x70];
	_ =	sdelay $0x4  }
0x345: {  	v6 =	vmul.f32 v6, v1;
	_ =	sdelay $0x1  }
0x346: {  	v6 =	vadd.f32 v6, v8;
	_ =	sdelay $0x1  }
0x347: {  	[tilespmem:s14+$0x70] =	vst v6  }
0x348: {  	v6 =	vld [tilespmem:s11+$0x80];
	_ =	sdelay $0x4  }
0x349: {  	v6 =	vmul.f32 v6, v2;
	_ =	sdelay $0x1  }
0x34a: {  	v4 =	vadd.f32 v6, v4;
	_ =	sdelay $0x1  }
0x34b: {  	[tilespmem:s14+$0x80] =	vst v4  }
0x34c: {  	v4 =	vld [tilespmem:s11+$0x90];
	_ =	sdelay $0x4  }
0x34d: {  	v4 =	vmul.f32 v4, v1;
	_ =	sdelay $0x1  }
0x34e: {  	v4 =	vadd.f32 v4, v7;
	_ =	sdelay $0x1  }
0x34f: {  	[tilespmem:s14+$0x90] =	vst v4  }
0x350: {  	v4 =	vld [tilespmem:s11+$0xA0];
	_ =	sdelay $0x4  }
0x351: {  	v2 =	vmul.f32 v4, v2;
	_ =	sdelay $0x1  }
0x352: {  	v2 =	vadd.f32 v2, v3;
	_ =	sdelay $0x1  }
0x353: {  	[tilespmem:s14+$0xA0] =	vst v2  }
0x354: {  	v2 =	vld [tilespmem:s11+$0xB0];
	s11 =	smov.u32 s2;
	_ =	sdelay $0x4  }
0x355: {  	v1 =	vmul.f32 v2, v1;
	_ =	sdelay $0x1  }
0x356: {  	v1 =	vadd.f32 v1, v5;
	_ =	sdelay $0x1  }
0x357: {  	[tilespmem:s14+$0xB0] =	vst v1;
	s14 =	smov.u32 s3  }
0x358: {  	v1 =	vld [tilespmem:s15+$0xFFFFFFC0]  }
0x359: {  	v2 =	vld [tilespmem:s17+$0xFFFFFFE0]  }
0x35a: {  	v3 =	vld [tilespmem:s2+$0xFFFFFF40]  }
0x35b: {  	v4 =	vld [tilespmem:s1+$0xFFFFFFC0];
	_ =	sdelay $0x2  }
0x35c: {  	v5 =	vbroadcast v2, $0x0;
	v6 =	vbroadcast v2, $0x1  }
0x35d: {  	v2 =	vbroadcast v2, $0x2;
	v3 =	vmul.f32 v3, v1  }
0x35e: {  	v7 =	vmul.f32 v5, v4;
	v8 =	vmul.f32 v6, v4  }
0x35f: {  	v4 =	vmul.f32 v2, v4  }
0x360: {  	v9 =	vld [tilespmem:s1+$0xFFFFFFD0];
	v3 =	vadd.f32 v7, v3  }
0x361: {  	v7 =	vld [tilespmem:s15+$0xFFFFFFD0]  }
0x362: {  	[tilespmem:s3+$0xFFFFFF40] =	vst v3  }
0x363: {  	v3 =	vld [tilespmem:s2+$0xFFFFFF50];
	_ =	sdelay $0x1  }
0x364: {  	v6 =	vmul.f32 v6, v9;
	v2 =	vmul.f32 v2, v9;
	_ =	sdelay $0x2  }
0x365: {  	v5 =	vmul.f32 v5, v9;
	v3 =	vmul.f32 v3, v7;
	_ =	sdelay $0x1  }
0x366: {  	v3 =	vadd.f32 v3, v5;
	_ =	sdelay $0x1  }
0x367: {  	[tilespmem:s3+$0xFFFFFF50] =	vst v3  }
0x368: {  	v3 =	vld [tilespmem:s2+$0xFFFFFF60];
	_ =	sdelay $0x4  }
0x369: {  	v3 =	vmul.f32 v3, v1;
	_ =	sdelay $0x1  }
0x36a: {  	v3 =	vadd.f32 v3, v8;
	_ =	sdelay $0x1  }
0x36b: {  	[tilespmem:s3+$0xFFFFFF60] =	vst v3  }
0x36c: {  	v3 =	vld [tilespmem:s2+$0xFFFFFF70];
	_ =	sdelay $0x4  }
0x36d: {  	v3 =	vmul.f32 v3, v7;
	_ =	sdelay $0x1  }
0x36e: {  	v3 =	vadd.f32 v3, v6;
	_ =	sdelay $0x1  }
0x36f: {  	[tilespmem:s3+$0xFFFFFF70] =	vst v3  }
0x370: {  	v3 =	vld [tilespmem:s2+$0xFFFFFF80];
	_ =	sdelay $0x4  }
0x371: {  	v1 =	vmul.f32 v3, v1;
	_ =	sdelay $0x1  }
0x372: {  	v1 =	vadd.f32 v1, v4;
	_ =	sdelay $0x1  }
0x373: {  	[tilespmem:s3+$0xFFFFFF80] =	vst v1  }
0x374: {  	v1 =	vld [tilespmem:s2+$0xFFFFFF90];
	_ =	sdelay $0x4  }
0x375: {  	v1 =	vmul.f32 v1, v7;
	_ =	sdelay $0x1  }
0x376: {  	v1 =	vadd.f32 v1, v2;
	_ =	sdelay $0x1  }
0x377: {  	[tilespmem:s3+$0xFFFFFF90] =	vst v1  }
0x378: {  	v1 =	vld [tilespmem:s15+$0xFFFFFFE0]  }
0x379: {  	v2 =	vld [tilespmem:s17+$0xFFFFFFF0]  }
0x37a: {  	v3 =	vld [tilespmem:s1+$0xFFFFFFE0]  }
0x37b: {  	v4 =	vld [tilespmem:s2+$0xFFFFFFA0];
	_ =	sdelay $0x2  }
0x37c: {  	v5 =	vbroadcast v2, $0x0;
	v6 =	vbroadcast v2, $0x1  }
0x37d: {  	v2 =	vbroadcast v2, $0x2  }
0x37e: {  	v4 =	vmul.f32 v4, v1;
	v7 =	vmul.f32 v5, v3  }
0x37f: {  	v8 =	vmul.f32 v6, v3;
	v3 =	vmul.f32 v2, v3  }
0x380: {  	v9 =	vld [tilespmem:s1+$0xFFFFFFF0];
	v4 =	vadd.f32 v7, v4  }
0x381: {  	v7 =	vld [tilespmem:s15+$0xFFFFFFF0]  }
0x382: {  	[tilespmem:s3+$0xFFFFFFA0] =	vst v4  }
0x383: {  	v4 =	vld [tilespmem:s2+$0xFFFFFFB0];
	_ =	sdelay $0x1  }
0x384: {  	v6 =	vmul.f32 v6, v9;
	v2 =	vmul.f32 v2, v9;
	_ =	sdelay $0x2  }
0x385: {  	v5 =	vmul.f32 v5, v9;
	v4 =	vmul.f32 v4, v7;
	_ =	sdelay $0x1  }
0x386: {  	v4 =	vadd.f32 v4, v5;
	_ =	sdelay $0x1  }
0x387: {  	[tilespmem:s3+$0xFFFFFFB0] =	vst v4  }
0x388: {  	v4 =	vld [tilespmem:s2+$0xFFFFFFC0];
	_ =	sdelay $0x4  }
0x389: {  	v4 =	vmul.f32 v4, v1;
	_ =	sdelay $0x1  }
0x38a: {  	v4 =	vadd.f32 v4, v8;
	_ =	sdelay $0x1  }
0x38b: {  	[tilespmem:s3+$0xFFFFFFC0] =	vst v4  }
0x38c: {  	v4 =	vld [tilespmem:s2+$0xFFFFFFD0];
	_ =	sdelay $0x4  }
0x38d: {  	v4 =	vmul.f32 v4, v7;
	_ =	sdelay $0x1  }
0x38e: {  	v4 =	vadd.f32 v4, v6;
	_ =	sdelay $0x1  }
0x38f: {  	[tilespmem:s3+$0xFFFFFFD0] =	vst v4  }
0x390: {  	v4 =	vld [tilespmem:s2+$0xFFFFFFE0];
	_ =	sdelay $0x4  }
0x391: {  	v1 =	vmul.f32 v4, v1;
	_ =	sdelay $0x1  }
0x392: {  	v1 =	vadd.f32 v1, v3;
	_ =	sdelay $0x1  }
0x393: {  	[tilespmem:s3+$0xFFFFFFE0] =	vst v1  }
0x394: {  	v1 =	vld [tilespmem:s2+$0xFFFFFFF0];
	_ =	sdelay $0x4  }
0x395: {  	v1 =	vmul.f32 v1, v7;
	_ =	sdelay $0x1  }
0x396: {  	v1 =	vadd.f32 v1, v2;
	_ =	sdelay $0x1  }
0x397: {  	[tilespmem:s3+$0xFFFFFFF0] =	vst v1  }
0x398: {  	v1 =	vld [tilespmem:s2+$0x0]  }
0x399: {  	v2 =	vld [tilespmem:s17+$0x0]  }
0x39a: {  	v3 =	vld [tilespmem:s15+$0x0]  }
0x39b: {  	v4 =	vld [tilespmem:s1+$0x0];
	_ =	sdelay $0x2  }
0x39c: {  	v5 =	vbroadcast v2, $0x0;
	v6 =	vbroadcast v2, $0x1  }
0x39d: {  	v2 =	vbroadcast v2, $0x2;
	v1 =	vmul.f32 v1, v3  }
0x39e: {  	v7 =	vmul.f32 v5, v4;
	v8 =	vmul.f32 v6, v4  }
0x39f: {  	v4 =	vmul.f32 v2, v4  }
0x3a0: {  	v9 =	vld [tilespmem:s1+$0x10];
	v1 =	vadd.f32 v7, v1  }
0x3a1: {  	v7 =	vld [tilespmem:s15+$0x10]  }
0x3a2: {  	[tilespmem:s3+$0x0] =	vst v1  }
0x3a3: {  	v1 =	vld [tilespmem:s2+$0x10];
	_ =	sdelay $0x1  }
0x3a4: {  	v6 =	vmul.f32 v6, v9;
	v2 =	vmul.f32 v2, v9;
	_ =	sdelay $0x2  }
0x3a5: {  	v5 =	vmul.f32 v5, v9;
	v1 =	vmul.f32 v1, v7;
	_ =	sdelay $0x1  }
0x3a6: {  	v1 =	vadd.f32 v1, v5;
	_ =	sdelay $0x1  }
0x3a7: {  	[tilespmem:s3+$0x10] =	vst v1  }
0x3a8: {  	v1 =	vld [tilespmem:s2+$0x20];
	_ =	sdelay $0x4  }
0x3a9: {  	v1 =	vmul.f32 v1, v3;
	_ =	sdelay $0x1  }
0x3aa: {  	v1 =	vadd.f32 v1, v8;
	_ =	sdelay $0x1  }
0x3ab: {  	[tilespmem:s3+$0x20] =	vst v1  }
0x3ac: {  	v1 =	vld [tilespmem:s2+$0x30];
	_ =	sdelay $0x4  }
0x3ad: {  	v1 =	vmul.f32 v1, v7;
	_ =	sdelay $0x1  }
0x3ae: {  	v1 =	vadd.f32 v1, v6;
	_ =	sdelay $0x1  }
0x3af: {  	[tilespmem:s3+$0x30] =	vst v1  }
0x3b0: {  	v1 =	vld [tilespmem:s2+$0x40];
	_ =	sdelay $0x4  }
0x3b1: {  	v1 =	vmul.f32 v1, v3;
	_ =	sdelay $0x1  }
0x3b2: {  	v1 =	vadd.f32 v1, v4;
	_ =	sdelay $0x1  }
0x3b3: {  	[tilespmem:s3+$0x40] =	vst v1  }
0x3b4: {  	v1 =	vld [tilespmem:s2+$0x50];
	_ =	sdelay $0x4  }
0x3b5: {  	v1 =	vmul.f32 v1, v7;
	_ =	sdelay $0x1  }
0x3b6: {  	v1 =	vadd.f32 v1, v2;
	_ =	sdelay $0x1  }
0x3b7: {  	[tilespmem:s3+$0x50] =	vst v1  }
0x3b8: {  	v3 =	vld [tilespmem:s17+$0x10]  }
0x3b9: {  	v2 =	vld [tilespmem:s15+$0x20]  }
0x3ba: {  	v11 =	vld [tilespmem:s1+$0x20]  }
0x3bb: {  	v10 =	vld [tilespmem:s2+$0x60]  }
.Ltmp10:
0x3bc: {  	v1 =	vld [tilespmem:s15+$0x30];
	(pc) =	sbr.rel @p1 .LBB2_22-.Ltmp10, $4  }
0x3bd: {  	v6 =	vld [tilespmem:s1+$0x30];
	v8 =	vbroadcast v3, $0x0;
	v7 =	vbroadcast v3, $0x1  }
0x3be: {  	v5 =	vbroadcast v3, $0x2  }
0x3bf: {  	v9 =	vmul.f32 v8, v11;
	v4 =	vmul.f32 v7, v11  }
0x3c0: {  	s3 =	sadd.s32 $0x180, s3;
	s2 =	sadd.s32 $0x180, s2;
	s1 =	sadd.s32 $0x80, s1;
	v3 =	vmul.f32 v5, v11;
	v10 =	vmul.f32 v10, v2  }
0x3c1: {  	_ = 	snop  }
0x3c2: {  	v9 =	vadd.f32 v9, v10;
	_ =	sdelay $0x1  }
0x3c3: {  	[tilespmem:s14+$0x60] =	vst v9  }
0x3c4: {  	v9 =	vld [tilespmem:s11+$0x70];
	_ =	sdelay $0x4  }
0x3c5: {  	v8 =	vmul.f32 v8, v6;
	v9 =	vmul.f32 v9, v1;
	_ =	sdelay $0x1  }
0x3c6: {  	v8 =	vadd.f32 v9, v8;
	_ =	sdelay $0x1  }
0x3c7: {  	[tilespmem:s14+$0x70] =	vst v8  }
0x3c8: {  	v8 =	vld [tilespmem:s11+$0x80];
	_ =	sdelay $0x4  }
0x3c9: {  	v8 =	vmul.f32 v8, v2;
	_ =	sdelay $0x1  }
0x3ca: {  	v4 =	vadd.f32 v8, v4;
	_ =	sdelay $0x1  }
0x3cb: {  	[tilespmem:s14+$0x80] =	vst v4  }
0x3cc: {  	v4 =	vld [tilespmem:s11+$0x90];
	_ =	sdelay $0x4  }
0x3cd: {  	v7 =	vmul.f32 v7, v6;
	v4 =	vmul.f32 v4, v1;
	_ =	sdelay $0x1  }
0x3ce: {  	v4 =	vadd.f32 v4, v7;
	_ =	sdelay $0x1  }
0x3cf: {  	[tilespmem:s14+$0x90] =	vst v4  }
0x3d0: {  	v4 =	vld [tilespmem:s11+$0xA0];
	_ =	sdelay $0x4  }
0x3d1: {  	v2 =	vmul.f32 v4, v2;
	_ =	sdelay $0x1  }
0x3d2: {  	v2 =	vadd.f32 v2, v3;
	_ =	sdelay $0x1  }
0x3d3: {  	[tilespmem:s14+$0xA0] =	vst v2  }
0x3d4: {  	v2 =	vld [tilespmem:s11+$0xB0];
	_ =	sdelay $0x4  }
0x3d5: {  	v3 =	vmul.f32 v5, v6;
	v1 =	vmul.f32 v2, v1;
	_ =	sdelay $0x1  }
0x3d6: {  	v1 =	vadd.f32 v1, v3;
	_ =	sdelay $0x1  }
0x3d7: {  	[tilespmem:s14+$0xB0] =	vst v1  }
0x3d8: {  	[spmem:s5] =	stream.indirect.scatter.add.f32 [tilespmem:s12], [sflag:$0x3], $0x60, s20, s9, $0xb8;
	[tilespmem:$0x1BB70] =	vst v63  }
0x3d9: {  	_ =	swait.ge [sflag:s25], $0x1E00  }
0x3da: {  	[sflag:s25] =	ssyncset.done $0x0  }
0x3db: {  	s1 =	simm.s32 $0x4;
	[sflag:s25] =	ssyncadd.s32 $0xFFFFE200  }
0x3dc: {  	_ =	swait.ge [sflag:s1], $0x1E00  }
0x3dd: {  	[sflag:s1] =	ssyncset.done $0x0  }
0x3de: {  	[sflag:s1] =	ssyncadd.s32 $0xFFFFE200  }
0x3df: {  	[bflag:$0x0] =	sbarrier.arrive $0xFFFF  }
0x3e0: {  	s18 =	simm.s32 $0x0;
	s17 =	simm.s32 $0xAA00;
	s2 =	rddreg [dreg:$0x11]  }
0x3e1: {  	[tilespmem:s17], [sflag:$0x9] =	stream.linear.gather [hbm4b:s2+s18], $0x2710, $0x38;
	[tilespmem:$0x1BB70] =	vst v63  }
0x3e2: {  	s18 =	simm.s32 $0x9  }
0x3e3: {  	_ =	swait.ge [sflag:s18], $0x2710  }
0x3e4: {  	[sflag:s18] =	ssyncset.done $0x0  }
0x3e5: {  	[sflag:s18] =	ssyncadd.s32 $0xFFFFD8F0  }
0x3e6: {  	[tilespmem:s12], [sflag:$0x5] =	stream.indirect.gather [spmem:s5], $0x60, s17, s9, $0xb8;
	[tilespmem:$0x1BB70] =	vst v63  }
0x3e7: {  	_ =	swait.ge [sflag:s31], $0x1E00  }
0x3e8: {  	[sflag:s31] =	ssyncset.done $0x0  }
0x3e9: {  	s22 =	simm.s32 $0xAA50;
	s28 =	rddreg [dreg:$0x1e];
	[sflag:s31] =	ssyncadd.s32 $0xFFFFE200  }
0x3ea: {  	[tilespmem:s23], [sflag:$0x6] =	stream.indirect.gather [spmem:s5], $0x60, s22, s9, $0xb8;
	[tilespmem:$0x1BB70] =	vst v63  }
0x3eb: {  	s1 =	sadd.s32 s8, s28  }
0x3ec: {  	[hbm4b:s1+s10] =	stream.strided.scatter [tilespmem:s12], [sflag:$0x7], $0x1E00, s13, s10, $0x38;
	[tilespmem:$0x1BB70] =	vst v63  }
0x3ed: {  	_ =	swait.ge [sflag:s0], $0x1E00  }
0x3ee: {  	[sflag:s0] =	ssyncset.done $0x0;
	s2 =	rddreg [dreg:$0x12]  }
0x3ef: {  	s3 =	rddreg [dreg:$0x1d];
	[sflag:s0] =	ssyncadd.s32 $0xFFFFE200  }
0x3f0: {  	s1 =	sadd.s32 s3, s2;
	_ =	swait.ge [sflag:s4], $0x1E00  }
0x3f1: {  	s1 =	sshrl.u32 s1, $0x3;
	[sflag:s4] =	ssyncset.done $0x0  }
0x3f2: {  	s11 =	simm.s32 $0xAAA0;
	s1 =	sadd.s32 s1, s8;
	[sflag:s4] =	ssyncadd.s32 $0xFFFFE200  }
0x3f3: {  	[tilespmem:s12], [sflag:$0x5] =	stream.indirect.gather [spmem:s5], $0x60, s11, s9, $0xb8;
	[tilespmem:$0x1BB70] =	vst v63  }
0x3f4: {  	s14 =	sadd.s32 $0x0, s1  }
0x3f5: {  	[hbm4b:s14+s10] =	stream.strided.scatter [tilespmem:s23], [sflag:$0x8], $0x1E00, s13, s10, $0x38;
	[tilespmem:$0x1BB70] =	vst v63  }
0x3f6: {  	_ =	swait.ge [sflag:s31], $0x1E00  }
0x3f7: {  	[sflag:s31] =	ssyncset.done $0x0  }
0x3f8: {  	[sflag:s31] =	ssyncadd.s32 $0xFFFFE200  }
0x3f9: {  	_ =	swait.ge [sflag:s29], $0x1E00  }
0x3fa: {  	[sflag:s29] =	ssyncset.done $0x0;
	s15 =	rddreg [dreg:$0x13]  }
0x3fb: {  	s28 =	simm.s32 $0xAAF0;
	s22 =	sadd.s32 s3, s15;
	[sflag:s29] =	ssyncadd.s32 $0xFFFFE200  }
0x3fc: {  	[tilespmem:s23], [sflag:$0x6] =	stream.indirect.gather [spmem:s5], $0x60, s28, s9, $0xb8;
	[tilespmem:$0x1BB70] =	vst v63  }
0x3fd: {  	s2 =	simm.s32 $0x1E00;
	s3 =	sshrl.u32 s22, $0x3  }
0x3fe: {  	s11 =	sadd.s32 $0xF000, s22;
	s14 =	sadd.s32 s8, s3;
	s3 =	simm.s32 $0xAB40  }
.LBB2_24:
0x3ff: {  	[hbm4b:s14+s10] =	stream.strided.scatter [tilespmem:s12], [sflag:$0x7], $0x1E00, s13, s10, $0x38;
	[tilespmem:$0x1BB70] =	vst v63  }
0x400: {  	s14 =	smov.u32 s2  }
0x401: {  	p1 =	sne.s32 s2, $0x70800;
	s2 =	sadd.s32 $0x1E00, s2;
	_ =	swait.ge [sflag:s0], $0x1E00  }
0x402: {  	[sflag:s0] =	ssyncset.done $0x0  }
0x403: {  	[sflag:s0] =	ssyncadd.s32 $0xFFFFE200  }
0x404: {  	_ =	swait.ge [sflag:s4], $0x1E00  }
0x405: {  	[sflag:s4] =	ssyncset.done $0x0  }
0x406: {  	[sflag:s4] =	ssyncadd.s32 $0xFFFFE200  }
0x407: {  	[tilespmem:s12], [sflag:$0x5] =	stream.indirect.gather [spmem:s5], $0x60, s3, s9, $0xb8;
	[tilespmem:$0x1BB70] =	vst v63  }
0x408: {  	s14 =	sadd.s32 s14, s1  }
0x409: {  	[hbm4b:s14+s10] =	stream.strided.scatter [tilespmem:s23], [sflag:$0x8], $0x1E00, s13, s10, $0x38;
	[tilespmem:$0x1BB70] =	vst v63  }
0x40a: {  	_ =	swait.ge [sflag:s31], $0x1E00  }
0x40b: {  	[sflag:s31] =	ssyncset.done $0x0  }
0x40c: {  	[sflag:s31] =	ssyncadd.s32 $0xFFFFE200  }
.Ltmp11:
0x40d: {  	_ =	swait.ge [sflag:s29], $0x1E00;
	(pc) =	sbr.rel @p1 .LBB2_24-.Ltmp11, $4  }
0x40e: {  	[sflag:s29] =	ssyncset.done $0x0  }
0x40f: {  	s15 =	sshrl.u32 s11, $0x3;
	s14 =	sadd.s32 $0x50, s3;
	[sflag:s29] =	ssyncadd.s32 $0xFFFFE200  }
0x410: {  	[tilespmem:s23], [sflag:$0x6] =	stream.indirect.gather [spmem:s5], $0x60, s14, s9, $0xb8;
	[tilespmem:$0x1BB70] =	vst v63  }
0x411: {  	s11 =	sadd.s32 $0xF000, s11;
	s3 =	sadd.s32 $0xA0, s3;
	s14 =	sadd.s32 s8, s15  }
0x412: {  	[hbm4b:s14+s10] =	stream.strided.scatter [tilespmem:s12], [sflag:$0x7], $0x1E00, s13, s10, $0x38;
	[tilespmem:$0x1BB70] =	vst v63  }
0x413: {  	_ =	swait.ge [sflag:s0], $0x1E00  }
0x414: {  	[sflag:s0] =	ssyncset.done $0x0  }
0x415: {  	[sflag:s0] =	ssyncadd.s32 $0xFFFFE200  }
0x416: {  	_ =	swait.ge [sflag:s4], $0x1E00  }
0x417: {  	[sflag:s4] =	ssyncset.done $0x0;
	s1 =	rddreg [dreg:$0x1a]  }
0x418: {  	[sflag:s4] =	ssyncadd.s32 $0xFFFFE200;
	s1 =	sor.u32 s30, s1  }
0x419: {  	[tilespmem:s12], [sflag:$0x5] =	stream.indirect.gather [spmem:s5], $0x60, s20, s9, $0xb8;
	[tilespmem:$0x1BB70] =	vst v63  }
0x41a: {  	s1 =	sshrl.u32 s1, $0x3  }
0x41b: {  	s1 =	sadd.s32 s8, s1  }
0x41c: {  	[hbm4b:s1+s10] =	stream.strided.scatter [tilespmem:s23], [sflag:$0x8], $0x1E00, s13, s10, $0x38;
	[tilespmem:$0x1BB70] =	vst v63  }
0x41d: {  	_ =	swait.ge [sflag:s31], $0x1E00  }
0x41e: {  	[sflag:s31] =	ssyncset.done $0x0  }
0x41f: {  	[sflag:s31] =	ssyncadd.s32 $0xFFFFE200  }
0x420: {  	_ =	swait.ge [sflag:s29], $0x1E00  }
0x421: {  	s28 =	rddreg [dreg:$0x1b]  }
0x422: {  	s1 =	sor.u32 s30, s28  }
0x423: {  	[sflag:s29] =	ssyncset.done $0x0;
	s1 =	sshrl.u32 s1, $0x3  }
0x424: {  	[sflag:s29] =	ssyncadd.s32 $0xFFFFE200;
	s1 =	sadd.s32 s8, s1  }
0x425: {  	[hbm4b:s1+s10] =	stream.strided.scatter [tilespmem:s12], [sflag:$0x7], $0x1E00, s13, s10, $0x38;
	[tilespmem:$0x1BB70] =	vst v63  }
.Ltmp12:
0x426: {  	_ =	swait.ge [sflag:s4], $0x1E00;
	(pc) =	sbr.rel @p0 .LBB2_2-.Ltmp12, $4  }
0x427: {  	[sflag:s4] =	ssyncset.done $0x0  }
0x428: {  	[sflag:s4] =	ssyncadd.s32 $0xFFFFE200  }
0x429: {  	[bflag:$0x0] =	sbarrier.arrive $0xFFFF  }
0x42a: {  	s3 =	simm.s32 $0x40;
	p1 =	por $0x0, $0x0  }
0x42b: {  	s2 =	rddreg [dreg:$0x1c]  }
0x42c: {  	s1 =	rddreg [dreg:$0x18];
	s2 =	sadd.s32 $0x1, s2  }
0x42d: {  	p0 =	sne.s32 s2, s1  }
.Ltmp13:
0x42e: {  	_ = 	snop;
	(pc) =	sbr.rel @p0 .LBB2_1-.Ltmp13, $1  }
0x42f: {  	_ =	sdelay $0x3  }
0x430: {  	_ =	sfence.sel $0x180000  }
0x431: {  	[bflag:$0x0] =	sbarrier.arrive $0xFFFF  }
0x432: {  	_ =	strace $0x90000047  }
0x433: {  	s0 =	stileid.u32;
	[bflag:$0x2] =	sbarrier.arrive $0xFFFF  }
0x434: {  	p0 =	sne.s32 s0, $0x0;
	s0 =	rddreg [dreg:$0x5]  }
0x435: {  	s0 =	sadd.s32 @!p0 $0x100000, s0  }
0x436: {  	[sflag:s0] =	ssyncadd.tile.s32 @!p0 $0x1;
	_ =	shalt  }
.Lfunc_end2:
_tile_overlayer_lowered:
.L_overlay_start_2:
0x437: {  	(tag) =	ssettag $0x2  }
0x438: {  	s0 =	rddreg [dreg:$0x0];
	s2 =	stileid.u32  }
0x439: {  	s1 =	rddreg [dreg:$0x1];
	p0 =	sne.s32 s2, $0x0  }
0x43a: {  	s3 =	rddreg [dreg:$0x2];
	[bflag:$0x3] =	sbarrier.arrive $0xFFFF;
	s2 =	simm.s32 @!p0 $0x1C09  }
0x43b: {  	[timem:s3], [sflag:s2] =	dma.local @!p0 [hbm:s0], s1  }
0x43c: {  	s0 =	simm.s32 @!p0 $0x9  }
0x43d: {  	_ =	swait.ge @!p0 [sflag:s0], s1  }
0x43e: {  	s1 =	ssub.s32 @!p0 $0x0, s1;
	[sflag:s0] =	ssyncset.done @!p0 $0x0  }
0x43f: {  	[sflag:s0] =	ssyncadd.s32 @!p0 s1  }
0x440: {  	[bflag:$0x3] =	sbarrier.arrive $0xFFFF  }
0x441: {  	_ =	shalt  }

// kernel: sparse-core-data-format-call.cloned.1.call-start
scs
called_computation_lowered:
.L_overlay_start_0:
0x0: {  	s2 =	sld [smem:$0x3FD9]  }
0x1: {  	s3 =	sld [smem:$0x3FFE];
	_ =	sdelay $0x1  }
0x2: {  	s1 =	srdreg.scid  }
0x3: {  	s0 =	sand.u32 $0x1, s1  }
0x4: {  	s18 =	sshll.u32 s0, $0xA;
	s2 =	sadd.s32 s3, s2  }
0x5: {  	s2 =	sadd.s32 s2, s18  }
0x6: {  	[smem:$0x3FC2] =	sst s2  }
0x7: {  	_ = 	snop  }
0x8: {  	s2 =	sld [smem:$0x3FD0];
	(tm) =	ssettm $0x1  }
0x9: {  	s19 =	sld [smem:$0x3FFB];
	_ =	sdelay $0x3  }
0xa: {  	_ =	strace s19  }
0xb: {  	s3 =	sld [smem:$0x3FFC];
	_ =	sdelay $0x3  }
0xc: {  	_ =	strace s3  }
0xd: {  	s3 =	sld [smem:$0x3FFD];
	_ =	sdelay $0x3  }
0xe: {  	_ =	strace s3  }
0xf: {  	_ =	strace $0x8FFFFFFF  }
0x10: {  	s20 =	sld [smem:$0x3FDB];
	_ =	sdelay $0x1  }
0x11: {  	s4 =	simm.s32 $_scs_section_size  }
0x12: {  	s5 =	simm.s32 $_size__tile_overlayer_lowered;
	s6 =	simm.s32 $_tile_overlayer_lowered  }
0x13: {  	s23 =	simm.s32 $0x1BFF;
	s22 =	sshll.u32 s6, $0x1;
	s3 =	sadd.s32 s4, s20  }
0x14: {  	s7 =	simm.s32 $0x0;
	s21 =	sshll.u32 s5, $0x1;
	s5 =	sadd.s32 s22, s3  }
0x15: {  	[timem:s7], [sflag:s23] =	dma.local [hbm:s5], s21  }
0x16: {  	_ =	swait.ge [sflag:s23], s21  }
0x17: {  	s4 =	ssub.s32 $0x0, s21;
	[sflag:s23] =	ssyncset.done $0x0  }
0x18: {  	[sflag:s23] =	ssyncadd.s32 s4;
	_ =	sdelay $0x1  }
0x19: {  	s24 =	simm.s32 $0x1B8B  }
0x1a: {  	_ =	swait.ge [sflag:s24], $0x1  }
0x1b: {  	[sflag:s24] =	ssyncset.done $0x0  }
0x1c: {  	s26 =	simm.s32 $0x1B8E;
	s25 =	sld [smem:$0x3FFE];
	[sflag:s24] =	ssyncadd.s32 $0xFFFFFFFF  }
0x1d: {  	s27 =	simm.s32 $execute0_lowered;
	[smem:$0x3FD2] =	sst s26  }
0x1e: {  	s5 =	sshll.u32 s27, $0x1;
	_ =	strace $0x80000049;
	[dreg:$0x1] =	wrdreg $0xFFFFFFFF  }
0x1f: {  	s28 =	simm.s32 $_size_execute0_lowered;
	s3 =	sadd.s32 s3, s5;
	[dreg:$0x0] =	wrdreg $0x0  }
0x20: {  	s5 =	sshll.u32 s28, $0x1;
	[dreg:$0x2] =	wrdreg s3  }
0x21: {  	[dreg:$0x3] =	wrdreg s5  }
0x22: {  	[dreg:$0x4] =	wrdreg $0xC0  }
0x23: {  	_ =	task [dreg:s7], $0x5FFFF  }
0x24: {  	[dreg:$0x1] =	wrdreg $0xFFFFFFFF  }
0x25: {  	[dreg:$0x0] =	wrdreg $0x60  }
0x26: {  	[dreg:$0x2] =	wrdreg s25  }
0x27: {  	[dreg:$0x3] =	wrdreg s2  }
0x28: {  	[dreg:$0x4] =	wrdreg $0x9  }
0x29: {  	_ =	task.clear_ibuf [dreg:s7], $0x5FFFF;
	_ =	strace $0x90000049  }
0x2a: {  	s29 =	simm.s32 $0x9;
	_ =	strace $0x8000004B  }
0x2b: {  	_ =	swait.ge [sflag:s29], $0x1  }
0x2c: {  	[sflag:s29] =	ssyncadd.s32 $0xFFFFFFFF  }
0x2d: {  	_ =	strace $0x9000004B  }
0x2e: {  	_ =	sfence  }
0x2f: {  	s30 =	sld [smem:$0x0];
	_ =	sdelay $0x2  }
0x30: {  	s31 =	sshll.u32 s1, $0xD;
	s1 =	sshrl.u32 s1, $0x2  }
0x31: {  	s3 =	sand.u32 $0x4000, s31;
	s1 =	sadd.s32 s1, s30  }
0x32: {  	s0 =	sor.u32 s3, s0;
	s1 =	sshll.u32 s1, $0x11  }
0x33: {  	s0 =	sor.u32 s1, s0  }
0x34: {  	s0 =	sadd.s32 $0x8F2B, s0  }
0x35: {  	[sflag:s0] =	ssyncadd.remote.s32 $0x1  }
0x36: {  	_ =	sfence.sel $0xFFFF  }
0x37: {  	[dreg:$0x0] =	wrdreg $0xFFFFFFFF;
	(pc) =	sbr.abs _section_cstart, $3  }
0x38: {  	[dreg:$0x1] =	wrdreg $0xFFFFFFFF  }
0x39: {  	_ =	task.clear_ibuf [dreg:s7], $0x2FFFF;
	_ =	strace $0x9FFFFFFF  }
0x3a: {  	(tm) =	ssettm $0x7FFFFFFF  }
0x3b: {  	_ =	shalt  }
tec
execute0_lowered:
.L_overlay_start_1:
0x0: {  	(tag) =	ssettag $0x1  }
0x1: {  	s0 =	srdreg.scid  }
0x2: {  	s1 =	sshll.u32 s0, $0x4  }
0x3: {  	s0 =	stileid.u32;
	s1 =	sand.u32 $0x10, s1  }
0x4: {  	s1 =	sor.u32 s0, s1  }
0x5: {  	s6 =	rddreg [dreg:$0x0];
	s4 =	simm.s32 $0x1;
	s2 =	sshll.u32 s1, $0x7  }
0x6: {  	s7 =	simm.s32 $0x2;
	s8 =	simm.s32 $0x0;
	s1 =	ssub.s32 $0x27100, s2  }
0x7: {  	s9 =	simm.s32 $0x0;
	s13 =	simm.s32 $0x0;
	s3 =	sand.u32 $0xF80, s1  }
0x8: {  	s14 =	simm.s32 $0x0;
	s5 =	sshrl.u32 s1, $0xC;
	p0 =	sne.s32 s3, $0x0  }
.Ltmp0:
0x9: {  	s1 =	rddreg [dreg:$0x2];
	s4 =	simm.s32 @!p0 $0x0;
	(pc) =	sbr.rel .LBB1_1-.Ltmp0, $4  }
0xa: {  	s10 =	simm.s32 $0x0;
	s3 =	rddreg [dreg:$0x1];
	s5 =	sadd.s32 s4, s5  }
0xb: {  	_ =	strace $0x8000004A;
	s4 =	simm.s32 $0x1;
	s5 =	smul.u32 $0x3, s5  }
0xc: {  	s12 =	simm.s32 $0x0;
	s6 =	sadd.s32 $0x785000, s6;
	[sflag:s4] =	ssyncpa.u1 $0x0  }
0xd: {  	s11 =	smov.u32 s2;
	[sflag:s7] =	ssyncpa.u1 $0x0;
	s7 =	sadd.s32 $0x1, s5  }
.LBB1_4:
0xe: {  	_ =	sdelay $0x3  }
0xf: {  	[tilespmem:v0+s17+$0xFFFFFFD0 ss:$0x1] =	vst.idx.msk $0xffff, v6  }
0x10: {  	v56 =	vld.idx.msk [tilespmem:v1+s16+$0x0 ss:$0x1], $0xffff;
	[tilespmem:v0+s17+$0xFFFFFFE0 ss:$0x1] =	vst.idx.msk $0xffff, v4  }
0x11: {  	v57 =	vld.idx.msk [tilespmem:v1+s16+$0xFFFFFF90 ss:$0x1], $0xffff;
	[tilespmem:v0+s17+$0xFFFFFFF0 ss:$0x1] =	vst.idx.msk $0xffff, v2  }
0x12: {  	v58 =	vld.idx.msk [tilespmem:v1+s16+$0xFFFFFFA0 ss:$0x1], $0xffff;
	[tilespmem:v0+s17+$0x0 ss:$0x1] =	vst.idx.msk $0xffff, v3  }
0x13: {  	v59 =	vld.idx.msk [tilespmem:v1+s16+$0xFFFFFFB0 ss:$0x1], $0xffff;
	[tilespmem:v0+s17+$0x10 ss:$0x1] =	vst.idx.msk $0xffff, v5  }
0x14: {  	v60 =	vld.idx.msk [tilespmem:v1+s16+$0xFFFFFFC0 ss:$0x1], $0xffff;
	[tilespmem:v0+s17+$0x20 ss:$0x1] =	vst.idx.msk $0xffff, v7;
	s14 =	sand.u32 $0x1FFFFFF, s14  }
0x15: {  	v61 =	vld.idx.msk [tilespmem:v1+s16+$0xFFFFFFD0 ss:$0x1], $0xffff;
	s31 =	smulhi.u32 $0x1A36E2F, s14;
	[tilespmem:v0+s16+$0x30 ss:$0x1] =	vst.idx.msk $0xffff, v56  }
0x16: {  	v62 =	vld.idx.msk [tilespmem:v1+s16+$0xFFFFFFE0 ss:$0x1], $0xffff;
	[tilespmem:v0+s16+$0xFFFFFFC0 ss:$0x1] =	vst.idx.msk $0xffff, v57  }
0x17: {  	v63 =	vld.idx.msk [tilespmem:v1+s16+$0xFFFFFFF0 ss:$0x1], $0xffff;
	s17 =	sshrl.u32 s31, $0xA;
	[tilespmem:v0+s16+$0xFFFFFFD0 ss:$0x1] =	vst.idx.msk $0xffff, v58  }
0x18: {  	s17 =	smul.u32 $0x27100, s17;
	[tilespmem:v0+s16+$0xFFFFFFE0 ss:$0x1] =	vst.idx.msk $0xffff, v59  }
0x19: {  	s13 =	smul.u32 $0x271000, s13;
	[tilespmem:v0+s16+$0xFFFFFFF0 ss:$0x1] =	vst.idx.msk $0xffff, v60  }
0x1a: {  	[tilespmem:v0+s16+$0x0 ss:$0x1] =	vst.idx.msk $0xffff, v61;
	s14 =	ssub.s32 s14, s17  }
0x1b: {  	s13 =	sadd.s32 s3, s13;
	[tilespmem:v0+s16+$0x10 ss:$0x1] =	vst.idx.msk $0xffff, v62;
	s14 =	sshll.u32 s14, $0x4  }
0x1c: {  	[tilespmem:v0+s16+$0x20 ss:$0x1] =	vst.idx.msk $0xffff, v63;
	s13 =	sadd.s32 s14, s13  }
0x1d: {  	[hbm4b:s13+s8] =	stream.linear.scatter [tilespmem:s15], [sflag:$0x2], $0x4000, $0x38;
	[tilespmem:$0x10000] =	vst v63  }
.LBB1_5:
0x1e: {  	s15 =	sadd.s32 $0x1, s10  }
0x1f: {  	s13 =	sadd.s32 $0x1000, s11;
	s17 =	smov.u32 s11;
	p1 =	sgt.s32 s15, $0x2  }
0x20: {  	s17 =	smov.u32 @p1 s13  }
0x21: {  	s15 =	simm.s32 @p1 $0x0;
	p1 =	sgt.s32 s17, $0x270FF  }
0x22: {  	s17 =	smov.u32 @p1 s2;
	p1 =	sne.s32 s12, s7  }
.Ltmp1:
0x23: {  	p0 =	slt.u32 s12, $0x2;
	(pc) =	sbr.rel @!p1 .LBB1_6-.Ltmp1, $4  }
0x24: {  	s16 =	simm.s32 @!p0 $0x2  }
0x25: {  	s14 =	smov.u32 s11;
	s9 =	sadd.s32 $0x4000, s9;
	_ =	swait.ge @!p0 [sflag:s16], $0x4000  }
0x26: {  	s13 =	smov.u32 s10;
	[sflag:s16] =	ssyncset.done @!p0 $0x0;
	s10 =	smov.u32 s15  }
0x27: {  	s12 =	sadd.s32 $0x1, s12;
	[sflag:s16] =	ssyncadd.s32 @!p0 $0xFFFFC000;
	s11 =	smov.u32 s17  }
.LBB1_1:
0x28: {  	p0 =	sge.u32 s12, s5  }
0x29: {  	s31 =	sadd.s32 $0xFFFFFFFF, s12;
	s15 =	sxor.u32 @!p0 $0xFFFFFFFF, s12  }
0x2a: {  	s16 =	sshll.u32 @!p0 s11, $0x6;
	s17 =	sshll.u32 @!p0 s10, $0x4;
	s18 =	simm.s32 @!p0 $0x200  }
0x2b: {  	s15 =	sshll.u32 @!p0 s15, $0xE;
	s17 =	sand.u32 @!p0 $0x30, s17;
	s16 =	sadd.s32 @!p0 s6, s16  }
0x2c: {  	s15 =	sand.u32 @!p0 $0x4000, s15;
	s16 =	sadd.s32 @!p0 s17, s16;
	s17 =	simm.s32 @!p0 $0x80  }
0x2d: {  	[tilespmem:s15], [sflag:$0x1] =	stream.strided.gather @!p0 [hbm4b:s16+s17], $0x4000, s18, s17, $0x38;
	[tilespmem:$0x10000] =	vst v63  }
0x2e: {  	p0 =	sge.u32 s31, s5  }
.Ltmp2:
0x2f: {  	_ = 	snop;
	(pc) =	sbr.rel @p0 .LBB1_5-.Ltmp2, $1  }
0x30: {  	_ =	sdelay $0x3  }
0x31: {  	s15 =	sand.u32 $0x4000, s9  }
0x32: {  	s16 =	sor.u32 $0x70, s15  }
0x33: {  	v1 =	vmov s16;
	_ =	sdelay $0x1  }
0x34: {  	_ =	swait.ge [sflag:s4], $0x4000  }
0x35: {  	[sflag:s4] =	ssyncset.done $0x0  }
0x36: {  	s17 =	simm.s32 $0x0;
	[sflag:s4] =	ssyncadd.s32 $0xFFFFC000  }
0x37: {  	s15 =	sor.u32 $0x8040, s15;
	v7 =	vld.idx.msk [tilespmem:v1+s17+$0x0 ss:$0x1], $0xffff  }
0x38: {  	v0 =	vmov s15;
	v8 =	vld.idx.msk [tilespmem:v1+s17+$0xFFFFFF90 ss:$0x1], $0xffff  }
0x39: {  	v6 =	vld.idx.msk [tilespmem:v1+s17+$0xFFFFFFA0 ss:$0x1], $0xffff  }
0x3a: {  	v4 =	vld.idx.msk [tilespmem:v1+s17+$0xFFFFFFB0 ss:$0x1], $0xffff  }
0x3b: {  	v2 =	vld.idx.msk [tilespmem:v1+s17+$0xFFFFFFC0 ss:$0x1], $0xffff  }
0x3c: {  	s31 =	sshll.u32 s12, $0xE;
	v3 =	vld.idx.msk [tilespmem:v1+s17+$0xFFFFFFD0 ss:$0x1], $0xffff  }
0x3d: {  	s15 =	sand.u32 $0x4000, s31;
	v5 =	vld.idx.msk [tilespmem:v1+s17+$0xFFFFFFE0 ss:$0x1], $0xffff;
	[tilespmem:v0+s17+$0x30 ss:$0x1] =	vst.idx.msk $0xffff, v7  }
0x3e: {  	s18 =	simm.s32 $0x400;
	s16 =	simm.s32 $0x80;
	s15 =	sor.u32 $0x8000, s15;
	[tilespmem:v0+s17+$0xFFFFFFC0 ss:$0x1] =	vst.idx.msk $0xffff, v8;
	v7 =	vld.idx.msk [tilespmem:v1+s17+$0xFFFFFFF0 ss:$0x1], $0xffff  }
.LBB1_3:
0x3f: {  	p0 =	sne.s32 s18, $0xFE00;
	v8 =	vld.idx.msk [tilespmem:v1+s16+$0x0 ss:$0x1], $0xffff;
	[tilespmem:v0+s17+$0xFFFFFFD0 ss:$0x1] =	vst.idx.msk $0xffff, v6  }
0x40: {  	v9 =	vld.idx.msk [tilespmem:v1+s16+$0xFFFFFF90 ss:$0x1], $0xffff;
	[tilespmem:v0+s17+$0xFFFFFFE0 ss:$0x1] =	vst.idx.msk $0xffff, v4  }
0x41: {  	v6 =	vld.idx.msk [tilespmem:v1+s16+$0xFFFFFFA0 ss:$0x1], $0xffff;
	[tilespmem:v0+s17+$0xFFFFFFF0 ss:$0x1] =	vst.idx.msk $0xffff, v2  }
.Ltmp3:
0x42: {  	v4 =	vld.idx.msk [tilespmem:v1+s16+$0xFFFFFFB0 ss:$0x1], $0xffff;
	[tilespmem:v0+s17+$0x0 ss:$0x1] =	vst.idx.msk $0xffff, v3;
	(pc) =	sbr.rel @p0 .LBB1_3-.Ltmp3, $4  }
0x43: {  	v2 =	vld.idx.msk [tilespmem:v1+s16+$0xFFFFFFC0 ss:$0x1], $0xffff;
	[tilespmem:v0+s17+$0x10 ss:$0x1] =	vst.idx.msk $0xffff, v5  }
0x44: {  	v3 =	vld.idx.msk [tilespmem:v1+s16+$0xFFFFFFD0 ss:$0x1], $0xffff;
	[tilespmem:v0+s17+$0x20 ss:$0x1] =	vst.idx.msk $0xffff, v7;
	s17 =	smov.u32 s16  }
0x45: {  	v5 =	vld.idx.msk [tilespmem:v1+s17+$0xFFFFFFE0 ss:$0x1], $0xffff;
	[tilespmem:v0+s17+$0x30 ss:$0x1] =	vst.idx.msk $0xffff, v8  }
0x46: {  	s16 =	sshra.s32 s18, $0x2;
	s18 =	sadd.s32 $0x200, s18;
	[tilespmem:v0+s17+$0xFFFFFFC0 ss:$0x1] =	vst.idx.msk $0xffff, v9;
	v7 =	vld.idx.msk [tilespmem:v1+s17+$0xFFFFFFF0 ss:$0x1], $0xffff  }
.Ltmp4:
0x47: {  	_ = 	snop;
	(pc) =	sbr.rel .LBB1_4-.Ltmp4, $1  }
0x48: {  	_ =	sdelay $0x3  }
.LBB1_6:
0x49: {  	_ =	sfence.sel $0x180000  }
0x4a: {  	s2 =	simm.s32 $0x1;
	[bflag:$0x0] =	sbarrier.arrive $0xFFFF  }
0x4b: {  	s31 =	simm.s32 $0x2;
	[sflag:s2] =	ssyncpa.u1 $0x1  }
0x4c: {  	[sflag:s31] =	ssyncpa.u1 $0x1  }
0x4d: {  	p0 =	sne.s32 s0, $0x0;
	_ =	strace $0x9000004A  }
0x4e: {  	s0 =	sadd.s32 @!p0 $0x100000, s1;
	[bflag:$0x2] =	sbarrier.arrive $0xFFFF  }
0x4f: {  	[sflag:s0] =	ssyncadd.tile.s32 @!p0 $0x1;
	_ =	shalt  }
.Lfunc_end1:
_tile_overlayer_lowered:
.L_overlay_start_2:
0x50: {  	(tag) =	ssettag $0x2  }
0x51: {  	s0 =	rddreg [dreg:$0x0];
	s2 =	stileid.u32  }
0x52: {  	s1 =	rddreg [dreg:$0x1];
	p0 =	sne.s32 s2, $0x0  }
0x53: {  	s3 =	rddreg [dreg:$0x2];
	[bflag:$0x3] =	sbarrier.arrive $0xFFFF;
	s2 =	simm.s32 @!p0 $0x1C01  }
0x54: {  	[timem:s3], [sflag:s2] =	dma.local @!p0 [hbm:s0], s1  }
0x55: {  	s0 =	simm.s32 @!p0 $0x1  }
0x56: {  	_ =	swait.ge @!p0 [sflag:s0], s1  }
0x57: {  	s1 =	ssub.s32 @!p0 $0x0, s1;
	[sflag:s0] =	ssyncset.done @!p0 $0x0  }
0x58: {  	[sflag:s0] =	ssyncadd.s32 @!p0 s1  }
0x59: {  	[bflag:$0x3] =	sbarrier.arrive $0xFFFF  }
0x5a: {  	_ =	shalt  }

</sc_bundles>
